<compile_context>
chip_gen: v7x
topology: tpu7x:2x2x1
jax: 0.10.2.dev20260603
libtpu: 0.0.44.dev20260713+nightly
codegen_flags: <defaults>
</compile_context>

<pallas_src>
import functools

import numpy as np

import jax
import jax.numpy as jnp
from jax import lax
from jax.experimental import pallas as pl
from jax.experimental.pallas import tpu as pltpu
from jax.experimental.pallas import tpu_sc as plsc

_SHIFT = 20
_KMAX = 0x3F800000 >> _SHIFT
_NBINS = 1024
_NCOPY = 1
_LANES = 16
_NW = 32
_CHUNK = 16384
_UNROLL = 8


def _bin_midpoints():
  keys = _KMAX - np.arange(_NBINS, dtype=np.int64)
  keys = np.maximum(keys, 0)
  bits = (keys << _SHIFT) + (1 << (_SHIFT - 1))
  return bits.astype(np.uint32).view(np.float32)


def _softmax_body(x_ref, o_ref):
  x = x_ref[0]
  m = jnp.max(x, axis=0, keepdims=True)
  e = jnp.exp(x - m)
  s = jnp.sum(e, axis=0, keepdims=True)
  p = e / s
  o_ref[0] = p.reshape(p.shape[0], -1)


def _softmax(x):
  b, c, h, w = x.shape
  n = h * w
  hblk = 16
  return pl.pallas_call(
      _softmax_body,
      out_shape=jax.ShapeDtypeStruct((b, c, n), jnp.float32),
      grid=(b, h // hblk),
      in_specs=[pl.BlockSpec((1, c, hblk, w), lambda i, j: (i, 0, j, 0))],
      out_specs=pl.BlockSpec((1, c, hblk * w), lambda i, j: (i, 0, j)),
  )(x)


def _make_sc_kernel(num_pairs, n, num_classes):
  nchunks = n // _CHUNK
  steps = _CHUNK // (_LANES * _UNROLL)
  ngrp = _NBINS // _LANES
  mesh = plsc.VectorSubcoreMesh(core_axis_name="c", subcore_axis_name="s")

  @functools.partial(
      pl.kernel,
      out_type=jax.ShapeDtypeStruct((num_pairs, _LANES), jnp.float32),
      mesh=mesh,
      scratch_types=[
          pltpu.VMEM((_NCOPY * num_classes, _NBINS), jnp.float32),
          pltpu.VMEM((_NBINS,), jnp.float32),
          pltpu.VMEM((_NBINS,), jnp.float32),
          pltpu.VMEM((_NBINS,), jnp.float32),
          pltpu.VMEM((2, _CHUNK), jnp.float32),
          pltpu.VMEM((2, _CHUNK), jnp.int32),
          pltpu.VMEM((_LANES,), jnp.float32),
          pltpu.SemaphoreType.DMA,
          pltpu.SemaphoreType.DMA,
      ],
      compiler_params=pltpu.CompilerParams(needs_layout_passes=False),
  )
  def body(p_hbm, t_hbm, mid_hbm, out_hbm, hist, cnt, tsum, mid, pbuf, tbuf,
           ovec, sem_p, sem_t):
    wid = lax.axis_index("s") * 2 + lax.axis_index("c")
    pltpu.sync_copy(mid_hbm, mid)

    def run_pair(pair):
      b = pair // num_classes
      cls = pair % num_classes

      @plsc.parallel_loop(0, ngrp)
      def _(i):
        z = jnp.zeros((_LANES,), jnp.float32)
        sl = pl.ds(i * _LANES, _LANES)
        for trow in range(_NCOPY * num_classes):
          hist[trow, sl] = z

      def start(g, slot):
        pltpu.async_copy(p_hbm.at[b, cls, pl.ds(g * _CHUNK, _CHUNK)],
                         pbuf.at[slot], sem_p)
        pltpu.async_copy(t_hbm.at[b, pl.ds(g * _CHUNK, _CHUNK)],
                         tbuf.at[slot], sem_t)

      start(0, 0)

      def do_chunk(g, _):
        slot = jnp.bitwise_and(g, 1)

        @pl.when(g + 1 < nchunks)
        def _():
          start(g + 1, jnp.bitwise_xor(slot, 1))

        pltpu.make_async_copy(p_hbm.at[b, cls, pl.ds(0, _CHUNK)],
                              pbuf.at[slot], sem_p).wait()
        pltpu.make_async_copy(t_hbm.at[b, pl.ds(0, _CHUNK)],
                              tbuf.at[slot], sem_t).wait()

        @plsc.parallel_loop(0, steps)
        def _(j):
          base = j * (_LANES * _UNROLL)
          for u in range(_UNROLL):
            t_vec = tbuf[slot, pl.ds(base + u * _LANES, _LANES)]
            p_vec = pbuf[slot, pl.ds(base + u * _LANES, _LANES)]
            e = jnp.where(t_vec == cls, 1.0 - p_vec, p_vec)
            bits = lax.bitcast_convert_type(e, jnp.int32)
            key = _KMAX - lax.shift_right_logical(bits, _SHIFT)
            plsc.addupdate_scatter(hist, [t_vec + (u % _NCOPY) * num_classes,
                                          key],
                                   jnp.full((_LANES,), 1.0, jnp.float32))

        return 0

      lax.fori_loop(0, nchunks, do_chunk, 0)

      def fold(i, s_acc):
        sl = pl.ds(i * _LANES, _LANES)
        c_v = jnp.zeros((_LANES,), jnp.float32)
        s_v = jnp.zeros((_LANES,), jnp.float32)
        for trow in range(_NCOPY * num_classes):
          row = hist[trow, sl]
          c_v = c_v + row
          s_v = s_v + jnp.float32(trow % num_classes) * row
        cnt[sl] = c_v
        tsum[sl] = s_v
        return s_acc + jnp.sum(s_v)

      s_tot = lax.fori_loop(0, ngrp, fold, jnp.float32(0.0))

      def scan(i, carry):
        k_c, t_c, acc = carry
        sl = pl.ds(i * _LANES, _LANES)
        n_v = cnt[sl]
        s_v = tsum[sl]
        e_v = mid[sl]
        kcum = plsc.cumsum(n_v) + k_c
        tcum = plsc.cumsum(s_v) + t_c
        g_end = 1.0 - (s_tot - tcum) / (s_tot + kcum - tcum)
        kprev = kcum - n_v
        tprev = tcum - s_v
        g_start = 1.0 - (s_tot - tprev) / (s_tot + kprev - tprev)
        contrib = jnp.where(n_v > 0.0, e_v * (g_end - g_start), 0.0)
        return (k_c + jnp.sum(n_v), t_c + jnp.sum(s_v), acc + jnp.sum(contrib))

      _, _, loss = lax.fori_loop(
          0, ngrp, scan,
          (jnp.float32(0.0), jnp.float32(0.0), jnp.float32(0.0)))

      ovec[...] = jnp.full((_LANES,), loss, jnp.float32)
      pltpu.sync_copy(ovec, out_hbm.at[pair])

    for i in range((num_pairs + _NW - 1) // _NW):
      pair = wid + i * _NW
      if (i + 1) * _NW <= num_pairs:
        run_pair(pair)
      else:
        @pl.when(pair < num_pairs)
        def _():
          run_pair(pair)

  return body


def _make_mean_body(scale):
  def _mean_body(x_ref, o_ref):
    o_ref[...] = jnp.sum(x_ref[...], keepdims=True).reshape(1, 1) * scale
  return _mean_body


def kernel(input, target):
  b, c, h, w = input.shape
  n = h * w
  pairs = b * c
  t = target.reshape(b, n)
  p = _softmax(input)
  mid = jnp.asarray(_bin_midpoints())
  sc = _make_sc_kernel(pairs, n, c)
  losses = sc(p, t, mid)
  total = pl.pallas_call(
      _make_mean_body(1.0 / (_LANES * pairs)),
      out_shape=jax.ShapeDtypeStruct((1, 1), jnp.float32),
  )(losses)
  return total.reshape(())

# --- scband reference (transcript-rebuilt; emitter-appended) ---
"""Pipeline reference for scband-lovasz-softmax-loss-39058432590541 (READ-ONLY COPY).

The authoritative reference and input builder live on the scoring server;
editing this copy changes nothing except your own understanding.
"""

import jax, jax.numpy as jnp
import numpy as np

B, C, H, W = 4, 21, 512, 512

def setup_inputs(seed: int = 0) -> dict:
    key = jax.random.key(seed)
    k1, k2 = jax.random.split(key)
    inp = jax.random.normal(k1, (B, C, H, W), dtype=jnp.float32)
    target = jax.random.randint(k2, (B, H, W), 0, C, dtype=jnp.int32)
    return {"input": inp, "target": target}

def reference(input, target):
    b, c = input.shape[0], input.shape[1]
    input_flatten = input.reshape(b, c, -1)
    target_flatten = target.reshape(b, -1).astype(jnp.float32)
    n = input_flatten.shape[2]
    input_soft = jax.nn.softmax(input_flatten, axis=1)
    losses = []
    for cls in range(c):
        foreground = (target_flatten == float(cls)).astype(jnp.float32)
        class_pred = input_soft[:, cls, :]
        errors = jnp.abs(foreground - class_pred)
        # descending sort with permutation (matches torch.sort(..., descending=True))
        permutation = jnp.argsort(-errors, axis=1)
        errors_sorted = jnp.take_along_axis(errors, permutation, axis=1)
        target_sorted = jnp.take_along_axis(target_flatten, permutation, axis=1)
        target_sorted_sum = jnp.sum(target_sorted, axis=1, keepdims=True)
        intersection = target_sorted_sum - jnp.cumsum(target_sorted, axis=1)
        union = target_sorted_sum + jnp.cumsum(1.0 - target_sorted, axis=1)
        gradient = 1.0 - intersection / union
        if n > 1:
            gradient = jnp.concatenate([gradient[:, :1], gradient[:, 1:] - gradient[:, :-1]], axis=1)
        loss = jnp.mean(jnp.sum(jax.nn.relu(errors_sorted) * gradient, axis=1))
        losses.append(loss)
    return jnp.mean(jnp.stack(losses, axis=0))

if __name__ == "__main__":
    import jax
    _d = setup_inputs()
    print(jax.jit(kernel)(*tuple(_d.values())))

</pallas_src>

<mosaic_0001>
#map = affine_map<(d0, d1) -> (0, 0, 0)>
#map1 = affine_map<(d0, d1) -> (0, 0)>
#map2 = affine_map<(d0, d1) -> (0)>
module attributes {stable_mosaic.version = 14 : i64} {
  func.func @body(%arg0: i32, %arg1: i32, %arg2: memref<4x21x262144xf32, #tpu.memory_space<hbm>>, %arg3: memref<4x262144xi32, #tpu.memory_space<hbm>>, %arg4: memref<1024xf32, #tpu.memory_space<hbm>>, %arg5: memref<84x16xf32, #tpu.memory_space<hbm>>, %arg6: memref<21x1024xf32, #tpu.memory_space<vmem>>, %arg7: memref<1024xf32, #tpu.memory_space<vmem>>, %arg8: memref<1024xf32, #tpu.memory_space<vmem>>, %arg9: memref<1024xf32, #tpu.memory_space<vmem>>, %arg10: memref<2x16384xf32, #tpu.memory_space<vmem>>, %arg11: memref<2x16384xi32, #tpu.memory_space<vmem>>, %arg12: memref<16xf32, #tpu.memory_space<vmem>>, %arg13: memref<!tpu.dma_semaphore, #tpu.memory_space<semaphore_mem>>, %arg14: memref<!tpu.dma_semaphore, #tpu.memory_space<semaphore_mem>>) attributes {dimension_semantics = [#tpu.dimension_semantics<core_parallel>, #tpu.dimension_semantics<subcore_parallel>], iteration_bounds = array<i64: 2, 16>, scalar_prefetch = 0 : i64, scratch_operands = 9 : i64, tpu.core_type = #tpu.core_type<sc_vector_subcore>, window_params = [{transform_indices = #map}, {transform_indices = #map1}, {transform_indices = #map2}, {transform_indices = #map1}]} {
    %mul3A = arith.constant 2 : i32
    %mul3A_0 = arith.muli %arg1, %mul3A : i32
    %add3A = arith.addi %mul3A_0, %arg0 : i32
    "tpu.region"() ({
      %run_scoped3A = tpu.sem_alloc : memref<!tpu.dma_semaphore, #tpu.memory_space<semaphore_mem>>
      tpu.enqueue_dma source(%arg4 : memref<1024xf32, #tpu.memory_space<hbm>>) target(%arg9 : memref<1024xf32, #tpu.memory_space<vmem>>) target_semaphore(%run_scoped3A : memref<!tpu.dma_semaphore, #tpu.memory_space<semaphore_mem>>)
      tpu.wait_dma2 semaphore(%run_scoped3A : memref<!tpu.dma_semaphore, #tpu.memory_space<semaphore_mem>>) src(%arg4 : memref<1024xf32, #tpu.memory_space<hbm>>) dst(%arg9 : memref<1024xf32, #tpu.memory_space<vmem>>)
      tpu.yield
    }) : () -> ()
    %add3A_1 = arith.constant 0 : i32
    %add3A_2 = arith.addi %add3A, %add3A_1 : i32
    %jit3A = arith.constant 21 : i32
    %div3A = arith.divsi %add3A_2, %jit3A : i32
    %sign3A = arith.constant 0 : i32
    %sign3A_3 = arith.cmpi sgt, %add3A_2, %sign3A : i32
    %sign3A_4 = arith.extui %sign3A_3 : i1 to i32
    %sign3A_5 = arith.constant 0 : i32
    %sign3A_6 = arith.cmpi slt, %add3A_2, %sign3A_5 : i32
    %sign3A_7 = arith.extui %sign3A_6 : i1 to i32
    %sign3A_8 = arith.subi %sign3A_4, %sign3A_7 : i32
    %sign3A_9 = arith.constant 0 : i32
    %sign3A_10 = arith.cmpi sgt, %jit3A, %sign3A_9 : i32
    %sign3A_11 = arith.extui %sign3A_10 : i1 to i32
    %sign3A_12 = arith.constant 0 : i32
    %sign3A_13 = arith.cmpi slt, %jit3A, %sign3A_12 : i32
    %sign3A_14 = arith.extui %sign3A_13 : i1 to i32
    %sign3A_15 = arith.subi %sign3A_11, %sign3A_14 : i32
    %ne3A = arith.cmpi ne, %sign3A_8, %sign3A_15 : i32
    %rem3A = arith.remsi %add3A_2, %jit3A : i32
    %ne3A_16 = arith.constant 0 : i32
    %ne3A_17 = arith.cmpi ne, %rem3A, %ne3A_16 : i32
    %and3A = arith.andi %ne3A, %ne3A_17 : i1
    %sub3A = arith.constant 1 : i32
    %sub3A_18 = arith.subi %div3A, %sub3A : i32
    %select_n3A = arith.select %and3A, %sub3A_18, %div3A : i32
    %jit3A_19 = arith.constant 21 : i32
    %eq3A = arith.constant 0 : i32
    %eq3A_20 = arith.cmpi eq, %jit3A_19, %eq3A : i32
    %jit3A_21 = arith.constant 1 : i32
    %select_n3A_22 = arith.select %eq3A_20, %jit3A_21, %jit3A_19 : i32
    %rem3A_23 = arith.remsi %add3A_2, %select_n3A_22 : i32
    %ne3A_24 = arith.constant 0 : i32
    %ne3A_25 = arith.cmpi ne, %rem3A_23, %ne3A_24 : i32
    %lt3A = arith.constant 0 : i32
    %lt3A_26 = arith.cmpi slt, %rem3A_23, %lt3A : i32
    %lt3A_27 = arith.constant 0 : i32
    %lt3A_28 = arith.cmpi slt, %select_n3A_22, %lt3A_27 : i32
    %ne3A_29 = arith.xori %lt3A_26, %lt3A_28 : i1
    %and3A_30 = arith.andi %ne3A_29, %ne3A_25 : i1
    %add3A_31 = arith.addi %rem3A_23, %select_n3A_22 : i32
    %select_n3A_32 = arith.select %and3A_30, %add3A_31, %rem3A_23 : i32
    %parallel_loop3A = arith.constant 0 : i32
    %parallel_loop3A_33 = arith.constant 64 : i32
    %parallel_loop3A_34 = arith.constant 1 : i32
    scf.for %parallel_loop3A_185 = %parallel_loop3A to %parallel_loop3A_33 step %parallel_loop3A_34  : i32 {
      %parallel_loop3A_186 = arith.constant 0.000000e+00 : f32
      %parallel_loop3A_187 = vector.broadcast %parallel_loop3A_186 : f32 to vector<16xf32>
      %parallel_loop3A_188 = arith.constant 16 : i32
      %parallel_loop3A_189 = arith.muli %parallel_loop3A_185, %parallel_loop3A_188 : i32
      %parallel_loop3A_190 = arith.constant 0 : i32
      %parallel_loop3A_191 = arith.index_cast %parallel_loop3A_190 : i32 to index
      %parallel_loop3A_192 = arith.index_cast %parallel_loop3A_189 : i32 to index
      %parallel_loop3A_193 = tpu.vector_load %arg6[%parallel_loop3A_191, %parallel_loop3A_192] {strides = array<i32>} : memref<21x1024xf32, #tpu.memory_space<vmem>>, vector<16xf32>,
      tpu.vector_store %arg6[%parallel_loop3A_191, %parallel_loop3A_192], %parallel_loop3A_187 {strides = array<i32>} : memref<21x1024xf32, #tpu.memory_space<vmem>>, vector<16xf32>,
      %parallel_loop3A_194 = arith.constant 1 : i32
      %parallel_loop3A_195 = arith.index_cast %parallel_loop3A_194 : i32 to index
      %parallel_loop3A_196 = arith.index_cast %parallel_loop3A_189 : i32 to index
      %parallel_loop3A_197 = tpu.vector_load %arg6[%parallel_loop3A_195, %parallel_loop3A_196] {strides = array<i32>} : memref<21x1024xf32, #tpu.memory_space<vmem>>, vector<16xf32>,
      tpu.vector_store %arg6[%parallel_loop3A_195, %parallel_loop3A_196], %parallel_loop3A_187 {strides = array<i32>} : memref<21x1024xf32, #tpu.memory_space<vmem>>, vector<16xf32>,
      %parallel_loop3A_198 = arith.constant 2 : i32
      %parallel_loop3A_199 = arith.index_cast %parallel_loop3A_198 : i32 to index
      %parallel_loop3A_200 = arith.index_cast %parallel_loop3A_189 : i32 to index
      %parallel_loop3A_201 = tpu.vector_load %arg6[%parallel_loop3A_199, %parallel_loop3A_200] {strides = array<i32>} : memref<21x1024xf32, #tpu.memory_space<vmem>>, vector<16xf32>,
      tpu.vector_store %arg6[%parallel_loop3A_199, %parallel_loop3A_200], %parallel_loop3A_187 {strides = array<i32>} : memref<21x1024xf32, #tpu.memory_space<vmem>>, vector<16xf32>,
      %parallel_loop3A_202 = arith.constant 3 : i32
      %parallel_loop3A_203 = arith.index_cast %parallel_loop3A_202 : i32 to index
      %parallel_loop3A_204 = arith.index_cast %parallel_loop3A_189 : i32 to index
      %parallel_loop3A_205 = tpu.vector_load %arg6[%parallel_loop3A_203, %parallel_loop3A_204] {strides = array<i32>} : memref<21x1024xf32, #tpu.memory_space<vmem>>, vector<16xf32>,
      tpu.vector_store %arg6[%parallel_loop3A_203, %parallel_loop3A_204], %parallel_loop3A_187 {strides = array<i32>} : memref<21x1024xf32, #tpu.memory_space<vmem>>, vector<16xf32>,
      %parallel_loop3A_206 = arith.constant 4 : i32
      %parallel_loop3A_207 = arith.index_cast %parallel_loop3A_206 : i32 to index
      %parallel_loop3A_208 = arith.index_cast %parallel_loop3A_189 : i32 to index
      %parallel_loop3A_209 = tpu.vector_load %arg6[%parallel_loop3A_207, %parallel_loop3A_208] {strides = array<i32>} : memref<21x1024xf32, #tpu.memory_space<vmem>>, vector<16xf32>,
      tpu.vector_store %arg6[%parallel_loop3A_207, %parallel_loop3A_208], %parallel_loop3A_187 {strides = array<i32>} : memref<21x1024xf32, #tpu.memory_space<vmem>>, vector<16xf32>,
      %parallel_loop3A_210 = arith.constant 5 : i32
      %parallel_loop3A_211 = arith.index_cast %parallel_loop3A_210 : i32 to index
      %parallel_loop3A_212 = arith.index_cast %parallel_loop3A_189 : i32 to index
      %parallel_loop3A_213 = tpu.vector_load %arg6[%parallel_loop3A_211, %parallel_loop3A_212] {strides = array<i32>} : memref<21x1024xf32, #tpu.memory_space<vmem>>, vector<16xf32>,
      tpu.vector_store %arg6[%parallel_loop3A_211, %parallel_loop3A_212], %parallel_loop3A_187 {strides = array<i32>} : memref<21x1024xf32, #tpu.memory_space<vmem>>, vector<16xf32>,
      %parallel_loop3A_214 = arith.constant 6 : i32
      %parallel_loop3A_215 = arith.index_cast %parallel_loop3A_214 : i32 to index
      %parallel_loop3A_216 = arith.index_cast %parallel_loop3A_189 : i32 to index
      %parallel_loop3A_217 = tpu.vector_load %arg6[%parallel_loop3A_215, %parallel_loop3A_216] {strides = array<i32>} : memref<21x1024xf32, #tpu.memory_space<vmem>>, vector<16xf32>,
      tpu.vector_store %arg6[%parallel_loop3A_215, %parallel_loop3A_216], %parallel_loop3A_187 {strides = array<i32>} : memref<21x1024xf32, #tpu.memory_space<vmem>>, vector<16xf32>,
      %parallel_loop3A_218 = arith.constant 7 : i32
      %parallel_loop3A_219 = arith.index_cast %parallel_loop3A_218 : i32 to index
      %parallel_loop3A_220 = arith.index_cast %parallel_loop3A_189 : i32 to index
      %parallel_loop3A_221 = tpu.vector_load %arg6[%parallel_loop3A_219, %parallel_loop3A_220] {strides = array<i32>} : memref<21x1024xf32, #tpu.memory_space<vmem>>, vector<16xf32>,
      tpu.vector_store %arg6[%parallel_loop3A_219, %parallel_loop3A_220], %parallel_loop3A_187 {strides = array<i32>} : memref<21x1024xf32, #tpu.memory_space<vmem>>, vector<16xf32>,
      %parallel_loop3A_222 = arith.constant 8 : i32
      %parallel_loop3A_223 = arith.index_cast %parallel_loop3A_222 : i32 to index
      %parallel_loop3A_224 = arith.index_cast %parallel_loop3A_189 : i32 to index
      %parallel_loop3A_225 = tpu.vector_load %arg6[%parallel_loop3A_223, %parallel_loop3A_224] {strides = array<i32>} : memref<21x1024xf32, #tpu.memory_space<vmem>>, vector<16xf32>,
      tpu.vector_store %arg6[%parallel_loop3A_223, %parallel_loop3A_224], %parallel_loop3A_187 {strides = array<i32>} : memref<21x1024xf32, #tpu.memory_space<vmem>>, vector<16xf32>,
      %parallel_loop3A_226 = arith.constant 9 : i32
      %parallel_loop3A_227 = arith.index_cast %parallel_loop3A_226 : i32 to index
      %parallel_loop3A_228 = arith.index_cast %parallel_loop3A_189 : i32 to index
      %parallel_loop3A_229 = tpu.vector_load %arg6[%parallel_loop3A_227, %parallel_loop3A_228] {strides = array<i32>} : memref<21x1024xf32, #tpu.memory_space<vmem>>, vector<16xf32>,
      tpu.vector_store %arg6[%parallel_loop3A_227, %parallel_loop3A_228], %parallel_loop3A_187 {strides = array<i32>} : memref<21x1024xf32, #tpu.memory_space<vmem>>, vector<16xf32>,
      %parallel_loop3A_230 = arith.constant 10 : i32
      %parallel_loop3A_231 = arith.index_cast %parallel_loop3A_230 : i32 to index
      %parallel_loop3A_232 = arith.index_cast %parallel_loop3A_189 : i32 to index
      %parallel_loop3A_233 = tpu.vector_load %arg6[%parallel_loop3A_231, %parallel_loop3A_232] {strides = array<i32>} : memref<21x1024xf32, #tpu.memory_space<vmem>>, vector<16xf32>,
      tpu.vector_store %arg6[%parallel_loop3A_231, %parallel_loop3A_232], %parallel_loop3A_187 {strides = array<i32>} : memref<21x1024xf32, #tpu.memory_space<vmem>>, vector<16xf32>,
      %parallel_loop3A_234 = arith.constant 11 : i32
      %parallel_loop3A_235 = arith.index_cast %parallel_loop3A_234 : i32 to index
      %parallel_loop3A_236 = arith.index_cast %parallel_loop3A_189 : i32 to index
      %parallel_loop3A_237 = tpu.vector_load %arg6[%parallel_loop3A_235, %parallel_loop3A_236] {strides = array<i32>} : memref<21x1024xf32, #tpu.memory_space<vmem>>, vector<16xf32>,
      tpu.vector_store %arg6[%parallel_loop3A_235, %parallel_loop3A_236], %parallel_loop3A_187 {strides = array<i32>} : memref<21x1024xf32, #tpu.memory_space<vmem>>, vector<16xf32>,
      %parallel_loop3A_238 = arith.constant 12 : i32
      %parallel_loop3A_239 = arith.index_cast %parallel_loop3A_238 : i32 to index
      %parallel_loop3A_240 = arith.index_cast %parallel_loop3A_189 : i32 to index
      %parallel_loop3A_241 = tpu.vector_load %arg6[%parallel_loop3A_239, %parallel_loop3A_240] {strides = array<i32>} : memref<21x1024xf32, #tpu.memory_space<vmem>>, vector<16xf32>,
      tpu.vector_store %arg6[%parallel_loop3A_239, %parallel_loop3A_240], %parallel_loop3A_187 {strides = array<i32>} : memref<21x1024xf32, #tpu.memory_space<vmem>>, vector<16xf32>,
      %parallel_loop3A_242 = arith.constant 13 : i32
      %parallel_loop3A_243 = arith.index_cast %parallel_loop3A_242 : i32 to index
      %parallel_loop3A_244 = arith.index_cast %parallel_loop3A_189 : i32 to index
      %parallel_loop3A_245 = tpu.vector_load %arg6[%parallel_loop3A_243, %parallel_loop3A_244] {strides = array<i32>} : memref<21x1024xf32, #tpu.memory_space<vmem>>, vector<16xf32>,
      tpu.vector_store %arg6[%parallel_loop3A_243, %parallel_loop3A_244], %parallel_loop3A_187 {strides = array<i32>} : memref<21x1024xf32, #tpu.memory_space<vmem>>, vector<16xf32>,
      %parallel_loop3A_246 = arith.constant 14 : i32
      %parallel_loop3A_247 = arith.index_cast %parallel_loop3A_246 : i32 to index
      %parallel_loop3A_248 = arith.index_cast %parallel_loop3A_189 : i32 to index
      %parallel_loop3A_249 = tpu.vector_load %arg6[%parallel_loop3A_247, %parallel_loop3A_248] {strides = array<i32>} : memref<21x1024xf32, #tpu.memory_space<vmem>>, vector<16xf32>,
      tpu.vector_store %arg6[%parallel_loop3A_247, %parallel_loop3A_248], %parallel_loop3A_187 {strides = array<i32>} : memref<21x1024xf32, #tpu.memory_space<vmem>>, vector<16xf32>,
      %parallel_loop3A_250 = arith.constant 15 : i32
      %parallel_loop3A_251 = arith.index_cast %parallel_loop3A_250 : i32 to index
      %parallel_loop3A_252 = arith.index_cast %parallel_loop3A_189 : i32 to index
      %parallel_loop3A_253 = tpu.vector_load %arg6[%parallel_loop3A_251, %parallel_loop3A_252] {strides = array<i32>} : memref<21x1024xf32, #tpu.memory_space<vmem>>, vector<16xf32>,
      tpu.vector_store %arg6[%parallel_loop3A_251, %parallel_loop3A_252], %parallel_loop3A_187 {strides = array<i32>} : memref<21x1024xf32, #tpu.memory_space<vmem>>, vector<16xf32>,
      %parallel_loop3A_254 = arith.constant 16 : i32
      %parallel_loop3A_255 = arith.index_cast %parallel_loop3A_254 : i32 to index
      %parallel_loop3A_256 = arith.index_cast %parallel_loop3A_189 : i32 to index
      %parallel_loop3A_257 = tpu.vector_load %arg6[%parallel_loop3A_255, %parallel_loop3A_256] {strides = array<i32>} : memref<21x1024xf32, #tpu.memory_space<vmem>>, vector<16xf32>,
      tpu.vector_store %arg6[%parallel_loop3A_255, %parallel_loop3A_256], %parallel_loop3A_187 {strides = array<i32>} : memref<21x1024xf32, #tpu.memory_space<vmem>>, vector<16xf32>,
      %parallel_loop3A_258 = arith.constant 17 : i32
      %parallel_loop3A_259 = arith.index_cast %parallel_loop3A_258 : i32 to index
      %parallel_loop3A_260 = arith.index_cast %parallel_loop3A_189 : i32 to index
      %parallel_loop3A_261 = tpu.vector_load %arg6[%parallel_loop3A_259, %parallel_loop3A_260] {strides = array<i32>} : memref<21x1024xf32, #tpu.memory_space<vmem>>, vector<16xf32>,
      tpu.vector_store %arg6[%parallel_loop3A_259, %parallel_loop3A_260], %parallel_loop3A_187 {strides = array<i32>} : memref<21x1024xf32, #tpu.memory_space<vmem>>, vector<16xf32>,
      %parallel_loop3A_262 = arith.constant 18 : i32
      %parallel_loop3A_263 = arith.index_cast %parallel_loop3A_262 : i32 to index
      %parallel_loop3A_264 = arith.index_cast %parallel_loop3A_189 : i32 to index
      %parallel_loop3A_265 = tpu.vector_load %arg6[%parallel_loop3A_263, %parallel_loop3A_264] {strides = array<i32>} : memref<21x1024xf32, #tpu.memory_space<vmem>>, vector<16xf32>,
      tpu.vector_store %arg6[%parallel_loop3A_263, %parallel_loop3A_264], %parallel_loop3A_187 {strides = array<i32>} : memref<21x1024xf32, #tpu.memory_space<vmem>>, vector<16xf32>,
      %parallel_loop3A_266 = arith.constant 19 : i32
      %parallel_loop3A_267 = arith.index_cast %parallel_loop3A_266 : i32 to index
      %parallel_loop3A_268 = arith.index_cast %parallel_loop3A_189 : i32 to index
      %parallel_loop3A_269 = tpu.vector_load %arg6[%parallel_loop3A_267, %parallel_loop3A_268] {strides = array<i32>} : memref<21x1024xf32, #tpu.memory_space<vmem>>, vector<16xf32>,
      tpu.vector_store %arg6[%parallel_loop3A_267, %parallel_loop3A_268], %parallel_loop3A_187 {strides = array<i32>} : memref<21x1024xf32, #tpu.memory_space<vmem>>, vector<16xf32>,
      %parallel_loop3A_270 = arith.constant 20 : i32
      %parallel_loop3A_271 = arith.index_cast %parallel_loop3A_270 : i32 to index
      %parallel_loop3A_272 = arith.index_cast %parallel_loop3A_189 : i32 to index
      %parallel_loop3A_273 = tpu.vector_load %arg6[%parallel_loop3A_271, %parallel_loop3A_272] {strides = array<i32>} : memref<21x1024xf32, #tpu.memory_space<vmem>>, vector<16xf32>,
      tpu.vector_store %arg6[%parallel_loop3A_271, %parallel_loop3A_272], %parallel_loop3A_187 {strides = array<i32>} : memref<21x1024xf32, #tpu.memory_space<vmem>>, vector<16xf32>,
    } {sc.loop_unroll_factor = 1 : i64, sc.parallel_access}
    %dma_start3A = arith.constant 0 : i32
    %dma_start3A_35 = arith.constant 0 : i32
    %dma_start3A_36 = tpu.memref_slice %arg10[%dma_start3A, %dma_start3A_35] : memref<2x16384xf32, #tpu.memory_space<vmem>> -> memref<1x16384xf32, #tpu.memory_space<vmem>>
    %dma_start3A_37 = tpu.memref_squeeze %dma_start3A_36 : memref<1x16384xf32, #tpu.memory_space<vmem>> -> memref<16384xf32, #tpu.memory_space<vmem>>
    %dma_start3A_38 = arith.constant 0 : i32
    %dma_start3A_39 = tpu.memref_slice %arg2[%select_n3A, %select_n3A_32, %dma_start3A_38] : memref<4x21x262144xf32, #tpu.memory_space<hbm>> -> memref<1x1x16384xf32, #tpu.memory_space<hbm>>
    %dma_start3A_40 = tpu.memref_squeeze %dma_start3A_39 : memref<1x1x16384xf32, #tpu.memory_space<hbm>> -> memref<16384xf32, #tpu.memory_space<hbm>>
    %dma_start3A_41 = arith.constant 0 : i32
    %dma_start3A_42 = tpu.memref_slice %arg10[%dma_start3A, %dma_start3A_41] : memref<2x16384xf32, #tpu.memory_space<vmem>> -> memref<1x16384xf32, #tpu.memory_space<vmem>>
    %dma_start3A_43 = tpu.memref_squeeze %dma_start3A_42 : memref<1x16384xf32, #tpu.memory_space<vmem>> -> memref<16384xf32, #tpu.memory_space<vmem>>
    %dma_start3A_44 = arith.constant 0 : i32
    %dma_start3A_45 = tpu.memref_slice %arg2[%select_n3A, %select_n3A_32, %dma_start3A_44] : memref<4x21x262144xf32, #tpu.memory_space<hbm>> -> memref<1x1x16384xf32, #tpu.memory_space<hbm>>
    %dma_start3A_46 = tpu.memref_squeeze %dma_start3A_45 : memref<1x1x16384xf32, #tpu.memory_space<hbm>> -> memref<16384xf32, #tpu.memory_space<hbm>>
    tpu.enqueue_dma source(%dma_start3A_46 : memref<16384xf32, #tpu.memory_space<hbm>>) target(%dma_start3A_43 : memref<16384xf32, #tpu.memory_space<vmem>>) target_semaphore(%arg13 : memref<!tpu.dma_semaphore, #tpu.memory_space<semaphore_mem>>)
    %dma_start3A_47 = arith.constant 0 : i32
    %dma_start3A_48 = arith.constant 0 : i32
    %dma_start3A_49 = tpu.memref_slice %arg11[%dma_start3A_47, %dma_start3A_48] : memref<2x16384xi32, #tpu.memory_space<vmem>> -> memref<1x16384xi32, #tpu.memory_space<vmem>>
    %dma_start3A_50 = tpu.memref_squeeze %dma_start3A_49 : memref<1x16384xi32, #tpu.memory_space<vmem>> -> memref<16384xi32, #tpu.memory_space<vmem>>
    %dma_start3A_51 = arith.constant 0 : i32
    %dma_start3A_52 = tpu.memref_slice %arg3[%select_n3A, %dma_start3A_51] : memref<4x262144xi32, #tpu.memory_space<hbm>> -> memref<1x16384xi32, #tpu.memory_space<hbm>>
    %dma_start3A_53 = tpu.memref_squeeze %dma_start3A_52 : memref<1x16384xi32, #tpu.memory_space<hbm>> -> memref<16384xi32, #tpu.memory_space<hbm>>
    %dma_start3A_54 = arith.constant 0 : i32
    %dma_start3A_55 = tpu.memref_slice %arg11[%dma_start3A_47, %dma_start3A_54] : memref<2x16384xi32, #tpu.memory_space<vmem>> -> memref<1x16384xi32, #tpu.memory_space<vmem>>
    %dma_start3A_56 = tpu.memref_squeeze %dma_start3A_55 : memref<1x16384xi32, #tpu.memory_space<vmem>> -> memref<16384xi32, #tpu.memory_space<vmem>>
    %dma_start3A_57 = arith.constant 0 : i32
    %dma_start3A_58 = tpu.memref_slice %arg3[%select_n3A, %dma_start3A_57] : memref<4x262144xi32, #tpu.memory_space<hbm>> -> memref<1x16384xi32, #tpu.memory_space<hbm>>
    %dma_start3A_59 = tpu.memref_squeeze %dma_start3A_58 : memref<1x16384xi32, #tpu.memory_space<hbm>> -> memref<16384xi32, #tpu.memory_space<hbm>>
    tpu.enqueue_dma source(%dma_start3A_59 : memref<16384xi32, #tpu.memory_space<hbm>>) target(%dma_start3A_56 : memref<16384xi32, #tpu.memory_space<vmem>>) target_semaphore(%arg14 : memref<!tpu.dma_semaphore, #tpu.memory_space<semaphore_mem>>)
    %scan3A = arith.constant 0 : i32
    %scan3A_60 = arith.constant 0 : i32
    %scan3A_61 = arith.constant 16 : i32
    %scan3A_62 = arith.addi %scan3A_60, %scan3A_61 : i32
    %scan3A_63 = arith.constant 1 : i32
    %scan3A_64 = scf.for %scan3A_185 = %scan3A_60 to %scan3A_62 step %scan3A_63 iter_args(%scan3A_186 = %scan3A) -> (i32)  : i32 {
      %and3A_187 = arith.constant 1 : i32
      %and3A_188 = arith.andi %scan3A_185, %and3A_187 : i32
      %add3A_189 = arith.constant 1 : i32
      %add3A_190 = arith.addi %scan3A_185, %add3A_189 : i32
      %lt3A_191 = arith.constant 16 : i32
      %lt3A_192 = arith.cmpi slt, %add3A_190, %lt3A_191 : i32
      %convert_element_type3A_193 = arith.extui %lt3A_192 : i1 to i32
      %cond3A_194 = arith.constant 0 : i32
      %cond3A_195 = arith.cmpi ne, %convert_element_type3A_193, %cond3A_194 : i32
      scf.if %cond3A_195 {
        %add3A_223 = arith.constant 1 : i32
        %add3A_224 = arith.addi %scan3A_185, %add3A_223 : i32
        %xor3A = arith.constant 1 : i32
        %xor3A_225 = arith.xori %and3A_188, %xor3A : i32
        %mul3A_226 = arith.constant 16384 : i32
        %mul3A_227 = arith.muli %add3A_224, %mul3A_226 : i32
        %dma_start3A_228 = arith.constant 0 : i32
        %dma_start3A_229 = tpu.memref_slice %arg10[%xor3A_225, %dma_start3A_228] : memref<2x16384xf32, #tpu.memory_space<vmem>> -> memref<1x16384xf32, #tpu.memory_space<vmem>>
        %dma_start3A_230 = tpu.memref_squeeze %dma_start3A_229 : memref<1x16384xf32, #tpu.memory_space<vmem>> -> memref<16384xf32, #tpu.memory_space<vmem>>
        %dma_start3A_231 = tpu.memref_slice %arg2[%select_n3A, %select_n3A_32, %mul3A_227] : memref<4x21x262144xf32, #tpu.memory_space<hbm>> -> memref<1x1x16384xf32, #tpu.memory_space<hbm>>
        %dma_start3A_232 = tpu.memref_squeeze %dma_start3A_231 : memref<1x1x16384xf32, #tpu.memory_space<hbm>> -> memref<16384xf32, #tpu.memory_space<hbm>>
        %dma_start3A_233 = arith.constant 0 : i32
        %dma_start3A_234 = tpu.memref_slice %arg10[%xor3A_225, %dma_start3A_233] : memref<2x16384xf32, #tpu.memory_space<vmem>> -> memref<1x16384xf32, #tpu.memory_space<vmem>>
        %dma_start3A_235 = tpu.memref_squeeze %dma_start3A_234 : memref<1x16384xf32, #tpu.memory_space<vmem>> -> memref<16384xf32, #tpu.memory_space<vmem>>
        %dma_start3A_236 = tpu.memref_slice %arg2[%select_n3A, %select_n3A_32, %mul3A_227] : memref<4x21x262144xf32, #tpu.memory_space<hbm>> -> memref<1x1x16384xf32, #tpu.memory_space<hbm>>
        %dma_start3A_237 = tpu.memref_squeeze %dma_start3A_236 : memref<1x1x16384xf32, #tpu.memory_space<hbm>> -> memref<16384xf32, #tpu.memory_space<hbm>>
        tpu.enqueue_dma source(%dma_start3A_237 : memref<16384xf32, #tpu.memory_space<hbm>>) target(%dma_start3A_235 : memref<16384xf32, #tpu.memory_space<vmem>>) target_semaphore(%arg13 : memref<!tpu.dma_semaphore, #tpu.memory_space<semaphore_mem>>)
        %mul3A_238 = arith.constant 16384 : i32
        %mul3A_239 = arith.muli %add3A_224, %mul3A_238 : i32
        %dma_start3A_240 = arith.constant 0 : i32
        %dma_start3A_241 = tpu.memref_slice %arg11[%xor3A_225, %dma_start3A_240] : memref<2x16384xi32, #tpu.memory_space<vmem>> -> memref<1x16384xi32, #tpu.memory_space<vmem>>
        %dma_start3A_242 = tpu.memref_squeeze %dma_start3A_241 : memref<1x16384xi32, #tpu.memory_space<vmem>> -> memref<16384xi32, #tpu.memory_space<vmem>>
        %dma_start3A_243 = tpu.memref_slice %arg3[%select_n3A, %mul3A_239] : memref<4x262144xi32, #tpu.memory_space<hbm>> -> memref<1x16384xi32, #tpu.memory_space<hbm>>
        %dma_start3A_244 = tpu.memref_squeeze %dma_start3A_243 : memref<1x16384xi32, #tpu.memory_space<hbm>> -> memref<16384xi32, #tpu.memory_space<hbm>>
        %dma_start3A_245 = arith.constant 0 : i32
        %dma_start3A_246 = tpu.memref_slice %arg11[%xor3A_225, %dma_start3A_245] : memref<2x16384xi32, #tpu.memory_space<vmem>> -> memref<1x16384xi32, #tpu.memory_space<vmem>>
        %dma_start3A_247 = tpu.memref_squeeze %dma_start3A_246 : memref<1x16384xi32, #tpu.memory_space<vmem>> -> memref<16384xi32, #tpu.memory_space<vmem>>
        %dma_start3A_248 = tpu.memref_slice %arg3[%select_n3A, %mul3A_239] : memref<4x262144xi32, #tpu.memory_space<hbm>> -> memref<1x16384xi32, #tpu.memory_space<hbm>>
        %dma_start3A_249 = tpu.memref_squeeze %dma_start3A_248 : memref<1x16384xi32, #tpu.memory_space<hbm>> -> memref<16384xi32, #tpu.memory_space<hbm>>
        tpu.enqueue_dma source(%dma_start3A_249 : memref<16384xi32, #tpu.memory_space<hbm>>) target(%dma_start3A_247 : memref<16384xi32, #tpu.memory_space<vmem>>) target_semaphore(%arg14 : memref<!tpu.dma_semaphore, #tpu.memory_space<semaphore_mem>>)
      } else {
      }
      %dma_wait3A = arith.constant 0 : i32
      %dma_wait3A_196 = tpu.memref_slice %arg10[%and3A_188, %dma_wait3A] : memref<2x16384xf32, #tpu.memory_space<vmem>> -> memref<1x16384xf32, #tpu.memory_space<vmem>>
      %dma_wait3A_197 = tpu.memref_squeeze %dma_wait3A_196 : memref<1x16384xf32, #tpu.memory_space<vmem>> -> memref<16384xf32, #tpu.memory_space<vmem>>
      %dma_wait3A_198 = arith.constant 0 : i32
      %dma_wait3A_199 = tpu.memref_slice %arg2[%select_n3A, %select_n3A_32, %dma_wait3A_198] : memref<4x21x262144xf32, #tpu.memory_space<hbm>> -> memref<1x1x16384xf32, #tpu.memory_space<hbm>>
      %dma_wait3A_200 = tpu.memref_squeeze %dma_wait3A_199 : memref<1x1x16384xf32, #tpu.memory_space<hbm>> -> memref<16384xf32, #tpu.memory_space<hbm>>
      %dma_wait3A_201 = arith.constant 0 : i32
      %dma_wait3A_202 = tpu.memref_slice %arg10[%and3A_188, %dma_wait3A_201] : memref<2x16384xf32, #tpu.memory_space<vmem>> -> memref<1x16384xf32, #tpu.memory_space<vmem>>
      %dma_wait3A_203 = tpu.memref_squeeze %dma_wait3A_202 : memref<1x16384xf32, #tpu.memory_space<vmem>> -> memref<16384xf32, #tpu.memory_space<vmem>>
      %dma_wait3A_204 = arith.constant 0 : i32
      %dma_wait3A_205 = tpu.memref_slice %arg2[%select_n3A, %select_n3A_32, %dma_wait3A_204] : memref<4x21x262144xf32, #tpu.memory_space<hbm>> -> memref<1x1x16384xf32, #tpu.memory_space<hbm>>
      %dma_wait3A_206 = tpu.memref_squeeze %dma_wait3A_205 : memref<1x1x16384xf32, #tpu.memory_space<hbm>> -> memref<16384xf32, #tpu.memory_space<hbm>>
      tpu.wait_dma2 semaphore(%arg13 : memref<!tpu.dma_semaphore, #tpu.memory_space<semaphore_mem>>) src(%dma_wait3A_206 : memref<16384xf32, #tpu.memory_space<hbm>>) dst(%dma_wait3A_203 : memref<16384xf32, #tpu.memory_space<vmem>>)
      %dma_wait3A_207 = arith.constant 0 : i32
      %dma_wait3A_208 = tpu.memref_slice %arg11[%and3A_188, %dma_wait3A_207] : memref<2x16384xi32, #tpu.memory_space<vmem>> -> memref<1x16384xi32, #tpu.memory_space<vmem>>
      %dma_wait3A_209 = tpu.memref_squeeze %dma_wait3A_208 : memref<1x16384xi32, #tpu.memory_space<vmem>> -> memref<16384xi32, #tpu.memory_space<vmem>>
      %dma_wait3A_210 = arith.constant 0 : i32
      %dma_wait3A_211 = tpu.memref_slice %arg3[%select_n3A, %dma_wait3A_210] : memref<4x262144xi32, #tpu.memory_space<hbm>> -> memref<1x16384xi32, #tpu.memory_space<hbm>>
      %dma_wait3A_212 = tpu.memref_squeeze %dma_wait3A_211 : memref<1x16384xi32, #tpu.memory_space<hbm>> -> memref<16384xi32, #tpu.memory_space<hbm>>
      %dma_wait3A_213 = arith.constant 0 : i32
      %dma_wait3A_214 = tpu.memref_slice %arg11[%and3A_188, %dma_wait3A_213] : memref<2x16384xi32, #tpu.memory_space<vmem>> -> memref<1x16384xi32, #tpu.memory_space<vmem>>
      %dma_wait3A_215 = tpu.memref_squeeze %dma_wait3A_214 : memref<1x16384xi32, #tpu.memory_space<vmem>> -> memref<16384xi32, #tpu.memory_space<vmem>>
      %dma_wait3A_216 = arith.constant 0 : i32
      %dma_wait3A_217 = tpu.memref_slice %arg3[%select_n3A, %dma_wait3A_216] : memref<4x262144xi32, #tpu.memory_space<hbm>> -> memref<1x16384xi32, #tpu.memory_space<hbm>>
      %dma_wait3A_218 = tpu.memref_squeeze %dma_wait3A_217 : memref<1x16384xi32, #tpu.memory_space<hbm>> -> memref<16384xi32, #tpu.memory_space<hbm>>
      tpu.wait_dma2 semaphore(%arg14 : memref<!tpu.dma_semaphore, #tpu.memory_space<semaphore_mem>>) src(%dma_wait3A_218 : memref<16384xi32, #tpu.memory_space<hbm>>) dst(%dma_wait3A_215 : memref<16384xi32, #tpu.memory_space<vmem>>)
      %parallel_loop3A_219 = arith.constant 0 : i32
      %parallel_loop3A_220 = arith.constant 128 : i32
      %parallel_loop3A_221 = arith.constant 1 : i32
      scf.for %parallel_loop3A_223 = %parallel_loop3A_219 to %parallel_loop3A_220 step %parallel_loop3A_221  : i32 {
        %parallel_loop3A_224 = arith.constant 128 : i32
        %parallel_loop3A_225 = arith.muli %parallel_loop3A_223, %parallel_loop3A_224 : i32
        %parallel_loop3A_226 = arith.constant 0 : i32
        %parallel_loop3A_227 = arith.addi %parallel_loop3A_225, %parallel_loop3A_226 : i32
        %parallel_loop3A_228 = arith.index_cast %and3A_188 : i32 to index
        %parallel_loop3A_229 = arith.index_cast %parallel_loop3A_227 : i32 to index
        %parallel_loop3A_230 = tpu.vector_load %arg11[%parallel_loop3A_228, %parallel_loop3A_229] {strides = array<i32>} : memref<2x16384xi32, #tpu.memory_space<vmem>>, vector<16xi32>,
        %parallel_loop3A_231 = arith.constant 0 : i32
        %parallel_loop3A_232 = arith.addi %parallel_loop3A_225, %parallel_loop3A_231 : i32
        %parallel_loop3A_233 = arith.index_cast %and3A_188 : i32 to index
        %parallel_loop3A_234 = arith.index_cast %parallel_loop3A_232 : i32 to index
        %parallel_loop3A_235 = tpu.vector_load %arg10[%parallel_loop3A_233, %parallel_loop3A_234] {strides = array<i32>} : memref<2x16384xf32, #tpu.memory_space<vmem>>, vector<16xf32>,
        %parallel_loop3A_236 = vector.broadcast %select_n3A_32 : i32 to vector<16xi32>
        %parallel_loop3A_237 = arith.cmpi eq, %parallel_loop3A_230, %parallel_loop3A_236 : vector<16xi32>
        %parallel_loop3A_238 = arith.constant 1.000000e+00 : f32
        %parallel_loop3A_239 = vector.broadcast %parallel_loop3A_238 : f32 to vector<16xf32>
        %parallel_loop3A_240 = arith.subf %parallel_loop3A_239, %parallel_loop3A_235 : vector<16xf32>
        %parallel_loop3A_241 = arith.select %parallel_loop3A_237, %parallel_loop3A_240, %parallel_loop3A_235 : vector<16xi1>, vector<16xf32>
        %parallel_loop3A_242 = tpu.bitcast %parallel_loop3A_241 : vector<16xf32> -> vector<16xi32>
        %parallel_loop3A_243 = arith.constant 20 : i32
        %parallel_loop3A_244 = vector.broadcast %parallel_loop3A_243 : i32 to vector<16xi32>
        %parallel_loop3A_245 = arith.shrui %parallel_loop3A_242, %parallel_loop3A_244 : vector<16xi32>
        %parallel_loop3A_246 = arith.constant 1016 : i32
        %parallel_loop3A_247 = vector.broadcast %parallel_loop3A_246 : i32 to vector<16xi32>
        %parallel_loop3A_248 = arith.subi %parallel_loop3A_247, %parallel_loop3A_245 : vector<16xi32>
        %parallel_loop3A_249 = arith.constant 0 : i32
        %parallel_loop3A_250 = vector.broadcast %parallel_loop3A_249 : i32 to vector<16xi32>
        %parallel_loop3A_251 = arith.addi %parallel_loop3A_230, %parallel_loop3A_250 : vector<16xi32>
        %parallel_loop3A_252 = arith.constant 1.000000e+00 : f32
        %parallel_loop3A_253 = vector.broadcast %parallel_loop3A_252 : f32 to vector<16xf32>
        tpu.vector_store_idx %arg6[%parallel_loop3A_251, %parallel_loop3A_248], %parallel_loop3A_253 {add = true} : memref<21x1024xf32, #tpu.memory_space<vmem>>[vector<16xi32>, vector<16xi32>], vector<16xf32>,
        %parallel_loop3A_254 = arith.constant 16 : i32
        %parallel_loop3A_255 = arith.addi %parallel_loop3A_225, %parallel_loop3A_254 : i32
        %parallel_loop3A_256 = arith.index_cast %and3A_188 : i32 to index
        %parallel_loop3A_257 = arith.index_cast %parallel_loop3A_255 : i32 to index
        %parallel_loop3A_258 = tpu.vector_load %arg11[%parallel_loop3A_256, %parallel_loop3A_257] {strides = array<i32>} : memref<2x16384xi32, #tpu.memory_space<vmem>>, vector<16xi32>,
        %parallel_loop3A_259 = arith.constant 16 : i32
        %parallel_loop3A_260 = arith.addi %parallel_loop3A_225, %parallel_loop3A_259 : i32
        %parallel_loop3A_261 = arith.index_cast %and3A_188 : i32 to index
        %parallel_loop3A_262 = arith.index_cast %parallel_loop3A_260 : i32 to index
        %parallel_loop3A_263 = tpu.vector_load %arg10[%parallel_loop3A_261, %parallel_loop3A_262] {strides = array<i32>} : memref<2x16384xf32, #tpu.memory_space<vmem>>, vector<16xf32>,
        %parallel_loop3A_264 = vector.broadcast %select_n3A_32 : i32 to vector<16xi32>
        %parallel_loop3A_265 = arith.cmpi eq, %parallel_loop3A_258, %parallel_loop3A_264 : vector<16xi32>
        %parallel_loop3A_266 = arith.constant 1.000000e+00 : f32
        %parallel_loop3A_267 = vector.broadcast %parallel_loop3A_266 : f32 to vector<16xf32>
        %parallel_loop3A_268 = arith.subf %parallel_loop3A_267, %parallel_loop3A_263 : vector<16xf32>
        %parallel_loop3A_269 = arith.select %parallel_loop3A_265, %parallel_loop3A_268, %parallel_loop3A_263 : vector<16xi1>, vector<16xf32>
        %parallel_loop3A_270 = tpu.bitcast %parallel_loop3A_269 : vector<16xf32> -> vector<16xi32>
        %parallel_loop3A_271 = arith.constant 20 : i32
        %parallel_loop3A_272 = vector.broadcast %parallel_loop3A_271 : i32 to vector<16xi32>
        %parallel_loop3A_273 = arith.shrui %parallel_loop3A_270, %parallel_loop3A_272 : vector<16xi32>
        %parallel_loop3A_274 = arith.constant 1016 : i32
        %parallel_loop3A_275 = vector.broadcast %parallel_loop3A_274 : i32 to vector<16xi32>
        %parallel_loop3A_276 = arith.subi %parallel_loop3A_275, %parallel_loop3A_273 : vector<16xi32>
        %parallel_loop3A_277 = arith.constant 0 : i32
        %parallel_loop3A_278 = vector.broadcast %parallel_loop3A_277 : i32 to vector<16xi32>
        %parallel_loop3A_279 = arith.addi %parallel_loop3A_258, %parallel_loop3A_278 : vector<16xi32>
        %parallel_loop3A_280 = arith.constant 1.000000e+00 : f32
        %parallel_loop3A_281 = vector.broadcast %parallel_loop3A_280 : f32 to vector<16xf32>
        tpu.vector_store_idx %arg6[%parallel_loop3A_279, %parallel_loop3A_276], %parallel_loop3A_281 {add = true} : memref<21x1024xf32, #tpu.memory_space<vmem>>[vector<16xi32>, vector<16xi32>], vector<16xf32>,
        %parallel_loop3A_282 = arith.constant 32 : i32
        %parallel_loop3A_283 = arith.addi %parallel_loop3A_225, %parallel_loop3A_282 : i32
        %parallel_loop3A_284 = arith.index_cast %and3A_188 : i32 to index
        %parallel_loop3A_285 = arith.index_cast %parallel_loop3A_283 : i32 to index
        %parallel_loop3A_286 = tpu.vector_load %arg11[%parallel_loop3A_284, %parallel_loop3A_285] {strides = array<i32>} : memref<2x16384xi32, #tpu.memory_space<vmem>>, vector<16xi32>,
        %parallel_loop3A_287 = arith.constant 32 : i32
        %parallel_loop3A_288 = arith.addi %parallel_loop3A_225, %parallel_loop3A_287 : i32
        %parallel_loop3A_289 = arith.index_cast %and3A_188 : i32 to index
        %parallel_loop3A_290 = arith.index_cast %parallel_loop3A_288 : i32 to index
        %parallel_loop3A_291 = tpu.vector_load %arg10[%parallel_loop3A_289, %parallel_loop3A_290] {strides = array<i32>} : memref<2x16384xf32, #tpu.memory_space<vmem>>, vector<16xf32>,
        %parallel_loop3A_292 = vector.broadcast %select_n3A_32 : i32 to vector<16xi32>
        %parallel_loop3A_293 = arith.cmpi eq, %parallel_loop3A_286, %parallel_loop3A_292 : vector<16xi32>
        %parallel_loop3A_294 = arith.constant 1.000000e+00 : f32
        %parallel_loop3A_295 = vector.broadcast %parallel_loop3A_294 : f32 to vector<16xf32>
        %parallel_loop3A_296 = arith.subf %parallel_loop3A_295, %parallel_loop3A_291 : vector<16xf32>
        %parallel_loop3A_297 = arith.select %parallel_loop3A_293, %parallel_loop3A_296, %parallel_loop3A_291 : vector<16xi1>, vector<16xf32>
        %parallel_loop3A_298 = tpu.bitcast %parallel_loop3A_297 : vector<16xf32> -> vector<16xi32>
        %parallel_loop3A_299 = arith.constant 20 : i32
        %parallel_loop3A_300 = vector.broadcast %parallel_loop3A_299 : i32 to vector<16xi32>
        %parallel_loop3A_301 = arith.shrui %parallel_loop3A_298, %parallel_loop3A_300 : vector<16xi32>
        %parallel_loop3A_302 = arith.constant 1016 : i32
        %parallel_loop3A_303 = vector.broadcast %parallel_loop3A_302 : i32 to vector<16xi32>
        %parallel_loop3A_304 = arith.subi %parallel_loop3A_303, %parallel_loop3A_301 : vector<16xi32>
        %parallel_loop3A_305 = arith.constant 0 : i32
        %parallel_loop3A_306 = vector.broadcast %parallel_loop3A_305 : i32 to vector<16xi32>
        %parallel_loop3A_307 = arith.addi %parallel_loop3A_286, %parallel_loop3A_306 : vector<16xi32>
        %parallel_loop3A_308 = arith.constant 1.000000e+00 : f32
        %parallel_loop3A_309 = vector.broadcast %parallel_loop3A_308 : f32 to vector<16xf32>
        tpu.vector_store_idx %arg6[%parallel_loop3A_307, %parallel_loop3A_304], %parallel_loop3A_309 {add = true} : memref<21x1024xf32, #tpu.memory_space<vmem>>[vector<16xi32>, vector<16xi32>], vector<16xf32>,
        %parallel_loop3A_310 = arith.constant 48 : i32
        %parallel_loop3A_311 = arith.addi %parallel_loop3A_225, %parallel_loop3A_310 : i32
        %parallel_loop3A_312 = arith.index_cast %and3A_188 : i32 to index
        %parallel_loop3A_313 = arith.index_cast %parallel_loop3A_311 : i32 to index
        %parallel_loop3A_314 = tpu.vector_load %arg11[%parallel_loop3A_312, %parallel_loop3A_313] {strides = array<i32>} : memref<2x16384xi32, #tpu.memory_space<vmem>>, vector<16xi32>,
        %parallel_loop3A_315 = arith.constant 48 : i32
        %parallel_loop3A_316 = arith.addi %parallel_loop3A_225, %parallel_loop3A_315 : i32
        %parallel_loop3A_317 = arith.index_cast %and3A_188 : i32 to index
        %parallel_loop3A_318 = arith.index_cast %parallel_loop3A_316 : i32 to index
        %parallel_loop3A_319 = tpu.vector_load %arg10[%parallel_loop3A_317, %parallel_loop3A_318] {strides = array<i32>} : memref<2x16384xf32, #tpu.memory_space<vmem>>, vector<16xf32>,
        %parallel_loop3A_320 = vector.broadcast %select_n3A_32 : i32 to vector<16xi32>
        %parallel_loop3A_321 = arith.cmpi eq, %parallel_loop3A_314, %parallel_loop3A_320 : vector<16xi32>
        %parallel_loop3A_322 = arith.constant 1.000000e+00 : f32
        %parallel_loop3A_323 = vector.broadcast %parallel_loop3A_322 : f32 to vector<16xf32>
        %parallel_loop3A_324 = arith.subf %parallel_loop3A_323, %parallel_loop3A_319 : vector<16xf32>
        %parallel_loop3A_325 = arith.select %parallel_loop3A_321, %parallel_loop3A_324, %parallel_loop3A_319 : vector<16xi1>, vector<16xf32>
        %parallel_loop3A_326 = tpu.bitcast %parallel_loop3A_325 : vector<16xf32> -> vector<16xi32>
        %parallel_loop3A_327 = arith.constant 20 : i32
        %parallel_loop3A_328 = vector.broadcast %parallel_loop3A_327 : i32 to vector<16xi32>
        %parallel_loop3A_329 = arith.shrui %parallel_loop3A_326, %parallel_loop3A_328 : vector<16xi32>
        %parallel_loop3A_330 = arith.constant 1016 : i32
        %parallel_loop3A_331 = vector.broadcast %parallel_loop3A_330 : i32 to vector<16xi32>
        %parallel_loop3A_332 = arith.subi %parallel_loop3A_331, %parallel_loop3A_329 : vector<16xi32>
        %parallel_loop3A_333 = arith.constant 0 : i32
        %parallel_loop3A_334 = vector.broadcast %parallel_loop3A_333 : i32 to vector<16xi32>
        %parallel_loop3A_335 = arith.addi %parallel_loop3A_314, %parallel_loop3A_334 : vector<16xi32>
        %parallel_loop3A_336 = arith.constant 1.000000e+00 : f32
        %parallel_loop3A_337 = vector.broadcast %parallel_loop3A_336 : f32 to vector<16xf32>
        tpu.vector_store_idx %arg6[%parallel_loop3A_335, %parallel_loop3A_332], %parallel_loop3A_337 {add = true} : memref<21x1024xf32, #tpu.memory_space<vmem>>[vector<16xi32>, vector<16xi32>], vector<16xf32>,
        %parallel_loop3A_338 = arith.constant 64 : i32
        %parallel_loop3A_339 = arith.addi %parallel_loop3A_225, %parallel_loop3A_338 : i32
        %parallel_loop3A_340 = arith.index_cast %and3A_188 : i32 to index
        %parallel_loop3A_341 = arith.index_cast %parallel_loop3A_339 : i32 to index
        %parallel_loop3A_342 = tpu.vector_load %arg11[%parallel_loop3A_340, %parallel_loop3A_341] {strides = array<i32>} : memref<2x16384xi32, #tpu.memory_space<vmem>>, vector<16xi32>,
        %parallel_loop3A_343 = arith.constant 64 : i32
        %parallel_loop3A_344 = arith.addi %parallel_loop3A_225, %parallel_loop3A_343 : i32
        %parallel_loop3A_345 = arith.index_cast %and3A_188 : i32 to index
        %parallel_loop3A_346 = arith.index_cast %parallel_loop3A_344 : i32 to index
        %parallel_loop3A_347 = tpu.vector_load %arg10[%parallel_loop3A_345, %parallel_loop3A_346] {strides = array<i32>} : memref<2x16384xf32, #tpu.memory_space<vmem>>, vector<16xf32>,
        %parallel_loop3A_348 = vector.broadcast %select_n3A_32 : i32 to vector<16xi32>
        %parallel_loop3A_349 = arith.cmpi eq, %parallel_loop3A_342, %parallel_loop3A_348 : vector<16xi32>
        %parallel_loop3A_350 = arith.constant 1.000000e+00 : f32
        %parallel_loop3A_351 = vector.broadcast %parallel_loop3A_350 : f32 to vector<16xf32>
        %parallel_loop3A_352 = arith.subf %parallel_loop3A_351, %parallel_loop3A_347 : vector<16xf32>
        %parallel_loop3A_353 = arith.select %parallel_loop3A_349, %parallel_loop3A_352, %parallel_loop3A_347 : vector<16xi1>, vector<16xf32>
        %parallel_loop3A_354 = tpu.bitcast %parallel_loop3A_353 : vector<16xf32> -> vector<16xi32>
        %parallel_loop3A_355 = arith.constant 20 : i32
        %parallel_loop3A_356 = vector.broadcast %parallel_loop3A_355 : i32 to vector<16xi32>
        %parallel_loop3A_357 = arith.shrui %parallel_loop3A_354, %parallel_loop3A_356 : vector<16xi32>
        %parallel_loop3A_358 = arith.constant 1016 : i32
        %parallel_loop3A_359 = vector.broadcast %parallel_loop3A_358 : i32 to vector<16xi32>
        %parallel_loop3A_360 = arith.subi %parallel_loop3A_359, %parallel_loop3A_357 : vector<16xi32>
        %parallel_loop3A_361 = arith.constant 0 : i32
        %parallel_loop3A_362 = vector.broadcast %parallel_loop3A_361 : i32 to vector<16xi32>
        %parallel_loop3A_363 = arith.addi %parallel_loop3A_342, %parallel_loop3A_362 : vector<16xi32>
        %parallel_loop3A_364 = arith.constant 1.000000e+00 : f32
        %parallel_loop3A_365 = vector.broadcast %parallel_loop3A_364 : f32 to vector<16xf32>
        tpu.vector_store_idx %arg6[%parallel_loop3A_363, %parallel_loop3A_360], %parallel_loop3A_365 {add = true} : memref<21x1024xf32, #tpu.memory_space<vmem>>[vector<16xi32>, vector<16xi32>], vector<16xf32>,
        %parallel_loop3A_366 = arith.constant 80 : i32
        %parallel_loop3A_367 = arith.addi %parallel_loop3A_225, %parallel_loop3A_366 : i32
        %parallel_loop3A_368 = arith.index_cast %and3A_188 : i32 to index
        %parallel_loop3A_369 = arith.index_cast %parallel_loop3A_367 : i32 to index
        %parallel_loop3A_370 = tpu.vector_load %arg11[%parallel_loop3A_368, %parallel_loop3A_369] {strides = array<i32>} : memref<2x16384xi32, #tpu.memory_space<vmem>>, vector<16xi32>,
        %parallel_loop3A_371 = arith.constant 80 : i32
        %parallel_loop3A_372 = arith.addi %parallel_loop3A_225, %parallel_loop3A_371 : i32
        %parallel_loop3A_373 = arith.index_cast %and3A_188 : i32 to index
        %parallel_loop3A_374 = arith.index_cast %parallel_loop3A_372 : i32 to index
        %parallel_loop3A_375 = tpu.vector_load %arg10[%parallel_loop3A_373, %parallel_loop3A_374] {strides = array<i32>} : memref<2x16384xf32, #tpu.memory_space<vmem>>, vector<16xf32>,
        %parallel_loop3A_376 = vector.broadcast %select_n3A_32 : i32 to vector<16xi32>
        %parallel_loop3A_377 = arith.cmpi eq, %parallel_loop3A_370, %parallel_loop3A_376 : vector<16xi32>
        %parallel_loop3A_378 = arith.constant 1.000000e+00 : f32
        %parallel_loop3A_379 = vector.broadcast %parallel_loop3A_378 : f32 to vector<16xf32>
        %parallel_loop3A_380 = arith.subf %parallel_loop3A_379, %parallel_loop3A_375 : vector<16xf32>
        %parallel_loop3A_381 = arith.select %parallel_loop3A_377, %parallel_loop3A_380, %parallel_loop3A_375 : vector<16xi1>, vector<16xf32>
        %parallel_loop3A_382 = tpu.bitcast %parallel_loop3A_381 : vector<16xf32> -> vector<16xi32>
        %parallel_loop3A_383 = arith.constant 20 : i32
        %parallel_loop3A_384 = vector.broadcast %parallel_loop3A_383 : i32 to vector<16xi32>
        %parallel_loop3A_385 = arith.shrui %parallel_loop3A_382, %parallel_loop3A_384 : vector<16xi32>
        %parallel_loop3A_386 = arith.constant 1016 : i32
        %parallel_loop3A_387 = vector.broadcast %parallel_loop3A_386 : i32 to vector<16xi32>
        %parallel_loop3A_388 = arith.subi %parallel_loop3A_387, %parallel_loop3A_385 : vector<16xi32>
        %parallel_loop3A_389 = arith.constant 0 : i32
        %parallel_loop3A_390 = vector.broadcast %parallel_loop3A_389 : i32 to vector<16xi32>
        %parallel_loop3A_391 = arith.addi %parallel_loop3A_370, %parallel_loop3A_390 : vector<16xi32>
        %parallel_loop3A_392 = arith.constant 1.000000e+00 : f32
        %parallel_loop3A_393 = vector.broadcast %parallel_loop3A_392 : f32 to vector<16xf32>
        tpu.vector_store_idx %arg6[%parallel_loop3A_391, %parallel_loop3A_388], %parallel_loop3A_393 {add = true} : memref<21x1024xf32, #tpu.memory_space<vmem>>[vector<16xi32>, vector<16xi32>], vector<16xf32>,
        %parallel_loop3A_394 = arith.constant 96 : i32
        %parallel_loop3A_395 = arith.addi %parallel_loop3A_225, %parallel_loop3A_394 : i32
        %parallel_loop3A_396 = arith.index_cast %and3A_188 : i32 to index
        %parallel_loop3A_397 = arith.index_cast %parallel_loop3A_395 : i32 to index
        %parallel_loop3A_398 = tpu.vector_load %arg11[%parallel_loop3A_396, %parallel_loop3A_397] {strides = array<i32>} : memref<2x16384xi32, #tpu.memory_space<vmem>>, vector<16xi32>,
        %parallel_loop3A_399 = arith.constant 96 : i32
        %parallel_loop3A_400 = arith.addi %parallel_loop3A_225, %parallel_loop3A_399 : i32
        %parallel_loop3A_401 = arith.index_cast %and3A_188 : i32 to index
        %parallel_loop3A_402 = arith.index_cast %parallel_loop3A_400 : i32 to index
        %parallel_loop3A_403 = tpu.vector_load %arg10[%parallel_loop3A_401, %parallel_loop3A_402] {strides = array<i32>} : memref<2x16384xf32, #tpu.memory_space<vmem>>, vector<16xf32>,
        %parallel_loop3A_404 = vector.broadcast %select_n3A_32 : i32 to vector<16xi32>
        %parallel_loop3A_405 = arith.cmpi eq, %parallel_loop3A_398, %parallel_loop3A_404 : vector<16xi32>
        %parallel_loop3A_406 = arith.constant 1.000000e+00 : f32
        %parallel_loop3A_407 = vector.broadcast %parallel_loop3A_406 : f32 to vector<16xf32>
        %parallel_loop3A_408 = arith.subf %parallel_loop3A_407, %parallel_loop3A_403 : vector<16xf32>
        %parallel_loop3A_409 = arith.select %parallel_loop3A_405, %parallel_loop3A_408, %parallel_loop3A_403 : vector<16xi1>, vector<16xf32>
        %parallel_loop3A_410 = tpu.bitcast %parallel_loop3A_409 : vector<16xf32> -> vector<16xi32>
        %parallel_loop3A_411 = arith.constant 20 : i32
        %parallel_loop3A_412 = vector.broadcast %parallel_loop3A_411 : i32 to vector<16xi32>
        %parallel_loop3A_413 = arith.shrui %parallel_loop3A_410, %parallel_loop3A_412 : vector<16xi32>
        %parallel_loop3A_414 = arith.constant 1016 : i32
        %parallel_loop3A_415 = vector.broadcast %parallel_loop3A_414 : i32 to vector<16xi32>
        %parallel_loop3A_416 = arith.subi %parallel_loop3A_415, %parallel_loop3A_413 : vector<16xi32>
        %parallel_loop3A_417 = arith.constant 0 : i32
        %parallel_loop3A_418 = vector.broadcast %parallel_loop3A_417 : i32 to vector<16xi32>
        %parallel_loop3A_419 = arith.addi %parallel_loop3A_398, %parallel_loop3A_418 : vector<16xi32>
        %parallel_loop3A_420 = arith.constant 1.000000e+00 : f32
        %parallel_loop3A_421 = vector.broadcast %parallel_loop3A_420 : f32 to vector<16xf32>
        tpu.vector_store_idx %arg6[%parallel_loop3A_419, %parallel_loop3A_416], %parallel_loop3A_421 {add = true} : memref<21x1024xf32, #tpu.memory_space<vmem>>[vector<16xi32>, vector<16xi32>], vector<16xf32>,
        %parallel_loop3A_422 = arith.constant 112 : i32
        %parallel_loop3A_423 = arith.addi %parallel_loop3A_225, %parallel_loop3A_422 : i32
        %parallel_loop3A_424 = arith.index_cast %and3A_188 : i32 to index
        %parallel_loop3A_425 = arith.index_cast %parallel_loop3A_423 : i32 to index
        %parallel_loop3A_426 = tpu.vector_load %arg11[%parallel_loop3A_424, %parallel_loop3A_425] {strides = array<i32>} : memref<2x16384xi32, #tpu.memory_space<vmem>>, vector<16xi32>,
        %parallel_loop3A_427 = arith.constant 112 : i32
        %parallel_loop3A_428 = arith.addi %parallel_loop3A_225, %parallel_loop3A_427 : i32
        %parallel_loop3A_429 = arith.index_cast %and3A_188 : i32 to index
        %parallel_loop3A_430 = arith.index_cast %parallel_loop3A_428 : i32 to index
        %parallel_loop3A_431 = tpu.vector_load %arg10[%parallel_loop3A_429, %parallel_loop3A_430] {strides = array<i32>} : memref<2x16384xf32, #tpu.memory_space<vmem>>, vector<16xf32>,
        %parallel_loop3A_432 = vector.broadcast %select_n3A_32 : i32 to vector<16xi32>
        %parallel_loop3A_433 = arith.cmpi eq, %parallel_loop3A_426, %parallel_loop3A_432 : vector<16xi32>
        %parallel_loop3A_434 = arith.constant 1.000000e+00 : f32
        %parallel_loop3A_435 = vector.broadcast %parallel_loop3A_434 : f32 to vector<16xf32>
        %parallel_loop3A_436 = arith.subf %parallel_loop3A_435, %parallel_loop3A_431 : vector<16xf32>
        %parallel_loop3A_437 = arith.select %parallel_loop3A_433, %parallel_loop3A_436, %parallel_loop3A_431 : vector<16xi1>, vector<16xf32>
        %parallel_loop3A_438 = tpu.bitcast %parallel_loop3A_437 : vector<16xf32> -> vector<16xi32>
        %parallel_loop3A_439 = arith.constant 20 : i32
        %parallel_loop3A_440 = vector.broadcast %parallel_loop3A_439 : i32 to vector<16xi32>
        %parallel_loop3A_441 = arith.shrui %parallel_loop3A_438, %parallel_loop3A_440 : vector<16xi32>
        %parallel_loop3A_442 = arith.constant 1016 : i32
        %parallel_loop3A_443 = vector.broadcast %parallel_loop3A_442 : i32 to vector<16xi32>
        %parallel_loop3A_444 = arith.subi %parallel_loop3A_443, %parallel_loop3A_441 : vector<16xi32>
        %parallel_loop3A_445 = arith.constant 0 : i32
        %parallel_loop3A_446 = vector.broadcast %parallel_loop3A_445 : i32 to vector<16xi32>
        %parallel_loop3A_447 = arith.addi %parallel_loop3A_426, %parallel_loop3A_446 : vector<16xi32>
        %parallel_loop3A_448 = arith.constant 1.000000e+00 : f32
        %parallel_loop3A_449 = vector.broadcast %parallel_loop3A_448 : f32 to vector<16xf32>
        tpu.vector_store_idx %arg6[%parallel_loop3A_447, %parallel_loop3A_444], %parallel_loop3A_449 {add = true} : memref<21x1024xf32, #tpu.memory_space<vmem>>[vector<16xi32>, vector<16xi32>], vector<16xf32>,
      } {sc.loop_unroll_factor = 1 : i64, sc.parallel_access}
      %scan3A_222 = arith.constant 0 : i32
      scf.yield %scan3A_222 : i32
    }
    %scan3A_65 = arith.constant 16 : i32
    %scan3A_66 = arith.constant 0.000000e+00 : f32
    %scan3A_67 = arith.constant 0 : i32
    %scan3A_68 = arith.constant 64 : i32
    %scan3A_69 = arith.addi %scan3A_67, %scan3A_68 : i32
    %scan3A_70 = arith.constant 1 : i32
    %scan3A_71 = scf.for %scan3A_185 = %scan3A_67 to %scan3A_69 step %scan3A_70 iter_args(%scan3A_186 = %scan3A_66) -> (f32)  : i32 {
      %mul3A_187 = arith.constant 16 : i32
      %mul3A_188 = arith.muli %scan3A_185, %mul3A_187 : i32
      %broadcast_in_dim3A_189 = arith.constant 0.000000e+00 : f32
      %broadcast_in_dim3A_190 = vector.broadcast %broadcast_in_dim3A_189 : f32 to vector<16xf32>
      %broadcast_in_dim3A_191 = arith.constant 0.000000e+00 : f32
      %broadcast_in_dim3A_192 = vector.broadcast %broadcast_in_dim3A_191 : f32 to vector<16xf32>
      %get3A = arith.constant 0 : i32
      %get3A_193 = arith.index_cast %get3A : i32 to index
      %get3A_194 = arith.index_cast %mul3A_188 : i32 to index
      %get3A_195 = tpu.vector_load %arg6[%get3A_193, %get3A_194] {strides = array<i32>} : memref<21x1024xf32, #tpu.memory_space<vmem>>, vector<16xf32>,
      %add3A_196 = arith.addf %broadcast_in_dim3A_190, %get3A_195 : vector<16xf32>
      %mul3A_197 = arith.constant 0.000000e+00 : f32
      %mul3A_198 = vector.broadcast %mul3A_197 : f32 to vector<16xf32>
      %mul3A_199 = arith.mulf %mul3A_198, %get3A_195 : vector<16xf32>
      %add3A_200 = arith.addf %broadcast_in_dim3A_192, %mul3A_199 : vector<16xf32>
      %get3A_201 = arith.constant 1 : i32
      %get3A_202 = arith.index_cast %get3A_201 : i32 to index
      %get3A_203 = arith.index_cast %mul3A_188 : i32 to index
      %get3A_204 = tpu.vector_load %arg6[%get3A_202, %get3A_203] {strides = array<i32>} : memref<21x1024xf32, #tpu.memory_space<vmem>>, vector<16xf32>,
      %add3A_205 = arith.addf %add3A_196, %get3A_204 : vector<16xf32>
      %mul3A_206 = arith.constant 1.000000e+00 : f32
      %mul3A_207 = vector.broadcast %mul3A_206 : f32 to vector<16xf32>
      %mul3A_208 = arith.mulf %mul3A_207, %get3A_204 : vector<16xf32>
      %add3A_209 = arith.addf %add3A_200, %mul3A_208 : vector<16xf32>
      %get3A_210 = arith.constant 2 : i32
      %get3A_211 = arith.index_cast %get3A_210 : i32 to index
      %get3A_212 = arith.index_cast %mul3A_188 : i32 to index
      %get3A_213 = tpu.vector_load %arg6[%get3A_211, %get3A_212] {strides = array<i32>} : memref<21x1024xf32, #tpu.memory_space<vmem>>, vector<16xf32>,
      %add3A_214 = arith.addf %add3A_205, %get3A_213 : vector<16xf32>
      %mul3A_215 = arith.constant 2.000000e+00 : f32
      %mul3A_216 = vector.broadcast %mul3A_215 : f32 to vector<16xf32>
      %mul3A_217 = arith.mulf %mul3A_216, %get3A_213 : vector<16xf32>
      %add3A_218 = arith.addf %add3A_209, %mul3A_217 : vector<16xf32>
      %get3A_219 = arith.constant 3 : i32
      %get3A_220 = arith.index_cast %get3A_219 : i32 to index
      %get3A_221 = arith.index_cast %mul3A_188 : i32 to index
      %get3A_222 = tpu.vector_load %arg6[%get3A_220, %get3A_221] {strides = array<i32>} : memref<21x1024xf32, #tpu.memory_space<vmem>>, vector<16xf32>,
      %add3A_223 = arith.addf %add3A_214, %get3A_222 : vector<16xf32>
      %mul3A_224 = arith.constant 3.000000e+00 : f32
      %mul3A_225 = vector.broadcast %mul3A_224 : f32 to vector<16xf32>
      %mul3A_226 = arith.mulf %mul3A_225, %get3A_222 : vector<16xf32>
      %add3A_227 = arith.addf %add3A_218, %mul3A_226 : vector<16xf32>
      %get3A_228 = arith.constant 4 : i32
      %get3A_229 = arith.index_cast %get3A_228 : i32 to index
      %get3A_230 = arith.index_cast %mul3A_188 : i32 to index
      %get3A_231 = tpu.vector_load %arg6[%get3A_229, %get3A_230] {strides = array<i32>} : memref<21x1024xf32, #tpu.memory_space<vmem>>, vector<16xf32>,
      %add3A_232 = arith.addf %add3A_223, %get3A_231 : vector<16xf32>
      %mul3A_233 = arith.constant 4.000000e+00 : f32
      %mul3A_234 = vector.broadcast %mul3A_233 : f32 to vector<16xf32>
      %mul3A_235 = arith.mulf %mul3A_234, %get3A_231 : vector<16xf32>
      %add3A_236 = arith.addf %add3A_227, %mul3A_235 : vector<16xf32>
      %get3A_237 = arith.constant 5 : i32
      %get3A_238 = arith.index_cast %get3A_237 : i32 to index
      %get3A_239 = arith.index_cast %mul3A_188 : i32 to index
      %get3A_240 = tpu.vector_load %arg6[%get3A_238, %get3A_239] {strides = array<i32>} : memref<21x1024xf32, #tpu.memory_space<vmem>>, vector<16xf32>,
      %add3A_241 = arith.addf %add3A_232, %get3A_240 : vector<16xf32>
      %mul3A_242 = arith.constant 5.000000e+00 : f32
      %mul3A_243 = vector.broadcast %mul3A_242 : f32 to vector<16xf32>
      %mul3A_244 = arith.mulf %mul3A_243, %get3A_240 : vector<16xf32>
      %add3A_245 = arith.addf %add3A_236, %mul3A_244 : vector<16xf32>
      %get3A_246 = arith.constant 6 : i32
      %get3A_247 = arith.index_cast %get3A_246 : i32 to index
      %get3A_248 = arith.index_cast %mul3A_188 : i32 to index
      %get3A_249 = tpu.vector_load %arg6[%get3A_247, %get3A_248] {strides = array<i32>} : memref<21x1024xf32, #tpu.memory_space<vmem>>, vector<16xf32>,
      %add3A_250 = arith.addf %add3A_241, %get3A_249 : vector<16xf32>
      %mul3A_251 = arith.constant 6.000000e+00 : f32
      %mul3A_252 = vector.broadcast %mul3A_251 : f32 to vector<16xf32>
      %mul3A_253 = arith.mulf %mul3A_252, %get3A_249 : vector<16xf32>
      %add3A_254 = arith.addf %add3A_245, %mul3A_253 : vector<16xf32>
      %get3A_255 = arith.constant 7 : i32
      %get3A_256 = arith.index_cast %get3A_255 : i32 to index
      %get3A_257 = arith.index_cast %mul3A_188 : i32 to index
      %get3A_258 = tpu.vector_load %arg6[%get3A_256, %get3A_257] {strides = array<i32>} : memref<21x1024xf32, #tpu.memory_space<vmem>>, vector<16xf32>,
      %add3A_259 = arith.addf %add3A_250, %get3A_258 : vector<16xf32>
      %mul3A_260 = arith.constant 7.000000e+00 : f32
      %mul3A_261 = vector.broadcast %mul3A_260 : f32 to vector<16xf32>
      %mul3A_262 = arith.mulf %mul3A_261, %get3A_258 : vector<16xf32>
      %add3A_263 = arith.addf %add3A_254, %mul3A_262 : vector<16xf32>
      %get3A_264 = arith.constant 8 : i32
      %get3A_265 = arith.index_cast %get3A_264 : i32 to index
      %get3A_266 = arith.index_cast %mul3A_188 : i32 to index
      %get3A_267 = tpu.vector_load %arg6[%get3A_265, %get3A_266] {strides = array<i32>} : memref<21x1024xf32, #tpu.memory_space<vmem>>, vector<16xf32>,
      %add3A_268 = arith.addf %add3A_259, %get3A_267 : vector<16xf32>
      %mul3A_269 = arith.constant 8.000000e+00 : f32
      %mul3A_270 = vector.broadcast %mul3A_269 : f32 to vector<16xf32>
      %mul3A_271 = arith.mulf %mul3A_270, %get3A_267 : vector<16xf32>
      %add3A_272 = arith.addf %add3A_263, %mul3A_271 : vector<16xf32>
      %get3A_273 = arith.constant 9 : i32
      %get3A_274 = arith.index_cast %get3A_273 : i32 to index
      %get3A_275 = arith.index_cast %mul3A_188 : i32 to index
      %get3A_276 = tpu.vector_load %arg6[%get3A_274, %get3A_275] {strides = array<i32>} : memref<21x1024xf32, #tpu.memory_space<vmem>>, vector<16xf32>,
      %add3A_277 = arith.addf %add3A_268, %get3A_276 : vector<16xf32>
      %mul3A_278 = arith.constant 9.000000e+00 : f32
      %mul3A_279 = vector.broadcast %mul3A_278 : f32 to vector<16xf32>
      %mul3A_280 = arith.mulf %mul3A_279, %get3A_276 : vector<16xf32>
      %add3A_281 = arith.addf %add3A_272, %mul3A_280 : vector<16xf32>
      %get3A_282 = arith.constant 10 : i32
      %get3A_283 = arith.index_cast %get3A_282 : i32 to index
      %get3A_284 = arith.index_cast %mul3A_188 : i32 to index
      %get3A_285 = tpu.vector_load %arg6[%get3A_283, %get3A_284] {strides = array<i32>} : memref<21x1024xf32, #tpu.memory_space<vmem>>, vector<16xf32>,
      %add3A_286 = arith.addf %add3A_277, %get3A_285 : vector<16xf32>
      %mul3A_287 = arith.constant 1.000000e+01 : f32
      %mul3A_288 = vector.broadcast %mul3A_287 : f32 to vector<16xf32>
      %mul3A_289 = arith.mulf %mul3A_288, %get3A_285 : vector<16xf32>
      %add3A_290 = arith.addf %add3A_281, %mul3A_289 : vector<16xf32>
      %get3A_291 = arith.constant 11 : i32
      %get3A_292 = arith.index_cast %get3A_291 : i32 to index
      %get3A_293 = arith.index_cast %mul3A_188 : i32 to index
      %get3A_294 = tpu.vector_load %arg6[%get3A_292, %get3A_293] {strides = array<i32>} : memref<21x1024xf32, #tpu.memory_space<vmem>>, vector<16xf32>,
      %add3A_295 = arith.addf %add3A_286, %get3A_294 : vector<16xf32>
      %mul3A_296 = arith.constant 1.100000e+01 : f32
      %mul3A_297 = vector.broadcast %mul3A_296 : f32 to vector<16xf32>
      %mul3A_298 = arith.mulf %mul3A_297, %get3A_294 : vector<16xf32>
      %add3A_299 = arith.addf %add3A_290, %mul3A_298 : vector<16xf32>
      %get3A_300 = arith.constant 12 : i32
      %get3A_301 = arith.index_cast %get3A_300 : i32 to index
      %get3A_302 = arith.index_cast %mul3A_188 : i32 to index
      %get3A_303 = tpu.vector_load %arg6[%get3A_301, %get3A_302] {strides = array<i32>} : memref<21x1024xf32, #tpu.memory_space<vmem>>, vector<16xf32>,
      %add3A_304 = arith.addf %add3A_295, %get3A_303 : vector<16xf32>
      %mul3A_305 = arith.constant 1.200000e+01 : f32
      %mul3A_306 = vector.broadcast %mul3A_305 : f32 to vector<16xf32>
      %mul3A_307 = arith.mulf %mul3A_306, %get3A_303 : vector<16xf32>
      %add3A_308 = arith.addf %add3A_299, %mul3A_307 : vector<16xf32>
      %get3A_309 = arith.constant 13 : i32
      %get3A_310 = arith.index_cast %get3A_309 : i32 to index
      %get3A_311 = arith.index_cast %mul3A_188 : i32 to index
      %get3A_312 = tpu.vector_load %arg6[%get3A_310, %get3A_311] {strides = array<i32>} : memref<21x1024xf32, #tpu.memory_space<vmem>>, vector<16xf32>,
      %add3A_313 = arith.addf %add3A_304, %get3A_312 : vector<16xf32>
      %mul3A_314 = arith.constant 1.300000e+01 : f32
      %mul3A_315 = vector.broadcast %mul3A_314 : f32 to vector<16xf32>
      %mul3A_316 = arith.mulf %mul3A_315, %get3A_312 : vector<16xf32>
      %add3A_317 = arith.addf %add3A_308, %mul3A_316 : vector<16xf32>
      %get3A_318 = arith.constant 14 : i32
      %get3A_319 = arith.index_cast %get3A_318 : i32 to index
      %get3A_320 = arith.index_cast %mul3A_188 : i32 to index
      %get3A_321 = tpu.vector_load %arg6[%get3A_319, %get3A_320] {strides = array<i32>} : memref<21x1024xf32, #tpu.memory_space<vmem>>, vector<16xf32>,
      %add3A_322 = arith.addf %add3A_313, %get3A_321 : vector<16xf32>
      %mul3A_323 = arith.constant 1.400000e+01 : f32
      %mul3A_324 = vector.broadcast %mul3A_323 : f32 to vector<16xf32>
      %mul3A_325 = arith.mulf %mul3A_324, %get3A_321 : vector<16xf32>
      %add3A_326 = arith.addf %add3A_317, %mul3A_325 : vector<16xf32>
      %get3A_327 = arith.constant 15 : i32
      %get3A_328 = arith.index_cast %get3A_327 : i32 to index
      %get3A_329 = arith.index_cast %mul3A_188 : i32 to index
      %get3A_330 = tpu.vector_load %arg6[%get3A_328, %get3A_329] {strides = array<i32>} : memref<21x1024xf32, #tpu.memory_space<vmem>>, vector<16xf32>,
      %add3A_331 = arith.addf %add3A_322, %get3A_330 : vector<16xf32>
      %mul3A_332 = arith.constant 1.500000e+01 : f32
      %mul3A_333 = vector.broadcast %mul3A_332 : f32 to vector<16xf32>
      %mul3A_334 = arith.mulf %mul3A_333, %get3A_330 : vector<16xf32>
      %add3A_335 = arith.addf %add3A_326, %mul3A_334 : vector<16xf32>
      %get3A_336 = arith.constant 16 : i32
      %get3A_337 = arith.index_cast %get3A_336 : i32 to index
      %get3A_338 = arith.index_cast %mul3A_188 : i32 to index
      %get3A_339 = tpu.vector_load %arg6[%get3A_337, %get3A_338] {strides = array<i32>} : memref<21x1024xf32, #tpu.memory_space<vmem>>, vector<16xf32>,
      %add3A_340 = arith.addf %add3A_331, %get3A_339 : vector<16xf32>
      %mul3A_341 = arith.constant 1.600000e+01 : f32
      %mul3A_342 = vector.broadcast %mul3A_341 : f32 to vector<16xf32>
      %mul3A_343 = arith.mulf %mul3A_342, %get3A_339 : vector<16xf32>
      %add3A_344 = arith.addf %add3A_335, %mul3A_343 : vector<16xf32>
      %get3A_345 = arith.constant 17 : i32
      %get3A_346 = arith.index_cast %get3A_345 : i32 to index
      %get3A_347 = arith.index_cast %mul3A_188 : i32 to index
      %get3A_348 = tpu.vector_load %arg6[%get3A_346, %get3A_347] {strides = array<i32>} : memref<21x1024xf32, #tpu.memory_space<vmem>>, vector<16xf32>,
      %add3A_349 = arith.addf %add3A_340, %get3A_348 : vector<16xf32>
      %mul3A_350 = arith.constant 1.700000e+01 : f32
      %mul3A_351 = vector.broadcast %mul3A_350 : f32 to vector<16xf32>
      %mul3A_352 = arith.mulf %mul3A_351, %get3A_348 : vector<16xf32>
      %add3A_353 = arith.addf %add3A_344, %mul3A_352 : vector<16xf32>
      %get3A_354 = arith.constant 18 : i32
      %get3A_355 = arith.index_cast %get3A_354 : i32 to index
      %get3A_356 = arith.index_cast %mul3A_188 : i32 to index
      %get3A_357 = tpu.vector_load %arg6[%get3A_355, %get3A_356] {strides = array<i32>} : memref<21x1024xf32, #tpu.memory_space<vmem>>, vector<16xf32>,
      %add3A_358 = arith.addf %add3A_349, %get3A_357 : vector<16xf32>
      %mul3A_359 = arith.constant 1.800000e+01 : f32
      %mul3A_360 = vector.broadcast %mul3A_359 : f32 to vector<16xf32>
      %mul3A_361 = arith.mulf %mul3A_360, %get3A_357 : vector<16xf32>
      %add3A_362 = arith.addf %add3A_353, %mul3A_361 : vector<16xf32>
      %get3A_363 = arith.constant 19 : i32
      %get3A_364 = arith.index_cast %get3A_363 : i32 to index
      %get3A_365 = arith.index_cast %mul3A_188 : i32 to index
      %get3A_366 = tpu.vector_load %arg6[%get3A_364, %get3A_365] {strides = array<i32>} : memref<21x1024xf32, #tpu.memory_space<vmem>>, vector<16xf32>,
      %add3A_367 = arith.addf %add3A_358, %get3A_366 : vector<16xf32>
      %mul3A_368 = arith.constant 1.900000e+01 : f32
      %mul3A_369 = vector.broadcast %mul3A_368 : f32 to vector<16xf32>
      %mul3A_370 = arith.mulf %mul3A_369, %get3A_366 : vector<16xf32>
      %add3A_371 = arith.addf %add3A_362, %mul3A_370 : vector<16xf32>
      %get3A_372 = arith.constant 20 : i32
      %get3A_373 = arith.index_cast %get3A_372 : i32 to index
      %get3A_374 = arith.index_cast %mul3A_188 : i32 to index
      %get3A_375 = tpu.vector_load %arg6[%get3A_373, %get3A_374] {strides = array<i32>} : memref<21x1024xf32, #tpu.memory_space<vmem>>, vector<16xf32>,
      %add3A_376 = arith.addf %add3A_367, %get3A_375 : vector<16xf32>
      %mul3A_377 = arith.constant 2.000000e+01 : f32
      %mul3A_378 = vector.broadcast %mul3A_377 : f32 to vector<16xf32>
      %mul3A_379 = arith.mulf %mul3A_378, %get3A_375 : vector<16xf32>
      %add3A_380 = arith.addf %add3A_371, %mul3A_379 : vector<16xf32>
      %swap3A_381 = arith.index_cast %mul3A_188 : i32 to index
      %swap3A_382 = tpu.vector_load %arg7[%swap3A_381] {strides = array<i32>} : memref<1024xf32, #tpu.memory_space<vmem>>, vector<16xf32>,
      tpu.vector_store %arg7[%swap3A_381], %add3A_376 {strides = array<i32>} : memref<1024xf32, #tpu.memory_space<vmem>>, vector<16xf32>,
      %swap3A_383 = arith.index_cast %mul3A_188 : i32 to index
      %swap3A_384 = tpu.vector_load %arg8[%swap3A_383] {strides = array<i32>} : memref<1024xf32, #tpu.memory_space<vmem>>, vector<16xf32>,
      tpu.vector_store %arg8[%swap3A_383], %add3A_380 {strides = array<i32>} : memref<1024xf32, #tpu.memory_space<vmem>>, vector<16xf32>,
      %reduce_sum3A = arith.constant true
      %reduce_sum3A_385 = vector.broadcast %reduce_sum3A : i1 to vector<16xi1>
      %reduce_sum3A_386 = tpu.scan <sum>, %add3A_380 masked %reduce_sum3A_385 : vector<16xf32>, vector<16xi1> -> vector<16xf32>
      %reduce_sum3A_387 = vector.extract %reduce_sum3A_386[15] : f32 from vector<16xf32>
      %add3A_388 = arith.addf %scan3A_186, %reduce_sum3A_387 : f32
      scf.yield %add3A_388 : f32
    }
    %scan3A_72 = arith.constant 64 : i32
    %scan3A_73 = arith.constant 0.000000e+00 : f32
    %scan3A_74 = arith.constant 0.000000e+00 : f32
    %scan3A_75 = arith.constant 0.000000e+00 : f32
    %scan3A_76 = arith.constant 0 : i32
    %scan3A_77 = arith.constant 64 : i32
    %scan3A_78 = arith.addi %scan3A_76, %scan3A_77 : i32
    %scan3A_79 = arith.constant 1 : i32
    %scan3A_80:3 = scf.for %scan3A_185 = %scan3A_76 to %scan3A_78 step %scan3A_79 iter_args(%scan3A_186 = %scan3A_73, %scan3A_187 = %scan3A_74, %scan3A_188 = %scan3A_75) -> (f32, f32, f32)  : i32 {
      %mul3A_189 = arith.constant 16 : i32
      %mul3A_190 = arith.muli %scan3A_185, %mul3A_189 : i32
      %get3A = arith.index_cast %mul3A_190 : i32 to index
      %get3A_191 = tpu.vector_load %arg7[%get3A] {strides = array<i32>} : memref<1024xf32, #tpu.memory_space<vmem>>, vector<16xf32>,
      %get3A_192 = arith.index_cast %mul3A_190 : i32 to index
      %get3A_193 = tpu.vector_load %arg8[%get3A_192] {strides = array<i32>} : memref<1024xf32, #tpu.memory_space<vmem>>, vector<16xf32>,
      %get3A_194 = arith.index_cast %mul3A_190 : i32 to index
      %get3A_195 = tpu.vector_load %arg9[%get3A_194] {strides = array<i32>} : memref<1024xf32, #tpu.memory_space<vmem>>, vector<16xf32>,
      %broadcast_in_dim3A_196 = arith.constant true
      %broadcast_in_dim3A_197 = vector.broadcast %broadcast_in_dim3A_196 : i1 to vector<16xi1>
      %masked_cumsum3A = tpu.scan <sum>, %get3A_191 masked %broadcast_in_dim3A_197 : vector<16xf32>, vector<16xi1> -> vector<16xf32>
      %add3A_198 = vector.broadcast %scan3A_186 : f32 to vector<16xf32>
      %add3A_199 = arith.addf %masked_cumsum3A, %add3A_198 : vector<16xf32>
      %broadcast_in_dim3A_200 = arith.constant true
      %broadcast_in_dim3A_201 = vector.broadcast %broadcast_in_dim3A_200 : i1 to vector<16xi1>
      %masked_cumsum3A_202 = tpu.scan <sum>, %get3A_193 masked %broadcast_in_dim3A_201 : vector<16xf32>, vector<16xi1> -> vector<16xf32>
      %add3A_203 = vector.broadcast %scan3A_187 : f32 to vector<16xf32>
      %add3A_204 = arith.addf %masked_cumsum3A_202, %add3A_203 : vector<16xf32>
      %sub3A_205 = vector.broadcast %scan3A_71 : f32 to vector<16xf32>
      %sub3A_206 = arith.subf %sub3A_205, %add3A_204 : vector<16xf32>
      %add3A_207 = vector.broadcast %scan3A_71 : f32 to vector<16xf32>
      %add3A_208 = arith.addf %add3A_207, %add3A_199 : vector<16xf32>
      %sub3A_209 = arith.subf %add3A_208, %add3A_204 : vector<16xf32>
      %div3A_210 = arith.divf %sub3A_206, %sub3A_209 : vector<16xf32>
      %sub3A_211 = arith.constant 1.000000e+00 : f32
      %sub3A_212 = vector.broadcast %sub3A_211 : f32 to vector<16xf32>
      %sub3A_213 = arith.subf %sub3A_212, %div3A_210 : vector<16xf32>
      %sub3A_214 = arith.subf %add3A_199, %get3A_191 : vector<16xf32>
      %sub3A_215 = arith.subf %add3A_204, %get3A_193 : vector<16xf32>
      %sub3A_216 = vector.broadcast %scan3A_71 : f32 to vector<16xf32>
      %sub3A_217 = arith.subf %sub3A_216, %sub3A_215 : vector<16xf32>
      %add3A_218 = vector.broadcast %scan3A_71 : f32 to vector<16xf32>
      %add3A_219 = arith.addf %add3A_218, %sub3A_214 : vector<16xf32>
      %sub3A_220 = arith.subf %add3A_219, %sub3A_215 : vector<16xf32>
      %div3A_221 = arith.divf %sub3A_217, %sub3A_220 : vector<16xf32>
      %sub3A_222 = arith.constant 1.000000e+00 : f32
      %sub3A_223 = vector.broadcast %sub3A_222 : f32 to vector<16xf32>
      %sub3A_224 = arith.subf %sub3A_223, %div3A_221 : vector<16xf32>
      %gt3A = arith.constant 0.000000e+00 : f32
      %gt3A_225 = vector.broadcast %gt3A : f32 to vector<16xf32>
      %gt3A_226 = arith.cmpf ogt, %get3A_191, %gt3A_225 : vector<16xf32>
      %sub3A_227 = arith.subf %sub3A_213, %sub3A_224 : vector<16xf32>
      %mul3A_228 = arith.mulf %get3A_195, %sub3A_227 : vector<16xf32>
      %jit3A_229 = arith.constant 0.000000e+00 : f32
      %broadcast_in_dim3A_230 = vector.broadcast %jit3A_229 : f32 to vector<16xf32>
      %select_n3A_231 = arith.select %gt3A_226, %mul3A_228, %broadcast_in_dim3A_230 : vector<16xi1>, vector<16xf32>
      %reduce_sum3A = arith.constant true
      %reduce_sum3A_232 = vector.broadcast %reduce_sum3A : i1 to vector<16xi1>
      %reduce_sum3A_233 = tpu.scan <sum>, %get3A_191 masked %reduce_sum3A_232 : vector<16xf32>, vector<16xi1> -> vector<16xf32>
      %reduce_sum3A_234 = vector.extract %reduce_sum3A_233[15] : f32 from vector<16xf32>
      %add3A_235 = arith.addf %scan3A_186, %reduce_sum3A_234 : f32
      %reduce_sum3A_236 = arith.constant true
      %reduce_sum3A_237 = vector.broadcast %reduce_sum3A_236 : i1 to vector<16xi1>
      %reduce_sum3A_238 = tpu.scan <sum>, %get3A_193 masked %reduce_sum3A_237 : vector<16xf32>, vector<16xi1> -> vector<16xf32>
      %reduce_sum3A_239 = vector.extract %reduce_sum3A_238[15] : f32 from vector<16xf32>
      %add3A_240 = arith.addf %scan3A_187, %reduce_sum3A_239 : f32
      %reduce_sum3A_241 = arith.constant true
      %reduce_sum3A_242 = vector.broadcast %reduce_sum3A_241 : i1 to vector<16xi1>
      %reduce_sum3A_243 = tpu.scan <sum>, %select_n3A_231 masked %reduce_sum3A_242 : vector<16xf32>, vector<16xi1> -> vector<16xf32>
      %reduce_sum3A_244 = vector.extract %reduce_sum3A_243[15] : f32 from vector<16xf32>
      %add3A_245 = arith.addf %scan3A_188, %reduce_sum3A_244 : f32
      scf.yield %add3A_235, %add3A_240, %add3A_245 : f32, f32, f32
    }
    %scan3A_81 = arith.constant 64 : i32
    %broadcast_in_dim3A = vector.broadcast %scan3A_80#2 : f32 to vector<16xf32>
    %swap3A = arith.constant 0 : index
    %swap3A_82 = tpu.vector_load %arg12[%swap3A] {strides = array<i32>} : memref<16xf32, #tpu.memory_space<vmem>>, vector<16xf32>,
    tpu.vector_store %arg12[%swap3A], %broadcast_in_dim3A {strides = array<i32>} : memref<16xf32, #tpu.memory_space<vmem>>, vector<16xf32>,
    "tpu.region"() ({
      %run_scoped3A = tpu.sem_alloc : memref<!tpu.dma_semaphore, #tpu.memory_space<semaphore_mem>>
      %dma_start3A_185 = arith.constant 0 : i32
      %dma_start3A_186 = tpu.memref_slice %arg5[%add3A_2, %dma_start3A_185] : memref<84x16xf32, #tpu.memory_space<hbm>> -> memref<1x16xf32, #tpu.memory_space<hbm>>
      %dma_start3A_187 = tpu.memref_squeeze %dma_start3A_186 : memref<1x16xf32, #tpu.memory_space<hbm>> -> memref<16xf32, #tpu.memory_space<hbm>>
      %dma_start3A_188 = arith.constant 0 : i32
      %dma_start3A_189 = tpu.memref_slice %arg5[%add3A_2, %dma_start3A_188] : memref<84x16xf32, #tpu.memory_space<hbm>> -> memref<1x16xf32, #tpu.memory_space<hbm>>
      %dma_start3A_190 = tpu.memref_squeeze %dma_start3A_189 : memref<1x16xf32, #tpu.memory_space<hbm>> -> memref<16xf32, #tpu.memory_space<hbm>>
      tpu.enqueue_dma source(%arg12 : memref<16xf32, #tpu.memory_space<vmem>>) target(%dma_start3A_190 : memref<16xf32, #tpu.memory_space<hbm>>) target_semaphore(%run_scoped3A : memref<!tpu.dma_semaphore, #tpu.memory_space<semaphore_mem>>)
      %dma_wait3A = arith.constant 0 : i32
      %dma_wait3A_191 = tpu.memref_slice %arg5[%add3A_2, %dma_wait3A] : memref<84x16xf32, #tpu.memory_space<hbm>> -> memref<1x16xf32, #tpu.memory_space<hbm>>
      %dma_wait3A_192 = tpu.memref_squeeze %dma_wait3A_191 : memref<1x16xf32, #tpu.memory_space<hbm>> -> memref<16xf32, #tpu.memory_space<hbm>>
      %dma_wait3A_193 = arith.constant 0 : i32
      %dma_wait3A_194 = tpu.memref_slice %arg5[%add3A_2, %dma_wait3A_193] : memref<84x16xf32, #tpu.memory_space<hbm>> -> memref<1x16xf32, #tpu.memory_space<hbm>>
      %dma_wait3A_195 = tpu.memref_squeeze %dma_wait3A_194 : memref<1x16xf32, #tpu.memory_space<hbm>> -> memref<16xf32, #tpu.memory_space<hbm>>
      tpu.wait_dma2 semaphore(%run_scoped3A : memref<!tpu.dma_semaphore, #tpu.memory_space<semaphore_mem>>) src(%arg12 : memref<16xf32, #tpu.memory_space<vmem>>) dst(%dma_wait3A_195 : memref<16xf32, #tpu.memory_space<hbm>>)
      tpu.yield
    }) : () -> ()
    %add3A_83 = arith.constant 32 : i32
    %add3A_84 = arith.addi %add3A, %add3A_83 : i32
    %jit3A_85 = arith.constant 21 : i32
    %div3A_86 = arith.divsi %add3A_84, %jit3A_85 : i32
    %sign3A_87 = arith.constant 0 : i32
    %sign3A_88 = arith.cmpi sgt, %add3A_84, %sign3A_87 : i32
    %sign3A_89 = arith.extui %sign3A_88 : i1 to i32
    %sign3A_90 = arith.constant 0 : i32
    %sign3A_91 = arith.cmpi slt, %add3A_84, %sign3A_90 : i32
    %sign3A_92 = arith.extui %sign3A_91 : i1 to i32
    %sign3A_93 = arith.subi %sign3A_89, %sign3A_92 : i32
    %sign3A_94 = arith.constant 0 : i32
    %sign3A_95 = arith.cmpi sgt, %jit3A_85, %sign3A_94 : i32
    %sign3A_96 = arith.extui %sign3A_95 : i1 to i32
    %sign3A_97 = arith.constant 0 : i32
    %sign3A_98 = arith.cmpi slt, %jit3A_85, %sign3A_97 : i32
    %sign3A_99 = arith.extui %sign3A_98 : i1 to i32
    %sign3A_100 = arith.subi %sign3A_96, %sign3A_99 : i32
    %ne3A_101 = arith.cmpi ne, %sign3A_93, %sign3A_100 : i32
    %rem3A_102 = arith.remsi %add3A_84, %jit3A_85 : i32
    %ne3A_103 = arith.constant 0 : i32
    %ne3A_104 = arith.cmpi ne, %rem3A_102, %ne3A_103 : i32
    %and3A_105 = arith.andi %ne3A_101, %ne3A_104 : i1
    %sub3A_106 = arith.constant 1 : i32
    %sub3A_107 = arith.subi %div3A_86, %sub3A_106 : i32
    %select_n3A_108 = arith.select %and3A_105, %sub3A_107, %div3A_86 : i32
    %jit3A_109 = arith.constant 21 : i32
    %eq3A_110 = arith.constant 0 : i32
    %eq3A_111 = arith.cmpi eq, %jit3A_109, %eq3A_110 : i32
    %jit3A_112 = arith.constant 1 : i32
    %select_n3A_113 = arith.select %eq3A_111, %jit3A_112, %jit3A_109 : i32
    %rem3A_114 = arith.remsi %add3A_84, %select_n3A_113 : i32
    %ne3A_115 = arith.constant 0 : i32
    %ne3A_116 = arith.cmpi ne, %rem3A_114, %ne3A_115 : i32
    %lt3A_117 = arith.constant 0 : i32
    %lt3A_118 = arith.cmpi slt, %rem3A_114, %lt3A_117 : i32
    %lt3A_119 = arith.constant 0 : i32
    %lt3A_120 = arith.cmpi slt, %select_n3A_113, %lt3A_119 : i32
    %ne3A_121 = arith.xori %lt3A_118, %lt3A_120 : i1
    %and3A_122 = arith.andi %ne3A_121, %ne3A_116 : i1
    %add3A_123 = arith.addi %rem3A_114, %select_n3A_113 : i32
    %select_n3A_124 = arith.select %and3A_122, %add3A_123, %rem3A_114 : i32
    %parallel_loop3A_125 = arith.constant 0 : i32
    %parallel_loop3A_126 = arith.constant 64 : i32
    %parallel_loop3A_127 = arith.constant 1 : i32
    scf.for %parallel_loop3A_185 = %parallel_loop3A_125 to %parallel_loop3A_126 step %parallel_loop3A_127  : i32 {
      %parallel_loop3A_186 = arith.constant 0.000000e+00 : f32
      %parallel_loop3A_187 = vector.broadcast %parallel_loop3A_186 : f32 to vector<16xf32>
      %parallel_loop3A_188 = arith.constant 16 : i32
      %parallel_loop3A_189 = arith.muli %parallel_loop3A_185, %parallel_loop3A_188 : i32
      %parallel_loop3A_190 = arith.constant 0 : i32
      %parallel_loop3A_191 = arith.index_cast %parallel_loop3A_190 : i32 to index
      %parallel_loop3A_192 = arith.index_cast %parallel_loop3A_189 : i32 to index
      %parallel_loop3A_193 = tpu.vector_load %arg6[%parallel_loop3A_191, %parallel_loop3A_192] {strides = array<i32>} : memref<21x1024xf32, #tpu.memory_space<vmem>>, vector<16xf32>,
      tpu.vector_store %arg6[%parallel_loop3A_191, %parallel_loop3A_192], %parallel_loop3A_187 {strides = array<i32>} : memref<21x1024xf32, #tpu.memory_space<vmem>>, vector<16xf32>,
      %parallel_loop3A_194 = arith.constant 1 : i32
      %parallel_loop3A_195 = arith.index_cast %parallel_loop3A_194 : i32 to index
      %parallel_loop3A_196 = arith.index_cast %parallel_loop3A_189 : i32 to index
      %parallel_loop3A_197 = tpu.vector_load %arg6[%parallel_loop3A_195, %parallel_loop3A_196] {strides = array<i32>} : memref<21x1024xf32, #tpu.memory_space<vmem>>, vector<16xf32>,
      tpu.vector_store %arg6[%parallel_loop3A_195, %parallel_loop3A_196], %parallel_loop3A_187 {strides = array<i32>} : memref<21x1024xf32, #tpu.memory_space<vmem>>, vector<16xf32>,
      %parallel_loop3A_198 = arith.constant 2 : i32
      %parallel_loop3A_199 = arith.index_cast %parallel_loop3A_198 : i32 to index
      %parallel_loop3A_200 = arith.index_cast %parallel_loop3A_189 : i32 to index
      %parallel_loop3A_201 = tpu.vector_load %arg6[%parallel_loop3A_199, %parallel_loop3A_200] {strides = array<i32>} : memref<21x1024xf32, #tpu.memory_space<vmem>>, vector<16xf32>,
      tpu.vector_store %arg6[%parallel_loop3A_199, %parallel_loop3A_200], %parallel_loop3A_187 {strides = array<i32>} : memref<21x1024xf32, #tpu.memory_space<vmem>>, vector<16xf32>,
      %parallel_loop3A_202 = arith.constant 3 : i32
      %parallel_loop3A_203 = arith.index_cast %parallel_loop3A_202 : i32 to index
      %parallel_loop3A_204 = arith.index_cast %parallel_loop3A_189 : i32 to index
      %parallel_loop3A_205 = tpu.vector_load %arg6[%parallel_loop3A_203, %parallel_loop3A_204] {strides = array<i32>} : memref<21x1024xf32, #tpu.memory_space<vmem>>, vector<16xf32>,
      tpu.vector_store %arg6[%parallel_loop3A_203, %parallel_loop3A_204], %parallel_loop3A_187 {strides = array<i32>} : memref<21x1024xf32, #tpu.memory_space<vmem>>, vector<16xf32>,
      %parallel_loop3A_206 = arith.constant 4 : i32
      %parallel_loop3A_207 = arith.index_cast %parallel_loop3A_206 : i32 to index
      %parallel_loop3A_208 = arith.index_cast %parallel_loop3A_189 : i32 to index
      %parallel_loop3A_209 = tpu.vector_load %arg6[%parallel_loop3A_207, %parallel_loop3A_208] {strides = array<i32>} : memref<21x1024xf32, #tpu.memory_space<vmem>>, vector<16xf32>,
      tpu.vector_store %arg6[%parallel_loop3A_207, %parallel_loop3A_208], %parallel_loop3A_187 {strides = array<i32>} : memref<21x1024xf32, #tpu.memory_space<vmem>>, vector<16xf32>,
      %parallel_loop3A_210 = arith.constant 5 : i32
      %parallel_loop3A_211 = arith.index_cast %parallel_loop3A_210 : i32 to index
      %parallel_loop3A_212 = arith.index_cast %parallel_loop3A_189 : i32 to index
      %parallel_loop3A_213 = tpu.vector_load %arg6[%parallel_loop3A_211, %parallel_loop3A_212] {strides = array<i32>} : memref<21x1024xf32, #tpu.memory_space<vmem>>, vector<16xf32>,
      tpu.vector_store %arg6[%parallel_loop3A_211, %parallel_loop3A_212], %parallel_loop3A_187 {strides = array<i32>} : memref<21x1024xf32, #tpu.memory_space<vmem>>, vector<16xf32>,
      %parallel_loop3A_214 = arith.constant 6 : i32
      %parallel_loop3A_215 = arith.index_cast %parallel_loop3A_214 : i32 to index
      %parallel_loop3A_216 = arith.index_cast %parallel_loop3A_189 : i32 to index
      %parallel_loop3A_217 = tpu.vector_load %arg6[%parallel_loop3A_215, %parallel_loop3A_216] {strides = array<i32>} : memref<21x1024xf32, #tpu.memory_space<vmem>>, vector<16xf32>,
      tpu.vector_store %arg6[%parallel_loop3A_215, %parallel_loop3A_216], %parallel_loop3A_187 {strides = array<i32>} : memref<21x1024xf32, #tpu.memory_space<vmem>>, vector<16xf32>,
      %parallel_loop3A_218 = arith.constant 7 : i32
      %parallel_loop3A_219 = arith.index_cast %parallel_loop3A_218 : i32 to index
      %parallel_loop3A_220 = arith.index_cast %parallel_loop3A_189 : i32 to index
      %parallel_loop3A_221 = tpu.vector_load %arg6[%parallel_loop3A_219, %parallel_loop3A_220] {strides = array<i32>} : memref<21x1024xf32, #tpu.memory_space<vmem>>, vector<16xf32>,
      tpu.vector_store %arg6[%parallel_loop3A_219, %parallel_loop3A_220], %parallel_loop3A_187 {strides = array<i32>} : memref<21x1024xf32, #tpu.memory_space<vmem>>, vector<16xf32>,
      %parallel_loop3A_222 = arith.constant 8 : i32
      %parallel_loop3A_223 = arith.index_cast %parallel_loop3A_222 : i32 to index
      %parallel_loop3A_224 = arith.index_cast %parallel_loop3A_189 : i32 to index
      %parallel_loop3A_225 = tpu.vector_load %arg6[%parallel_loop3A_223, %parallel_loop3A_224] {strides = array<i32>} : memref<21x1024xf32, #tpu.memory_space<vmem>>, vector<16xf32>,
      tpu.vector_store %arg6[%parallel_loop3A_223, %parallel_loop3A_224], %parallel_loop3A_187 {strides = array<i32>} : memref<21x1024xf32, #tpu.memory_space<vmem>>, vector<16xf32>,
      %parallel_loop3A_226 = arith.constant 9 : i32
      %parallel_loop3A_227 = arith.index_cast %parallel_loop3A_226 : i32 to index
      %parallel_loop3A_228 = arith.index_cast %parallel_loop3A_189 : i32 to index
      %parallel_loop3A_229 = tpu.vector_load %arg6[%parallel_loop3A_227, %parallel_loop3A_228] {strides = array<i32>} : memref<21x1024xf32, #tpu.memory_space<vmem>>, vector<16xf32>,
      tpu.vector_store %arg6[%parallel_loop3A_227, %parallel_loop3A_228], %parallel_loop3A_187 {strides = array<i32>} : memref<21x1024xf32, #tpu.memory_space<vmem>>, vector<16xf32>,
      %parallel_loop3A_230 = arith.constant 10 : i32
      %parallel_loop3A_231 = arith.index_cast %parallel_loop3A_230 : i32 to index
      %parallel_loop3A_232 = arith.index_cast %parallel_loop3A_189 : i32 to index
      %parallel_loop3A_233 = tpu.vector_load %arg6[%parallel_loop3A_231, %parallel_loop3A_232] {strides = array<i32>} : memref<21x1024xf32, #tpu.memory_space<vmem>>, vector<16xf32>,
      tpu.vector_store %arg6[%parallel_loop3A_231, %parallel_loop3A_232], %parallel_loop3A_187 {strides = array<i32>} : memref<21x1024xf32, #tpu.memory_space<vmem>>, vector<16xf32>,
      %parallel_loop3A_234 = arith.constant 11 : i32
      %parallel_loop3A_235 = arith.index_cast %parallel_loop3A_234 : i32 to index
      %parallel_loop3A_236 = arith.index_cast %parallel_loop3A_189 : i32 to index
      %parallel_loop3A_237 = tpu.vector_load %arg6[%parallel_loop3A_235, %parallel_loop3A_236] {strides = array<i32>} : memref<21x1024xf32, #tpu.memory_space<vmem>>, vector<16xf32>,
      tpu.vector_store %arg6[%parallel_loop3A_235, %parallel_loop3A_236], %parallel_loop3A_187 {strides = array<i32>} : memref<21x1024xf32, #tpu.memory_space<vmem>>, vector<16xf32>,
      %parallel_loop3A_238 = arith.constant 12 : i32
      %parallel_loop3A_239 = arith.index_cast %parallel_loop3A_238 : i32 to index
      %parallel_loop3A_240 = arith.index_cast %parallel_loop3A_189 : i32 to index
      %parallel_loop3A_241 = tpu.vector_load %arg6[%parallel_loop3A_239, %parallel_loop3A_240] {strides = array<i32>} : memref<21x1024xf32, #tpu.memory_space<vmem>>, vector<16xf32>,
      tpu.vector_store %arg6[%parallel_loop3A_239, %parallel_loop3A_240], %parallel_loop3A_187 {strides = array<i32>} : memref<21x1024xf32, #tpu.memory_space<vmem>>, vector<16xf32>,
      %parallel_loop3A_242 = arith.constant 13 : i32
      %parallel_loop3A_243 = arith.index_cast %parallel_loop3A_242 : i32 to index
      %parallel_loop3A_244 = arith.index_cast %parallel_loop3A_189 : i32 to index
      %parallel_loop3A_245 = tpu.vector_load %arg6[%parallel_loop3A_243, %parallel_loop3A_244] {strides = array<i32>} : memref<21x1024xf32, #tpu.memory_space<vmem>>, vector<16xf32>,
      tpu.vector_store %arg6[%parallel_loop3A_243, %parallel_loop3A_244], %parallel_loop3A_187 {strides = array<i32>} : memref<21x1024xf32, #tpu.memory_space<vmem>>, vector<16xf32>,
      %parallel_loop3A_246 = arith.constant 14 : i32
      %parallel_loop3A_247 = arith.index_cast %parallel_loop3A_246 : i32 to index
      %parallel_loop3A_248 = arith.index_cast %parallel_loop3A_189 : i32 to index
      %parallel_loop3A_249 = tpu.vector_load %arg6[%parallel_loop3A_247, %parallel_loop3A_248] {strides = array<i32>} : memref<21x1024xf32, #tpu.memory_space<vmem>>, vector<16xf32>,
      tpu.vector_store %arg6[%parallel_loop3A_247, %parallel_loop3A_248], %parallel_loop3A_187 {strides = array<i32>} : memref<21x1024xf32, #tpu.memory_space<vmem>>, vector<16xf32>,
      %parallel_loop3A_250 = arith.constant 15 : i32
      %parallel_loop3A_251 = arith.index_cast %parallel_loop3A_250 : i32 to index
      %parallel_loop3A_252 = arith.index_cast %parallel_loop3A_189 : i32 to index
      %parallel_loop3A_253 = tpu.vector_load %arg6[%parallel_loop3A_251, %parallel_loop3A_252] {strides = array<i32>} : memref<21x1024xf32, #tpu.memory_space<vmem>>, vector<16xf32>,
      tpu.vector_store %arg6[%parallel_loop3A_251, %parallel_loop3A_252], %parallel_loop3A_187 {strides = array<i32>} : memref<21x1024xf32, #tpu.memory_space<vmem>>, vector<16xf32>,
      %parallel_loop3A_254 = arith.constant 16 : i32
      %parallel_loop3A_255 = arith.index_cast %parallel_loop3A_254 : i32 to index
      %parallel_loop3A_256 = arith.index_cast %parallel_loop3A_189 : i32 to index
      %parallel_loop3A_257 = tpu.vector_load %arg6[%parallel_loop3A_255, %parallel_loop3A_256] {strides = array<i32>} : memref<21x1024xf32, #tpu.memory_space<vmem>>, vector<16xf32>,
      tpu.vector_store %arg6[%parallel_loop3A_255, %parallel_loop3A_256], %parallel_loop3A_187 {strides = array<i32>} : memref<21x1024xf32, #tpu.memory_space<vmem>>, vector<16xf32>,
      %parallel_loop3A_258 = arith.constant 17 : i32
      %parallel_loop3A_259 = arith.index_cast %parallel_loop3A_258 : i32 to index
      %parallel_loop3A_260 = arith.index_cast %parallel_loop3A_189 : i32 to index
      %parallel_loop3A_261 = tpu.vector_load %arg6[%parallel_loop3A_259, %parallel_loop3A_260] {strides = array<i32>} : memref<21x1024xf32, #tpu.memory_space<vmem>>, vector<16xf32>,
      tpu.vector_store %arg6[%parallel_loop3A_259, %parallel_loop3A_260], %parallel_loop3A_187 {strides = array<i32>} : memref<21x1024xf32, #tpu.memory_space<vmem>>, vector<16xf32>,
      %parallel_loop3A_262 = arith.constant 18 : i32
      %parallel_loop3A_263 = arith.index_cast %parallel_loop3A_262 : i32 to index
      %parallel_loop3A_264 = arith.index_cast %parallel_loop3A_189 : i32 to index
      %parallel_loop3A_265 = tpu.vector_load %arg6[%parallel_loop3A_263, %parallel_loop3A_264] {strides = array<i32>} : memref<21x1024xf32, #tpu.memory_space<vmem>>, vector<16xf32>,
      tpu.vector_store %arg6[%parallel_loop3A_263, %parallel_loop3A_264], %parallel_loop3A_187 {strides = array<i32>} : memref<21x1024xf32, #tpu.memory_space<vmem>>, vector<16xf32>,
      %parallel_loop3A_266 = arith.constant 19 : i32
      %parallel_loop3A_267 = arith.index_cast %parallel_loop3A_266 : i32 to index
      %parallel_loop3A_268 = arith.index_cast %parallel_loop3A_189 : i32 to index
      %parallel_loop3A_269 = tpu.vector_load %arg6[%parallel_loop3A_267, %parallel_loop3A_268] {strides = array<i32>} : memref<21x1024xf32, #tpu.memory_space<vmem>>, vector<16xf32>,
      tpu.vector_store %arg6[%parallel_loop3A_267, %parallel_loop3A_268], %parallel_loop3A_187 {strides = array<i32>} : memref<21x1024xf32, #tpu.memory_space<vmem>>, vector<16xf32>,
      %parallel_loop3A_270 = arith.constant 20 : i32
      %parallel_loop3A_271 = arith.index_cast %parallel_loop3A_270 : i32 to index
      %parallel_loop3A_272 = arith.index_cast %parallel_loop3A_189 : i32 to index
      %parallel_loop3A_273 = tpu.vector_load %arg6[%parallel_loop3A_271, %parallel_loop3A_272] {strides = array<i32>} : memref<21x1024xf32, #tpu.memory_space<vmem>>, vector<16xf32>,
      tpu.vector_store %arg6[%parallel_loop3A_271, %parallel_loop3A_272], %parallel_loop3A_187 {strides = array<i32>} : memref<21x1024xf32, #tpu.memory_space<vmem>>, vector<16xf32>,
    } {sc.loop_unroll_factor = 1 : i64, sc.parallel_access}
    %dma_start3A_128 = arith.constant 0 : i32
    %dma_start3A_129 = arith.constant 0 : i32
    %dma_start3A_130 = tpu.memref_slice %arg10[%dma_start3A_128, %dma_start3A_129] : memref<2x16384xf32, #tpu.memory_space<vmem>> -> memref<1x16384xf32, #tpu.memory_space<vmem>>
    %dma_start3A_131 = tpu.memref_squeeze %dma_start3A_130 : memref<1x16384xf32, #tpu.memory_space<vmem>> -> memref<16384xf32, #tpu.memory_space<vmem>>
    %dma_start3A_132 = arith.constant 0 : i32
    %dma_start3A_133 = tpu.memref_slice %arg2[%select_n3A_108, %select_n3A_124, %dma_start3A_132] : memref<4x21x262144xf32, #tpu.memory_space<hbm>> -> memref<1x1x16384xf32, #tpu.memory_space<hbm>>
    %dma_start3A_134 = tpu.memref_squeeze %dma_start3A_133 : memref<1x1x16384xf32, #tpu.memory_space<hbm>> -> memref<16384xf32, #tpu.memory_space<hbm>>
    %dma_start3A_135 = arith.constant 0 : i32
    %dma_start3A_136 = tpu.memref_slice %arg10[%dma_start3A_128, %dma_start3A_135] : memref<2x16384xf32, #tpu.memory_space<vmem>> -> memref<1x16384xf32, #tpu.memory_space<vmem>>
    %dma_start3A_137 = tpu.memref_squeeze %dma_start3A_136 : memref<1x16384xf32, #tpu.memory_space<vmem>> -> memref<16384xf32, #tpu.memory_space<vmem>>
    %dma_start3A_138 = arith.constant 0 : i32
    %dma_start3A_139 = tpu.memref_slice %arg2[%select_n3A_108, %select_n3A_124, %dma_start3A_138] : memref<4x21x262144xf32, #tpu.memory_space<hbm>> -> memref<1x1x16384xf32, #tpu.memory_space<hbm>>
    %dma_start3A_140 = tpu.memref_squeeze %dma_start3A_139 : memref<1x1x16384xf32, #tpu.memory_space<hbm>> -> memref<16384xf32, #tpu.memory_space<hbm>>
    tpu.enqueue_dma source(%dma_start3A_140 : memref<16384xf32, #tpu.memory_space<hbm>>) target(%dma_start3A_137 : memref<16384xf32, #tpu.memory_space<vmem>>) target_semaphore(%arg13 : memref<!tpu.dma_semaphore, #tpu.memory_space<semaphore_mem>>)
    %dma_start3A_141 = arith.constant 0 : i32
    %dma_start3A_142 = arith.constant 0 : i32
    %dma_start3A_143 = tpu.memref_slice %arg11[%dma_start3A_141, %dma_start3A_142] : memref<2x16384xi32, #tpu.memory_space<vmem>> -> memref<1x16384xi32, #tpu.memory_space<vmem>>
    %dma_start3A_144 = tpu.memref_squeeze %dma_start3A_143 : memref<1x16384xi32, #tpu.memory_space<vmem>> -> memref<16384xi32, #tpu.memory_space<vmem>>
    %dma_start3A_145 = arith.constant 0 : i32
    %dma_start3A_146 = tpu.memref_slice %arg3[%select_n3A_108, %dma_start3A_145] : memref<4x262144xi32, #tpu.memory_space<hbm>> -> memref<1x16384xi32, #tpu.memory_space<hbm>>
    %dma_start3A_147 = tpu.memref_squeeze %dma_start3A_146 : memref<1x16384xi32, #tpu.memory_space<hbm>> -> memref<16384xi32, #tpu.memory_space<hbm>>
    %dma_start3A_148 = arith.constant 0 : i32
    %dma_start3A_149 = tpu.memref_slice %arg11[%dma_start3A_141, %dma_start3A_148] : memref<2x16384xi32, #tpu.memory_space<vmem>> -> memref<1x16384xi32, #tpu.memory_space<vmem>>
    %dma_start3A_150 = tpu.memref_squeeze %dma_start3A_149 : memref<1x16384xi32, #tpu.memory_space<vmem>> -> memref<16384xi32, #tpu.memory_space<vmem>>
    %dma_start3A_151 = arith.constant 0 : i32
    %dma_start3A_152 = tpu.memref_slice %arg3[%select_n3A_108, %dma_start3A_151] : memref<4x262144xi32, #tpu.memory_space<hbm>> -> memref<1x16384xi32, #tpu.memory_space<hbm>>
    %dma_start3A_153 = tpu.memref_squeeze %dma_start3A_152 : memref<1x16384xi32, #tpu.memory_space<hbm>> -> memref<16384xi32, #tpu.memory_space<hbm>>
    tpu.enqueue_dma source(%dma_start3A_153 : memref<16384xi32, #tpu.memory_space<hbm>>) target(%dma_start3A_150 : memref<16384xi32, #tpu.memory_space<vmem>>) target_semaphore(%arg14 : memref<!tpu.dma_semaphore, #tpu.memory_space<semaphore_mem>>)
    %scan3A_154 = arith.constant 0 : i32
    %scan3A_155 = arith.constant 0 : i32
    %scan3A_156 = arith.constant 16 : i32
    %scan3A_157 = arith.addi %scan3A_155, %scan3A_156 : i32
    %scan3A_158 = arith.constant 1 : i32
    %scan3A_159 = scf.for %scan3A_185 = %scan3A_155 to %scan3A_157 step %scan3A_158 iter_args(%scan3A_186 = %scan3A_154) -> (i32)  : i32 {
      %and3A_187 = arith.constant 1 : i32
      %and3A_188 = arith.andi %scan3A_185, %and3A_187 : i32
      %add3A_189 = arith.constant 1 : i32
      %add3A_190 = arith.addi %scan3A_185, %add3A_189 : i32
      %lt3A_191 = arith.constant 16 : i32
      %lt3A_192 = arith.cmpi slt, %add3A_190, %lt3A_191 : i32
      %convert_element_type3A_193 = arith.extui %lt3A_192 : i1 to i32
      %cond3A_194 = arith.constant 0 : i32
      %cond3A_195 = arith.cmpi ne, %convert_element_type3A_193, %cond3A_194 : i32
      scf.if %cond3A_195 {
        %add3A_223 = arith.constant 1 : i32
        %add3A_224 = arith.addi %scan3A_185, %add3A_223 : i32
        %xor3A = arith.constant 1 : i32
        %xor3A_225 = arith.xori %and3A_188, %xor3A : i32
        %mul3A_226 = arith.constant 16384 : i32
        %mul3A_227 = arith.muli %add3A_224, %mul3A_226 : i32
        %dma_start3A_228 = arith.constant 0 : i32
        %dma_start3A_229 = tpu.memref_slice %arg10[%xor3A_225, %dma_start3A_228] : memref<2x16384xf32, #tpu.memory_space<vmem>> -> memref<1x16384xf32, #tpu.memory_space<vmem>>
        %dma_start3A_230 = tpu.memref_squeeze %dma_start3A_229 : memref<1x16384xf32, #tpu.memory_space<vmem>> -> memref<16384xf32, #tpu.memory_space<vmem>>
        %dma_start3A_231 = tpu.memref_slice %arg2[%select_n3A_108, %select_n3A_124, %mul3A_227] : memref<4x21x262144xf32, #tpu.memory_space<hbm>> -> memref<1x1x16384xf32, #tpu.memory_space<hbm>>
        %dma_start3A_232 = tpu.memref_squeeze %dma_start3A_231 : memref<1x1x16384xf32, #tpu.memory_space<hbm>> -> memref<16384xf32, #tpu.memory_space<hbm>>
        %dma_start3A_233 = arith.constant 0 : i32
        %dma_start3A_234 = tpu.memref_slice %arg10[%xor3A_225, %dma_start3A_233] : memref<2x16384xf32, #tpu.memory_space<vmem>> -> memref<1x16384xf32, #tpu.memory_space<vmem>>
        %dma_start3A_235 = tpu.memref_squeeze %dma_start3A_234 : memref<1x16384xf32, #tpu.memory_space<vmem>> -> memref<16384xf32, #tpu.memory_space<vmem>>
        %dma_start3A_236 = tpu.memref_slice %arg2[%select_n3A_108, %select_n3A_124, %mul3A_227] : memref<4x21x262144xf32, #tpu.memory_space<hbm>> -> memref<1x1x16384xf32, #tpu.memory_space<hbm>>
        %dma_start3A_237 = tpu.memref_squeeze %dma_start3A_236 : memref<1x1x16384xf32, #tpu.memory_space<hbm>> -> memref<16384xf32, #tpu.memory_space<hbm>>
        tpu.enqueue_dma source(%dma_start3A_237 : memref<16384xf32, #tpu.memory_space<hbm>>) target(%dma_start3A_235 : memref<16384xf32, #tpu.memory_space<vmem>>) target_semaphore(%arg13 : memref<!tpu.dma_semaphore, #tpu.memory_space<semaphore_mem>>)
        %mul3A_238 = arith.constant 16384 : i32
        %mul3A_239 = arith.muli %add3A_224, %mul3A_238 : i32
        %dma_start3A_240 = arith.constant 0 : i32
        %dma_start3A_241 = tpu.memref_slice %arg11[%xor3A_225, %dma_start3A_240] : memref<2x16384xi32, #tpu.memory_space<vmem>> -> memref<1x16384xi32, #tpu.memory_space<vmem>>
        %dma_start3A_242 = tpu.memref_squeeze %dma_start3A_241 : memref<1x16384xi32, #tpu.memory_space<vmem>> -> memref<16384xi32, #tpu.memory_space<vmem>>
        %dma_start3A_243 = tpu.memref_slice %arg3[%select_n3A_108, %mul3A_239] : memref<4x262144xi32, #tpu.memory_space<hbm>> -> memref<1x16384xi32, #tpu.memory_space<hbm>>
        %dma_start3A_244 = tpu.memref_squeeze %dma_start3A_243 : memref<1x16384xi32, #tpu.memory_space<hbm>> -> memref<16384xi32, #tpu.memory_space<hbm>>
        %dma_start3A_245 = arith.constant 0 : i32
        %dma_start3A_246 = tpu.memref_slice %arg11[%xor3A_225, %dma_start3A_245] : memref<2x16384xi32, #tpu.memory_space<vmem>> -> memref<1x16384xi32, #tpu.memory_space<vmem>>
        %dma_start3A_247 = tpu.memref_squeeze %dma_start3A_246 : memref<1x16384xi32, #tpu.memory_space<vmem>> -> memref<16384xi32, #tpu.memory_space<vmem>>
        %dma_start3A_248 = tpu.memref_slice %arg3[%select_n3A_108, %mul3A_239] : memref<4x262144xi32, #tpu.memory_space<hbm>> -> memref<1x16384xi32, #tpu.memory_space<hbm>>
        %dma_start3A_249 = tpu.memref_squeeze %dma_start3A_248 : memref<1x16384xi32, #tpu.memory_space<hbm>> -> memref<16384xi32, #tpu.memory_space<hbm>>
        tpu.enqueue_dma source(%dma_start3A_249 : memref<16384xi32, #tpu.memory_space<hbm>>) target(%dma_start3A_247 : memref<16384xi32, #tpu.memory_space<vmem>>) target_semaphore(%arg14 : memref<!tpu.dma_semaphore, #tpu.memory_space<semaphore_mem>>)
      } else {
      }
      %dma_wait3A = arith.constant 0 : i32
      %dma_wait3A_196 = tpu.memref_slice %arg10[%and3A_188, %dma_wait3A] : memref<2x16384xf32, #tpu.memory_space<vmem>> -> memref<1x16384xf32, #tpu.memory_space<vmem>>
      %dma_wait3A_197 = tpu.memref_squeeze %dma_wait3A_196 : memref<1x16384xf32, #tpu.memory_space<vmem>> -> memref<16384xf32, #tpu.memory_space<vmem>>
      %dma_wait3A_198 = arith.constant 0 : i32
      %dma_wait3A_199 = tpu.memref_slice %arg2[%select_n3A_108, %select_n3A_124, %dma_wait3A_198] : memref<4x21x262144xf32, #tpu.memory_space<hbm>> -> memref<1x1x16384xf32, #tpu.memory_space<hbm>>
      %dma_wait3A_200 = tpu.memref_squeeze %dma_wait3A_199 : memref<1x1x16384xf32, #tpu.memory_space<hbm>> -> memref<16384xf32, #tpu.memory_space<hbm>>
      %dma_wait3A_201 = arith.constant 0 : i32
      %dma_wait3A_202 = tpu.memref_slice %arg10[%and3A_188, %dma_wait3A_201] : memref<2x16384xf32, #tpu.memory_space<vmem>> -> memref<1x16384xf32, #tpu.memory_space<vmem>>
      %dma_wait3A_203 = tpu.memref_squeeze %dma_wait3A_202 : memref<1x16384xf32, #tpu.memory_space<vmem>> -> memref<16384xf32, #tpu.memory_space<vmem>>
      %dma_wait3A_204 = arith.constant 0 : i32
      %dma_wait3A_205 = tpu.memref_slice %arg2[%select_n3A_108, %select_n3A_124, %dma_wait3A_204] : memref<4x21x262144xf32, #tpu.memory_space<hbm>> -> memref<1x1x16384xf32, #tpu.memory_space<hbm>>
      %dma_wait3A_206 = tpu.memref_squeeze %dma_wait3A_205 : memref<1x1x16384xf32, #tpu.memory_space<hbm>> -> memref<16384xf32, #tpu.memory_space<hbm>>
      tpu.wait_dma2 semaphore(%arg13 : memref<!tpu.dma_semaphore, #tpu.memory_space<semaphore_mem>>) src(%dma_wait3A_206 : memref<16384xf32, #tpu.memory_space<hbm>>) dst(%dma_wait3A_203 : memref<16384xf32, #tpu.memory_space<vmem>>)
      %dma_wait3A_207 = arith.constant 0 : i32
      %dma_wait3A_208 = tpu.memref_slice %arg11[%and3A_188, %dma_wait3A_207] : memref<2x16384xi32, #tpu.memory_space<vmem>> -> memref<1x16384xi32, #tpu.memory_space<vmem>>
      %dma_wait3A_209 = tpu.memref_squeeze %dma_wait3A_208 : memref<1x16384xi32, #tpu.memory_space<vmem>> -> memref<16384xi32, #tpu.memory_space<vmem>>
      %dma_wait3A_210 = arith.constant 0 : i32
      %dma_wait3A_211 = tpu.memref_slice %arg3[%select_n3A_108, %dma_wait3A_210] : memref<4x262144xi32, #tpu.memory_space<hbm>> -> memref<1x16384xi32, #tpu.memory_space<hbm>>
      %dma_wait3A_212 = tpu.memref_squeeze %dma_wait3A_211 : memref<1x16384xi32, #tpu.memory_space<hbm>> -> memref<16384xi32, #tpu.memory_space<hbm>>
      %dma_wait3A_213 = arith.constant 0 : i32
      %dma_wait3A_214 = tpu.memref_slice %arg11[%and3A_188, %dma_wait3A_213] : memref<2x16384xi32, #tpu.memory_space<vmem>> -> memref<1x16384xi32, #tpu.memory_space<vmem>>
      %dma_wait3A_215 = tpu.memref_squeeze %dma_wait3A_214 : memref<1x16384xi32, #tpu.memory_space<vmem>> -> memref<16384xi32, #tpu.memory_space<vmem>>
      %dma_wait3A_216 = arith.constant 0 : i32
      %dma_wait3A_217 = tpu.memref_slice %arg3[%select_n3A_108, %dma_wait3A_216] : memref<4x262144xi32, #tpu.memory_space<hbm>> -> memref<1x16384xi32, #tpu.memory_space<hbm>>
      %dma_wait3A_218 = tpu.memref_squeeze %dma_wait3A_217 : memref<1x16384xi32, #tpu.memory_space<hbm>> -> memref<16384xi32, #tpu.memory_space<hbm>>
      tpu.wait_dma2 semaphore(%arg14 : memref<!tpu.dma_semaphore, #tpu.memory_space<semaphore_mem>>) src(%dma_wait3A_218 : memref<16384xi32, #tpu.memory_space<hbm>>) dst(%dma_wait3A_215 : memref<16384xi32, #tpu.memory_space<vmem>>)
      %parallel_loop3A_219 = arith.constant 0 : i32
      %parallel_loop3A_220 = arith.constant 128 : i32
      %parallel_loop3A_221 = arith.constant 1 : i32
      scf.for %parallel_loop3A_223 = %parallel_loop3A_219 to %parallel_loop3A_220 step %parallel_loop3A_221  : i32 {
        %parallel_loop3A_224 = arith.constant 128 : i32
        %parallel_loop3A_225 = arith.muli %parallel_loop3A_223, %parallel_loop3A_224 : i32
        %parallel_loop3A_226 = arith.constant 0 : i32
        %parallel_loop3A_227 = arith.addi %parallel_loop3A_225, %parallel_loop3A_226 : i32
        %parallel_loop3A_228 = arith.index_cast %and3A_188 : i32 to index
        %parallel_loop3A_229 = arith.index_cast %parallel_loop3A_227 : i32 to index
        %parallel_loop3A_230 = tpu.vector_load %arg11[%parallel_loop3A_228, %parallel_loop3A_229] {strides = array<i32>} : memref<2x16384xi32, #tpu.memory_space<vmem>>, vector<16xi32>,
        %parallel_loop3A_231 = arith.constant 0 : i32
        %parallel_loop3A_232 = arith.addi %parallel_loop3A_225, %parallel_loop3A_231 : i32
        %parallel_loop3A_233 = arith.index_cast %and3A_188 : i32 to index
        %parallel_loop3A_234 = arith.index_cast %parallel_loop3A_232 : i32 to index
        %parallel_loop3A_235 = tpu.vector_load %arg10[%parallel_loop3A_233, %parallel_loop3A_234] {strides = array<i32>} : memref<2x16384xf32, #tpu.memory_space<vmem>>, vector<16xf32>,
        %parallel_loop3A_236 = vector.broadcast %select_n3A_124 : i32 to vector<16xi32>
        %parallel_loop3A_237 = arith.cmpi eq, %parallel_loop3A_230, %parallel_loop3A_236 : vector<16xi32>
        %parallel_loop3A_238 = arith.constant 1.000000e+00 : f32
        %parallel_loop3A_239 = vector.broadcast %parallel_loop3A_238 : f32 to vector<16xf32>
        %parallel_loop3A_240 = arith.subf %parallel_loop3A_239, %parallel_loop3A_235 : vector<16xf32>
        %parallel_loop3A_241 = arith.select %parallel_loop3A_237, %parallel_loop3A_240, %parallel_loop3A_235 : vector<16xi1>, vector<16xf32>
        %parallel_loop3A_242 = tpu.bitcast %parallel_loop3A_241 : vector<16xf32> -> vector<16xi32>
        %parallel_loop3A_243 = arith.constant 20 : i32
        %parallel_loop3A_244 = vector.broadcast %parallel_loop3A_243 : i32 to vector<16xi32>
        %parallel_loop3A_245 = arith.shrui %parallel_loop3A_242, %parallel_loop3A_244 : vector<16xi32>
        %parallel_loop3A_246 = arith.constant 1016 : i32
        %parallel_loop3A_247 = vector.broadcast %parallel_loop3A_246 : i32 to vector<16xi32>
        %parallel_loop3A_248 = arith.subi %parallel_loop3A_247, %parallel_loop3A_245 : vector<16xi32>
        %parallel_loop3A_249 = arith.constant 0 : i32
        %parallel_loop3A_250 = vector.broadcast %parallel_loop3A_249 : i32 to vector<16xi32>
        %parallel_loop3A_251 = arith.addi %parallel_loop3A_230, %parallel_loop3A_250 : vector<16xi32>
        %parallel_loop3A_252 = arith.constant 1.000000e+00 : f32
        %parallel_loop3A_253 = vector.broadcast %parallel_loop3A_252 : f32 to vector<16xf32>
        tpu.vector_store_idx %arg6[%parallel_loop3A_251, %parallel_loop3A_248], %parallel_loop3A_253 {add = true} : memref<21x1024xf32, #tpu.memory_space<vmem>>[vector<16xi32>, vector<16xi32>], vector<16xf32>,
        %parallel_loop3A_254 = arith.constant 16 : i32
        %parallel_loop3A_255 = arith.addi %parallel_loop3A_225, %parallel_loop3A_254 : i32
        %parallel_loop3A_256 = arith.index_cast %and3A_188 : i32 to index
        %parallel_loop3A_257 = arith.index_cast %parallel_loop3A_255 : i32 to index
        %parallel_loop3A_258 = tpu.vector_load %arg11[%parallel_loop3A_256, %parallel_loop3A_257] {strides = array<i32>} : memref<2x16384xi32, #tpu.memory_space<vmem>>, vector<16xi32>,
        %parallel_loop3A_259 = arith.constant 16 : i32
        %parallel_loop3A_260 = arith.addi %parallel_loop3A_225, %parallel_loop3A_259 : i32
        %parallel_loop3A_261 = arith.index_cast %and3A_188 : i32 to index
        %parallel_loop3A_262 = arith.index_cast %parallel_loop3A_260 : i32 to index
        %parallel_loop3A_263 = tpu.vector_load %arg10[%parallel_loop3A_261, %parallel_loop3A_262] {strides = array<i32>} : memref<2x16384xf32, #tpu.memory_space<vmem>>, vector<16xf32>,
        %parallel_loop3A_264 = vector.broadcast %select_n3A_124 : i32 to vector<16xi32>
        %parallel_loop3A_265 = arith.cmpi eq, %parallel_loop3A_258, %parallel_loop3A_264 : vector<16xi32>
        %parallel_loop3A_266 = arith.constant 1.000000e+00 : f32
        %parallel_loop3A_267 = vector.broadcast %parallel_loop3A_266 : f32 to vector<16xf32>
        %parallel_loop3A_268 = arith.subf %parallel_loop3A_267, %parallel_loop3A_263 : vector<16xf32>
        %parallel_loop3A_269 = arith.select %parallel_loop3A_265, %parallel_loop3A_268, %parallel_loop3A_263 : vector<16xi1>, vector<16xf32>
        %parallel_loop3A_270 = tpu.bitcast %parallel_loop3A_269 : vector<16xf32> -> vector<16xi32>
        %parallel_loop3A_271 = arith.constant 20 : i32
        %parallel_loop3A_272 = vector.broadcast %parallel_loop3A_271 : i32 to vector<16xi32>
        %parallel_loop3A_273 = arith.shrui %parallel_loop3A_270, %parallel_loop3A_272 : vector<16xi32>
        %parallel_loop3A_274 = arith.constant 1016 : i32
        %parallel_loop3A_275 = vector.broadcast %parallel_loop3A_274 : i32 to vector<16xi32>
        %parallel_loop3A_276 = arith.subi %parallel_loop3A_275, %parallel_loop3A_273 : vector<16xi32>
        %parallel_loop3A_277 = arith.constant 0 : i32
        %parallel_loop3A_278 = vector.broadcast %parallel_loop3A_277 : i32 to vector<16xi32>
        %parallel_loop3A_279 = arith.addi %parallel_loop3A_258, %parallel_loop3A_278 : vector<16xi32>
        %parallel_loop3A_280 = arith.constant 1.000000e+00 : f32
        %parallel_loop3A_281 = vector.broadcast %parallel_loop3A_280 : f32 to vector<16xf32>
        tpu.vector_store_idx %arg6[%parallel_loop3A_279, %parallel_loop3A_276], %parallel_loop3A_281 {add = true} : memref<21x1024xf32, #tpu.memory_space<vmem>>[vector<16xi32>, vector<16xi32>], vector<16xf32>,
        %parallel_loop3A_282 = arith.constant 32 : i32
        %parallel_loop3A_283 = arith.addi %parallel_loop3A_225, %parallel_loop3A_282 : i32
        %parallel_loop3A_284 = arith.index_cast %and3A_188 : i32 to index
        %parallel_loop3A_285 = arith.index_cast %parallel_loop3A_283 : i32 to index
        %parallel_loop3A_286 = tpu.vector_load %arg11[%parallel_loop3A_284, %parallel_loop3A_285] {strides = array<i32>} : memref<2x16384xi32, #tpu.memory_space<vmem>>, vector<16xi32>,
        %parallel_loop3A_287 = arith.constant 32 : i32
        %parallel_loop3A_288 = arith.addi %parallel_loop3A_225, %parallel_loop3A_287 : i32
        %parallel_loop3A_289 = arith.index_cast %and3A_188 : i32 to index
        %parallel_loop3A_290 = arith.index_cast %parallel_loop3A_288 : i32 to index
        %parallel_loop3A_291 = tpu.vector_load %arg10[%parallel_loop3A_289, %parallel_loop3A_290] {strides = array<i32>} : memref<2x16384xf32, #tpu.memory_space<vmem>>, vector<16xf32>,
        %parallel_loop3A_292 = vector.broadcast %select_n3A_124 : i32 to vector<16xi32>
        %parallel_loop3A_293 = arith.cmpi eq, %parallel_loop3A_286, %parallel_loop3A_292 : vector<16xi32>
        %parallel_loop3A_294 = arith.constant 1.000000e+00 : f32
        %parallel_loop3A_295 = vector.broadcast %parallel_loop3A_294 : f32 to vector<16xf32>
        %parallel_loop3A_296 = arith.subf %parallel_loop3A_295, %parallel_loop3A_291 : vector<16xf32>
        %parallel_loop3A_297 = arith.select %parallel_loop3A_293, %parallel_loop3A_296, %parallel_loop3A_291 : vector<16xi1>, vector<16xf32>
        %parallel_loop3A_298 = tpu.bitcast %parallel_loop3A_297 : vector<16xf32> -> vector<16xi32>
        %parallel_loop3A_299 = arith.constant 20 : i32
        %parallel_loop3A_300 = vector.broadcast %parallel_loop3A_299 : i32 to vector<16xi32>
        %parallel_loop3A_301 = arith.shrui %parallel_loop3A_298, %parallel_loop3A_300 : vector<16xi32>
        %parallel_loop3A_302 = arith.constant 1016 : i32
        %parallel_loop3A_303 = vector.broadcast %parallel_loop3A_302 : i32 to vector<16xi32>
        %parallel_loop3A_304 = arith.subi %parallel_loop3A_303, %parallel_loop3A_301 : vector<16xi32>
        %parallel_loop3A_305 = arith.constant 0 : i32
        %parallel_loop3A_306 = vector.broadcast %parallel_loop3A_305 : i32 to vector<16xi32>
        %parallel_loop3A_307 = arith.addi %parallel_loop3A_286, %parallel_loop3A_306 : vector<16xi32>
        %parallel_loop3A_308 = arith.constant 1.000000e+00 : f32
        %parallel_loop3A_309 = vector.broadcast %parallel_loop3A_308 : f32 to vector<16xf32>
        tpu.vector_store_idx %arg6[%parallel_loop3A_307, %parallel_loop3A_304], %parallel_loop3A_309 {add = true} : memref<21x1024xf32, #tpu.memory_space<vmem>>[vector<16xi32>, vector<16xi32>], vector<16xf32>,
        %parallel_loop3A_310 = arith.constant 48 : i32
        %parallel_loop3A_311 = arith.addi %parallel_loop3A_225, %parallel_loop3A_310 : i32
        %parallel_loop3A_312 = arith.index_cast %and3A_188 : i32 to index
        %parallel_loop3A_313 = arith.index_cast %parallel_loop3A_311 : i32 to index
        %parallel_loop3A_314 = tpu.vector_load %arg11[%parallel_loop3A_312, %parallel_loop3A_313] {strides = array<i32>} : memref<2x16384xi32, #tpu.memory_space<vmem>>, vector<16xi32>,
        %parallel_loop3A_315 = arith.constant 48 : i32
        %parallel_loop3A_316 = arith.addi %parallel_loop3A_225, %parallel_loop3A_315 : i32
        %parallel_loop3A_317 = arith.index_cast %and3A_188 : i32 to index
        %parallel_loop3A_318 = arith.index_cast %parallel_loop3A_316 : i32 to index
        %parallel_loop3A_319 = tpu.vector_load %arg10[%parallel_loop3A_317, %parallel_loop3A_318] {strides = array<i32>} : memref<2x16384xf32, #tpu.memory_space<vmem>>, vector<16xf32>,
        %parallel_loop3A_320 = vector.broadcast %select_n3A_124 : i32 to vector<16xi32>
        %parallel_loop3A_321 = arith.cmpi eq, %parallel_loop3A_314, %parallel_loop3A_320 : vector<16xi32>
        %parallel_loop3A_322 = arith.constant 1.000000e+00 : f32
        %parallel_loop3A_323 = vector.broadcast %parallel_loop3A_322 : f32 to vector<16xf32>
        %parallel_loop3A_324 = arith.subf %parallel_loop3A_323, %parallel_loop3A_319 : vector<16xf32>
        %parallel_loop3A_325 = arith.select %parallel_loop3A_321, %parallel_loop3A_324, %parallel_loop3A_319 : vector<16xi1>, vector<16xf32>
        %parallel_loop3A_326 = tpu.bitcast %parallel_loop3A_325 : vector<16xf32> -> vector<16xi32>
        %parallel_loop3A_327 = arith.constant 20 : i32
        %parallel_loop3A_328 = vector.broadcast %parallel_loop3A_327 : i32 to vector<16xi32>
        %parallel_loop3A_329 = arith.shrui %parallel_loop3A_326, %parallel_loop3A_328 : vector<16xi32>
        %parallel_loop3A_330 = arith.constant 1016 : i32
        %parallel_loop3A_331 = vector.broadcast %parallel_loop3A_330 : i32 to vector<16xi32>
        %parallel_loop3A_332 = arith.subi %parallel_loop3A_331, %parallel_loop3A_329 : vector<16xi32>
        %parallel_loop3A_333 = arith.constant 0 : i32
        %parallel_loop3A_334 = vector.broadcast %parallel_loop3A_333 : i32 to vector<16xi32>
        %parallel_loop3A_335 = arith.addi %parallel_loop3A_314, %parallel_loop3A_334 : vector<16xi32>
        %parallel_loop3A_336 = arith.constant 1.000000e+00 : f32
        %parallel_loop3A_337 = vector.broadcast %parallel_loop3A_336 : f32 to vector<16xf32>
        tpu.vector_store_idx %arg6[%parallel_loop3A_335, %parallel_loop3A_332], %parallel_loop3A_337 {add = true} : memref<21x1024xf32, #tpu.memory_space<vmem>>[vector<16xi32>, vector<16xi32>], vector<16xf32>,
        %parallel_loop3A_338 = arith.constant 64 : i32
        %parallel_loop3A_339 = arith.addi %parallel_loop3A_225, %parallel_loop3A_338 : i32
        %parallel_loop3A_340 = arith.index_cast %and3A_188 : i32 to index
        %parallel_loop3A_341 = arith.index_cast %parallel_loop3A_339 : i32 to index
        %parallel_loop3A_342 = tpu.vector_load %arg11[%parallel_loop3A_340, %parallel_loop3A_341] {strides = array<i32>} : memref<2x16384xi32, #tpu.memory_space<vmem>>, vector<16xi32>,
        %parallel_loop3A_343 = arith.constant 64 : i32
        %parallel_loop3A_344 = arith.addi %parallel_loop3A_225, %parallel_loop3A_343 : i32
        %parallel_loop3A_345 = arith.index_cast %and3A_188 : i32 to index
        %parallel_loop3A_346 = arith.index_cast %parallel_loop3A_344 : i32 to index
        %parallel_loop3A_347 = tpu.vector_load %arg10[%parallel_loop3A_345, %parallel_loop3A_346] {strides = array<i32>} : memref<2x16384xf32, #tpu.memory_space<vmem>>, vector<16xf32>,
        %parallel_loop3A_348 = vector.broadcast %select_n3A_124 : i32 to vector<16xi32>
        %parallel_loop3A_349 = arith.cmpi eq, %parallel_loop3A_342, %parallel_loop3A_348 : vector<16xi32>
        %parallel_loop3A_350 = arith.constant 1.000000e+00 : f32
        %parallel_loop3A_351 = vector.broadcast %parallel_loop3A_350 : f32 to vector<16xf32>
        %parallel_loop3A_352 = arith.subf %parallel_loop3A_351, %parallel_loop3A_347 : vector<16xf32>
        %parallel_loop3A_353 = arith.select %parallel_loop3A_349, %parallel_loop3A_352, %parallel_loop3A_347 : vector<16xi1>, vector<16xf32>
        %parallel_loop3A_354 = tpu.bitcast %parallel_loop3A_353 : vector<16xf32> -> vector<16xi32>
        %parallel_loop3A_355 = arith.constant 20 : i32
        %parallel_loop3A_356 = vector.broadcast %parallel_loop3A_355 : i32 to vector<16xi32>
        %parallel_loop3A_357 = arith.shrui %parallel_loop3A_354, %parallel_loop3A_356 : vector<16xi32>
        %parallel_loop3A_358 = arith.constant 1016 : i32
        %parallel_loop3A_359 = vector.broadcast %parallel_loop3A_358 : i32 to vector<16xi32>
        %parallel_loop3A_360 = arith.subi %parallel_loop3A_359, %parallel_loop3A_357 : vector<16xi32>
        %parallel_loop3A_361 = arith.constant 0 : i32
        %parallel_loop3A_362 = vector.broadcast %parallel_loop3A_361 : i32 to vector<16xi32>
        %parallel_loop3A_363 = arith.addi %parallel_loop3A_342, %parallel_loop3A_362 : vector<16xi32>
        %parallel_loop3A_364 = arith.constant 1.000000e+00 : f32
        %parallel_loop3A_365 = vector.broadcast %parallel_loop3A_364 : f32 to vector<16xf32>
        tpu.vector_store_idx %arg6[%parallel_loop3A_363, %parallel_loop3A_360], %parallel_loop3A_365 {add = true} : memref<21x1024xf32, #tpu.memory_space<vmem>>[vector<16xi32>, vector<16xi32>], vector<16xf32>,
        %parallel_loop3A_366 = arith.constant 80 : i32
        %parallel_loop3A_367 = arith.addi %parallel_loop3A_225, %parallel_loop3A_366 : i32
        %parallel_loop3A_368 = arith.index_cast %and3A_188 : i32 to index
        %parallel_loop3A_369 = arith.index_cast %parallel_loop3A_367 : i32 to index
        %parallel_loop3A_370 = tpu.vector_load %arg11[%parallel_loop3A_368, %parallel_loop3A_369] {strides = array<i32>} : memref<2x16384xi32, #tpu.memory_space<vmem>>, vector<16xi32>,
        %parallel_loop3A_371 = arith.constant 80 : i32
        %parallel_loop3A_372 = arith.addi %parallel_loop3A_225, %parallel_loop3A_371 : i32
        %parallel_loop3A_373 = arith.index_cast %and3A_188 : i32 to index
        %parallel_loop3A_374 = arith.index_cast %parallel_loop3A_372 : i32 to index
        %parallel_loop3A_375 = tpu.vector_load %arg10[%parallel_loop3A_373, %parallel_loop3A_374] {strides = array<i32>} : memref<2x16384xf32, #tpu.memory_space<vmem>>, vector<16xf32>,
        %parallel_loop3A_376 = vector.broadcast %select_n3A_124 : i32 to vector<16xi32>
        %parallel_loop3A_377 = arith.cmpi eq, %parallel_loop3A_370, %parallel_loop3A_376 : vector<16xi32>
        %parallel_loop3A_378 = arith.constant 1.000000e+00 : f32
        %parallel_loop3A_379 = vector.broadcast %parallel_loop3A_378 : f32 to vector<16xf32>
        %parallel_loop3A_380 = arith.subf %parallel_loop3A_379, %parallel_loop3A_375 : vector<16xf32>
        %parallel_loop3A_381 = arith.select %parallel_loop3A_377, %parallel_loop3A_380, %parallel_loop3A_375 : vector<16xi1>, vector<16xf32>
        %parallel_loop3A_382 = tpu.bitcast %parallel_loop3A_381 : vector<16xf32> -> vector<16xi32>
        %parallel_loop3A_383 = arith.constant 20 : i32
        %parallel_loop3A_384 = vector.broadcast %parallel_loop3A_383 : i32 to vector<16xi32>
        %parallel_loop3A_385 = arith.shrui %parallel_loop3A_382, %parallel_loop3A_384 : vector<16xi32>
        %parallel_loop3A_386 = arith.constant 1016 : i32
        %parallel_loop3A_387 = vector.broadcast %parallel_loop3A_386 : i32 to vector<16xi32>
        %parallel_loop3A_388 = arith.subi %parallel_loop3A_387, %parallel_loop3A_385 : vector<16xi32>
        %parallel_loop3A_389 = arith.constant 0 : i32
        %parallel_loop3A_390 = vector.broadcast %parallel_loop3A_389 : i32 to vector<16xi32>
        %parallel_loop3A_391 = arith.addi %parallel_loop3A_370, %parallel_loop3A_390 : vector<16xi32>
        %parallel_loop3A_392 = arith.constant 1.000000e+00 : f32
        %parallel_loop3A_393 = vector.broadcast %parallel_loop3A_392 : f32 to vector<16xf32>
        tpu.vector_store_idx %arg6[%parallel_loop3A_391, %parallel_loop3A_388], %parallel_loop3A_393 {add = true} : memref<21x1024xf32, #tpu.memory_space<vmem>>[vector<16xi32>, vector<16xi32>], vector<16xf32>,
        %parallel_loop3A_394 = arith.constant 96 : i32
        %parallel_loop3A_395 = arith.addi %parallel_loop3A_225, %parallel_loop3A_394 : i32
        %parallel_loop3A_396 = arith.index_cast %and3A_188 : i32 to index
        %parallel_loop3A_397 = arith.index_cast %parallel_loop3A_395 : i32 to index
        %parallel_loop3A_398 = tpu.vector_load %arg11[%parallel_loop3A_396, %parallel_loop3A_397] {strides = array<i32>} : memref<2x16384xi32, #tpu.memory_space<vmem>>, vector<16xi32>,
        %parallel_loop3A_399 = arith.constant 96 : i32
        %parallel_loop3A_400 = arith.addi %parallel_loop3A_225, %parallel_loop3A_399 : i32
        %parallel_loop3A_401 = arith.index_cast %and3A_188 : i32 to index
        %parallel_loop3A_402 = arith.index_cast %parallel_loop3A_400 : i32 to index
        %parallel_loop3A_403 = tpu.vector_load %arg10[%parallel_loop3A_401, %parallel_loop3A_402] {strides = array<i32>} : memref<2x16384xf32, #tpu.memory_space<vmem>>, vector<16xf32>,
        %parallel_loop3A_404 = vector.broadcast %select_n3A_124 : i32 to vector<16xi32>
        %parallel_loop3A_405 = arith.cmpi eq, %parallel_loop3A_398, %parallel_loop3A_404 : vector<16xi32>
        %parallel_loop3A_406 = arith.constant 1.000000e+00 : f32
        %parallel_loop3A_407 = vector.broadcast %parallel_loop3A_406 : f32 to vector<16xf32>
        %parallel_loop3A_408 = arith.subf %parallel_loop3A_407, %parallel_loop3A_403 : vector<16xf32>
        %parallel_loop3A_409 = arith.select %parallel_loop3A_405, %parallel_loop3A_408, %parallel_loop3A_403 : vector<16xi1>, vector<16xf32>
        %parallel_loop3A_410 = tpu.bitcast %parallel_loop3A_409 : vector<16xf32> -> vector<16xi32>
        %parallel_loop3A_411 = arith.constant 20 : i32
        %parallel_loop3A_412 = vector.broadcast %parallel_loop3A_411 : i32 to vector<16xi32>
        %parallel_loop3A_413 = arith.shrui %parallel_loop3A_410, %parallel_loop3A_412 : vector<16xi32>
        %parallel_loop3A_414 = arith.constant 1016 : i32
        %parallel_loop3A_415 = vector.broadcast %parallel_loop3A_414 : i32 to vector<16xi32>
        %parallel_loop3A_416 = arith.subi %parallel_loop3A_415, %parallel_loop3A_413 : vector<16xi32>
        %parallel_loop3A_417 = arith.constant 0 : i32
        %parallel_loop3A_418 = vector.broadcast %parallel_loop3A_417 : i32 to vector<16xi32>
        %parallel_loop3A_419 = arith.addi %parallel_loop3A_398, %parallel_loop3A_418 : vector<16xi32>
        %parallel_loop3A_420 = arith.constant 1.000000e+00 : f32
        %parallel_loop3A_421 = vector.broadcast %parallel_loop3A_420 : f32 to vector<16xf32>
        tpu.vector_store_idx %arg6[%parallel_loop3A_419, %parallel_loop3A_416], %parallel_loop3A_421 {add = true} : memref<21x1024xf32, #tpu.memory_space<vmem>>[vector<16xi32>, vector<16xi32>], vector<16xf32>,
        %parallel_loop3A_422 = arith.constant 112 : i32
        %parallel_loop3A_423 = arith.addi %parallel_loop3A_225, %parallel_loop3A_422 : i32
        %parallel_loop3A_424 = arith.index_cast %and3A_188 : i32 to index
        %parallel_loop3A_425 = arith.index_cast %parallel_loop3A_423 : i32 to index
        %parallel_loop3A_426 = tpu.vector_load %arg11[%parallel_loop3A_424, %parallel_loop3A_425] {strides = array<i32>} : memref<2x16384xi32, #tpu.memory_space<vmem>>, vector<16xi32>,
        %parallel_loop3A_427 = arith.constant 112 : i32
        %parallel_loop3A_428 = arith.addi %parallel_loop3A_225, %parallel_loop3A_427 : i32
        %parallel_loop3A_429 = arith.index_cast %and3A_188 : i32 to index
        %parallel_loop3A_430 = arith.index_cast %parallel_loop3A_428 : i32 to index
        %parallel_loop3A_431 = tpu.vector_load %arg10[%parallel_loop3A_429, %parallel_loop3A_430] {strides = array<i32>} : memref<2x16384xf32, #tpu.memory_space<vmem>>, vector<16xf32>,
        %parallel_loop3A_432 = vector.broadcast %select_n3A_124 : i32 to vector<16xi32>
        %parallel_loop3A_433 = arith.cmpi eq, %parallel_loop3A_426, %parallel_loop3A_432 : vector<16xi32>
        %parallel_loop3A_434 = arith.constant 1.000000e+00 : f32
        %parallel_loop3A_435 = vector.broadcast %parallel_loop3A_434 : f32 to vector<16xf32>
        %parallel_loop3A_436 = arith.subf %parallel_loop3A_435, %parallel_loop3A_431 : vector<16xf32>
        %parallel_loop3A_437 = arith.select %parallel_loop3A_433, %parallel_loop3A_436, %parallel_loop3A_431 : vector<16xi1>, vector<16xf32>
        %parallel_loop3A_438 = tpu.bitcast %parallel_loop3A_437 : vector<16xf32> -> vector<16xi32>
        %parallel_loop3A_439 = arith.constant 20 : i32
        %parallel_loop3A_440 = vector.broadcast %parallel_loop3A_439 : i32 to vector<16xi32>
        %parallel_loop3A_441 = arith.shrui %parallel_loop3A_438, %parallel_loop3A_440 : vector<16xi32>
        %parallel_loop3A_442 = arith.constant 1016 : i32
        %parallel_loop3A_443 = vector.broadcast %parallel_loop3A_442 : i32 to vector<16xi32>
        %parallel_loop3A_444 = arith.subi %parallel_loop3A_443, %parallel_loop3A_441 : vector<16xi32>
        %parallel_loop3A_445 = arith.constant 0 : i32
        %parallel_loop3A_446 = vector.broadcast %parallel_loop3A_445 : i32 to vector<16xi32>
        %parallel_loop3A_447 = arith.addi %parallel_loop3A_426, %parallel_loop3A_446 : vector<16xi32>
        %parallel_loop3A_448 = arith.constant 1.000000e+00 : f32
        %parallel_loop3A_449 = vector.broadcast %parallel_loop3A_448 : f32 to vector<16xf32>
        tpu.vector_store_idx %arg6[%parallel_loop3A_447, %parallel_loop3A_444], %parallel_loop3A_449 {add = true} : memref<21x1024xf32, #tpu.memory_space<vmem>>[vector<16xi32>, vector<16xi32>], vector<16xf32>,
      } {sc.loop_unroll_factor = 1 : i64, sc.parallel_access}
      %scan3A_222 = arith.constant 0 : i32
      scf.yield %scan3A_222 : i32
    }
    %scan3A_160 = arith.constant 16 : i32
    %scan3A_161 = arith.constant 0.000000e+00 : f32
    %scan3A_162 = arith.constant 0 : i32
    %scan3A_163 = arith.constant 64 : i32
    %scan3A_164 = arith.addi %scan3A_162, %scan3A_163 : i32
    %scan3A_165 = arith.constant 1 : i32
    %scan3A_166 = scf.for %scan3A_185 = %scan3A_162 to %scan3A_164 step %scan3A_165 iter_args(%scan3A_186 = %scan3A_161) -> (f32)  : i32 {
      %mul3A_187 = arith.constant 16 : i32
      %mul3A_188 = arith.muli %scan3A_185, %mul3A_187 : i32
      %broadcast_in_dim3A_189 = arith.constant 0.000000e+00 : f32
      %broadcast_in_dim3A_190 = vector.broadcast %broadcast_in_dim3A_189 : f32 to vector<16xf32>
      %broadcast_in_dim3A_191 = arith.constant 0.000000e+00 : f32
      %broadcast_in_dim3A_192 = vector.broadcast %broadcast_in_dim3A_191 : f32 to vector<16xf32>
      %get3A = arith.constant 0 : i32
      %get3A_193 = arith.index_cast %get3A : i32 to index
      %get3A_194 = arith.index_cast %mul3A_188 : i32 to index
      %get3A_195 = tpu.vector_load %arg6[%get3A_193, %get3A_194] {strides = array<i32>} : memref<21x1024xf32, #tpu.memory_space<vmem>>, vector<16xf32>,
      %add3A_196 = arith.addf %broadcast_in_dim3A_190, %get3A_195 : vector<16xf32>
      %mul3A_197 = arith.constant 0.000000e+00 : f32
      %mul3A_198 = vector.broadcast %mul3A_197 : f32 to vector<16xf32>
      %mul3A_199 = arith.mulf %mul3A_198, %get3A_195 : vector<16xf32>
      %add3A_200 = arith.addf %broadcast_in_dim3A_192, %mul3A_199 : vector<16xf32>
      %get3A_201 = arith.constant 1 : i32
      %get3A_202 = arith.index_cast %get3A_201 : i32 to index
      %get3A_203 = arith.index_cast %mul3A_188 : i32 to index
      %get3A_204 = tpu.vector_load %arg6[%get3A_202, %get3A_203] {strides = array<i32>} : memref<21x1024xf32, #tpu.memory_space<vmem>>, vector<16xf32>,
      %add3A_205 = arith.addf %add3A_196, %get3A_204 : vector<16xf32>
      %mul3A_206 = arith.constant 1.000000e+00 : f32
      %mul3A_207 = vector.broadcast %mul3A_206 : f32 to vector<16xf32>
      %mul3A_208 = arith.mulf %mul3A_207, %get3A_204 : vector<16xf32>
      %add3A_209 = arith.addf %add3A_200, %mul3A_208 : vector<16xf32>
      %get3A_210 = arith.constant 2 : i32
      %get3A_211 = arith.index_cast %get3A_210 : i32 to index
      %get3A_212 = arith.index_cast %mul3A_188 : i32 to index
      %get3A_213 = tpu.vector_load %arg6[%get3A_211, %get3A_212] {strides = array<i32>} : memref<21x1024xf32, #tpu.memory_space<vmem>>, vector<16xf32>,
      %add3A_214 = arith.addf %add3A_205, %get3A_213 : vector<16xf32>
      %mul3A_215 = arith.constant 2.000000e+00 : f32
      %mul3A_216 = vector.broadcast %mul3A_215 : f32 to vector<16xf32>
      %mul3A_217 = arith.mulf %mul3A_216, %get3A_213 : vector<16xf32>
      %add3A_218 = arith.addf %add3A_209, %mul3A_217 : vector<16xf32>
      %get3A_219 = arith.constant 3 : i32
      %get3A_220 = arith.index_cast %get3A_219 : i32 to index
      %get3A_221 = arith.index_cast %mul3A_188 : i32 to index
      %get3A_222 = tpu.vector_load %arg6[%get3A_220, %get3A_221] {strides = array<i32>} : memref<21x1024xf32, #tpu.memory_space<vmem>>, vector<16xf32>,
      %add3A_223 = arith.addf %add3A_214, %get3A_222 : vector<16xf32>
      %mul3A_224 = arith.constant 3.000000e+00 : f32
      %mul3A_225 = vector.broadcast %mul3A_224 : f32 to vector<16xf32>
      %mul3A_226 = arith.mulf %mul3A_225, %get3A_222 : vector<16xf32>
      %add3A_227 = arith.addf %add3A_218, %mul3A_226 : vector<16xf32>
      %get3A_228 = arith.constant 4 : i32
      %get3A_229 = arith.index_cast %get3A_228 : i32 to index
      %get3A_230 = arith.index_cast %mul3A_188 : i32 to index
      %get3A_231 = tpu.vector_load %arg6[%get3A_229, %get3A_230] {strides = array<i32>} : memref<21x1024xf32, #tpu.memory_space<vmem>>, vector<16xf32>,
      %add3A_232 = arith.addf %add3A_223, %get3A_231 : vector<16xf32>
      %mul3A_233 = arith.constant 4.000000e+00 : f32
      %mul3A_234 = vector.broadcast %mul3A_233 : f32 to vector<16xf32>
      %mul3A_235 = arith.mulf %mul3A_234, %get3A_231 : vector<16xf32>
      %add3A_236 = arith.addf %add3A_227, %mul3A_235 : vector<16xf32>
      %get3A_237 = arith.constant 5 : i32
      %get3A_238 = arith.index_cast %get3A_237 : i32 to index
      %get3A_239 = arith.index_cast %mul3A_188 : i32 to index
      %get3A_240 = tpu.vector_load %arg6[%get3A_238, %get3A_239] {strides = array<i32>} : memref<21x1024xf32, #tpu.memory_space<vmem>>, vector<16xf32>,
      %add3A_241 = arith.addf %add3A_232, %get3A_240 : vector<16xf32>
      %mul3A_242 = arith.constant 5.000000e+00 : f32
      %mul3A_243 = vector.broadcast %mul3A_242 : f32 to vector<16xf32>
      %mul3A_244 = arith.mulf %mul3A_243, %get3A_240 : vector<16xf32>
      %add3A_245 = arith.addf %add3A_236, %mul3A_244 : vector<16xf32>
      %get3A_246 = arith.constant 6 : i32
      %get3A_247 = arith.index_cast %get3A_246 : i32 to index
      %get3A_248 = arith.index_cast %mul3A_188 : i32 to index
      %get3A_249 = tpu.vector_load %arg6[%get3A_247, %get3A_248] {strides = array<i32>} : memref<21x1024xf32, #tpu.memory_space<vmem>>, vector<16xf32>,
      %add3A_250 = arith.addf %add3A_241, %get3A_249 : vector<16xf32>
      %mul3A_251 = arith.constant 6.000000e+00 : f32
      %mul3A_252 = vector.broadcast %mul3A_251 : f32 to vector<16xf32>
      %mul3A_253 = arith.mulf %mul3A_252, %get3A_249 : vector<16xf32>
      %add3A_254 = arith.addf %add3A_245, %mul3A_253 : vector<16xf32>
      %get3A_255 = arith.constant 7 : i32
      %get3A_256 = arith.index_cast %get3A_255 : i32 to index
      %get3A_257 = arith.index_cast %mul3A_188 : i32 to index
      %get3A_258 = tpu.vector_load %arg6[%get3A_256, %get3A_257] {strides = array<i32>} : memref<21x1024xf32, #tpu.memory_space<vmem>>, vector<16xf32>,
      %add3A_259 = arith.addf %add3A_250, %get3A_258 : vector<16xf32>
      %mul3A_260 = arith.constant 7.000000e+00 : f32
      %mul3A_261 = vector.broadcast %mul3A_260 : f32 to vector<16xf32>
      %mul3A_262 = arith.mulf %mul3A_261, %get3A_258 : vector<16xf32>
      %add3A_263 = arith.addf %add3A_254, %mul3A_262 : vector<16xf32>
      %get3A_264 = arith.constant 8 : i32
      %get3A_265 = arith.index_cast %get3A_264 : i32 to index
      %get3A_266 = arith.index_cast %mul3A_188 : i32 to index
      %get3A_267 = tpu.vector_load %arg6[%get3A_265, %get3A_266] {strides = array<i32>} : memref<21x1024xf32, #tpu.memory_space<vmem>>, vector<16xf32>,
      %add3A_268 = arith.addf %add3A_259, %get3A_267 : vector<16xf32>
      %mul3A_269 = arith.constant 8.000000e+00 : f32
      %mul3A_270 = vector.broadcast %mul3A_269 : f32 to vector<16xf32>
      %mul3A_271 = arith.mulf %mul3A_270, %get3A_267 : vector<16xf32>
      %add3A_272 = arith.addf %add3A_263, %mul3A_271 : vector<16xf32>
      %get3A_273 = arith.constant 9 : i32
      %get3A_274 = arith.index_cast %get3A_273 : i32 to index
      %get3A_275 = arith.index_cast %mul3A_188 : i32 to index
      %get3A_276 = tpu.vector_load %arg6[%get3A_274, %get3A_275] {strides = array<i32>} : memref<21x1024xf32, #tpu.memory_space<vmem>>, vector<16xf32>,
      %add3A_277 = arith.addf %add3A_268, %get3A_276 : vector<16xf32>
      %mul3A_278 = arith.constant 9.000000e+00 : f32
      %mul3A_279 = vector.broadcast %mul3A_278 : f32 to vector<16xf32>
      %mul3A_280 = arith.mulf %mul3A_279, %get3A_276 : vector<16xf32>
      %add3A_281 = arith.addf %add3A_272, %mul3A_280 : vector<16xf32>
      %get3A_282 = arith.constant 10 : i32
      %get3A_283 = arith.index_cast %get3A_282 : i32 to index
      %get3A_284 = arith.index_cast %mul3A_188 : i32 to index
      %get3A_285 = tpu.vector_load %arg6[%get3A_283, %get3A_284] {strides = array<i32>} : memref<21x1024xf32, #tpu.memory_space<vmem>>, vector<16xf32>,
      %add3A_286 = arith.addf %add3A_277, %get3A_285 : vector<16xf32>
      %mul3A_287 = arith.constant 1.000000e+01 : f32
      %mul3A_288 = vector.broadcast %mul3A_287 : f32 to vector<16xf32>
      %mul3A_289 = arith.mulf %mul3A_288, %get3A_285 : vector<16xf32>
      %add3A_290 = arith.addf %add3A_281, %mul3A_289 : vector<16xf32>
      %get3A_291 = arith.constant 11 : i32
      %get3A_292 = arith.index_cast %get3A_291 : i32 to index
      %get3A_293 = arith.index_cast %mul3A_188 : i32 to index
      %get3A_294 = tpu.vector_load %arg6[%get3A_292, %get3A_293] {strides = array<i32>} : memref<21x1024xf32, #tpu.memory_space<vmem>>, vector<16xf32>,
      %add3A_295 = arith.addf %add3A_286, %get3A_294 : vector<16xf32>
      %mul3A_296 = arith.constant 1.100000e+01 : f32
      %mul3A_297 = vector.broadcast %mul3A_296 : f32 to vector<16xf32>
      %mul3A_298 = arith.mulf %mul3A_297, %get3A_294 : vector<16xf32>
      %add3A_299 = arith.addf %add3A_290, %mul3A_298 : vector<16xf32>
      %get3A_300 = arith.constant 12 : i32
      %get3A_301 = arith.index_cast %get3A_300 : i32 to index
      %get3A_302 = arith.index_cast %mul3A_188 : i32 to index
      %get3A_303 = tpu.vector_load %arg6[%get3A_301, %get3A_302] {strides = array<i32>} : memref<21x1024xf32, #tpu.memory_space<vmem>>, vector<16xf32>,
      %add3A_304 = arith.addf %add3A_295, %get3A_303 : vector<16xf32>
      %mul3A_305 = arith.constant 1.200000e+01 : f32
      %mul3A_306 = vector.broadcast %mul3A_305 : f32 to vector<16xf32>
      %mul3A_307 = arith.mulf %mul3A_306, %get3A_303 : vector<16xf32>
      %add3A_308 = arith.addf %add3A_299, %mul3A_307 : vector<16xf32>
      %get3A_309 = arith.constant 13 : i32
      %get3A_310 = arith.index_cast %get3A_309 : i32 to index
      %get3A_311 = arith.index_cast %mul3A_188 : i32 to index
      %get3A_312 = tpu.vector_load %arg6[%get3A_310, %get3A_311] {strides = array<i32>} : memref<21x1024xf32, #tpu.memory_space<vmem>>, vector<16xf32>,
      %add3A_313 = arith.addf %add3A_304, %get3A_312 : vector<16xf32>
      %mul3A_314 = arith.constant 1.300000e+01 : f32
      %mul3A_315 = vector.broadcast %mul3A_314 : f32 to vector<16xf32>
      %mul3A_316 = arith.mulf %mul3A_315, %get3A_312 : vector<16xf32>
      %add3A_317 = arith.addf %add3A_308, %mul3A_316 : vector<16xf32>
      %get3A_318 = arith.constant 14 : i32
      %get3A_319 = arith.index_cast %get3A_318 : i32 to index
      %get3A_320 = arith.index_cast %mul3A_188 : i32 to index
      %get3A_321 = tpu.vector_load %arg6[%get3A_319, %get3A_320] {strides = array<i32>} : memref<21x1024xf32, #tpu.memory_space<vmem>>, vector<16xf32>,
      %add3A_322 = arith.addf %add3A_313, %get3A_321 : vector<16xf32>
      %mul3A_323 = arith.constant 1.400000e+01 : f32
      %mul3A_324 = vector.broadcast %mul3A_323 : f32 to vector<16xf32>
      %mul3A_325 = arith.mulf %mul3A_324, %get3A_321 : vector<16xf32>
      %add3A_326 = arith.addf %add3A_317, %mul3A_325 : vector<16xf32>
      %get3A_327 = arith.constant 15 : i32
      %get3A_328 = arith.index_cast %get3A_327 : i32 to index
      %get3A_329 = arith.index_cast %mul3A_188 : i32 to index
      %get3A_330 = tpu.vector_load %arg6[%get3A_328, %get3A_329] {strides = array<i32>} : memref<21x1024xf32, #tpu.memory_space<vmem>>, vector<16xf32>,
      %add3A_331 = arith.addf %add3A_322, %get3A_330 : vector<16xf32>
      %mul3A_332 = arith.constant 1.500000e+01 : f32
      %mul3A_333 = vector.broadcast %mul3A_332 : f32 to vector<16xf32>
      %mul3A_334 = arith.mulf %mul3A_333, %get3A_330 : vector<16xf32>
      %add3A_335 = arith.addf %add3A_326, %mul3A_334 : vector<16xf32>
      %get3A_336 = arith.constant 16 : i32
      %get3A_337 = arith.index_cast %get3A_336 : i32 to index
      %get3A_338 = arith.index_cast %mul3A_188 : i32 to index
      %get3A_339 = tpu.vector_load %arg6[%get3A_337, %get3A_338] {strides = array<i32>} : memref<21x1024xf32, #tpu.memory_space<vmem>>, vector<16xf32>,
      %add3A_340 = arith.addf %add3A_331, %get3A_339 : vector<16xf32>
      %mul3A_341 = arith.constant 1.600000e+01 : f32
      %mul3A_342 = vector.broadcast %mul3A_341 : f32 to vector<16xf32>
      %mul3A_343 = arith.mulf %mul3A_342, %get3A_339 : vector<16xf32>
      %add3A_344 = arith.addf %add3A_335, %mul3A_343 : vector<16xf32>
      %get3A_345 = arith.constant 17 : i32
      %get3A_346 = arith.index_cast %get3A_345 : i32 to index
      %get3A_347 = arith.index_cast %mul3A_188 : i32 to index
      %get3A_348 = tpu.vector_load %arg6[%get3A_346, %get3A_347] {strides = array<i32>} : memref<21x1024xf32, #tpu.memory_space<vmem>>, vector<16xf32>,
      %add3A_349 = arith.addf %add3A_340, %get3A_348 : vector<16xf32>
      %mul3A_350 = arith.constant 1.700000e+01 : f32
      %mul3A_351 = vector.broadcast %mul3A_350 : f32 to vector<16xf32>
      %mul3A_352 = arith.mulf %mul3A_351, %get3A_348 : vector<16xf32>
      %add3A_353 = arith.addf %add3A_344, %mul3A_352 : vector<16xf32>
      %get3A_354 = arith.constant 18 : i32
      %get3A_355 = arith.index_cast %get3A_354 : i32 to index
      %get3A_356 = arith.index_cast %mul3A_188 : i32 to index
      %get3A_357 = tpu.vector_load %arg6[%get3A_355, %get3A_356] {strides = array<i32>} : memref<21x1024xf32, #tpu.memory_space<vmem>>, vector<16xf32>,
      %add3A_358 = arith.addf %add3A_349, %get3A_357 : vector<16xf32>
      %mul3A_359 = arith.constant 1.800000e+01 : f32
      %mul3A_360 = vector.broadcast %mul3A_359 : f32 to vector<16xf32>
      %mul3A_361 = arith.mulf %mul3A_360, %get3A_357 : vector<16xf32>
      %add3A_362 = arith.addf %add3A_353, %mul3A_361 : vector<16xf32>
      %get3A_363 = arith.constant 19 : i32
      %get3A_364 = arith.index_cast %get3A_363 : i32 to index
      %get3A_365 = arith.index_cast %mul3A_188 : i32 to index
      %get3A_366 = tpu.vector_load %arg6[%get3A_364, %get3A_365] {strides = array<i32>} : memref<21x1024xf32, #tpu.memory_space<vmem>>, vector<16xf32>,
      %add3A_367 = arith.addf %add3A_358, %get3A_366 : vector<16xf32>
      %mul3A_368 = arith.constant 1.900000e+01 : f32
      %mul3A_369 = vector.broadcast %mul3A_368 : f32 to vector<16xf32>
      %mul3A_370 = arith.mulf %mul3A_369, %get3A_366 : vector<16xf32>
      %add3A_371 = arith.addf %add3A_362, %mul3A_370 : vector<16xf32>
      %get3A_372 = arith.constant 20 : i32
      %get3A_373 = arith.index_cast %get3A_372 : i32 to index
      %get3A_374 = arith.index_cast %mul3A_188 : i32 to index
      %get3A_375 = tpu.vector_load %arg6[%get3A_373, %get3A_374] {strides = array<i32>} : memref<21x1024xf32, #tpu.memory_space<vmem>>, vector<16xf32>,
      %add3A_376 = arith.addf %add3A_367, %get3A_375 : vector<16xf32>
      %mul3A_377 = arith.constant 2.000000e+01 : f32
      %mul3A_378 = vector.broadcast %mul3A_377 : f32 to vector<16xf32>
      %mul3A_379 = arith.mulf %mul3A_378, %get3A_375 : vector<16xf32>
      %add3A_380 = arith.addf %add3A_371, %mul3A_379 : vector<16xf32>
      %swap3A_381 = arith.index_cast %mul3A_188 : i32 to index
      %swap3A_382 = tpu.vector_load %arg7[%swap3A_381] {strides = array<i32>} : memref<1024xf32, #tpu.memory_space<vmem>>, vector<16xf32>,
      tpu.vector_store %arg7[%swap3A_381], %add3A_376 {strides = array<i32>} : memref<1024xf32, #tpu.memory_space<vmem>>, vector<16xf32>,
      %swap3A_383 = arith.index_cast %mul3A_188 : i32 to index
      %swap3A_384 = tpu.vector_load %arg8[%swap3A_383] {strides = array<i32>} : memref<1024xf32, #tpu.memory_space<vmem>>, vector<16xf32>,
      tpu.vector_store %arg8[%swap3A_383], %add3A_380 {strides = array<i32>} : memref<1024xf32, #tpu.memory_space<vmem>>, vector<16xf32>,
      %reduce_sum3A = arith.constant true
      %reduce_sum3A_385 = vector.broadcast %reduce_sum3A : i1 to vector<16xi1>
      %reduce_sum3A_386 = tpu.scan <sum>, %add3A_380 masked %reduce_sum3A_385 : vector<16xf32>, vector<16xi1> -> vector<16xf32>
      %reduce_sum3A_387 = vector.extract %reduce_sum3A_386[15] : f32 from vector<16xf32>
      %add3A_388 = arith.addf %scan3A_186, %reduce_sum3A_387 : f32
      scf.yield %add3A_388 : f32
    }
    %scan3A_167 = arith.constant 64 : i32
    %scan3A_168 = arith.constant 0.000000e+00 : f32
    %scan3A_169 = arith.constant 0.000000e+00 : f32
    %scan3A_170 = arith.constant 0.000000e+00 : f32
    %scan3A_171 = arith.constant 0 : i32
    %scan3A_172 = arith.constant 64 : i32
    %scan3A_173 = arith.addi %scan3A_171, %scan3A_172 : i32
    %scan3A_174 = arith.constant 1 : i32
    %scan3A_175:3 = scf.for %scan3A_185 = %scan3A_171 to %scan3A_173 step %scan3A_174 iter_args(%scan3A_186 = %scan3A_168, %scan3A_187 = %scan3A_169, %scan3A_188 = %scan3A_170) -> (f32, f32, f32)  : i32 {
      %mul3A_189 = arith.constant 16 : i32
      %mul3A_190 = arith.muli %scan3A_185, %mul3A_189 : i32
      %get3A = arith.index_cast %mul3A_190 : i32 to index
      %get3A_191 = tpu.vector_load %arg7[%get3A] {strides = array<i32>} : memref<1024xf32, #tpu.memory_space<vmem>>, vector<16xf32>,
      %get3A_192 = arith.index_cast %mul3A_190 : i32 to index
      %get3A_193 = tpu.vector_load %arg8[%get3A_192] {strides = array<i32>} : memref<1024xf32, #tpu.memory_space<vmem>>, vector<16xf32>,
      %get3A_194 = arith.index_cast %mul3A_190 : i32 to index
      %get3A_195 = tpu.vector_load %arg9[%get3A_194] {strides = array<i32>} : memref<1024xf32, #tpu.memory_space<vmem>>, vector<16xf32>,
      %broadcast_in_dim3A_196 = arith.constant true
      %broadcast_in_dim3A_197 = vector.broadcast %broadcast_in_dim3A_196 : i1 to vector<16xi1>
      %masked_cumsum3A = tpu.scan <sum>, %get3A_191 masked %broadcast_in_dim3A_197 : vector<16xf32>, vector<16xi1> -> vector<16xf32>
      %add3A_198 = vector.broadcast %scan3A_186 : f32 to vector<16xf32>
      %add3A_199 = arith.addf %masked_cumsum3A, %add3A_198 : vector<16xf32>
      %broadcast_in_dim3A_200 = arith.constant true
      %broadcast_in_dim3A_201 = vector.broadcast %broadcast_in_dim3A_200 : i1 to vector<16xi1>
      %masked_cumsum3A_202 = tpu.scan <sum>, %get3A_193 masked %broadcast_in_dim3A_201 : vector<16xf32>, vector<16xi1> -> vector<16xf32>
      %add3A_203 = vector.broadcast %scan3A_187 : f32 to vector<16xf32>
      %add3A_204 = arith.addf %masked_cumsum3A_202, %add3A_203 : vector<16xf32>
      %sub3A_205 = vector.broadcast %scan3A_166 : f32 to vector<16xf32>
      %sub3A_206 = arith.subf %sub3A_205, %add3A_204 : vector<16xf32>
      %add3A_207 = vector.broadcast %scan3A_166 : f32 to vector<16xf32>
      %add3A_208 = arith.addf %add3A_207, %add3A_199 : vector<16xf32>
      %sub3A_209 = arith.subf %add3A_208, %add3A_204 : vector<16xf32>
      %div3A_210 = arith.divf %sub3A_206, %sub3A_209 : vector<16xf32>
      %sub3A_211 = arith.constant 1.000000e+00 : f32
      %sub3A_212 = vector.broadcast %sub3A_211 : f32 to vector<16xf32>
      %sub3A_213 = arith.subf %sub3A_212, %div3A_210 : vector<16xf32>
      %sub3A_214 = arith.subf %add3A_199, %get3A_191 : vector<16xf32>
      %sub3A_215 = arith.subf %add3A_204, %get3A_193 : vector<16xf32>
      %sub3A_216 = vector.broadcast %scan3A_166 : f32 to vector<16xf32>
      %sub3A_217 = arith.subf %sub3A_216, %sub3A_215 : vector<16xf32>
      %add3A_218 = vector.broadcast %scan3A_166 : f32 to vector<16xf32>
      %add3A_219 = arith.addf %add3A_218, %sub3A_214 : vector<16xf32>
      %sub3A_220 = arith.subf %add3A_219, %sub3A_215 : vector<16xf32>
      %div3A_221 = arith.divf %sub3A_217, %sub3A_220 : vector<16xf32>
      %sub3A_222 = arith.constant 1.000000e+00 : f32
      %sub3A_223 = vector.broadcast %sub3A_222 : f32 to vector<16xf32>
      %sub3A_224 = arith.subf %sub3A_223, %div3A_221 : vector<16xf32>
      %gt3A = arith.constant 0.000000e+00 : f32
      %gt3A_225 = vector.broadcast %gt3A : f32 to vector<16xf32>
      %gt3A_226 = arith.cmpf ogt, %get3A_191, %gt3A_225 : vector<16xf32>
      %sub3A_227 = arith.subf %sub3A_213, %sub3A_224 : vector<16xf32>
      %mul3A_228 = arith.mulf %get3A_195, %sub3A_227 : vector<16xf32>
      %jit3A_229 = arith.constant 0.000000e+00 : f32
      %broadcast_in_dim3A_230 = vector.broadcast %jit3A_229 : f32 to vector<16xf32>
      %select_n3A_231 = arith.select %gt3A_226, %mul3A_228, %broadcast_in_dim3A_230 : vector<16xi1>, vector<16xf32>
      %reduce_sum3A = arith.constant true
      %reduce_sum3A_232 = vector.broadcast %reduce_sum3A : i1 to vector<16xi1>
      %reduce_sum3A_233 = tpu.scan <sum>, %get3A_191 masked %reduce_sum3A_232 : vector<16xf32>, vector<16xi1> -> vector<16xf32>
      %reduce_sum3A_234 = vector.extract %reduce_sum3A_233[15] : f32 from vector<16xf32>
      %add3A_235 = arith.addf %scan3A_186, %reduce_sum3A_234 : f32
      %reduce_sum3A_236 = arith.constant true
      %reduce_sum3A_237 = vector.broadcast %reduce_sum3A_236 : i1 to vector<16xi1>
      %reduce_sum3A_238 = tpu.scan <sum>, %get3A_193 masked %reduce_sum3A_237 : vector<16xf32>, vector<16xi1> -> vector<16xf32>
      %reduce_sum3A_239 = vector.extract %reduce_sum3A_238[15] : f32 from vector<16xf32>
      %add3A_240 = arith.addf %scan3A_187, %reduce_sum3A_239 : f32
      %reduce_sum3A_241 = arith.constant true
      %reduce_sum3A_242 = vector.broadcast %reduce_sum3A_241 : i1 to vector<16xi1>
      %reduce_sum3A_243 = tpu.scan <sum>, %select_n3A_231 masked %reduce_sum3A_242 : vector<16xf32>, vector<16xi1> -> vector<16xf32>
      %reduce_sum3A_244 = vector.extract %reduce_sum3A_243[15] : f32 from vector<16xf32>
      %add3A_245 = arith.addf %scan3A_188, %reduce_sum3A_244 : f32
      scf.yield %add3A_235, %add3A_240, %add3A_245 : f32, f32, f32
    }
    %scan3A_176 = arith.constant 64 : i32
    %broadcast_in_dim3A_177 = vector.broadcast %scan3A_175#2 : f32 to vector<16xf32>
    %swap3A_178 = arith.constant 0 : index
    %swap3A_179 = tpu.vector_load %arg12[%swap3A_178] {strides = array<i32>} : memref<16xf32, #tpu.memory_space<vmem>>, vector<16xf32>,
    tpu.vector_store %arg12[%swap3A_178], %broadcast_in_dim3A_177 {strides = array<i32>} : memref<16xf32, #tpu.memory_space<vmem>>, vector<16xf32>,
    "tpu.region"() ({
      %run_scoped3A = tpu.sem_alloc : memref<!tpu.dma_semaphore, #tpu.memory_space<semaphore_mem>>
      %dma_start3A_185 = arith.constant 0 : i32
      %dma_start3A_186 = tpu.memref_slice %arg5[%add3A_84, %dma_start3A_185] : memref<84x16xf32, #tpu.memory_space<hbm>> -> memref<1x16xf32, #tpu.memory_space<hbm>>
      %dma_start3A_187 = tpu.memref_squeeze %dma_start3A_186 : memref<1x16xf32, #tpu.memory_space<hbm>> -> memref<16xf32, #tpu.memory_space<hbm>>
      %dma_start3A_188 = arith.constant 0 : i32
      %dma_start3A_189 = tpu.memref_slice %arg5[%add3A_84, %dma_start3A_188] : memref<84x16xf32, #tpu.memory_space<hbm>> -> memref<1x16xf32, #tpu.memory_space<hbm>>
      %dma_start3A_190 = tpu.memref_squeeze %dma_start3A_189 : memref<1x16xf32, #tpu.memory_space<hbm>> -> memref<16xf32, #tpu.memory_space<hbm>>
      tpu.enqueue_dma source(%arg12 : memref<16xf32, #tpu.memory_space<vmem>>) target(%dma_start3A_190 : memref<16xf32, #tpu.memory_space<hbm>>) target_semaphore(%run_scoped3A : memref<!tpu.dma_semaphore, #tpu.memory_space<semaphore_mem>>)
      %dma_wait3A = arith.constant 0 : i32
      %dma_wait3A_191 = tpu.memref_slice %arg5[%add3A_84, %dma_wait3A] : memref<84x16xf32, #tpu.memory_space<hbm>> -> memref<1x16xf32, #tpu.memory_space<hbm>>
      %dma_wait3A_192 = tpu.memref_squeeze %dma_wait3A_191 : memref<1x16xf32, #tpu.memory_space<hbm>> -> memref<16xf32, #tpu.memory_space<hbm>>
      %dma_wait3A_193 = arith.constant 0 : i32
      %dma_wait3A_194 = tpu.memref_slice %arg5[%add3A_84, %dma_wait3A_193] : memref<84x16xf32, #tpu.memory_space<hbm>> -> memref<1x16xf32, #tpu.memory_space<hbm>>
      %dma_wait3A_195 = tpu.memref_squeeze %dma_wait3A_194 : memref<1x16xf32, #tpu.memory_space<hbm>> -> memref<16xf32, #tpu.memory_space<hbm>>
      tpu.wait_dma2 semaphore(%run_scoped3A : memref<!tpu.dma_semaphore, #tpu.memory_space<semaphore_mem>>) src(%arg12 : memref<16xf32, #tpu.memory_space<vmem>>) dst(%dma_wait3A_195 : memref<16xf32, #tpu.memory_space<hbm>>)
      tpu.yield
    }) : () -> ()
    %add3A_180 = arith.constant 64 : i32
    %add3A_181 = arith.addi %add3A, %add3A_180 : i32
    %lt3A_182 = arith.constant 84 : i32
    %lt3A_183 = arith.cmpi slt, %add3A_181, %lt3A_182 : i32
    %convert_element_type3A = arith.extui %lt3A_183 : i1 to i32
    %cond3A = arith.constant 0 : i32
    %cond3A_184 = arith.cmpi ne, %convert_element_type3A, %cond3A : i32
    scf.if %cond3A_184 {
      %jit3A_185 = arith.constant 21 : i32
      %div3A_186 = arith.divsi %add3A_181, %jit3A_185 : i32
      %sign3A_187 = arith.constant 0 : i32
      %sign3A_188 = arith.cmpi sgt, %add3A_181, %sign3A_187 : i32
      %sign3A_189 = arith.extui %sign3A_188 : i1 to i32
      %sign3A_190 = arith.constant 0 : i32
      %sign3A_191 = arith.cmpi slt, %add3A_181, %sign3A_190 : i32
      %sign3A_192 = arith.extui %sign3A_191 : i1 to i32
      %sign3A_193 = arith.subi %sign3A_189, %sign3A_192 : i32
      %sign3A_194 = arith.constant 0 : i32
      %sign3A_195 = arith.cmpi sgt, %jit3A_185, %sign3A_194 : i32
      %sign3A_196 = arith.extui %sign3A_195 : i1 to i32
      %sign3A_197 = arith.constant 0 : i32
      %sign3A_198 = arith.cmpi slt, %jit3A_185, %sign3A_197 : i32
      %sign3A_199 = arith.extui %sign3A_198 : i1 to i32
      %sign3A_200 = arith.subi %sign3A_196, %sign3A_199 : i32
      %ne3A_201 = arith.cmpi ne, %sign3A_193, %sign3A_200 : i32
      %rem3A_202 = arith.remsi %add3A_181, %jit3A_185 : i32
      %ne3A_203 = arith.constant 0 : i32
      %ne3A_204 = arith.cmpi ne, %rem3A_202, %ne3A_203 : i32
      %and3A_205 = arith.andi %ne3A_201, %ne3A_204 : i1
      %sub3A_206 = arith.constant 1 : i32
      %sub3A_207 = arith.subi %div3A_186, %sub3A_206 : i32
      %select_n3A_208 = arith.select %and3A_205, %sub3A_207, %div3A_186 : i32
      %jit3A_209 = arith.constant 21 : i32
      %eq3A_210 = arith.constant 0 : i32
      %eq3A_211 = arith.cmpi eq, %jit3A_209, %eq3A_210 : i32
      %jit3A_212 = arith.constant 1 : i32
      %select_n3A_213 = arith.select %eq3A_211, %jit3A_212, %jit3A_209 : i32
      %rem3A_214 = arith.remsi %add3A_181, %select_n3A_213 : i32
      %ne3A_215 = arith.constant 0 : i32
      %ne3A_216 = arith.cmpi ne, %rem3A_214, %ne3A_215 : i32
      %lt3A_217 = arith.constant 0 : i32
      %lt3A_218 = arith.cmpi slt, %rem3A_214, %lt3A_217 : i32
      %lt3A_219 = arith.constant 0 : i32
      %lt3A_220 = arith.cmpi slt, %select_n3A_213, %lt3A_219 : i32
      %ne3A_221 = arith.xori %lt3A_218, %lt3A_220 : i1
      %and3A_222 = arith.andi %ne3A_221, %ne3A_216 : i1
      %add3A_223 = arith.addi %rem3A_214, %select_n3A_213 : i32
      %select_n3A_224 = arith.select %and3A_222, %add3A_223, %rem3A_214 : i32
      %parallel_loop3A_225 = arith.constant 0 : i32
      %parallel_loop3A_226 = arith.constant 64 : i32
      %parallel_loop3A_227 = arith.constant 1 : i32
      scf.for %parallel_loop3A_280 = %parallel_loop3A_225 to %parallel_loop3A_226 step %parallel_loop3A_227  : i32 {
        %parallel_loop3A_281 = arith.constant 0.000000e+00 : f32
        %parallel_loop3A_282 = vector.broadcast %parallel_loop3A_281 : f32 to vector<16xf32>
        %parallel_loop3A_283 = arith.constant 16 : i32
        %parallel_loop3A_284 = arith.muli %parallel_loop3A_280, %parallel_loop3A_283 : i32
        %parallel_loop3A_285 = arith.constant 0 : i32
        %parallel_loop3A_286 = arith.index_cast %parallel_loop3A_285 : i32 to index
        %parallel_loop3A_287 = arith.index_cast %parallel_loop3A_284 : i32 to index
        %parallel_loop3A_288 = tpu.vector_load %arg6[%parallel_loop3A_286, %parallel_loop3A_287] {strides = array<i32>} : memref<21x1024xf32, #tpu.memory_space<vmem>>, vector<16xf32>,
        tpu.vector_store %arg6[%parallel_loop3A_286, %parallel_loop3A_287], %parallel_loop3A_282 {strides = array<i32>} : memref<21x1024xf32, #tpu.memory_space<vmem>>, vector<16xf32>,
        %parallel_loop3A_289 = arith.constant 1 : i32
        %parallel_loop3A_290 = arith.index_cast %parallel_loop3A_289 : i32 to index
        %parallel_loop3A_291 = arith.index_cast %parallel_loop3A_284 : i32 to index
        %parallel_loop3A_292 = tpu.vector_load %arg6[%parallel_loop3A_290, %parallel_loop3A_291] {strides = array<i32>} : memref<21x1024xf32, #tpu.memory_space<vmem>>, vector<16xf32>,
        tpu.vector_store %arg6[%parallel_loop3A_290, %parallel_loop3A_291], %parallel_loop3A_282 {strides = array<i32>} : memref<21x1024xf32, #tpu.memory_space<vmem>>, vector<16xf32>,
        %parallel_loop3A_293 = arith.constant 2 : i32
        %parallel_loop3A_294 = arith.index_cast %parallel_loop3A_293 : i32 to index
        %parallel_loop3A_295 = arith.index_cast %parallel_loop3A_284 : i32 to index
        %parallel_loop3A_296 = tpu.vector_load %arg6[%parallel_loop3A_294, %parallel_loop3A_295] {strides = array<i32>} : memref<21x1024xf32, #tpu.memory_space<vmem>>, vector<16xf32>,
        tpu.vector_store %arg6[%parallel_loop3A_294, %parallel_loop3A_295], %parallel_loop3A_282 {strides = array<i32>} : memref<21x1024xf32, #tpu.memory_space<vmem>>, vector<16xf32>,
        %parallel_loop3A_297 = arith.constant 3 : i32
        %parallel_loop3A_298 = arith.index_cast %parallel_loop3A_297 : i32 to index
        %parallel_loop3A_299 = arith.index_cast %parallel_loop3A_284 : i32 to index
        %parallel_loop3A_300 = tpu.vector_load %arg6[%parallel_loop3A_298, %parallel_loop3A_299] {strides = array<i32>} : memref<21x1024xf32, #tpu.memory_space<vmem>>, vector<16xf32>,
        tpu.vector_store %arg6[%parallel_loop3A_298, %parallel_loop3A_299], %parallel_loop3A_282 {strides = array<i32>} : memref<21x1024xf32, #tpu.memory_space<vmem>>, vector<16xf32>,
        %parallel_loop3A_301 = arith.constant 4 : i32
        %parallel_loop3A_302 = arith.index_cast %parallel_loop3A_301 : i32 to index
        %parallel_loop3A_303 = arith.index_cast %parallel_loop3A_284 : i32 to index
        %parallel_loop3A_304 = tpu.vector_load %arg6[%parallel_loop3A_302, %parallel_loop3A_303] {strides = array<i32>} : memref<21x1024xf32, #tpu.memory_space<vmem>>, vector<16xf32>,
        tpu.vector_store %arg6[%parallel_loop3A_302, %parallel_loop3A_303], %parallel_loop3A_282 {strides = array<i32>} : memref<21x1024xf32, #tpu.memory_space<vmem>>, vector<16xf32>,
        %parallel_loop3A_305 = arith.constant 5 : i32
        %parallel_loop3A_306 = arith.index_cast %parallel_loop3A_305 : i32 to index
        %parallel_loop3A_307 = arith.index_cast %parallel_loop3A_284 : i32 to index
        %parallel_loop3A_308 = tpu.vector_load %arg6[%parallel_loop3A_306, %parallel_loop3A_307] {strides = array<i32>} : memref<21x1024xf32, #tpu.memory_space<vmem>>, vector<16xf32>,
        tpu.vector_store %arg6[%parallel_loop3A_306, %parallel_loop3A_307], %parallel_loop3A_282 {strides = array<i32>} : memref<21x1024xf32, #tpu.memory_space<vmem>>, vector<16xf32>,
        %parallel_loop3A_309 = arith.constant 6 : i32
        %parallel_loop3A_310 = arith.index_cast %parallel_loop3A_309 : i32 to index
        %parallel_loop3A_311 = arith.index_cast %parallel_loop3A_284 : i32 to index
        %parallel_loop3A_312 = tpu.vector_load %arg6[%parallel_loop3A_310, %parallel_loop3A_311] {strides = array<i32>} : memref<21x1024xf32, #tpu.memory_space<vmem>>, vector<16xf32>,
        tpu.vector_store %arg6[%parallel_loop3A_310, %parallel_loop3A_311], %parallel_loop3A_282 {strides = array<i32>} : memref<21x1024xf32, #tpu.memory_space<vmem>>, vector<16xf32>,
        %parallel_loop3A_313 = arith.constant 7 : i32
        %parallel_loop3A_314 = arith.index_cast %parallel_loop3A_313 : i32 to index
        %parallel_loop3A_315 = arith.index_cast %parallel_loop3A_284 : i32 to index
        %parallel_loop3A_316 = tpu.vector_load %arg6[%parallel_loop3A_314, %parallel_loop3A_315] {strides = array<i32>} : memref<21x1024xf32, #tpu.memory_space<vmem>>, vector<16xf32>,
        tpu.vector_store %arg6[%parallel_loop3A_314, %parallel_loop3A_315], %parallel_loop3A_282 {strides = array<i32>} : memref<21x1024xf32, #tpu.memory_space<vmem>>, vector<16xf32>,
        %parallel_loop3A_317 = arith.constant 8 : i32
        %parallel_loop3A_318 = arith.index_cast %parallel_loop3A_317 : i32 to index
        %parallel_loop3A_319 = arith.index_cast %parallel_loop3A_284 : i32 to index
        %parallel_loop3A_320 = tpu.vector_load %arg6[%parallel_loop3A_318, %parallel_loop3A_319] {strides = array<i32>} : memref<21x1024xf32, #tpu.memory_space<vmem>>, vector<16xf32>,
        tpu.vector_store %arg6[%parallel_loop3A_318, %parallel_loop3A_319], %parallel_loop3A_282 {strides = array<i32>} : memref<21x1024xf32, #tpu.memory_space<vmem>>, vector<16xf32>,
        %parallel_loop3A_321 = arith.constant 9 : i32
        %parallel_loop3A_322 = arith.index_cast %parallel_loop3A_321 : i32 to index
        %parallel_loop3A_323 = arith.index_cast %parallel_loop3A_284 : i32 to index
        %parallel_loop3A_324 = tpu.vector_load %arg6[%parallel_loop3A_322, %parallel_loop3A_323] {strides = array<i32>} : memref<21x1024xf32, #tpu.memory_space<vmem>>, vector<16xf32>,
        tpu.vector_store %arg6[%parallel_loop3A_322, %parallel_loop3A_323], %parallel_loop3A_282 {strides = array<i32>} : memref<21x1024xf32, #tpu.memory_space<vmem>>, vector<16xf32>,
        %parallel_loop3A_325 = arith.constant 10 : i32
        %parallel_loop3A_326 = arith.index_cast %parallel_loop3A_325 : i32 to index
        %parallel_loop3A_327 = arith.index_cast %parallel_loop3A_284 : i32 to index
        %parallel_loop3A_328 = tpu.vector_load %arg6[%parallel_loop3A_326, %parallel_loop3A_327] {strides = array<i32>} : memref<21x1024xf32, #tpu.memory_space<vmem>>, vector<16xf32>,
        tpu.vector_store %arg6[%parallel_loop3A_326, %parallel_loop3A_327], %parallel_loop3A_282 {strides = array<i32>} : memref<21x1024xf32, #tpu.memory_space<vmem>>, vector<16xf32>,
        %parallel_loop3A_329 = arith.constant 11 : i32
        %parallel_loop3A_330 = arith.index_cast %parallel_loop3A_329 : i32 to index
        %parallel_loop3A_331 = arith.index_cast %parallel_loop3A_284 : i32 to index
        %parallel_loop3A_332 = tpu.vector_load %arg6[%parallel_loop3A_330, %parallel_loop3A_331] {strides = array<i32>} : memref<21x1024xf32, #tpu.memory_space<vmem>>, vector<16xf32>,
        tpu.vector_store %arg6[%parallel_loop3A_330, %parallel_loop3A_331], %parallel_loop3A_282 {strides = array<i32>} : memref<21x1024xf32, #tpu.memory_space<vmem>>, vector<16xf32>,
        %parallel_loop3A_333 = arith.constant 12 : i32
        %parallel_loop3A_334 = arith.index_cast %parallel_loop3A_333 : i32 to index
        %parallel_loop3A_335 = arith.index_cast %parallel_loop3A_284 : i32 to index
        %parallel_loop3A_336 = tpu.vector_load %arg6[%parallel_loop3A_334, %parallel_loop3A_335] {strides = array<i32>} : memref<21x1024xf32, #tpu.memory_space<vmem>>, vector<16xf32>,
        tpu.vector_store %arg6[%parallel_loop3A_334, %parallel_loop3A_335], %parallel_loop3A_282 {strides = array<i32>} : memref<21x1024xf32, #tpu.memory_space<vmem>>, vector<16xf32>,
        %parallel_loop3A_337 = arith.constant 13 : i32
        %parallel_loop3A_338 = arith.index_cast %parallel_loop3A_337 : i32 to index
        %parallel_loop3A_339 = arith.index_cast %parallel_loop3A_284 : i32 to index
        %parallel_loop3A_340 = tpu.vector_load %arg6[%parallel_loop3A_338, %parallel_loop3A_339] {strides = array<i32>} : memref<21x1024xf32, #tpu.memory_space<vmem>>, vector<16xf32>,
        tpu.vector_store %arg6[%parallel_loop3A_338, %parallel_loop3A_339], %parallel_loop3A_282 {strides = array<i32>} : memref<21x1024xf32, #tpu.memory_space<vmem>>, vector<16xf32>,
        %parallel_loop3A_341 = arith.constant 14 : i32
        %parallel_loop3A_342 = arith.index_cast %parallel_loop3A_341 : i32 to index
        %parallel_loop3A_343 = arith.index_cast %parallel_loop3A_284 : i32 to index
        %parallel_loop3A_344 = tpu.vector_load %arg6[%parallel_loop3A_342, %parallel_loop3A_343] {strides = array<i32>} : memref<21x1024xf32, #tpu.memory_space<vmem>>, vector<16xf32>,
        tpu.vector_store %arg6[%parallel_loop3A_342, %parallel_loop3A_343], %parallel_loop3A_282 {strides = array<i32>} : memref<21x1024xf32, #tpu.memory_space<vmem>>, vector<16xf32>,
        %parallel_loop3A_345 = arith.constant 15 : i32
        %parallel_loop3A_346 = arith.index_cast %parallel_loop3A_345 : i32 to index
        %parallel_loop3A_347 = arith.index_cast %parallel_loop3A_284 : i32 to index
        %parallel_loop3A_348 = tpu.vector_load %arg6[%parallel_loop3A_346, %parallel_loop3A_347] {strides = array<i32>} : memref<21x1024xf32, #tpu.memory_space<vmem>>, vector<16xf32>,
        tpu.vector_store %arg6[%parallel_loop3A_346, %parallel_loop3A_347], %parallel_loop3A_282 {strides = array<i32>} : memref<21x1024xf32, #tpu.memory_space<vmem>>, vector<16xf32>,
        %parallel_loop3A_349 = arith.constant 16 : i32
        %parallel_loop3A_350 = arith.index_cast %parallel_loop3A_349 : i32 to index
        %parallel_loop3A_351 = arith.index_cast %parallel_loop3A_284 : i32 to index
        %parallel_loop3A_352 = tpu.vector_load %arg6[%parallel_loop3A_350, %parallel_loop3A_351] {strides = array<i32>} : memref<21x1024xf32, #tpu.memory_space<vmem>>, vector<16xf32>,
        tpu.vector_store %arg6[%parallel_loop3A_350, %parallel_loop3A_351], %parallel_loop3A_282 {strides = array<i32>} : memref<21x1024xf32, #tpu.memory_space<vmem>>, vector<16xf32>,
        %parallel_loop3A_353 = arith.constant 17 : i32
        %parallel_loop3A_354 = arith.index_cast %parallel_loop3A_353 : i32 to index
        %parallel_loop3A_355 = arith.index_cast %parallel_loop3A_284 : i32 to index
        %parallel_loop3A_356 = tpu.vector_load %arg6[%parallel_loop3A_354, %parallel_loop3A_355] {strides = array<i32>} : memref<21x1024xf32, #tpu.memory_space<vmem>>, vector<16xf32>,
        tpu.vector_store %arg6[%parallel_loop3A_354, %parallel_loop3A_355], %parallel_loop3A_282 {strides = array<i32>} : memref<21x1024xf32, #tpu.memory_space<vmem>>, vector<16xf32>,
        %parallel_loop3A_357 = arith.constant 18 : i32
        %parallel_loop3A_358 = arith.index_cast %parallel_loop3A_357 : i32 to index
        %parallel_loop3A_359 = arith.index_cast %parallel_loop3A_284 : i32 to index
        %parallel_loop3A_360 = tpu.vector_load %arg6[%parallel_loop3A_358, %parallel_loop3A_359] {strides = array<i32>} : memref<21x1024xf32, #tpu.memory_space<vmem>>, vector<16xf32>,
        tpu.vector_store %arg6[%parallel_loop3A_358, %parallel_loop3A_359], %parallel_loop3A_282 {strides = array<i32>} : memref<21x1024xf32, #tpu.memory_space<vmem>>, vector<16xf32>,
        %parallel_loop3A_361 = arith.constant 19 : i32
        %parallel_loop3A_362 = arith.index_cast %parallel_loop3A_361 : i32 to index
        %parallel_loop3A_363 = arith.index_cast %parallel_loop3A_284 : i32 to index
        %parallel_loop3A_364 = tpu.vector_load %arg6[%parallel_loop3A_362, %parallel_loop3A_363] {strides = array<i32>} : memref<21x1024xf32, #tpu.memory_space<vmem>>, vector<16xf32>,
        tpu.vector_store %arg6[%parallel_loop3A_362, %parallel_loop3A_363], %parallel_loop3A_282 {strides = array<i32>} : memref<21x1024xf32, #tpu.memory_space<vmem>>, vector<16xf32>,
        %parallel_loop3A_365 = arith.constant 20 : i32
        %parallel_loop3A_366 = arith.index_cast %parallel_loop3A_365 : i32 to index
        %parallel_loop3A_367 = arith.index_cast %parallel_loop3A_284 : i32 to index
        %parallel_loop3A_368 = tpu.vector_load %arg6[%parallel_loop3A_366, %parallel_loop3A_367] {strides = array<i32>} : memref<21x1024xf32, #tpu.memory_space<vmem>>, vector<16xf32>,
        tpu.vector_store %arg6[%parallel_loop3A_366, %parallel_loop3A_367], %parallel_loop3A_282 {strides = array<i32>} : memref<21x1024xf32, #tpu.memory_space<vmem>>, vector<16xf32>,
      } {sc.loop_unroll_factor = 1 : i64, sc.parallel_access}
      %dma_start3A_228 = arith.constant 0 : i32
      %dma_start3A_229 = arith.constant 0 : i32
      %dma_start3A_230 = tpu.memref_slice %arg10[%dma_start3A_228, %dma_start3A_229] : memref<2x16384xf32, #tpu.memory_space<vmem>> -> memref<1x16384xf32, #tpu.memory_space<vmem>>
      %dma_start3A_231 = tpu.memref_squeeze %dma_start3A_230 : memref<1x16384xf32, #tpu.memory_space<vmem>> -> memref<16384xf32, #tpu.memory_space<vmem>>
      %dma_start3A_232 = arith.constant 0 : i32
      %dma_start3A_233 = tpu.memref_slice %arg2[%select_n3A_208, %select_n3A_224, %dma_start3A_232] : memref<4x21x262144xf32, #tpu.memory_space<hbm>> -> memref<1x1x16384xf32, #tpu.memory_space<hbm>>
      %dma_start3A_234 = tpu.memref_squeeze %dma_start3A_233 : memref<1x1x16384xf32, #tpu.memory_space<hbm>> -> memref<16384xf32, #tpu.memory_space<hbm>>
      %dma_start3A_235 = arith.constant 0 : i32
      %dma_start3A_236 = tpu.memref_slice %arg10[%dma_start3A_228, %dma_start3A_235] : memref<2x16384xf32, #tpu.memory_space<vmem>> -> memref<1x16384xf32, #tpu.memory_space<vmem>>
      %dma_start3A_237 = tpu.memref_squeeze %dma_start3A_236 : memref<1x16384xf32, #tpu.memory_space<vmem>> -> memref<16384xf32, #tpu.memory_space<vmem>>
      %dma_start3A_238 = arith.constant 0 : i32
      %dma_start3A_239 = tpu.memref_slice %arg2[%select_n3A_208, %select_n3A_224, %dma_start3A_238] : memref<4x21x262144xf32, #tpu.memory_space<hbm>> -> memref<1x1x16384xf32, #tpu.memory_space<hbm>>
      %dma_start3A_240 = tpu.memref_squeeze %dma_start3A_239 : memref<1x1x16384xf32, #tpu.memory_space<hbm>> -> memref<16384xf32, #tpu.memory_space<hbm>>
      tpu.enqueue_dma source(%dma_start3A_240 : memref<16384xf32, #tpu.memory_space<hbm>>) target(%dma_start3A_237 : memref<16384xf32, #tpu.memory_space<vmem>>) target_semaphore(%arg13 : memref<!tpu.dma_semaphore, #tpu.memory_space<semaphore_mem>>)
      %dma_start3A_241 = arith.constant 0 : i32
      %dma_start3A_242 = arith.constant 0 : i32
      %dma_start3A_243 = tpu.memref_slice %arg11[%dma_start3A_241, %dma_start3A_242] : memref<2x16384xi32, #tpu.memory_space<vmem>> -> memref<1x16384xi32, #tpu.memory_space<vmem>>
      %dma_start3A_244 = tpu.memref_squeeze %dma_start3A_243 : memref<1x16384xi32, #tpu.memory_space<vmem>> -> memref<16384xi32, #tpu.memory_space<vmem>>
      %dma_start3A_245 = arith.constant 0 : i32
      %dma_start3A_246 = tpu.memref_slice %arg3[%select_n3A_208, %dma_start3A_245] : memref<4x262144xi32, #tpu.memory_space<hbm>> -> memref<1x16384xi32, #tpu.memory_space<hbm>>
      %dma_start3A_247 = tpu.memref_squeeze %dma_start3A_246 : memref<1x16384xi32, #tpu.memory_space<hbm>> -> memref<16384xi32, #tpu.memory_space<hbm>>
      %dma_start3A_248 = arith.constant 0 : i32
      %dma_start3A_249 = tpu.memref_slice %arg11[%dma_start3A_241, %dma_start3A_248] : memref<2x16384xi32, #tpu.memory_space<vmem>> -> memref<1x16384xi32, #tpu.memory_space<vmem>>
      %dma_start3A_250 = tpu.memref_squeeze %dma_start3A_249 : memref<1x16384xi32, #tpu.memory_space<vmem>> -> memref<16384xi32, #tpu.memory_space<vmem>>
      %dma_start3A_251 = arith.constant 0 : i32
      %dma_start3A_252 = tpu.memref_slice %arg3[%select_n3A_208, %dma_start3A_251] : memref<4x262144xi32, #tpu.memory_space<hbm>> -> memref<1x16384xi32, #tpu.memory_space<hbm>>
      %dma_start3A_253 = tpu.memref_squeeze %dma_start3A_252 : memref<1x16384xi32, #tpu.memory_space<hbm>> -> memref<16384xi32, #tpu.memory_space<hbm>>
      tpu.enqueue_dma source(%dma_start3A_253 : memref<16384xi32, #tpu.memory_space<hbm>>) target(%dma_start3A_250 : memref<16384xi32, #tpu.memory_space<vmem>>) target_semaphore(%arg14 : memref<!tpu.dma_semaphore, #tpu.memory_space<semaphore_mem>>)
      %scan3A_254 = arith.constant 0 : i32
      %scan3A_255 = arith.constant 0 : i32
      %scan3A_256 = arith.constant 16 : i32
      %scan3A_257 = arith.addi %scan3A_255, %scan3A_256 : i32
      %scan3A_258 = arith.constant 1 : i32
      %scan3A_259 = scf.for %scan3A_280 = %scan3A_255 to %scan3A_257 step %scan3A_258 iter_args(%scan3A_281 = %scan3A_254) -> (i32)  : i32 {
        %and3A_282 = arith.constant 1 : i32
        %and3A_283 = arith.andi %scan3A_280, %and3A_282 : i32
        %add3A_284 = arith.constant 1 : i32
        %add3A_285 = arith.addi %scan3A_280, %add3A_284 : i32
        %lt3A_286 = arith.constant 16 : i32
        %lt3A_287 = arith.cmpi slt, %add3A_285, %lt3A_286 : i32
        %convert_element_type3A_288 = arith.extui %lt3A_287 : i1 to i32
        %cond3A_289 = arith.constant 0 : i32
        %cond3A_290 = arith.cmpi ne, %convert_element_type3A_288, %cond3A_289 : i32
        scf.if %cond3A_290 {
          %add3A_318 = arith.constant 1 : i32
          %add3A_319 = arith.addi %scan3A_280, %add3A_318 : i32
          %xor3A = arith.constant 1 : i32
          %xor3A_320 = arith.xori %and3A_283, %xor3A : i32
          %mul3A_321 = arith.constant 16384 : i32
          %mul3A_322 = arith.muli %add3A_319, %mul3A_321 : i32
          %dma_start3A_323 = arith.constant 0 : i32
          %dma_start3A_324 = tpu.memref_slice %arg10[%xor3A_320, %dma_start3A_323] : memref<2x16384xf32, #tpu.memory_space<vmem>> -> memref<1x16384xf32, #tpu.memory_space<vmem>>
          %dma_start3A_325 = tpu.memref_squeeze %dma_start3A_324 : memref<1x16384xf32, #tpu.memory_space<vmem>> -> memref<16384xf32, #tpu.memory_space<vmem>>
          %dma_start3A_326 = tpu.memref_slice %arg2[%select_n3A_208, %select_n3A_224, %mul3A_322] : memref<4x21x262144xf32, #tpu.memory_space<hbm>> -> memref<1x1x16384xf32, #tpu.memory_space<hbm>>
          %dma_start3A_327 = tpu.memref_squeeze %dma_start3A_326 : memref<1x1x16384xf32, #tpu.memory_space<hbm>> -> memref<16384xf32, #tpu.memory_space<hbm>>
          %dma_start3A_328 = arith.constant 0 : i32
          %dma_start3A_329 = tpu.memref_slice %arg10[%xor3A_320, %dma_start3A_328] : memref<2x16384xf32, #tpu.memory_space<vmem>> -> memref<1x16384xf32, #tpu.memory_space<vmem>>
          %dma_start3A_330 = tpu.memref_squeeze %dma_start3A_329 : memref<1x16384xf32, #tpu.memory_space<vmem>> -> memref<16384xf32, #tpu.memory_space<vmem>>
          %dma_start3A_331 = tpu.memref_slice %arg2[%select_n3A_208, %select_n3A_224, %mul3A_322] : memref<4x21x262144xf32, #tpu.memory_space<hbm>> -> memref<1x1x16384xf32, #tpu.memory_space<hbm>>
          %dma_start3A_332 = tpu.memref_squeeze %dma_start3A_331 : memref<1x1x16384xf32, #tpu.memory_space<hbm>> -> memref<16384xf32, #tpu.memory_space<hbm>>
          tpu.enqueue_dma source(%dma_start3A_332 : memref<16384xf32, #tpu.memory_space<hbm>>) target(%dma_start3A_330 : memref<16384xf32, #tpu.memory_space<vmem>>) target_semaphore(%arg13 : memref<!tpu.dma_semaphore, #tpu.memory_space<semaphore_mem>>)
          %mul3A_333 = arith.constant 16384 : i32
          %mul3A_334 = arith.muli %add3A_319, %mul3A_333 : i32
          %dma_start3A_335 = arith.constant 0 : i32
          %dma_start3A_336 = tpu.memref_slice %arg11[%xor3A_320, %dma_start3A_335] : memref<2x16384xi32, #tpu.memory_space<vmem>> -> memref<1x16384xi32, #tpu.memory_space<vmem>>
          %dma_start3A_337 = tpu.memref_squeeze %dma_start3A_336 : memref<1x16384xi32, #tpu.memory_space<vmem>> -> memref<16384xi32, #tpu.memory_space<vmem>>
          %dma_start3A_338 = tpu.memref_slice %arg3[%select_n3A_208, %mul3A_334] : memref<4x262144xi32, #tpu.memory_space<hbm>> -> memref<1x16384xi32, #tpu.memory_space<hbm>>
          %dma_start3A_339 = tpu.memref_squeeze %dma_start3A_338 : memref<1x16384xi32, #tpu.memory_space<hbm>> -> memref<16384xi32, #tpu.memory_space<hbm>>
          %dma_start3A_340 = arith.constant 0 : i32
          %dma_start3A_341 = tpu.memref_slice %arg11[%xor3A_320, %dma_start3A_340] : memref<2x16384xi32, #tpu.memory_space<vmem>> -> memref<1x16384xi32, #tpu.memory_space<vmem>>
          %dma_start3A_342 = tpu.memref_squeeze %dma_start3A_341 : memref<1x16384xi32, #tpu.memory_space<vmem>> -> memref<16384xi32, #tpu.memory_space<vmem>>
          %dma_start3A_343 = tpu.memref_slice %arg3[%select_n3A_208, %mul3A_334] : memref<4x262144xi32, #tpu.memory_space<hbm>> -> memref<1x16384xi32, #tpu.memory_space<hbm>>
          %dma_start3A_344 = tpu.memref_squeeze %dma_start3A_343 : memref<1x16384xi32, #tpu.memory_space<hbm>> -> memref<16384xi32, #tpu.memory_space<hbm>>
          tpu.enqueue_dma source(%dma_start3A_344 : memref<16384xi32, #tpu.memory_space<hbm>>) target(%dma_start3A_342 : memref<16384xi32, #tpu.memory_space<vmem>>) target_semaphore(%arg14 : memref<!tpu.dma_semaphore, #tpu.memory_space<semaphore_mem>>)
        } else {
        }
        %dma_wait3A = arith.constant 0 : i32
        %dma_wait3A_291 = tpu.memref_slice %arg10[%and3A_283, %dma_wait3A] : memref<2x16384xf32, #tpu.memory_space<vmem>> -> memref<1x16384xf32, #tpu.memory_space<vmem>>
        %dma_wait3A_292 = tpu.memref_squeeze %dma_wait3A_291 : memref<1x16384xf32, #tpu.memory_space<vmem>> -> memref<16384xf32, #tpu.memory_space<vmem>>
        %dma_wait3A_293 = arith.constant 0 : i32
        %dma_wait3A_294 = tpu.memref_slice %arg2[%select_n3A_208, %select_n3A_224, %dma_wait3A_293] : memref<4x21x262144xf32, #tpu.memory_space<hbm>> -> memref<1x1x16384xf32, #tpu.memory_space<hbm>>
        %dma_wait3A_295 = tpu.memref_squeeze %dma_wait3A_294 : memref<1x1x16384xf32, #tpu.memory_space<hbm>> -> memref<16384xf32, #tpu.memory_space<hbm>>
        %dma_wait3A_296 = arith.constant 0 : i32
        %dma_wait3A_297 = tpu.memref_slice %arg10[%and3A_283, %dma_wait3A_296] : memref<2x16384xf32, #tpu.memory_space<vmem>> -> memref<1x16384xf32, #tpu.memory_space<vmem>>
        %dma_wait3A_298 = tpu.memref_squeeze %dma_wait3A_297 : memref<1x16384xf32, #tpu.memory_space<vmem>> -> memref<16384xf32, #tpu.memory_space<vmem>>
        %dma_wait3A_299 = arith.constant 0 : i32
        %dma_wait3A_300 = tpu.memref_slice %arg2[%select_n3A_208, %select_n3A_224, %dma_wait3A_299] : memref<4x21x262144xf32, #tpu.memory_space<hbm>> -> memref<1x1x16384xf32, #tpu.memory_space<hbm>>
        %dma_wait3A_301 = tpu.memref_squeeze %dma_wait3A_300 : memref<1x1x16384xf32, #tpu.memory_space<hbm>> -> memref<16384xf32, #tpu.memory_space<hbm>>
        tpu.wait_dma2 semaphore(%arg13 : memref<!tpu.dma_semaphore, #tpu.memory_space<semaphore_mem>>) src(%dma_wait3A_301 : memref<16384xf32, #tpu.memory_space<hbm>>) dst(%dma_wait3A_298 : memref<16384xf32, #tpu.memory_space<vmem>>)
        %dma_wait3A_302 = arith.constant 0 : i32
        %dma_wait3A_303 = tpu.memref_slice %arg11[%and3A_283, %dma_wait3A_302] : memref<2x16384xi32, #tpu.memory_space<vmem>> -> memref<1x16384xi32, #tpu.memory_space<vmem>>
        %dma_wait3A_304 = tpu.memref_squeeze %dma_wait3A_303 : memref<1x16384xi32, #tpu.memory_space<vmem>> -> memref<16384xi32, #tpu.memory_space<vmem>>
        %dma_wait3A_305 = arith.constant 0 : i32
        %dma_wait3A_306 = tpu.memref_slice %arg3[%select_n3A_208, %dma_wait3A_305] : memref<4x262144xi32, #tpu.memory_space<hbm>> -> memref<1x16384xi32, #tpu.memory_space<hbm>>
        %dma_wait3A_307 = tpu.memref_squeeze %dma_wait3A_306 : memref<1x16384xi32, #tpu.memory_space<hbm>> -> memref<16384xi32, #tpu.memory_space<hbm>>
        %dma_wait3A_308 = arith.constant 0 : i32
        %dma_wait3A_309 = tpu.memref_slice %arg11[%and3A_283, %dma_wait3A_308] : memref<2x16384xi32, #tpu.memory_space<vmem>> -> memref<1x16384xi32, #tpu.memory_space<vmem>>
        %dma_wait3A_310 = tpu.memref_squeeze %dma_wait3A_309 : memref<1x16384xi32, #tpu.memory_space<vmem>> -> memref<16384xi32, #tpu.memory_space<vmem>>
        %dma_wait3A_311 = arith.constant 0 : i32
        %dma_wait3A_312 = tpu.memref_slice %arg3[%select_n3A_208, %dma_wait3A_311] : memref<4x262144xi32, #tpu.memory_space<hbm>> -> memref<1x16384xi32, #tpu.memory_space<hbm>>
        %dma_wait3A_313 = tpu.memref_squeeze %dma_wait3A_312 : memref<1x16384xi32, #tpu.memory_space<hbm>> -> memref<16384xi32, #tpu.memory_space<hbm>>
        tpu.wait_dma2 semaphore(%arg14 : memref<!tpu.dma_semaphore, #tpu.memory_space<semaphore_mem>>) src(%dma_wait3A_313 : memref<16384xi32, #tpu.memory_space<hbm>>) dst(%dma_wait3A_310 : memref<16384xi32, #tpu.memory_space<vmem>>)
        %parallel_loop3A_314 = arith.constant 0 : i32
        %parallel_loop3A_315 = arith.constant 128 : i32
        %parallel_loop3A_316 = arith.constant 1 : i32
        scf.for %parallel_loop3A_318 = %parallel_loop3A_314 to %parallel_loop3A_315 step %parallel_loop3A_316  : i32 {
          %parallel_loop3A_319 = arith.constant 128 : i32
          %parallel_loop3A_320 = arith.muli %parallel_loop3A_318, %parallel_loop3A_319 : i32
          %parallel_loop3A_321 = arith.constant 0 : i32
          %parallel_loop3A_322 = arith.addi %parallel_loop3A_320, %parallel_loop3A_321 : i32
          %parallel_loop3A_323 = arith.index_cast %and3A_283 : i32 to index
          %parallel_loop3A_324 = arith.index_cast %parallel_loop3A_322 : i32 to index
          %parallel_loop3A_325 = tpu.vector_load %arg11[%parallel_loop3A_323, %parallel_loop3A_324] {strides = array<i32>} : memref<2x16384xi32, #tpu.memory_space<vmem>>, vector<16xi32>,
          %parallel_loop3A_326 = arith.constant 0 : i32
          %parallel_loop3A_327 = arith.addi %parallel_loop3A_320, %parallel_loop3A_326 : i32
          %parallel_loop3A_328 = arith.index_cast %and3A_283 : i32 to index
          %parallel_loop3A_329 = arith.index_cast %parallel_loop3A_327 : i32 to index
          %parallel_loop3A_330 = tpu.vector_load %arg10[%parallel_loop3A_328, %parallel_loop3A_329] {strides = array<i32>} : memref<2x16384xf32, #tpu.memory_space<vmem>>, vector<16xf32>,
          %parallel_loop3A_331 = vector.broadcast %select_n3A_224 : i32 to vector<16xi32>
          %parallel_loop3A_332 = arith.cmpi eq, %parallel_loop3A_325, %parallel_loop3A_331 : vector<16xi32>
          %parallel_loop3A_333 = arith.constant 1.000000e+00 : f32
          %parallel_loop3A_334 = vector.broadcast %parallel_loop3A_333 : f32 to vector<16xf32>
          %parallel_loop3A_335 = arith.subf %parallel_loop3A_334, %parallel_loop3A_330 : vector<16xf32>
          %parallel_loop3A_336 = arith.select %parallel_loop3A_332, %parallel_loop3A_335, %parallel_loop3A_330 : vector<16xi1>, vector<16xf32>
          %parallel_loop3A_337 = tpu.bitcast %parallel_loop3A_336 : vector<16xf32> -> vector<16xi32>
          %parallel_loop3A_338 = arith.constant 20 : i32
          %parallel_loop3A_339 = vector.broadcast %parallel_loop3A_338 : i32 to vector<16xi32>
          %parallel_loop3A_340 = arith.shrui %parallel_loop3A_337, %parallel_loop3A_339 : vector<16xi32>
          %parallel_loop3A_341 = arith.constant 1016 : i32
          %parallel_loop3A_342 = vector.broadcast %parallel_loop3A_341 : i32 to vector<16xi32>
          %parallel_loop3A_343 = arith.subi %parallel_loop3A_342, %parallel_loop3A_340 : vector<16xi32>
          %parallel_loop3A_344 = arith.constant 0 : i32
          %parallel_loop3A_345 = vector.broadcast %parallel_loop3A_344 : i32 to vector<16xi32>
          %parallel_loop3A_346 = arith.addi %parallel_loop3A_325, %parallel_loop3A_345 : vector<16xi32>
          %parallel_loop3A_347 = arith.constant 1.000000e+00 : f32
          %parallel_loop3A_348 = vector.broadcast %parallel_loop3A_347 : f32 to vector<16xf32>
          tpu.vector_store_idx %arg6[%parallel_loop3A_346, %parallel_loop3A_343], %parallel_loop3A_348 {add = true} : memref<21x1024xf32, #tpu.memory_space<vmem>>[vector<16xi32>, vector<16xi32>], vector<16xf32>,
          %parallel_loop3A_349 = arith.constant 16 : i32
          %parallel_loop3A_350 = arith.addi %parallel_loop3A_320, %parallel_loop3A_349 : i32
          %parallel_loop3A_351 = arith.index_cast %and3A_283 : i32 to index
          %parallel_loop3A_352 = arith.index_cast %parallel_loop3A_350 : i32 to index
          %parallel_loop3A_353 = tpu.vector_load %arg11[%parallel_loop3A_351, %parallel_loop3A_352] {strides = array<i32>} : memref<2x16384xi32, #tpu.memory_space<vmem>>, vector<16xi32>,
          %parallel_loop3A_354 = arith.constant 16 : i32
          %parallel_loop3A_355 = arith.addi %parallel_loop3A_320, %parallel_loop3A_354 : i32
          %parallel_loop3A_356 = arith.index_cast %and3A_283 : i32 to index
          %parallel_loop3A_357 = arith.index_cast %parallel_loop3A_355 : i32 to index
          %parallel_loop3A_358 = tpu.vector_load %arg10[%parallel_loop3A_356, %parallel_loop3A_357] {strides = array<i32>} : memref<2x16384xf32, #tpu.memory_space<vmem>>, vector<16xf32>,
          %parallel_loop3A_359 = vector.broadcast %select_n3A_224 : i32 to vector<16xi32>
          %parallel_loop3A_360 = arith.cmpi eq, %parallel_loop3A_353, %parallel_loop3A_359 : vector<16xi32>
          %parallel_loop3A_361 = arith.constant 1.000000e+00 : f32
          %parallel_loop3A_362 = vector.broadcast %parallel_loop3A_361 : f32 to vector<16xf32>
          %parallel_loop3A_363 = arith.subf %parallel_loop3A_362, %parallel_loop3A_358 : vector<16xf32>
          %parallel_loop3A_364 = arith.select %parallel_loop3A_360, %parallel_loop3A_363, %parallel_loop3A_358 : vector<16xi1>, vector<16xf32>
          %parallel_loop3A_365 = tpu.bitcast %parallel_loop3A_364 : vector<16xf32> -> vector<16xi32>
          %parallel_loop3A_366 = arith.constant 20 : i32
          %parallel_loop3A_367 = vector.broadcast %parallel_loop3A_366 : i32 to vector<16xi32>
          %parallel_loop3A_368 = arith.shrui %parallel_loop3A_365, %parallel_loop3A_367 : vector<16xi32>
          %parallel_loop3A_369 = arith.constant 1016 : i32
          %parallel_loop3A_370 = vector.broadcast %parallel_loop3A_369 : i32 to vector<16xi32>
          %parallel_loop3A_371 = arith.subi %parallel_loop3A_370, %parallel_loop3A_368 : vector<16xi32>
          %parallel_loop3A_372 = arith.constant 0 : i32
          %parallel_loop3A_373 = vector.broadcast %parallel_loop3A_372 : i32 to vector<16xi32>
          %parallel_loop3A_374 = arith.addi %parallel_loop3A_353, %parallel_loop3A_373 : vector<16xi32>
          %parallel_loop3A_375 = arith.constant 1.000000e+00 : f32
          %parallel_loop3A_376 = vector.broadcast %parallel_loop3A_375 : f32 to vector<16xf32>
          tpu.vector_store_idx %arg6[%parallel_loop3A_374, %parallel_loop3A_371], %parallel_loop3A_376 {add = true} : memref<21x1024xf32, #tpu.memory_space<vmem>>[vector<16xi32>, vector<16xi32>], vector<16xf32>,
          %parallel_loop3A_377 = arith.constant 32 : i32
          %parallel_loop3A_378 = arith.addi %parallel_loop3A_320, %parallel_loop3A_377 : i32
          %parallel_loop3A_379 = arith.index_cast %and3A_283 : i32 to index
          %parallel_loop3A_380 = arith.index_cast %parallel_loop3A_378 : i32 to index
          %parallel_loop3A_381 = tpu.vector_load %arg11[%parallel_loop3A_379, %parallel_loop3A_380] {strides = array<i32>} : memref<2x16384xi32, #tpu.memory_space<vmem>>, vector<16xi32>,
          %parallel_loop3A_382 = arith.constant 32 : i32
          %parallel_loop3A_383 = arith.addi %parallel_loop3A_320, %parallel_loop3A_382 : i32
          %parallel_loop3A_384 = arith.index_cast %and3A_283 : i32 to index
          %parallel_loop3A_385 = arith.index_cast %parallel_loop3A_383 : i32 to index
          %parallel_loop3A_386 = tpu.vector_load %arg10[%parallel_loop3A_384, %parallel_loop3A_385] {strides = array<i32>} : memref<2x16384xf32, #tpu.memory_space<vmem>>, vector<16xf32>,
          %parallel_loop3A_387 = vector.broadcast %select_n3A_224 : i32 to vector<16xi32>
          %parallel_loop3A_388 = arith.cmpi eq, %parallel_loop3A_381, %parallel_loop3A_387 : vector<16xi32>
          %parallel_loop3A_389 = arith.constant 1.000000e+00 : f32
          %parallel_loop3A_390 = vector.broadcast %parallel_loop3A_389 : f32 to vector<16xf32>
          %parallel_loop3A_391 = arith.subf %parallel_loop3A_390, %parallel_loop3A_386 : vector<16xf32>
          %parallel_loop3A_392 = arith.select %parallel_loop3A_388, %parallel_loop3A_391, %parallel_loop3A_386 : vector<16xi1>, vector<16xf32>
          %parallel_loop3A_393 = tpu.bitcast %parallel_loop3A_392 : vector<16xf32> -> vector<16xi32>
          %parallel_loop3A_394 = arith.constant 20 : i32
          %parallel_loop3A_395 = vector.broadcast %parallel_loop3A_394 : i32 to vector<16xi32>
          %parallel_loop3A_396 = arith.shrui %parallel_loop3A_393, %parallel_loop3A_395 : vector<16xi32>
          %parallel_loop3A_397 = arith.constant 1016 : i32
          %parallel_loop3A_398 = vector.broadcast %parallel_loop3A_397 : i32 to vector<16xi32>
          %parallel_loop3A_399 = arith.subi %parallel_loop3A_398, %parallel_loop3A_396 : vector<16xi32>
          %parallel_loop3A_400 = arith.constant 0 : i32
          %parallel_loop3A_401 = vector.broadcast %parallel_loop3A_400 : i32 to vector<16xi32>
          %parallel_loop3A_402 = arith.addi %parallel_loop3A_381, %parallel_loop3A_401 : vector<16xi32>
          %parallel_loop3A_403 = arith.constant 1.000000e+00 : f32
          %parallel_loop3A_404 = vector.broadcast %parallel_loop3A_403 : f32 to vector<16xf32>
          tpu.vector_store_idx %arg6[%parallel_loop3A_402, %parallel_loop3A_399], %parallel_loop3A_404 {add = true} : memref<21x1024xf32, #tpu.memory_space<vmem>>[vector<16xi32>, vector<16xi32>], vector<16xf32>,
          %parallel_loop3A_405 = arith.constant 48 : i32
          %parallel_loop3A_406 = arith.addi %parallel_loop3A_320, %parallel_loop3A_405 : i32
          %parallel_loop3A_407 = arith.index_cast %and3A_283 : i32 to index
          %parallel_loop3A_408 = arith.index_cast %parallel_loop3A_406 : i32 to index
          %parallel_loop3A_409 = tpu.vector_load %arg11[%parallel_loop3A_407, %parallel_loop3A_408] {strides = array<i32>} : memref<2x16384xi32, #tpu.memory_space<vmem>>, vector<16xi32>,
          %parallel_loop3A_410 = arith.constant 48 : i32
          %parallel_loop3A_411 = arith.addi %parallel_loop3A_320, %parallel_loop3A_410 : i32
          %parallel_loop3A_412 = arith.index_cast %and3A_283 : i32 to index
          %parallel_loop3A_413 = arith.index_cast %parallel_loop3A_411 : i32 to index
          %parallel_loop3A_414 = tpu.vector_load %arg10[%parallel_loop3A_412, %parallel_loop3A_413] {strides = array<i32>} : memref<2x16384xf32, #tpu.memory_space<vmem>>, vector<16xf32>,
          %parallel_loop3A_415 = vector.broadcast %select_n3A_224 : i32 to vector<16xi32>
          %parallel_loop3A_416 = arith.cmpi eq, %parallel_loop3A_409, %parallel_loop3A_415 : vector<16xi32>
          %parallel_loop3A_417 = arith.constant 1.000000e+00 : f32
          %parallel_loop3A_418 = vector.broadcast %parallel_loop3A_417 : f32 to vector<16xf32>
          %parallel_loop3A_419 = arith.subf %parallel_loop3A_418, %parallel_loop3A_414 : vector<16xf32>
          %parallel_loop3A_420 = arith.select %parallel_loop3A_416, %parallel_loop3A_419, %parallel_loop3A_414 : vector<16xi1>, vector<16xf32>
          %parallel_loop3A_421 = tpu.bitcast %parallel_loop3A_420 : vector<16xf32> -> vector<16xi32>
          %parallel_loop3A_422 = arith.constant 20 : i32
          %parallel_loop3A_423 = vector.broadcast %parallel_loop3A_422 : i32 to vector<16xi32>
          %parallel_loop3A_424 = arith.shrui %parallel_loop3A_421, %parallel_loop3A_423 : vector<16xi32>
          %parallel_loop3A_425 = arith.constant 1016 : i32
          %parallel_loop3A_426 = vector.broadcast %parallel_loop3A_425 : i32 to vector<16xi32>
          %parallel_loop3A_427 = arith.subi %parallel_loop3A_426, %parallel_loop3A_424 : vector<16xi32>
          %parallel_loop3A_428 = arith.constant 0 : i32
          %parallel_loop3A_429 = vector.broadcast %parallel_loop3A_428 : i32 to vector<16xi32>
          %parallel_loop3A_430 = arith.addi %parallel_loop3A_409, %parallel_loop3A_429 : vector<16xi32>
          %parallel_loop3A_431 = arith.constant 1.000000e+00 : f32
          %parallel_loop3A_432 = vector.broadcast %parallel_loop3A_431 : f32 to vector<16xf32>
          tpu.vector_store_idx %arg6[%parallel_loop3A_430, %parallel_loop3A_427], %parallel_loop3A_432 {add = true} : memref<21x1024xf32, #tpu.memory_space<vmem>>[vector<16xi32>, vector<16xi32>], vector<16xf32>,
          %parallel_loop3A_433 = arith.constant 64 : i32
          %parallel_loop3A_434 = arith.addi %parallel_loop3A_320, %parallel_loop3A_433 : i32
          %parallel_loop3A_435 = arith.index_cast %and3A_283 : i32 to index
          %parallel_loop3A_436 = arith.index_cast %parallel_loop3A_434 : i32 to index
          %parallel_loop3A_437 = tpu.vector_load %arg11[%parallel_loop3A_435, %parallel_loop3A_436] {strides = array<i32>} : memref<2x16384xi32, #tpu.memory_space<vmem>>, vector<16xi32>,
          %parallel_loop3A_438 = arith.constant 64 : i32
          %parallel_loop3A_439 = arith.addi %parallel_loop3A_320, %parallel_loop3A_438 : i32
          %parallel_loop3A_440 = arith.index_cast %and3A_283 : i32 to index
          %parallel_loop3A_441 = arith.index_cast %parallel_loop3A_439 : i32 to index
          %parallel_loop3A_442 = tpu.vector_load %arg10[%parallel_loop3A_440, %parallel_loop3A_441] {strides = array<i32>} : memref<2x16384xf32, #tpu.memory_space<vmem>>, vector<16xf32>,
          %parallel_loop3A_443 = vector.broadcast %select_n3A_224 : i32 to vector<16xi32>
          %parallel_loop3A_444 = arith.cmpi eq, %parallel_loop3A_437, %parallel_loop3A_443 : vector<16xi32>
          %parallel_loop3A_445 = arith.constant 1.000000e+00 : f32
          %parallel_loop3A_446 = vector.broadcast %parallel_loop3A_445 : f32 to vector<16xf32>
          %parallel_loop3A_447 = arith.subf %parallel_loop3A_446, %parallel_loop3A_442 : vector<16xf32>
          %parallel_loop3A_448 = arith.select %parallel_loop3A_444, %parallel_loop3A_447, %parallel_loop3A_442 : vector<16xi1>, vector<16xf32>
          %parallel_loop3A_449 = tpu.bitcast %parallel_loop3A_448 : vector<16xf32> -> vector<16xi32>
          %parallel_loop3A_450 = arith.constant 20 : i32
          %parallel_loop3A_451 = vector.broadcast %parallel_loop3A_450 : i32 to vector<16xi32>
          %parallel_loop3A_452 = arith.shrui %parallel_loop3A_449, %parallel_loop3A_451 : vector<16xi32>
          %parallel_loop3A_453 = arith.constant 1016 : i32
          %parallel_loop3A_454 = vector.broadcast %parallel_loop3A_453 : i32 to vector<16xi32>
          %parallel_loop3A_455 = arith.subi %parallel_loop3A_454, %parallel_loop3A_452 : vector<16xi32>
          %parallel_loop3A_456 = arith.constant 0 : i32
          %parallel_loop3A_457 = vector.broadcast %parallel_loop3A_456 : i32 to vector<16xi32>
          %parallel_loop3A_458 = arith.addi %parallel_loop3A_437, %parallel_loop3A_457 : vector<16xi32>
          %parallel_loop3A_459 = arith.constant 1.000000e+00 : f32
          %parallel_loop3A_460 = vector.broadcast %parallel_loop3A_459 : f32 to vector<16xf32>
          tpu.vector_store_idx %arg6[%parallel_loop3A_458, %parallel_loop3A_455], %parallel_loop3A_460 {add = true} : memref<21x1024xf32, #tpu.memory_space<vmem>>[vector<16xi32>, vector<16xi32>], vector<16xf32>,
          %parallel_loop3A_461 = arith.constant 80 : i32
          %parallel_loop3A_462 = arith.addi %parallel_loop3A_320, %parallel_loop3A_461 : i32
          %parallel_loop3A_463 = arith.index_cast %and3A_283 : i32 to index
          %parallel_loop3A_464 = arith.index_cast %parallel_loop3A_462 : i32 to index
          %parallel_loop3A_465 = tpu.vector_load %arg11[%parallel_loop3A_463, %parallel_loop3A_464] {strides = array<i32>} : memref<2x16384xi32, #tpu.memory_space<vmem>>, vector<16xi32>,
          %parallel_loop3A_466 = arith.constant 80 : i32
          %parallel_loop3A_467 = arith.addi %parallel_loop3A_320, %parallel_loop3A_466 : i32
          %parallel_loop3A_468 = arith.index_cast %and3A_283 : i32 to index
          %parallel_loop3A_469 = arith.index_cast %parallel_loop3A_467 : i32 to index
          %parallel_loop3A_470 = tpu.vector_load %arg10[%parallel_loop3A_468, %parallel_loop3A_469] {strides = array<i32>} : memref<2x16384xf32, #tpu.memory_space<vmem>>, vector<16xf32>,
          %parallel_loop3A_471 = vector.broadcast %select_n3A_224 : i32 to vector<16xi32>
          %parallel_loop3A_472 = arith.cmpi eq, %parallel_loop3A_465, %parallel_loop3A_471 : vector<16xi32>
          %parallel_loop3A_473 = arith.constant 1.000000e+00 : f32
          %parallel_loop3A_474 = vector.broadcast %parallel_loop3A_473 : f32 to vector<16xf32>
          %parallel_loop3A_475 = arith.subf %parallel_loop3A_474, %parallel_loop3A_470 : vector<16xf32>
          %parallel_loop3A_476 = arith.select %parallel_loop3A_472, %parallel_loop3A_475, %parallel_loop3A_470 : vector<16xi1>, vector<16xf32>
          %parallel_loop3A_477 = tpu.bitcast %parallel_loop3A_476 : vector<16xf32> -> vector<16xi32>
          %parallel_loop3A_478 = arith.constant 20 : i32
          %parallel_loop3A_479 = vector.broadcast %parallel_loop3A_478 : i32 to vector<16xi32>
          %parallel_loop3A_480 = arith.shrui %parallel_loop3A_477, %parallel_loop3A_479 : vector<16xi32>
          %parallel_loop3A_481 = arith.constant 1016 : i32
          %parallel_loop3A_482 = vector.broadcast %parallel_loop3A_481 : i32 to vector<16xi32>
          %parallel_loop3A_483 = arith.subi %parallel_loop3A_482, %parallel_loop3A_480 : vector<16xi32>
          %parallel_loop3A_484 = arith.constant 0 : i32
          %parallel_loop3A_485 = vector.broadcast %parallel_loop3A_484 : i32 to vector<16xi32>
          %parallel_loop3A_486 = arith.addi %parallel_loop3A_465, %parallel_loop3A_485 : vector<16xi32>
          %parallel_loop3A_487 = arith.constant 1.000000e+00 : f32
          %parallel_loop3A_488 = vector.broadcast %parallel_loop3A_487 : f32 to vector<16xf32>
          tpu.vector_store_idx %arg6[%parallel_loop3A_486, %parallel_loop3A_483], %parallel_loop3A_488 {add = true} : memref<21x1024xf32, #tpu.memory_space<vmem>>[vector<16xi32>, vector<16xi32>], vector<16xf32>,
          %parallel_loop3A_489 = arith.constant 96 : i32
          %parallel_loop3A_490 = arith.addi %parallel_loop3A_320, %parallel_loop3A_489 : i32
          %parallel_loop3A_491 = arith.index_cast %and3A_283 : i32 to index
          %parallel_loop3A_492 = arith.index_cast %parallel_loop3A_490 : i32 to index
          %parallel_loop3A_493 = tpu.vector_load %arg11[%parallel_loop3A_491, %parallel_loop3A_492] {strides = array<i32>} : memref<2x16384xi32, #tpu.memory_space<vmem>>, vector<16xi32>,
          %parallel_loop3A_494 = arith.constant 96 : i32
          %parallel_loop3A_495 = arith.addi %parallel_loop3A_320, %parallel_loop3A_494 : i32
          %parallel_loop3A_496 = arith.index_cast %and3A_283 : i32 to index
          %parallel_loop3A_497 = arith.index_cast %parallel_loop3A_495 : i32 to index
          %parallel_loop3A_498 = tpu.vector_load %arg10[%parallel_loop3A_496, %parallel_loop3A_497] {strides = array<i32>} : memref<2x16384xf32, #tpu.memory_space<vmem>>, vector<16xf32>,
          %parallel_loop3A_499 = vector.broadcast %select_n3A_224 : i32 to vector<16xi32>
          %parallel_loop3A_500 = arith.cmpi eq, %parallel_loop3A_493, %parallel_loop3A_499 : vector<16xi32>
          %parallel_loop3A_501 = arith.constant 1.000000e+00 : f32
          %parallel_loop3A_502 = vector.broadcast %parallel_loop3A_501 : f32 to vector<16xf32>
          %parallel_loop3A_503 = arith.subf %parallel_loop3A_502, %parallel_loop3A_498 : vector<16xf32>
          %parallel_loop3A_504 = arith.select %parallel_loop3A_500, %parallel_loop3A_503, %parallel_loop3A_498 : vector<16xi1>, vector<16xf32>
          %parallel_loop3A_505 = tpu.bitcast %parallel_loop3A_504 : vector<16xf32> -> vector<16xi32>
          %parallel_loop3A_506 = arith.constant 20 : i32
          %parallel_loop3A_507 = vector.broadcast %parallel_loop3A_506 : i32 to vector<16xi32>
          %parallel_loop3A_508 = arith.shrui %parallel_loop3A_505, %parallel_loop3A_507 : vector<16xi32>
          %parallel_loop3A_509 = arith.constant 1016 : i32
          %parallel_loop3A_510 = vector.broadcast %parallel_loop3A_509 : i32 to vector<16xi32>
          %parallel_loop3A_511 = arith.subi %parallel_loop3A_510, %parallel_loop3A_508 : vector<16xi32>
          %parallel_loop3A_512 = arith.constant 0 : i32
          %parallel_loop3A_513 = vector.broadcast %parallel_loop3A_512 : i32 to vector<16xi32>
          %parallel_loop3A_514 = arith.addi %parallel_loop3A_493, %parallel_loop3A_513 : vector<16xi32>
          %parallel_loop3A_515 = arith.constant 1.000000e+00 : f32
          %parallel_loop3A_516 = vector.broadcast %parallel_loop3A_515 : f32 to vector<16xf32>
          tpu.vector_store_idx %arg6[%parallel_loop3A_514, %parallel_loop3A_511], %parallel_loop3A_516 {add = true} : memref<21x1024xf32, #tpu.memory_space<vmem>>[vector<16xi32>, vector<16xi32>], vector<16xf32>,
          %parallel_loop3A_517 = arith.constant 112 : i32
          %parallel_loop3A_518 = arith.addi %parallel_loop3A_320, %parallel_loop3A_517 : i32
          %parallel_loop3A_519 = arith.index_cast %and3A_283 : i32 to index
          %parallel_loop3A_520 = arith.index_cast %parallel_loop3A_518 : i32 to index
          %parallel_loop3A_521 = tpu.vector_load %arg11[%parallel_loop3A_519, %parallel_loop3A_520] {strides = array<i32>} : memref<2x16384xi32, #tpu.memory_space<vmem>>, vector<16xi32>,
          %parallel_loop3A_522 = arith.constant 112 : i32
          %parallel_loop3A_523 = arith.addi %parallel_loop3A_320, %parallel_loop3A_522 : i32
          %parallel_loop3A_524 = arith.index_cast %and3A_283 : i32 to index
          %parallel_loop3A_525 = arith.index_cast %parallel_loop3A_523 : i32 to index
          %parallel_loop3A_526 = tpu.vector_load %arg10[%parallel_loop3A_524, %parallel_loop3A_525] {strides = array<i32>} : memref<2x16384xf32, #tpu.memory_space<vmem>>, vector<16xf32>,
          %parallel_loop3A_527 = vector.broadcast %select_n3A_224 : i32 to vector<16xi32>
          %parallel_loop3A_528 = arith.cmpi eq, %parallel_loop3A_521, %parallel_loop3A_527 : vector<16xi32>
          %parallel_loop3A_529 = arith.constant 1.000000e+00 : f32
          %parallel_loop3A_530 = vector.broadcast %parallel_loop3A_529 : f32 to vector<16xf32>
          %parallel_loop3A_531 = arith.subf %parallel_loop3A_530, %parallel_loop3A_526 : vector<16xf32>
          %parallel_loop3A_532 = arith.select %parallel_loop3A_528, %parallel_loop3A_531, %parallel_loop3A_526 : vector<16xi1>, vector<16xf32>
          %parallel_loop3A_533 = tpu.bitcast %parallel_loop3A_532 : vector<16xf32> -> vector<16xi32>
          %parallel_loop3A_534 = arith.constant 20 : i32
          %parallel_loop3A_535 = vector.broadcast %parallel_loop3A_534 : i32 to vector<16xi32>
          %parallel_loop3A_536 = arith.shrui %parallel_loop3A_533, %parallel_loop3A_535 : vector<16xi32>
          %parallel_loop3A_537 = arith.constant 1016 : i32
          %parallel_loop3A_538 = vector.broadcast %parallel_loop3A_537 : i32 to vector<16xi32>
          %parallel_loop3A_539 = arith.subi %parallel_loop3A_538, %parallel_loop3A_536 : vector<16xi32>
          %parallel_loop3A_540 = arith.constant 0 : i32
          %parallel_loop3A_541 = vector.broadcast %parallel_loop3A_540 : i32 to vector<16xi32>
          %parallel_loop3A_542 = arith.addi %parallel_loop3A_521, %parallel_loop3A_541 : vector<16xi32>
          %parallel_loop3A_543 = arith.constant 1.000000e+00 : f32
          %parallel_loop3A_544 = vector.broadcast %parallel_loop3A_543 : f32 to vector<16xf32>
          tpu.vector_store_idx %arg6[%parallel_loop3A_542, %parallel_loop3A_539], %parallel_loop3A_544 {add = true} : memref<21x1024xf32, #tpu.memory_space<vmem>>[vector<16xi32>, vector<16xi32>], vector<16xf32>,
        } {sc.loop_unroll_factor = 1 : i64, sc.parallel_access}
        %scan3A_317 = arith.constant 0 : i32
        scf.yield %scan3A_317 : i32
      }
      %scan3A_260 = arith.constant 16 : i32
      %scan3A_261 = arith.constant 0.000000e+00 : f32
      %scan3A_262 = arith.constant 0 : i32
      %scan3A_263 = arith.constant 64 : i32
      %scan3A_264 = arith.addi %scan3A_262, %scan3A_263 : i32
      %scan3A_265 = arith.constant 1 : i32
      %scan3A_266 = scf.for %scan3A_280 = %scan3A_262 to %scan3A_264 step %scan3A_265 iter_args(%scan3A_281 = %scan3A_261) -> (f32)  : i32 {
        %mul3A_282 = arith.constant 16 : i32
        %mul3A_283 = arith.muli %scan3A_280, %mul3A_282 : i32
        %broadcast_in_dim3A_284 = arith.constant 0.000000e+00 : f32
        %broadcast_in_dim3A_285 = vector.broadcast %broadcast_in_dim3A_284 : f32 to vector<16xf32>
        %broadcast_in_dim3A_286 = arith.constant 0.000000e+00 : f32
        %broadcast_in_dim3A_287 = vector.broadcast %broadcast_in_dim3A_286 : f32 to vector<16xf32>
        %get3A = arith.constant 0 : i32
        %get3A_288 = arith.index_cast %get3A : i32 to index
        %get3A_289 = arith.index_cast %mul3A_283 : i32 to index
        %get3A_290 = tpu.vector_load %arg6[%get3A_288, %get3A_289] {strides = array<i32>} : memref<21x1024xf32, #tpu.memory_space<vmem>>, vector<16xf32>,
        %add3A_291 = arith.addf %broadcast_in_dim3A_285, %get3A_290 : vector<16xf32>
        %mul3A_292 = arith.constant 0.000000e+00 : f32
        %mul3A_293 = vector.broadcast %mul3A_292 : f32 to vector<16xf32>
        %mul3A_294 = arith.mulf %mul3A_293, %get3A_290 : vector<16xf32>
        %add3A_295 = arith.addf %broadcast_in_dim3A_287, %mul3A_294 : vector<16xf32>
        %get3A_296 = arith.constant 1 : i32
        %get3A_297 = arith.index_cast %get3A_296 : i32 to index
        %get3A_298 = arith.index_cast %mul3A_283 : i32 to index
        %get3A_299 = tpu.vector_load %arg6[%get3A_297, %get3A_298] {strides = array<i32>} : memref<21x1024xf32, #tpu.memory_space<vmem>>, vector<16xf32>,
        %add3A_300 = arith.addf %add3A_291, %get3A_299 : vector<16xf32>
        %mul3A_301 = arith.constant 1.000000e+00 : f32
        %mul3A_302 = vector.broadcast %mul3A_301 : f32 to vector<16xf32>
        %mul3A_303 = arith.mulf %mul3A_302, %get3A_299 : vector<16xf32>
        %add3A_304 = arith.addf %add3A_295, %mul3A_303 : vector<16xf32>
        %get3A_305 = arith.constant 2 : i32
        %get3A_306 = arith.index_cast %get3A_305 : i32 to index
        %get3A_307 = arith.index_cast %mul3A_283 : i32 to index
        %get3A_308 = tpu.vector_load %arg6[%get3A_306, %get3A_307] {strides = array<i32>} : memref<21x1024xf32, #tpu.memory_space<vmem>>, vector<16xf32>,
        %add3A_309 = arith.addf %add3A_300, %get3A_308 : vector<16xf32>
        %mul3A_310 = arith.constant 2.000000e+00 : f32
        %mul3A_311 = vector.broadcast %mul3A_310 : f32 to vector<16xf32>
        %mul3A_312 = arith.mulf %mul3A_311, %get3A_308 : vector<16xf32>
        %add3A_313 = arith.addf %add3A_304, %mul3A_312 : vector<16xf32>
        %get3A_314 = arith.constant 3 : i32
        %get3A_315 = arith.index_cast %get3A_314 : i32 to index
        %get3A_316 = arith.index_cast %mul3A_283 : i32 to index
        %get3A_317 = tpu.vector_load %arg6[%get3A_315, %get3A_316] {strides = array<i32>} : memref<21x1024xf32, #tpu.memory_space<vmem>>, vector<16xf32>,
        %add3A_318 = arith.addf %add3A_309, %get3A_317 : vector<16xf32>
        %mul3A_319 = arith.constant 3.000000e+00 : f32
        %mul3A_320 = vector.broadcast %mul3A_319 : f32 to vector<16xf32>
        %mul3A_321 = arith.mulf %mul3A_320, %get3A_317 : vector<16xf32>
        %add3A_322 = arith.addf %add3A_313, %mul3A_321 : vector<16xf32>
        %get3A_323 = arith.constant 4 : i32
        %get3A_324 = arith.index_cast %get3A_323 : i32 to index
        %get3A_325 = arith.index_cast %mul3A_283 : i32 to index
        %get3A_326 = tpu.vector_load %arg6[%get3A_324, %get3A_325] {strides = array<i32>} : memref<21x1024xf32, #tpu.memory_space<vmem>>, vector<16xf32>,
        %add3A_327 = arith.addf %add3A_318, %get3A_326 : vector<16xf32>
        %mul3A_328 = arith.constant 4.000000e+00 : f32
        %mul3A_329 = vector.broadcast %mul3A_328 : f32 to vector<16xf32>
        %mul3A_330 = arith.mulf %mul3A_329, %get3A_326 : vector<16xf32>
        %add3A_331 = arith.addf %add3A_322, %mul3A_330 : vector<16xf32>
        %get3A_332 = arith.constant 5 : i32
        %get3A_333 = arith.index_cast %get3A_332 : i32 to index
        %get3A_334 = arith.index_cast %mul3A_283 : i32 to index
        %get3A_335 = tpu.vector_load %arg6[%get3A_333, %get3A_334] {strides = array<i32>} : memref<21x1024xf32, #tpu.memory_space<vmem>>, vector<16xf32>,
        %add3A_336 = arith.addf %add3A_327, %get3A_335 : vector<16xf32>
        %mul3A_337 = arith.constant 5.000000e+00 : f32
        %mul3A_338 = vector.broadcast %mul3A_337 : f32 to vector<16xf32>
        %mul3A_339 = arith.mulf %mul3A_338, %get3A_335 : vector<16xf32>
        %add3A_340 = arith.addf %add3A_331, %mul3A_339 : vector<16xf32>
        %get3A_341 = arith.constant 6 : i32
        %get3A_342 = arith.index_cast %get3A_341 : i32 to index
        %get3A_343 = arith.index_cast %mul3A_283 : i32 to index
        %get3A_344 = tpu.vector_load %arg6[%get3A_342, %get3A_343] {strides = array<i32>} : memref<21x1024xf32, #tpu.memory_space<vmem>>, vector<16xf32>,
        %add3A_345 = arith.addf %add3A_336, %get3A_344 : vector<16xf32>
        %mul3A_346 = arith.constant 6.000000e+00 : f32
        %mul3A_347 = vector.broadcast %mul3A_346 : f32 to vector<16xf32>
        %mul3A_348 = arith.mulf %mul3A_347, %get3A_344 : vector<16xf32>
        %add3A_349 = arith.addf %add3A_340, %mul3A_348 : vector<16xf32>
        %get3A_350 = arith.constant 7 : i32
        %get3A_351 = arith.index_cast %get3A_350 : i32 to index
        %get3A_352 = arith.index_cast %mul3A_283 : i32 to index
        %get3A_353 = tpu.vector_load %arg6[%get3A_351, %get3A_352] {strides = array<i32>} : memref<21x1024xf32, #tpu.memory_space<vmem>>, vector<16xf32>,
        %add3A_354 = arith.addf %add3A_345, %get3A_353 : vector<16xf32>
        %mul3A_355 = arith.constant 7.000000e+00 : f32
        %mul3A_356 = vector.broadcast %mul3A_355 : f32 to vector<16xf32>
        %mul3A_357 = arith.mulf %mul3A_356, %get3A_353 : vector<16xf32>
        %add3A_358 = arith.addf %add3A_349, %mul3A_357 : vector<16xf32>
        %get3A_359 = arith.constant 8 : i32
        %get3A_360 = arith.index_cast %get3A_359 : i32 to index
        %get3A_361 = arith.index_cast %mul3A_283 : i32 to index
        %get3A_362 = tpu.vector_load %arg6[%get3A_360, %get3A_361] {strides = array<i32>} : memref<21x1024xf32, #tpu.memory_space<vmem>>, vector<16xf32>,
        %add3A_363 = arith.addf %add3A_354, %get3A_362 : vector<16xf32>
        %mul3A_364 = arith.constant 8.000000e+00 : f32
        %mul3A_365 = vector.broadcast %mul3A_364 : f32 to vector<16xf32>
        %mul3A_366 = arith.mulf %mul3A_365, %get3A_362 : vector<16xf32>
        %add3A_367 = arith.addf %add3A_358, %mul3A_366 : vector<16xf32>
        %get3A_368 = arith.constant 9 : i32
        %get3A_369 = arith.index_cast %get3A_368 : i32 to index
        %get3A_370 = arith.index_cast %mul3A_283 : i32 to index
        %get3A_371 = tpu.vector_load %arg6[%get3A_369, %get3A_370] {strides = array<i32>} : memref<21x1024xf32, #tpu.memory_space<vmem>>, vector<16xf32>,
        %add3A_372 = arith.addf %add3A_363, %get3A_371 : vector<16xf32>
        %mul3A_373 = arith.constant 9.000000e+00 : f32
        %mul3A_374 = vector.broadcast %mul3A_373 : f32 to vector<16xf32>
        %mul3A_375 = arith.mulf %mul3A_374, %get3A_371 : vector<16xf32>
        %add3A_376 = arith.addf %add3A_367, %mul3A_375 : vector<16xf32>
        %get3A_377 = arith.constant 10 : i32
        %get3A_378 = arith.index_cast %get3A_377 : i32 to index
        %get3A_379 = arith.index_cast %mul3A_283 : i32 to index
        %get3A_380 = tpu.vector_load %arg6[%get3A_378, %get3A_379] {strides = array<i32>} : memref<21x1024xf32, #tpu.memory_space<vmem>>, vector<16xf32>,
        %add3A_381 = arith.addf %add3A_372, %get3A_380 : vector<16xf32>
        %mul3A_382 = arith.constant 1.000000e+01 : f32
        %mul3A_383 = vector.broadcast %mul3A_382 : f32 to vector<16xf32>
        %mul3A_384 = arith.mulf %mul3A_383, %get3A_380 : vector<16xf32>
        %add3A_385 = arith.addf %add3A_376, %mul3A_384 : vector<16xf32>
        %get3A_386 = arith.constant 11 : i32
        %get3A_387 = arith.index_cast %get3A_386 : i32 to index
        %get3A_388 = arith.index_cast %mul3A_283 : i32 to index
        %get3A_389 = tpu.vector_load %arg6[%get3A_387, %get3A_388] {strides = array<i32>} : memref<21x1024xf32, #tpu.memory_space<vmem>>, vector<16xf32>,
        %add3A_390 = arith.addf %add3A_381, %get3A_389 : vector<16xf32>
        %mul3A_391 = arith.constant 1.100000e+01 : f32
        %mul3A_392 = vector.broadcast %mul3A_391 : f32 to vector<16xf32>
        %mul3A_393 = arith.mulf %mul3A_392, %get3A_389 : vector<16xf32>
        %add3A_394 = arith.addf %add3A_385, %mul3A_393 : vector<16xf32>
        %get3A_395 = arith.constant 12 : i32
        %get3A_396 = arith.index_cast %get3A_395 : i32 to index
        %get3A_397 = arith.index_cast %mul3A_283 : i32 to index
        %get3A_398 = tpu.vector_load %arg6[%get3A_396, %get3A_397] {strides = array<i32>} : memref<21x1024xf32, #tpu.memory_space<vmem>>, vector<16xf32>,
        %add3A_399 = arith.addf %add3A_390, %get3A_398 : vector<16xf32>
        %mul3A_400 = arith.constant 1.200000e+01 : f32
        %mul3A_401 = vector.broadcast %mul3A_400 : f32 to vector<16xf32>
        %mul3A_402 = arith.mulf %mul3A_401, %get3A_398 : vector<16xf32>
        %add3A_403 = arith.addf %add3A_394, %mul3A_402 : vector<16xf32>
        %get3A_404 = arith.constant 13 : i32
        %get3A_405 = arith.index_cast %get3A_404 : i32 to index
        %get3A_406 = arith.index_cast %mul3A_283 : i32 to index
        %get3A_407 = tpu.vector_load %arg6[%get3A_405, %get3A_406] {strides = array<i32>} : memref<21x1024xf32, #tpu.memory_space<vmem>>, vector<16xf32>,
        %add3A_408 = arith.addf %add3A_399, %get3A_407 : vector<16xf32>
        %mul3A_409 = arith.constant 1.300000e+01 : f32
        %mul3A_410 = vector.broadcast %mul3A_409 : f32 to vector<16xf32>
        %mul3A_411 = arith.mulf %mul3A_410, %get3A_407 : vector<16xf32>
        %add3A_412 = arith.addf %add3A_403, %mul3A_411 : vector<16xf32>
        %get3A_413 = arith.constant 14 : i32
        %get3A_414 = arith.index_cast %get3A_413 : i32 to index
        %get3A_415 = arith.index_cast %mul3A_283 : i32 to index
        %get3A_416 = tpu.vector_load %arg6[%get3A_414, %get3A_415] {strides = array<i32>} : memref<21x1024xf32, #tpu.memory_space<vmem>>, vector<16xf32>,
        %add3A_417 = arith.addf %add3A_408, %get3A_416 : vector<16xf32>
        %mul3A_418 = arith.constant 1.400000e+01 : f32
        %mul3A_419 = vector.broadcast %mul3A_418 : f32 to vector<16xf32>
        %mul3A_420 = arith.mulf %mul3A_419, %get3A_416 : vector<16xf32>
        %add3A_421 = arith.addf %add3A_412, %mul3A_420 : vector<16xf32>
        %get3A_422 = arith.constant 15 : i32
        %get3A_423 = arith.index_cast %get3A_422 : i32 to index
        %get3A_424 = arith.index_cast %mul3A_283 : i32 to index
        %get3A_425 = tpu.vector_load %arg6[%get3A_423, %get3A_424] {strides = array<i32>} : memref<21x1024xf32, #tpu.memory_space<vmem>>, vector<16xf32>,
        %add3A_426 = arith.addf %add3A_417, %get3A_425 : vector<16xf32>
        %mul3A_427 = arith.constant 1.500000e+01 : f32
        %mul3A_428 = vector.broadcast %mul3A_427 : f32 to vector<16xf32>
        %mul3A_429 = arith.mulf %mul3A_428, %get3A_425 : vector<16xf32>
        %add3A_430 = arith.addf %add3A_421, %mul3A_429 : vector<16xf32>
        %get3A_431 = arith.constant 16 : i32
        %get3A_432 = arith.index_cast %get3A_431 : i32 to index
        %get3A_433 = arith.index_cast %mul3A_283 : i32 to index
        %get3A_434 = tpu.vector_load %arg6[%get3A_432, %get3A_433] {strides = array<i32>} : memref<21x1024xf32, #tpu.memory_space<vmem>>, vector<16xf32>,
        %add3A_435 = arith.addf %add3A_426, %get3A_434 : vector<16xf32>
        %mul3A_436 = arith.constant 1.600000e+01 : f32
        %mul3A_437 = vector.broadcast %mul3A_436 : f32 to vector<16xf32>
        %mul3A_438 = arith.mulf %mul3A_437, %get3A_434 : vector<16xf32>
        %add3A_439 = arith.addf %add3A_430, %mul3A_438 : vector<16xf32>
        %get3A_440 = arith.constant 17 : i32
        %get3A_441 = arith.index_cast %get3A_440 : i32 to index
        %get3A_442 = arith.index_cast %mul3A_283 : i32 to index
        %get3A_443 = tpu.vector_load %arg6[%get3A_441, %get3A_442] {strides = array<i32>} : memref<21x1024xf32, #tpu.memory_space<vmem>>, vector<16xf32>,
        %add3A_444 = arith.addf %add3A_435, %get3A_443 : vector<16xf32>
        %mul3A_445 = arith.constant 1.700000e+01 : f32
        %mul3A_446 = vector.broadcast %mul3A_445 : f32 to vector<16xf32>
        %mul3A_447 = arith.mulf %mul3A_446, %get3A_443 : vector<16xf32>
        %add3A_448 = arith.addf %add3A_439, %mul3A_447 : vector<16xf32>
        %get3A_449 = arith.constant 18 : i32
        %get3A_450 = arith.index_cast %get3A_449 : i32 to index
        %get3A_451 = arith.index_cast %mul3A_283 : i32 to index
        %get3A_452 = tpu.vector_load %arg6[%get3A_450, %get3A_451] {strides = array<i32>} : memref<21x1024xf32, #tpu.memory_space<vmem>>, vector<16xf32>,
        %add3A_453 = arith.addf %add3A_444, %get3A_452 : vector<16xf32>
        %mul3A_454 = arith.constant 1.800000e+01 : f32
        %mul3A_455 = vector.broadcast %mul3A_454 : f32 to vector<16xf32>
        %mul3A_456 = arith.mulf %mul3A_455, %get3A_452 : vector<16xf32>
        %add3A_457 = arith.addf %add3A_448, %mul3A_456 : vector<16xf32>
        %get3A_458 = arith.constant 19 : i32
        %get3A_459 = arith.index_cast %get3A_458 : i32 to index
        %get3A_460 = arith.index_cast %mul3A_283 : i32 to index
        %get3A_461 = tpu.vector_load %arg6[%get3A_459, %get3A_460] {strides = array<i32>} : memref<21x1024xf32, #tpu.memory_space<vmem>>, vector<16xf32>,
        %add3A_462 = arith.addf %add3A_453, %get3A_461 : vector<16xf32>
        %mul3A_463 = arith.constant 1.900000e+01 : f32
        %mul3A_464 = vector.broadcast %mul3A_463 : f32 to vector<16xf32>
        %mul3A_465 = arith.mulf %mul3A_464, %get3A_461 : vector<16xf32>
        %add3A_466 = arith.addf %add3A_457, %mul3A_465 : vector<16xf32>
        %get3A_467 = arith.constant 20 : i32
        %get3A_468 = arith.index_cast %get3A_467 : i32 to index
        %get3A_469 = arith.index_cast %mul3A_283 : i32 to index
        %get3A_470 = tpu.vector_load %arg6[%get3A_468, %get3A_469] {strides = array<i32>} : memref<21x1024xf32, #tpu.memory_space<vmem>>, vector<16xf32>,
        %add3A_471 = arith.addf %add3A_462, %get3A_470 : vector<16xf32>
        %mul3A_472 = arith.constant 2.000000e+01 : f32
        %mul3A_473 = vector.broadcast %mul3A_472 : f32 to vector<16xf32>
        %mul3A_474 = arith.mulf %mul3A_473, %get3A_470 : vector<16xf32>
        %add3A_475 = arith.addf %add3A_466, %mul3A_474 : vector<16xf32>
        %swap3A_476 = arith.index_cast %mul3A_283 : i32 to index
        %swap3A_477 = tpu.vector_load %arg7[%swap3A_476] {strides = array<i32>} : memref<1024xf32, #tpu.memory_space<vmem>>, vector<16xf32>,
        tpu.vector_store %arg7[%swap3A_476], %add3A_471 {strides = array<i32>} : memref<1024xf32, #tpu.memory_space<vmem>>, vector<16xf32>,
        %swap3A_478 = arith.index_cast %mul3A_283 : i32 to index
        %swap3A_479 = tpu.vector_load %arg8[%swap3A_478] {strides = array<i32>} : memref<1024xf32, #tpu.memory_space<vmem>>, vector<16xf32>,
        tpu.vector_store %arg8[%swap3A_478], %add3A_475 {strides = array<i32>} : memref<1024xf32, #tpu.memory_space<vmem>>, vector<16xf32>,
        %reduce_sum3A = arith.constant true
        %reduce_sum3A_480 = vector.broadcast %reduce_sum3A : i1 to vector<16xi1>
        %reduce_sum3A_481 = tpu.scan <sum>, %add3A_475 masked %reduce_sum3A_480 : vector<16xf32>, vector<16xi1> -> vector<16xf32>
        %reduce_sum3A_482 = vector.extract %reduce_sum3A_481[15] : f32 from vector<16xf32>
        %add3A_483 = arith.addf %scan3A_281, %reduce_sum3A_482 : f32
        scf.yield %add3A_483 : f32
      }
      %scan3A_267 = arith.constant 64 : i32
      %scan3A_268 = arith.constant 0.000000e+00 : f32
      %scan3A_269 = arith.constant 0.000000e+00 : f32
      %scan3A_270 = arith.constant 0.000000e+00 : f32
      %scan3A_271 = arith.constant 0 : i32
      %scan3A_272 = arith.constant 64 : i32
      %scan3A_273 = arith.addi %scan3A_271, %scan3A_272 : i32
      %scan3A_274 = arith.constant 1 : i32
      %scan3A_275:3 = scf.for %scan3A_280 = %scan3A_271 to %scan3A_273 step %scan3A_274 iter_args(%scan3A_281 = %scan3A_268, %scan3A_282 = %scan3A_269, %scan3A_283 = %scan3A_270) -> (f32, f32, f32)  : i32 {
        %mul3A_284 = arith.constant 16 : i32
        %mul3A_285 = arith.muli %scan3A_280, %mul3A_284 : i32
        %get3A = arith.index_cast %mul3A_285 : i32 to index
        %get3A_286 = tpu.vector_load %arg7[%get3A] {strides = array<i32>} : memref<1024xf32, #tpu.memory_space<vmem>>, vector<16xf32>,
        %get3A_287 = arith.index_cast %mul3A_285 : i32 to index
        %get3A_288 = tpu.vector_load %arg8[%get3A_287] {strides = array<i32>} : memref<1024xf32, #tpu.memory_space<vmem>>, vector<16xf32>,
        %get3A_289 = arith.index_cast %mul3A_285 : i32 to index
        %get3A_290 = tpu.vector_load %arg9[%get3A_289] {strides = array<i32>} : memref<1024xf32, #tpu.memory_space<vmem>>, vector<16xf32>,
        %broadcast_in_dim3A_291 = arith.constant true
        %broadcast_in_dim3A_292 = vector.broadcast %broadcast_in_dim3A_291 : i1 to vector<16xi1>
        %masked_cumsum3A = tpu.scan <sum>, %get3A_286 masked %broadcast_in_dim3A_292 : vector<16xf32>, vector<16xi1> -> vector<16xf32>
        %add3A_293 = vector.broadcast %scan3A_281 : f32 to vector<16xf32>
        %add3A_294 = arith.addf %masked_cumsum3A, %add3A_293 : vector<16xf32>
        %broadcast_in_dim3A_295 = arith.constant true
        %broadcast_in_dim3A_296 = vector.broadcast %broadcast_in_dim3A_295 : i1 to vector<16xi1>
        %masked_cumsum3A_297 = tpu.scan <sum>, %get3A_288 masked %broadcast_in_dim3A_296 : vector<16xf32>, vector<16xi1> -> vector<16xf32>
        %add3A_298 = vector.broadcast %scan3A_282 : f32 to vector<16xf32>
        %add3A_299 = arith.addf %masked_cumsum3A_297, %add3A_298 : vector<16xf32>
        %sub3A_300 = vector.broadcast %scan3A_266 : f32 to vector<16xf32>
        %sub3A_301 = arith.subf %sub3A_300, %add3A_299 : vector<16xf32>
        %add3A_302 = vector.broadcast %scan3A_266 : f32 to vector<16xf32>
        %add3A_303 = arith.addf %add3A_302, %add3A_294 : vector<16xf32>
        %sub3A_304 = arith.subf %add3A_303, %add3A_299 : vector<16xf32>
        %div3A_305 = arith.divf %sub3A_301, %sub3A_304 : vector<16xf32>
        %sub3A_306 = arith.constant 1.000000e+00 : f32
        %sub3A_307 = vector.broadcast %sub3A_306 : f32 to vector<16xf32>
        %sub3A_308 = arith.subf %sub3A_307, %div3A_305 : vector<16xf32>
        %sub3A_309 = arith.subf %add3A_294, %get3A_286 : vector<16xf32>
        %sub3A_310 = arith.subf %add3A_299, %get3A_288 : vector<16xf32>
        %sub3A_311 = vector.broadcast %scan3A_266 : f32 to vector<16xf32>
        %sub3A_312 = arith.subf %sub3A_311, %sub3A_310 : vector<16xf32>
        %add3A_313 = vector.broadcast %scan3A_266 : f32 to vector<16xf32>
        %add3A_314 = arith.addf %add3A_313, %sub3A_309 : vector<16xf32>
        %sub3A_315 = arith.subf %add3A_314, %sub3A_310 : vector<16xf32>
        %div3A_316 = arith.divf %sub3A_312, %sub3A_315 : vector<16xf32>
        %sub3A_317 = arith.constant 1.000000e+00 : f32
        %sub3A_318 = vector.broadcast %sub3A_317 : f32 to vector<16xf32>
        %sub3A_319 = arith.subf %sub3A_318, %div3A_316 : vector<16xf32>
        %gt3A = arith.constant 0.000000e+00 : f32
        %gt3A_320 = vector.broadcast %gt3A : f32 to vector<16xf32>
        %gt3A_321 = arith.cmpf ogt, %get3A_286, %gt3A_320 : vector<16xf32>
        %sub3A_322 = arith.subf %sub3A_308, %sub3A_319 : vector<16xf32>
        %mul3A_323 = arith.mulf %get3A_290, %sub3A_322 : vector<16xf32>
        %jit3A_324 = arith.constant 0.000000e+00 : f32
        %broadcast_in_dim3A_325 = vector.broadcast %jit3A_324 : f32 to vector<16xf32>
        %select_n3A_326 = arith.select %gt3A_321, %mul3A_323, %broadcast_in_dim3A_325 : vector<16xi1>, vector<16xf32>
        %reduce_sum3A = arith.constant true
        %reduce_sum3A_327 = vector.broadcast %reduce_sum3A : i1 to vector<16xi1>
        %reduce_sum3A_328 = tpu.scan <sum>, %get3A_286 masked %reduce_sum3A_327 : vector<16xf32>, vector<16xi1> -> vector<16xf32>
        %reduce_sum3A_329 = vector.extract %reduce_sum3A_328[15] : f32 from vector<16xf32>
        %add3A_330 = arith.addf %scan3A_281, %reduce_sum3A_329 : f32
        %reduce_sum3A_331 = arith.constant true
        %reduce_sum3A_332 = vector.broadcast %reduce_sum3A_331 : i1 to vector<16xi1>
        %reduce_sum3A_333 = tpu.scan <sum>, %get3A_288 masked %reduce_sum3A_332 : vector<16xf32>, vector<16xi1> -> vector<16xf32>
        %reduce_sum3A_334 = vector.extract %reduce_sum3A_333[15] : f32 from vector<16xf32>
        %add3A_335 = arith.addf %scan3A_282, %reduce_sum3A_334 : f32
        %reduce_sum3A_336 = arith.constant true
        %reduce_sum3A_337 = vector.broadcast %reduce_sum3A_336 : i1 to vector<16xi1>
        %reduce_sum3A_338 = tpu.scan <sum>, %select_n3A_326 masked %reduce_sum3A_337 : vector<16xf32>, vector<16xi1> -> vector<16xf32>
        %reduce_sum3A_339 = vector.extract %reduce_sum3A_338[15] : f32 from vector<16xf32>
        %add3A_340 = arith.addf %scan3A_283, %reduce_sum3A_339 : f32
        scf.yield %add3A_330, %add3A_335, %add3A_340 : f32, f32, f32
      }
      %scan3A_276 = arith.constant 64 : i32
      %broadcast_in_dim3A_277 = vector.broadcast %scan3A_275#2 : f32 to vector<16xf32>
      %swap3A_278 = arith.constant 0 : index
      %swap3A_279 = tpu.vector_load %arg12[%swap3A_278] {strides = array<i32>} : memref<16xf32, #tpu.memory_space<vmem>>, vector<16xf32>,
      tpu.vector_store %arg12[%swap3A_278], %broadcast_in_dim3A_277 {strides = array<i32>} : memref<16xf32, #tpu.memory_space<vmem>>, vector<16xf32>,
      "tpu.region"() ({
        %run_scoped3A = tpu.sem_alloc : memref<!tpu.dma_semaphore, #tpu.memory_space<semaphore_mem>>
        %dma_start3A_280 = arith.constant 0 : i32
        %dma_start3A_281 = tpu.memref_slice %arg5[%add3A_181, %dma_start3A_280] : memref<84x16xf32, #tpu.memory_space<hbm>> -> memref<1x16xf32, #tpu.memory_space<hbm>>
        %dma_start3A_282 = tpu.memref_squeeze %dma_start3A_281 : memref<1x16xf32, #tpu.memory_space<hbm>> -> memref<16xf32, #tpu.memory_space<hbm>>
        %dma_start3A_283 = arith.constant 0 : i32
        %dma_start3A_284 = tpu.memref_slice %arg5[%add3A_181, %dma_start3A_283] : memref<84x16xf32, #tpu.memory_space<hbm>> -> memref<1x16xf32, #tpu.memory_space<hbm>>
        %dma_start3A_285 = tpu.memref_squeeze %dma_start3A_284 : memref<1x16xf32, #tpu.memory_space<hbm>> -> memref<16xf32, #tpu.memory_space<hbm>>
        tpu.enqueue_dma source(%arg12 : memref<16xf32, #tpu.memory_space<vmem>>) target(%dma_start3A_285 : memref<16xf32, #tpu.memory_space<hbm>>) target_semaphore(%run_scoped3A : memref<!tpu.dma_semaphore, #tpu.memory_space<semaphore_mem>>)
        %dma_wait3A = arith.constant 0 : i32
        %dma_wait3A_286 = tpu.memref_slice %arg5[%add3A_181, %dma_wait3A] : memref<84x16xf32, #tpu.memory_space<hbm>> -> memref<1x16xf32, #tpu.memory_space<hbm>>
        %dma_wait3A_287 = tpu.memref_squeeze %dma_wait3A_286 : memref<1x16xf32, #tpu.memory_space<hbm>> -> memref<16xf32, #tpu.memory_space<hbm>>
        %dma_wait3A_288 = arith.constant 0 : i32
        %dma_wait3A_289 = tpu.memref_slice %arg5[%add3A_181, %dma_wait3A_288] : memref<84x16xf32, #tpu.memory_space<hbm>> -> memref<1x16xf32, #tpu.memory_space<hbm>>
        %dma_wait3A_290 = tpu.memref_squeeze %dma_wait3A_289 : memref<1x16xf32, #tpu.memory_space<hbm>> -> memref<16xf32, #tpu.memory_space<hbm>>
        tpu.wait_dma2 semaphore(%run_scoped3A : memref<!tpu.dma_semaphore, #tpu.memory_space<semaphore_mem>>) src(%arg12 : memref<16xf32, #tpu.memory_space<vmem>>) dst(%dma_wait3A_290 : memref<16xf32, #tpu.memory_space<hbm>>)
        tpu.yield
      }) : () -> ()
    } else {
    }
    return
  }
}

module attributes {stable_mosaic.version = 14 : i64} {
  func.func @_softmax_body(%arg0: i32, %arg1: i32, %arg2: memref<1x21x16x512xf32, #tpu.memory_space<vmem>>, %arg3: memref<1x21x8192xf32, #tpu.memory_space<vmem>>) attributes {dimension_semantics = [#tpu.dimension_semantics<arbitrary>, #tpu.dimension_semantics<arbitrary>], iteration_bounds = array<i64: 4, 32>, scalar_prefetch = 0 : i64, scratch_operands = 0 : i64, tpu.core_type = #tpu.core_type<tc>, window_params = [{transform_indices = @transform_0, window_bounds = array<i64: 1, 21, 16, 512>}, {transform_indices = @transform_1, window_bounds = array<i64: 1, 21, 8192>}]} {
    %get3A = arith.constant 0 : index
    %get3A_0 = arith.constant 0 : index
    %get3A_1 = arith.constant 0 : index
    %get3A_2 = arith.constant 0 : index
    %get3A_3 = vector.load %arg2[%get3A, %get3A_0, %get3A_1, %get3A_2] : memref<1x21x16x512xf32, #tpu.memory_space<vmem>>, vector<1x21x16x512xf32>
    %get3A_4 = vector.shape_cast %get3A_3 : vector<1x21x16x512xf32> to vector<21x16x512xf32>
    %reduce_max3A = arith.constant dense<0xFF800000> : vector<16x512xf32>
    %reduce_max3A_5 = vector.multi_reduction <maximumf>, %get3A_4, %reduce_max3A [0] : vector<21x16x512xf32> to vector<16x512xf32>
    %broadcast_in_dim3A = vector.shape_cast %reduce_max3A_5 : vector<16x512xf32> to vector<1x16x512xf32>
    %sub3A = vector.broadcast %broadcast_in_dim3A : vector<1x16x512xf32> to vector<21x16x512xf32>
    %sub3A_6 = arith.subf %get3A_4, %sub3A : vector<21x16x512xf32>
    %exp3A = math.exp %sub3A_6 : vector<21x16x512xf32>
    %reduce_sum3A = arith.constant dense<0.000000e+00> : vector<16x512xf32>
    %reduce_sum3A_7 = vector.multi_reduction <add>, %exp3A, %reduce_sum3A [0] : vector<21x16x512xf32> to vector<16x512xf32>
    %broadcast_in_dim3A_8 = vector.shape_cast %reduce_sum3A_7 : vector<16x512xf32> to vector<1x16x512xf32>
    %div3A = vector.broadcast %broadcast_in_dim3A_8 : vector<1x16x512xf32> to vector<21x16x512xf32>
    %div3A_9 = arith.divf %exp3A, %div3A : vector<21x16x512xf32>
    %reshape3A = vector.shape_cast %div3A_9 : vector<21x16x512xf32> to vector<21x8192xf32>
    %swap3A = arith.constant 0 : index
    %swap3A_10 = arith.constant 0 : index
    %swap3A_11 = arith.constant 0 : index
    %swap3A_12 = vector.load %arg3[%swap3A, %swap3A_10, %swap3A_11] : memref<1x21x8192xf32, #tpu.memory_space<vmem>>, vector<1x21x8192xf32>
    %swap3A_13 = vector.shape_cast %swap3A_12 : vector<1x21x8192xf32> to vector<21x8192xf32>
    %swap3A_14 = vector.shape_cast %reshape3A : vector<21x8192xf32> to vector<1x21x8192xf32>
    tpu.vector_store %arg3[%swap3A, %swap3A_10, %swap3A_11], %swap3A_14 {strides = array<i32>} : memref<1x21x8192xf32, #tpu.memory_space<vmem>>, vector<1x21x8192xf32>,
    return
  }
  func.func @transform_0(%arg0: i32, %arg1: i32) -> (i32, i32, i32, i32) {
    %c0_i32 = arith.constant 0 : i32
    %c0_i32_0 = arith.constant 0 : i32
    %c0_i32_1 = arith.constant 0 : i32
    return %arg0, %c0_i32, %arg1, %c0_i32_0 : i32, i32, i32, i32
  }
  func.func @transform_1(%arg0: i32, %arg1: i32) -> (i32, i32, i32) {
    %c0_i32 = arith.constant 0 : i32
    %c0_i32_0 = arith.constant 0 : i32
    return %arg0, %c0_i32, %arg1 : i32, i32, i32
  }
}

module attributes {stable_mosaic.version = 14 : i64} {
  func.func @_mean_body(%arg0: memref<84x16xf32, #tpu.memory_space<vmem>>, %arg1: memref<1x1xf32, #tpu.memory_space<vmem>>) attributes {dimension_semantics = [], scalar_prefetch = 0 : i64, scratch_operands = 0 : i64, tpu.core_type = #tpu.core_type<tc>} {
    %get3A = arith.constant 0 : index
    %get3A_0 = arith.constant 0 : index
    %get3A_1 = vector.load %arg0[%get3A, %get3A_0] : memref<84x16xf32, #tpu.memory_space<vmem>>, vector<84x16xf32>
    %reduce_sum3A = vector.shape_cast %get3A_1 : vector<84x16xf32> to vector<1x84x16xf32>
    %reduce_sum3A_2 = arith.constant dense<0.000000e+00> : vector<1xf32>
    %reduce_sum3A_3 = vector.multi_reduction <add>, %reduce_sum3A, %reduce_sum3A_2 [1, 2] : vector<1x84x16xf32> to vector<1xf32>
    %reduce_sum3A_4 = vector.shape_cast %reduce_sum3A_3 : vector<1xf32> to vector<1x1x1xf32>
    %reduce_sum3A_5 = vector.extract %reduce_sum3A_4[0, 0, 0] : f32 from vector<1x1x1xf32>
    %broadcast_in_dim3A = vector.broadcast %reduce_sum3A_5 : f32 to vector<1x1xf32>
    %mul3A = arith.constant 7.44047633E-4 : f32
    %mul3A_6 = vector.broadcast %mul3A : f32 to vector<1x1xf32>
    %mul3A_7 = arith.mulf %broadcast_in_dim3A, %mul3A_6 : vector<1x1xf32>
    %swap3A = arith.constant 0 : index
    %swap3A_8 = arith.constant 0 : index
    %swap3A_9 = vector.load %arg1[%swap3A, %swap3A_8] : memref<1x1xf32, #tpu.memory_space<vmem>>, vector<1x1xf32>
    tpu.vector_store %arg1[%swap3A, %swap3A_8], %mul3A_7 {strides = array<i32>} : memref<1x1xf32, #tpu.memory_space<vmem>>, vector<1x1xf32>,
    return
  }
}

</mosaic_0001>

<sc_bundles>
// kernel: kernel.5.cloned.1.call-start
scs
__scs_entry_jumppad:
0x0: {  	(pc) =	sbr.rel $0x88, $3  }
0x1: {  	(tag) =	ssettag $0x0;
	lr =	simm.s32 $0x1  }
0x2: {  	[smem:$0x3F9F] =	sst lr;
	_ =	strace $0xD0000000  }
0x3: {  	_ = 	snop  }
0x4: {  	_ = 	snop  }
0x5: {  	_ = 	snop  }
0x6: {  	_ = 	snop  }
0x7: {  	_ = 	snop  }
__scs_overlays_trampoline_lowered:
0x8: {  	[smem:$0x3FAE] =	sst s0  }
0x9: {  	[smem:$0x3FAF] =	sst s1  }
0xa: {  	[smem:$0x3FB0] =	sst s2  }
0xb: {  	[smem:$0x3FB1] =	sst s3  }
0xc: {  	[smem:$0x3FB2] =	sst s4  }
0xd: {  	[smem:$0x3FB3] =	sst s5  }
0xe: {  	[smem:$0x3FB4] =	sst s6  }
0xf: {  	[smem:$0x3FB5] =	sst s7  }
0x10: {  	[smem:$0x3FB6] =	sst s8  }
0x11: {  	[smem:$0x3FB7] =	sst s9;
	s0 =	simm.s32 @!p0 $0x0  }
0x12: {  	s1 =	sld [smem:$0x3F9D];
	s0 =	simm.s32 @p0 $0x1  }
0x13: {  	[smem:$0x3FB8] =	sst s0;
	s0 =	simm.s32 @!p1 $0x0  }
0x14: {  	s2 =	sld [smem:$0x3F9C];
	s0 =	simm.s32 @p1 $0x1  }
0x15: {  	[smem:$0x3FB9] =	sst s0;
	s0 =	simm.s32 @!p2 $0x0  }
0x16: {  	s3 =	sld [smem:$0x3FDB];
	s0 =	simm.s32 @p2 $0x1  }
0x17: {  	s4 =	simm.s32 $0x1BF5;
	[smem:$0x3FBB] =	sst s0  }
0x18: {  	s0 =	sld [smem:$0x3F9E];
	_ =	swait.ge [sflag:s4], $0x0  }
0x19: {  	s7 =	sld [smem:$0x3F9F]  }
0x1a: {  	s8 =	sadd.s32 $0xFFFFE003, lr  }
0x1b: {  	s9 =	sadd.s32 $0xFFFFFEF7, lr;
	s5 =	simm.s32 $0xFFFFFFFF;
	p2 =	slt.u32 s8, $0xFFFFF086  }
0x1c: {  	p1 =	slt.u32 s9, $0xF7A;
	s5 =	simm.s32 @!p2 $0x0  }
0x1d: {  	s5 =	simm.s32 @p1 $0x1;
	p0 =	seq.s32 s7, s2  }
0x1e: {  	s7 =	smul.u32 @!p0 $0xF7A, s2;
	p2 =	seq.s32 @!p0 s5, $0x0  }
0x1f: {  	s9 =	smul.u32 $0xF7A, s1;
	s8 =	simm.s32 @!p0 $0x1BF5;
	p2 =	por !p2, p0  }
0x20: {  	[sflag:s8] =	ssyncset.s32 @!p0 $0xFFFFF086;
	s6 =	sadd.s32 @!p0 s3, s7;
	s7 =	simm.s32 @!p0 $0x108  }
0x21: {  	s3 =	sadd.s32 s3, s9;
	s6 =	sadd.s32 @!p0 $0x88, s6;
	s7 =	simm.s32 @p2 $0x1082  }
0x22: {  	[simem:s7], [sflag:s8] =	dma.local @!p0 [hbm:s6], $0xF7A  }
0x23: {  	s9 =	sor.u32 $0xD0000000, s2;
	s6 =	simm.s32 $0x108;
	_ =	swait.ge @!p0 [sflag:s8], $0x0  }
0x24: {  	s3 =	sadd.s32 $0x88, s3;
	s6 =	simm.s32 @!p1 $0x1082;
	[sflag:s4] =	ssyncset.s32 $0xFFFFF086  }
0x25: {  	[simem:s6], [sflag:s4] =	dma.local [hbm:s3], $0xF7A  }
0x26: {  	[smem:$0x3F9F] =	sst s1;
	(tag) =	ssettag s2;
	_ =	strace s9  }
0x27: {  	s1 =	sld [smem:$0x3FAF]  }
0x28: {  	s2 =	sld [smem:$0x3FB0]  }
0x29: {  	s4 =	sld [smem:$0x3FB2]  }
0x2a: {  	p0 =	seq.s32 s5, $0x0;
	s5 =	sld [smem:$0x3FB3]  }
0x2b: {  	s6 =	sld [smem:$0x3FB4]  }
0x2c: {  	s7 =	sld [smem:$0x3FB5]  }
0x2d: {  	s3 =	simm.s32 $0x108;
	s8 =	sld [smem:$0x3FB6]  }
0x2e: {  	s3 =	simm.s32 @!p0 $0x1082;
	s9 =	sld [smem:$0x3FB7]  }
0x2f: {  	lr =	sadd.s32 s0, s3;
	s0 =	sld [smem:$0x3FAE]  }
0x30: {  	s3 =	sld [smem:$0x3FB1]  }
0x31: {  	[smem:$0x3FBA] =	sst s10  }
0x32: {  	s10 =	sld [smem:$0x3FB8];
	_ =	sdelay $0x3  }
0x33: {  	p0 =	seq.s32 s10, $0x1;
	s10 =	sld [smem:$0x3FBA];
	_ =	sdelay $0x3  }
0x34: {  	[smem:$0x3FBA] =	sst s10  }
0x35: {  	s10 =	sld [smem:$0x3FB9];
	_ =	sdelay $0x3  }
0x36: {  	p1 =	seq.s32 s10, $0x1;
	s10 =	sld [smem:$0x3FBA];
	_ =	sdelay $0x3  }
0x37: {  	[smem:$0x3FBA] =	sst s10  }
0x38: {  	s10 =	sld [smem:$0x3FBB]  }
0x39: {  	_ = 	snop;
	(pc) =	sbr.ind lr, $3  }
0x3a: {  	_ = 	snop  }
0x3b: {  	_ = 	snop  }
0x3c: {  	p2 =	seq.s32 s10, $0x1;
	s10 =	sld [smem:$0x3FBA]  }
0x3d: {  	_ =	shalt  }
0x3e: {  	_ =	shalt  }
0x3f: {  	_ =	shalt  }
0x40: {  	_ =	shalt  }
0x41: {  	_ =	shalt  }
0x42: {  	_ =	shalt  }
0x43: {  	_ =	shalt  }
0x44: {  	_ =	shalt  }
0x45: {  	_ =	shalt  }
0x46: {  	_ =	shalt  }
0x47: {  	_ =	shalt  }
0x48: {  	_ =	shalt  }
0x49: {  	_ =	shalt  }
0x4a: {  	_ =	shalt  }
0x4b: {  	_ =	shalt  }
0x4c: {  	_ =	shalt  }
0x4d: {  	_ =	shalt  }
0x4e: {  	_ =	shalt  }
0x4f: {  	_ =	shalt  }
0x50: {  	_ =	shalt  }
0x51: {  	_ =	shalt  }
0x52: {  	_ =	shalt  }
0x53: {  	_ =	shalt  }
0x54: {  	_ =	shalt  }
0x55: {  	_ =	shalt  }
0x56: {  	_ =	shalt  }
0x57: {  	_ =	shalt  }
0x58: {  	_ =	shalt  }
0x59: {  	_ =	shalt  }
0x5a: {  	_ =	shalt  }
0x5b: {  	_ =	shalt  }
0x5c: {  	_ =	shalt  }
0x5d: {  	_ =	shalt  }
0x5e: {  	_ =	shalt  }
0x5f: {  	_ =	shalt  }
0x60: {  	_ =	shalt  }
0x61: {  	_ =	shalt  }
0x62: {  	_ =	shalt  }
0x63: {  	_ =	shalt  }
0x64: {  	_ =	shalt  }
0x65: {  	_ =	shalt  }
0x66: {  	_ =	shalt  }
0x67: {  	_ =	shalt  }
0x68: {  	_ =	shalt  }
0x69: {  	_ =	shalt  }
0x6a: {  	_ =	shalt  }
0x6b: {  	_ =	shalt  }
0x6c: {  	_ =	shalt  }
0x6d: {  	_ =	shalt  }
0x6e: {  	_ =	shalt  }
0x6f: {  	_ =	shalt  }
0x70: {  	_ =	shalt  }
0x71: {  	_ =	shalt  }
0x72: {  	_ =	shalt  }
0x73: {  	_ =	shalt  }
0x74: {  	_ =	shalt  }
0x75: {  	_ =	shalt  }
0x76: {  	_ =	shalt  }
0x77: {  	_ =	shalt  }
0x78: {  	_ =	shalt  }
0x79: {  	_ =	shalt  }
0x7a: {  	_ =	shalt  }
0x7b: {  	_ =	shalt  }
0x7c: {  	_ =	shalt  }
0x7d: {  	_ =	shalt  }
0x7e: {  	_ =	shalt  }
0x7f: {  	_ =	shalt  }
0x80: {  	_ =	shalt  }
0x81: {  	_ =	shalt  }
0x82: {  	_ =	shalt  }
0x83: {  	_ =	shalt  }
0x84: {  	_ =	shalt  }
0x85: {  	_ =	shalt  }
0x86: {  	_ =	shalt  }
0x87: {  	_ =	shalt  }
.Lfunc_end0:
.L_simem_size_0:
called_computation_lowered:
.L_overlay_start_0:
0x88: {  	s2 =	sld [smem:$0x3FD9]  }
0x89: {  	s3 =	sld [smem:$0x3FFE];
	_ =	sdelay $0x1  }
0x8a: {  	s1 =	srdreg.scid  }
0x8b: {  	s0 =	sand.u32 $0x1, s1  }
0x8c: {  	s16 =	sshll.u32 s0, $0xA;
	s2 =	sadd.s32 s3, s2  }
0x8d: {  	s2 =	sadd.s32 s2, s16  }
0x8e: {  	[smem:$0x3FC6] =	sst s2  }
0x8f: {  	_ = 	snop  }
0x90: {  	(tm) =	ssettm $0x1  }
0x91: {  	s17 =	sld [smem:$0x3FFB];
	_ =	sdelay $0x3  }
0x92: {  	_ =	strace s17  }
0x93: {  	s2 =	sld [smem:$0x3FFC];
	_ =	sdelay $0x3  }
0x94: {  	_ =	strace s2  }
0x95: {  	s2 =	sld [smem:$0x3FFD];
	_ =	sdelay $0x3  }
0x96: {  	_ =	strace s2  }
0x97: {  	_ =	strace $0x8FFFFFFF  }
0x98: {  	s18 =	sld [smem:$0x3FDB];
	_ =	sdelay $0x1  }
0x99: {  	s19 =	simm.s32 $_scs_section_size  }
0x9a: {  	s4 =	simm.s32 $_size__tile_overlayer_lowered;
	s5 =	simm.s32 $_tile_overlayer_lowered  }
0x9b: {  	s22 =	simm.s32 $0x1BFF;
	s21 =	sshll.u32 s5, $0x1;
	s2 =	sadd.s32 s19, s18  }
0x9c: {  	s6 =	simm.s32 $0x0;
	s20 =	sshll.u32 s4, $0x1;
	s4 =	sadd.s32 s21, s2  }
0x9d: {  	[timem:s6], [sflag:s22] =	dma.local [hbm:s4], s20  }
0x9e: {  	_ =	swait.ge [sflag:s22], s20  }
0x9f: {  	s3 =	ssub.s32 $0x0, s20;
	[sflag:s22] =	ssyncset.done $0x0  }
0xa0: {  	[sflag:s22] =	ssyncadd.s32 s3;
	_ =	sdelay $0x1  }
0xa1: {  	s23 =	simm.s32 $0x1B8B  }
0xa2: {  	_ =	swait.ge [sflag:s23], $0x1  }
0xa3: {  	[sflag:s23] =	ssyncset.done $0x0  }
0xa4: {  	s25 =	simm.s32 $0x1B8E;
	s24 =	sld [smem:$0x3FFE];
	[sflag:s23] =	ssyncadd.s32 $0xFFFFFFFF  }
0xa5: {  	s26 =	simm.s32 $execute0_lowered;
	[smem:$0x3FD2] =	sst s25  }
0xa6: {  	s4 =	sshll.u32 s26, $0x1;
	_ =	strace $0x80000046;
	[dreg:$0x1] =	wrdreg $0xFFFFFFFF  }
0xa7: {  	s28 =	simm.s32 $_size_execute0_lowered;
	s2 =	sadd.s32 s2, s4;
	[dreg:$0x0] =	wrdreg $0x0  }
0xa8: {  	s4 =	sshll.u32 s28, $0x1;
	[dreg:$0x2] =	wrdreg s2  }
0xa9: {  	[dreg:$0x3] =	wrdreg s4  }
0xaa: {  	[dreg:$0x4] =	wrdreg $0xC0  }
0xab: {  	_ =	task [dreg:s6], $0x5FFFF  }
0xac: {  	[dreg:$0x1] =	wrdreg $0xFFFFFFFF  }
0xad: {  	[dreg:$0x0] =	wrdreg $0x60  }
0xae: {  	[dreg:$0x2] =	wrdreg s24  }
0xaf: {  	[dreg:$0x3] =	wrdreg $0x9  }
0xb0: {  	_ =	task.clear_ibuf [dreg:s6], $0x4FFFF;
	_ =	strace $0x90000046  }
0xb1: {  	s29 =	simm.s32 $0x9;
	_ =	strace $0x80000048  }
0xb2: {  	_ =	swait.ge [sflag:s29], $0x1  }
0xb3: {  	[sflag:s29] =	ssyncadd.s32 $0xFFFFFFFF  }
0xb4: {  	_ =	strace $0x90000048  }
0xb5: {  	_ =	sfence  }
0xb6: {  	s30 =	sld [smem:$0x0];
	_ =	sdelay $0x2  }
0xb7: {  	s31 =	sshll.u32 s1, $0xD;
	s1 =	sshrl.u32 s1, $0x2  }
0xb8: {  	s3 =	sand.u32 $0x4000, s31;
	s1 =	sadd.s32 s1, s30  }
0xb9: {  	s0 =	sor.u32 s3, s0;
	s1 =	sshll.u32 s1, $0x11  }
0xba: {  	s0 =	sor.u32 s1, s0  }
0xbb: {  	s0 =	sadd.s32 $0x8F2B, s0  }
0xbc: {  	[sflag:s0] =	ssyncadd.remote.s32 $0x1  }
0xbd: {  	_ =	sfence.sel $0xFFFF  }
0xbe: {  	[dreg:$0x0] =	wrdreg $0xFFFFFFFF;
	(pc) =	sbr.abs _section_cstart, $3  }
0xbf: {  	[dreg:$0x1] =	wrdreg $0xFFFFFFFF  }
0xc0: {  	_ =	task.clear_ibuf [dreg:s6], $0x2FFFF;
	_ =	strace $0x9FFFFFFF  }
0xc1: {  	(tm) =	ssettm $0x7FFFFFFF  }
tec
execute0_lowered:
.L_overlay_start_1:
0x0: {  	(tag) =	ssettag $0x1  }
0x1: {  	s0 =	rddreg [dreg:$0x0];
	s1 =	simm.s32 $0x0;
	s2 =	srdreg.scid  }
0x2: {  	s25 =	stileid.u32;
	s9 =	simm.s32 $0x600000;
	[smem:$0x7FF] =	sst s1  }
0x3: {  	s3 =	sadd.s32 $0x20800, s0;
	s4 =	sadd.s32 $0x800, s0;
	s5 =	sadd.s32 $0x320800, s0  }
0x4: {  	s11 =	sand.u32 $0x1, s2;
	s6 =	sshll.u32 s25, $0x1;
	_ =	strace $0x80000047  }
0x5: {  	[dreg:$0x2] =	wrdreg s5;
	s7 =	ssub.s32 $0x2, s11;
	s5 =	sor.u32 s11, s6  }
0x6: {  	s2 =	sadd.s32 $0x320A00, s0;
	s12 =	sshrl.u32 s7, $0x1;
	s8 =	sadd.s32 $0xFFFFFFEB, s5  }
0x7: {  	s13 =	sor.u32 $0x20, s5;
	p0 =	sgt.u32 s5, $0x14;
	s24 =	sshll.u32 s5, $0x7  }
0x8: {  	s18 =	smin.u32 s5, s8;
	s14 =	sand.u32 $0xFF, s13;
	s19 =	ssub.s32 s7, s12  }
0x9: {  	s9 =	simm.s32 @!p0 $0x0;
	s10 =	sshll.u32 s18, $0x12;
	s8 =	smul.u32 $0x87, s14  }
0xa: {  	s16 =	sshll.u32 s18, $0x7;
	s14 =	sor.u32 $0x40, s5;
	s5 =	sshll.u32 s5, $0x4  }
0xb: {  	s19 =	smax.u32 s19, $0x1;
	s15 =	sand.u32 $0x600000, s10;
	s7 =	sand.u32 $0x380, s16  }
0xc: {  	s21 =	sand.u32 $0xFF, s14;
	s10 =	simm.s32 $0x10;
	s5 =	sadd.s32 s2, s5  }
0xd: {  	s6 =	sadd.s32 s9, s15;
	s8 =	sshrl.u32 s8, $0x8;
	s9 =	smul.u32 $0x87, s21  }
0xe: {  	s10 =	simm.s32 @!p0 $0x0;
	[dreg:$0x3] =	wrdreg s5;
	s21 =	sshll.u32 s13, $0x7  }
0xf: {  	p0 =	sgt.u32 s25, $0x9;
	s17 =	ssub.s32 s13, s8;
	s6 =	sor.u32 s7, s6  }
0x10: {  	s25 =	simm.s32 $0x0;
	s20 =	sand.u32 $0xFE, s17;
	s22 =	sshrl.u32 s6, $0x3  }
0x11: {  	s15 =	sshrl.u32 s9, $0x8;
	s17 =	sand.u32 $0x380, s24;
	s24 =	sshll.u32 s14, $0x7  }
0x12: {  	s11 =	sshrl.u32 s20, $0x1;
	s7 =	sadd.s32 s3, s22;
	s9 =	ssub.s32 s14, s15  }
0x13: {  	s11 =	sadd.s32 s8, s11;
	s8 =	sadd.s32 s4, s10;
	s9 =	sand.u32 $0xFE, s9  }
0x14: {  	s12 =	sand.u32 $0xF0, s11;
	s26 =	sshrl.u32 s9, $0x1;
	s11 =	sshll.u32 s11, $0x3  }
0x15: {  	s23 =	sshrl.u32 s12, $0x4;
	s12 =	sadd.s32 s15, s26;
	s11 =	sand.u32 $0x180, s11  }
0x16: {  	s26 =	sand.u32 $0x2C00, s24;
	s24 =	simm.s32 $0x16C00;
	s16 =	smul.u32 $0x15, s23  }
0x17: {  	s10 =	smul.u32 $0x600000, s23;
	s12 =	sand.u32 $0xF0, s12;
	s9 =	sshrl.u32 s11, $0x3  }
0x18: {  	s23 =	sand.u32 $0x1C00, s21;
	s21 =	simm.s32 $0x3;
	s12 =	sshrl.u32 s12, $0x4  }
0x19: {  	s28 =	ssub.s32 s13, s16;
	s12 =	smul.u32 $0x15, s12;
	s13 =	sadd.s32 s4, s9  }
0x1a: {  	s29 =	sshll.u32 s28, $0x12;
	s16 =	sshll.u32 s28, $0x7;
	s5 =	sand.u32 $0xFF, s28  }
0x1b: {  	s15 =	sand.u32 $0x600000, s29;
	s30 =	sand.u32 $0x380, s16;
	s31 =	ssub.s32 s14, s12  }
0x1c: {  	s10 =	sadd.s32 s10, s15;
	s20 =	sand.u32 $0xFF, s31;
	s16 =	sshll.u32 s31, $0x12  }
0x1d: {  	s10 =	sor.u32 s30, s10;
	s22 =	sshll.u32 s20, $0x7;
	s30 =	sor.u32 s17, s26  }
0x1e: {  	s15 =	sshrl.u32 s10, $0x3;
	s16 =	sor.u32 s22, s16;
	s31 =	sshrl.u32 s30, $0x3  }
.Ltmp0:
0x1f: {  	s22 =	simm.s32 $0x1;
	s12 =	sadd.s32 s3, s15;
	(pc) =	sbr.rel .LBB2_1-.Ltmp0, $4  }
0x20: {  	s15 =	sor.u32 s17, s23;
	s16 =	sand.u32 $0x600380, s16;
	s17 =	sadd.s32 $0x830, s0  }
0x21: {  	s0 =	sadd.s32 s2, s31;
	s15 =	sshrl.u32 s15, $0x3;
	s14 =	sadd.s32 $0x1200000, s16  }
0x22: {  	v3 =	vimm.f32 $0.0e+00;
	v4 =	vimm.f32 $1.000000000e+00;
	[dreg:$0x5] =	wrdreg s0;
	s28 =	sadd.s32 s2, s15;
	s29 =	sshrl.u32 s14, $0x3  }
0x23: {  	v0 =	vmov s18;
	v1 =	vmov s5;
	v2 =	vmov s20;
	s23 =	simm.s32 $0x2;
	[dreg:$0x4] =	wrdreg s28;
	s16 =	sadd.s32 s3, s29  }
.LBB2_63:
0x24: {  	s25 =	sadd.s32 $0x1, s25  }
0x25: {  	p1 =	sne.s32 s25, s19  }
.Ltmp1:
0x26: {  	_ = 	snop;
	(pc) =	sbr.rel @!p1 .LBB2_64-.Ltmp1, $1  }
0x27: {  	_ =	sdelay $0x3  }
.LBB2_1:
0x28: {  	s0 =	rddreg [dreg:$0x2];
	s2 =	simm.s32 $0x6800  }
0x29: {  	[tilespmem:s2], [sflag:$0x3] =	stream.linear.gather [hbm4b:s0+s1], $0x400, $0x38;
	[tilespmem:$0x16C80] =	vst v63  }
0x2a: {  	_ =	swait.ge [sflag:s21], $0x400  }
0x2b: {  	s29 =	sand.u32 $0x70, s1;
	s30 =	sand.u32 $0x1C00, s1;
	[sflag:s21] =	ssyncset.done $0x0  }
0x2c: {  	s0 =	sor.u32 s29, s30;
	[sflag:s21] =	ssyncadd.s32 $0xFFFFFC00  }
0x2d: {  	[tilespmem:s0+$0x0] =	vst v3  }
0x2e: {  	[tilespmem:s0+$0x80] =	vst v3  }
0x2f: {  	[tilespmem:s0+$0x100] =	vst v3  }
0x30: {  	[tilespmem:s0+$0x180] =	vst v3  }
0x31: {  	[tilespmem:s0+$0x200] =	vst v3  }
0x32: {  	s31 =	sor.u32 s1, s1;
	[tilespmem:s0+$0x280] =	vst v3  }
0x33: {  	s18 =	simm.s32 $0x0;
	s5 =	sor.u32 $0x380, s31;
	s2 =	simm.s32 $0x10;
	[tilespmem:s0+$0x300] =	vst v3  }
.LBB2_2:
0x34: {  	p1 =	sne.s32 s2, $0x3F0;
	[tilespmem:s5+$0x0] =	vst v3  }
0x35: {  	[tilespmem:s0+$0x4200] =	vst v3  }
0x36: {  	[tilespmem:s0+$0x2000] =	vst v3  }
0x37: {  	[tilespmem:s0+$0x2080] =	vst v3  }
0x38: {  	[tilespmem:s0+$0x2100] =	vst v3  }
0x39: {  	[tilespmem:s0+$0x2180] =	vst v3  }
0x3a: {  	[tilespmem:s0+$0x2200] =	vst v3  }
0x3b: {  	[tilespmem:s0+$0x2280] =	vst v3  }
0x3c: {  	[tilespmem:s0+$0x2300] =	vst v3  }
0x3d: {  	[tilespmem:s0+$0x2380] =	vst v3  }
0x3e: {  	[tilespmem:s0+$0x4000] =	vst v3  }
0x3f: {  	s18 =	sadd.s32 $0x80, s18;
	[tilespmem:s0+$0x4080] =	vst v3  }
0x40: {  	s5 =	sand.u32 $0x70, s2;
	s20 =	sand.u32 $0x1C00, s18;
	[tilespmem:s0+$0x4100] =	vst v3  }
0x41: {  	[tilespmem:s0+$0x4180] =	vst v3;
	s0 =	sor.u32 s5, s20  }
0x42: {  	[tilespmem:s0+$0x0] =	vst v3  }
0x43: {  	[tilespmem:s0+$0x80] =	vst v3  }
.Ltmp2:
0x44: {  	[tilespmem:s0+$0x100] =	vst v3;
	(pc) =	sbr.rel @p1 .LBB2_2-.Ltmp2, $4  }
0x45: {  	[tilespmem:s0+$0x180] =	vst v3  }
0x46: {  	[tilespmem:s0+$0x200] =	vst v3  }
0x47: {  	s5 =	sor.u32 s18, s2;
	[tilespmem:s0+$0x280] =	vst v3  }
0x48: {  	s2 =	sadd.s32 $0x10, s2;
	s5 =	sor.u32 $0x380, s5;
	[tilespmem:s0+$0x300] =	vst v3  }
0x49: {  	[tilespmem:s5+$0x0] =	vst v3  }
0x4a: {  	[tilespmem:s0+$0x4200] =	vst v3  }
0x4b: {  	[tilespmem:s0+$0x2000] =	vst v3  }
0x4c: {  	[tilespmem:s0+$0x2080] =	vst v3  }
0x4d: {  	[tilespmem:s0+$0x2100] =	vst v3  }
0x4e: {  	[tilespmem:s0+$0x2180] =	vst v3  }
0x4f: {  	[tilespmem:s0+$0x2200] =	vst v3  }
0x50: {  	[tilespmem:s0+$0x2280] =	vst v3  }
0x51: {  	[tilespmem:s0+$0x2300] =	vst v3  }
0x52: {  	[tilespmem:s0+$0x2380] =	vst v3  }
0x53: {  	[tilespmem:s0+$0x4000] =	vst v3  }
0x54: {  	[tilespmem:s0+$0x4080] =	vst v3  }
0x55: {  	s2 =	simm.s32 $0x6C00;
	[tilespmem:s0+$0x4100] =	vst v3  }
0x56: {  	s18 =	sadd.s32 $0x0, s7;
	s5 =	simm.s32 $0x6D00;
	[tilespmem:s0+$0x4180] =	vst v3;
	s0 =	simm.s32 $0x80  }
.LBB2_4:
0x57: {  	[tilespmem:s2], [sflag:$0x1] =	stream.linear.gather [hbm4b:s18+s1], $0x80, $0x38;
	[tilespmem:$0x16C80] =	vst v63  }
0x58: {  	s18 =	smov.u32 s0;
	s2 =	smov.u32 s5;
	p1 =	sne.s32 s0, $0x3F80  }
.Ltmp3:
0x59: {  	s0 =	sadd.s32 $0x80, s0;
	(pc) =	sbr.rel @p1 .LBB2_4-.Ltmp3, $2  }
0x5a: {  	_ =	sdelay $0x2  }
0x5b: {  	s5 =	sadd.s32 $0x100, s5;
	s18 =	sadd.s32 s18, s7  }
0x5c: {  	[tilespmem:s2], [sflag:$0x1] =	stream.linear.gather [hbm4b:s18+s1], $0x80, $0x38;
	[tilespmem:$0x16C80] =	vst v63  }
0x5d: {  	s2 =	simm.s32 $0x0;
	s0 =	simm.s32 $0xEC00  }
0x5e: {  	s5 =	simm.s32 $0x40;
	s20 =	sadd.s32 $0x0, s8;
	s18 =	simm.s32 $0xED00  }
.LBB2_6:
0x5f: {  	[tilespmem:s0], [sflag:$0x2] =	stream.linear.gather [hbm4b:s20+s2], $0x80, $0x38;
	[tilespmem:$0x16C80] =	vst v63  }
0x60: {  	s20 =	smov.u32 s5;
	s0 =	smov.u32 s18;
	p1 =	seq.s32 s5, $0x1FC0  }
.Ltmp4:
0x61: {  	s5 =	sadd.s32 $0x40, s5;
	(pc) =	sbr.rel @!p1 .LBB2_6-.Ltmp4, $2  }
0x62: {  	_ =	sdelay $0x2  }
0x63: {  	s18 =	sadd.s32 $0x100, s18;
	s20 =	sadd.s32 s20, s8  }
0x64: {  	[tilespmem:s0], [sflag:$0x2] =	stream.linear.gather [hbm4b:s20+s2], $0x80, $0x38;
	[tilespmem:$0x16C80] =	vst v63  }
.LBB2_8:
0x65: {  	p1 =	seq.s32 s2, $0xF  }
.Ltmp5:
0x66: {  	_ = 	snop;
	(pc) =	sbr.rel @p1 .LBB2_14-.Ltmp5, $2  }
0x67: {  	_ =	sdelay $0x2  }
0x68: {  	s26 =	sadd.s32 $0x1, s2;
	s0 =	simm.s32 $0x80  }
0x69: {  	s0 =	sshll.u32 s2, $0x7;
	s31 =	sshll.u32 s26, $0x11  }
0x6a: {  	s0 =	sand.u32 $0x80, s0;
	s5 =	sadd.s32 s6, s31  }
0x6b: {  	s2 =	sxor.u32 $0x80, s0;
	s18 =	sshrl.u32 s5, $0x3  }
0x6c: {  	s5 =	sor.u32 $0x6C00, s2;
	s18 =	sadd.s32 s3, s18  }
0x6d: {  	s20 =	simm.s32 $0x80;
	s29 =	sadd.s32 $0x0, s18;
	s28 =	sadd.s32 $0x100, s5  }
.LBB2_10:
0x6e: {  	[tilespmem:s5], [sflag:$0x1] =	stream.linear.gather [hbm4b:s29+s1], $0x80, $0x38;
	[tilespmem:$0x16C80] =	vst v63  }
0x6f: {  	s29 =	smov.u32 s20;
	s5 =	smov.u32 s28;
	p1 =	sne.s32 s20, $0x3F80  }
.Ltmp6:
0x70: {  	s20 =	sadd.s32 $0x80, s20;
	(pc) =	sbr.rel @p1 .LBB2_10-.Ltmp6, $2  }
0x71: {  	_ =	sdelay $0x2  }
0x72: {  	s28 =	sadd.s32 $0x100, s28;
	s29 =	sadd.s32 s29, s18  }
0x73: {  	[tilespmem:s5], [sflag:$0x1] =	stream.linear.gather [hbm4b:s29+s1], $0x80, $0x38;
	[tilespmem:$0x16C80] =	vst v63  }
0x74: {  	s31 =	sshll.u32 s26, $0xD  }
0x75: {  	s2 =	sor.u32 $0xEC00, s2;
	s5 =	sadd.s32 s31, s8  }
0x76: {  	s18 =	simm.s32 $0x40;
	s20 =	sadd.s32 $0x100, s2;
	s28 =	sadd.s32 $0x0, s5  }
.LBB2_12:
0x77: {  	[tilespmem:s2], [sflag:$0x2] =	stream.linear.gather [hbm4b:s28+s1], $0x80, $0x38;
	[tilespmem:$0x16C80] =	vst v63  }
0x78: {  	s28 =	smov.u32 s18;
	s2 =	smov.u32 s20;
	p1 =	sne.s32 s18, $0x1FC0  }
.Ltmp7:
0x79: {  	s18 =	sadd.s32 $0x40, s18;
	(pc) =	sbr.rel @p1 .LBB2_12-.Ltmp7, $2  }
0x7a: {  	_ =	sdelay $0x2  }
0x7b: {  	s20 =	sadd.s32 $0x100, s20;
	s28 =	sadd.s32 s28, s5  }
0x7c: {  	[tilespmem:s2], [sflag:$0x2] =	stream.linear.gather [hbm4b:s28+s1], $0x80, $0x38;
	[tilespmem:$0x16C80] =	vst v63  }
.LBB2_14:
0x7d: {  	_ =	swait.ge [sflag:s22], $0x4000;
	s2 =	sadd.s32 $0x6C70, s0  }
0x7e: {  	s18 =	sadd.s32 $0xEC40, s0;
	[sflag:s22] =	ssyncset.done $0x0;
	v6 =	vmov s2  }
0x7f: {  	v5 =	vmov s18;
	[sflag:s22] =	ssyncadd.s32 $0xFFFFC000  }
0x80: {  	_ =	swait.ge [sflag:s23], $0x4000  }
0x81: {  	[sflag:s23] =	ssyncset.done $0x0  }
0x82: {  	s20 =	simm.s32 $0x0;
	[sflag:s23] =	ssyncadd.s32 $0xFFFFC000  }
0x83: {  	v7 =	vld.idx.msk [tilespmem:v6+s20+$0xFFFFFF90 ss:$0x1], $0xffff  }
0x84: {  	v8 =	vld.idx.msk [tilespmem:v5+s20+$0xFFFFFFC0 ss:$0x1], $0xffff;
	_ =	sdelay $0x3  }
0x85: {  	v9 =	vsub.f32 $1.000000000e+00, v7  }
0x86: {  	vm0 =	veq.s32 v8, v0  }
0x87: {  	v7 =	vsel vm0, v9, v7  }
0x88: {  	v7 =	vshrl.u32 v7, $0x14  }
0x89: {  	v7 =	vsub.s32 $0x3F8, v7  }
0x8a: {  	v9 =	vshll.u32 v8, $0xA;
	v10 =	vshll.u32 v7, $0x3  }
0x8b: {  	v8 =	vshll.u32 v8, $0x7;
	v9 =	vand.u32 $0xFFFFE000, v9;
	v10 =	vand.u32 $0xFFFFFC00, v10  }
0x8c: {  	v8 =	vand.u32 $0x380, v8;
	v9 =	vadd.s32 v9, v10  }
0x8d: {  	v7 =	vand.u32 $0x7F, v7;
	v8 =	vor.u32 v8, v9  }
0x8e: {  	v7 =	vor.u32 v7, v8;
	_ =	sdelay $0x4  }
0x8f: {  	[tilespmem:v7+s1+$0x0] =	vst.idx.add.f32.msk $0xffff, v4  }
0x90: {  	v7 =	vld.idx.msk [tilespmem:v6+s20+$0xFFFFFFA0 ss:$0x1], $0xffff  }
0x91: {  	v8 =	vld.idx.msk [tilespmem:v5+s20+$0xFFFFFFD0 ss:$0x1], $0xffff;
	_ =	sdelay $0x3  }
0x92: {  	v9 =	vsub.f32 $1.000000000e+00, v7  }
0x93: {  	vm9 =	veq.s32 v8, v0  }
0x94: {  	v7 =	vsel vm9, v9, v7  }
0x95: {  	v7 =	vshrl.u32 v7, $0x14  }
0x96: {  	v7 =	vsub.s32 $0x3F8, v7  }
0x97: {  	v9 =	vshll.u32 v8, $0xA;
	v10 =	vshll.u32 v7, $0x3  }
0x98: {  	v8 =	vshll.u32 v8, $0x7;
	v9 =	vand.u32 $0xFFFFE000, v9;
	v10 =	vand.u32 $0xFFFFFC00, v10  }
0x99: {  	v8 =	vand.u32 $0x380, v8;
	v9 =	vadd.s32 v9, v10  }
0x9a: {  	v7 =	vand.u32 $0x7F, v7;
	v8 =	vor.u32 v8, v9  }
0x9b: {  	s28 =	simm.s32 $0x100;
	v7 =	vor.u32 v7, v8  }
0x9c: {  	v8 =	vld.idx.msk [tilespmem:v6+s28+$0xFFFFFF90 ss:$0x1], $0xffff  }
0x9d: {  	v9 =	vld.idx.msk [tilespmem:v5+s28+$0xFFFFFFC0 ss:$0x1], $0xffff;
	_ =	sdelay $0x2  }
0x9e: {  	[tilespmem:v7+s1+$0x0] =	vst.idx.add.f32.msk $0xffff, v4  }
0x9f: {  	v10 =	vsub.f32 $1.000000000e+00, v8;
	v7 =	vld.idx.msk [tilespmem:v6+s20+$0xFFFFFFB0 ss:$0x1], $0xffff  }
0xa0: {  	vm10 =	veq.s32 v9, v0;
	v11 =	vld.idx.msk [tilespmem:v5+s20+$0xFFFFFFE0 ss:$0x1], $0xffff  }
0xa1: {  	v8 =	vsel vm10, v10, v8  }
0xa2: {  	v8 =	vshrl.u32 v8, $0x14  }
0xa3: {  	v10 =	vshll.u32 v9, $0x7;
	v8 =	vsub.s32 $0x3F8, v8  }
0xa4: {  	v9 =	vshll.u32 v9, $0xA;
	v13 =	vshll.u32 v8, $0x3;
	v12 =	vsub.f32 $1.000000000e+00, v7  }
0xa5: {  	v9 =	vand.u32 $0xFFFFE000, v9;
	vm11 =	veq.s32 v11, v0;
	v13 =	vand.u32 $0xFFFFFC00, v13  }
0xa6: {  	v10 =	vand.u32 $0x380, v10;
	v9 =	vadd.s32 v9, v13;
	v7 =	vsel vm11, v12, v7  }
0xa7: {  	v8 =	vand.u32 $0x7F, v8;
	v9 =	vor.u32 v10, v9;
	v7 =	vshrl.u32 v7, $0x14  }
0xa8: {  	v8 =	vor.u32 v8, v9;
	v7 =	vsub.s32 $0x3F8, v7  }
0xa9: {  	v9 =	vshll.u32 v11, $0xA;
	v10 =	vshll.u32 v7, $0x3  }
0xaa: {  	v11 =	vshll.u32 v11, $0x7;
	v9 =	vand.u32 $0xFFFFE000, v9;
	v10 =	vand.u32 $0xFFFFFC00, v10  }
0xab: {  	v9 =	vadd.s32 v9, v10;
	v10 =	vand.u32 $0x380, v11  }
0xac: {  	v7 =	vand.u32 $0x7F, v7;
	v9 =	vor.u32 v10, v9  }
0xad: {  	[tilespmem:v8+s1+$0x0] =	vst.idx.add.f32.msk $0xffff, v4;
	v7 =	vor.u32 v7, v9  }
0xae: {  	v8 =	vld.idx.msk [tilespmem:v6+s28+$0xFFFFFFA0 ss:$0x1], $0xffff  }
0xaf: {  	v9 =	vld.idx.msk [tilespmem:v5+s28+$0xFFFFFFD0 ss:$0x1], $0xffff;
	_ =	sdelay $0x2  }
0xb0: {  	[tilespmem:v7+s1+$0x0] =	vst.idx.add.f32.msk $0xffff, v4  }
0xb1: {  	v11 =	vsub.f32 $1.000000000e+00, v8;
	v7 =	vld.idx.msk [tilespmem:v6+s20+$0xFFFFFFC0 ss:$0x1], $0xffff  }
0xb2: {  	vm12 =	veq.s32 v9, v0;
	v10 =	vld.idx.msk [tilespmem:v5+s20+$0xFFFFFFF0 ss:$0x1], $0xffff  }
0xb3: {  	v8 =	vsel vm12, v11, v8  }
0xb4: {  	v8 =	vshrl.u32 v8, $0x14  }
0xb5: {  	v11 =	vshll.u32 v9, $0x7;
	v8 =	vsub.s32 $0x3F8, v8  }
0xb6: {  	v9 =	vshll.u32 v9, $0xA;
	v13 =	vshll.u32 v8, $0x3;
	v12 =	vsub.f32 $1.000000000e+00, v7  }
0xb7: {  	v9 =	vand.u32 $0xFFFFE000, v9;
	vm13 =	veq.s32 v10, v0;
	v13 =	vand.u32 $0xFFFFFC00, v13  }
0xb8: {  	v11 =	vand.u32 $0x380, v11;
	v9 =	vadd.s32 v9, v13;
	v7 =	vsel vm13, v12, v7  }
0xb9: {  	v8 =	vand.u32 $0x7F, v8;
	v9 =	vor.u32 v11, v9;
	v7 =	vshrl.u32 v7, $0x14  }
0xba: {  	s29 =	simm.s32 $0x200;
	v8 =	vor.u32 v8, v9;
	v7 =	vsub.s32 $0x3F8, v7  }
0xbb: {  	v11 =	vld.idx.msk [tilespmem:v6+s29+$0xFFFFFF90 ss:$0x1], $0xffff;
	v9 =	vshll.u32 v10, $0xA;
	v12 =	vshll.u32 v7, $0x3  }
0xbc: {  	v13 =	vld.idx.msk [tilespmem:v5+s29+$0xFFFFFFC0 ss:$0x1], $0xffff;
	v10 =	vshll.u32 v10, $0x7;
	v9 =	vand.u32 $0xFFFFE000, v9;
	v12 =	vand.u32 $0xFFFFFC00, v12  }
0xbd: {  	v10 =	vand.u32 $0x380, v10;
	v9 =	vadd.s32 v9, v12  }
0xbe: {  	v7 =	vand.u32 $0x7F, v7;
	v9 =	vor.u32 v10, v9  }
0xbf: {  	[tilespmem:v8+s1+$0x0] =	vst.idx.add.f32.msk $0xffff, v4;
	v7 =	vor.u32 v7, v9  }
0xc0: {  	v9 =	vsub.f32 $1.000000000e+00, v11;
	v8 =	vld.idx.msk [tilespmem:v6+s28+$0xFFFFFFB0 ss:$0x1], $0xffff  }
0xc1: {  	vm14 =	veq.s32 v13, v0;
	v10 =	vld.idx.msk [tilespmem:v5+s28+$0xFFFFFFE0 ss:$0x1], $0xffff  }
0xc2: {  	v9 =	vsel vm14, v9, v11  }
0xc3: {  	v9 =	vshrl.u32 v9, $0x14  }
0xc4: {  	v11 =	vshll.u32 v13, $0xA;
	v9 =	vsub.s32 $0x3F8, v9;
	[tilespmem:v7+s1+$0x0] =	vst.idx.add.f32.msk $0xffff, v4  }
0xc5: {  	v7 =	vshll.u32 v13, $0x7;
	v12 =	vshll.u32 v9, $0x3;
	v14 =	vsub.f32 $1.000000000e+00, v8;
	v13 =	vld.idx.msk [tilespmem:v6+s20+$0xFFFFFFD0 ss:$0x1], $0xffff  }
0xc6: {  	v11 =	vand.u32 $0xFFFFE000, v11;
	vm15 =	veq.s32 v10, v0;
	v12 =	vand.u32 $0xFFFFFC00, v12;
	v15 =	vld.idx.msk [tilespmem:v5+s20+$0x0 ss:$0x1], $0xffff  }
0xc7: {  	v7 =	vand.u32 $0x380, v7;
	v11 =	vadd.s32 v11, v12;
	v8 =	vsel vm15, v14, v8  }
0xc8: {  	v9 =	vand.u32 $0x7F, v9;
	v7 =	vor.u32 v7, v11;
	v8 =	vshrl.u32 v8, $0x14  }
0xc9: {  	v7 =	vor.u32 v9, v7;
	v8 =	vsub.s32 $0x3F8, v8;
	v9 =	vshll.u32 v10, $0xA  }
0xca: {  	v10 =	vshll.u32 v10, $0x7;
	v12 =	vshll.u32 v8, $0x3;
	v11 =	vsub.f32 $1.000000000e+00, v13  }
0xcb: {  	v9 =	vand.u32 $0xFFFFE000, v9;
	vm4 =	veq.s32 v15, v0;
	v12 =	vand.u32 $0xFFFFFC00, v12  }
0xcc: {  	v10 =	vand.u32 $0x380, v10;
	v9 =	vadd.s32 v9, v12;
	v11 =	vsel vm4, v11, v13  }
0xcd: {  	v8 =	vand.u32 $0x7F, v8;
	v9 =	vor.u32 v10, v9;
	v11 =	vshrl.u32 v11, $0x14  }
0xce: {  	[tilespmem:v7+s1+$0x0] =	vst.idx.add.f32.msk $0xffff, v4;
	v8 =	vor.u32 v8, v9;
	v7 =	vsub.s32 $0x3F8, v11  }
0xcf: {  	v10 =	vshll.u32 v15, $0xA;
	v9 =	vld.idx.msk [tilespmem:v6+s29+$0xFFFFFFA0 ss:$0x1], $0xffff;
	v11 =	vshll.u32 v7, $0x3  }
0xd0: {  	v12 =	vshll.u32 v15, $0x7;
	v10 =	vand.u32 $0xFFFFE000, v10;
	v13 =	vld.idx.msk [tilespmem:v5+s29+$0xFFFFFFD0 ss:$0x1], $0xffff;
	v11 =	vand.u32 $0xFFFFFC00, v11  }
0xd1: {  	v10 =	vadd.s32 v10, v11;
	v11 =	vand.u32 $0x380, v12  }
0xd2: {  	v7 =	vand.u32 $0x7F, v7;
	v10 =	vor.u32 v11, v10  }
0xd3: {  	[tilespmem:v8+s1+$0x0] =	vst.idx.add.f32.msk $0xffff, v4;
	v7 =	vor.u32 v7, v10  }
0xd4: {  	v8 =	vsub.f32 $1.000000000e+00, v9;
	v10 =	vld.idx.msk [tilespmem:v6+s28+$0xFFFFFFC0 ss:$0x1], $0xffff  }
0xd5: {  	vm5 =	veq.s32 v13, v0;
	v12 =	vld.idx.msk [tilespmem:v5+s28+$0xFFFFFFF0 ss:$0x1], $0xffff  }
0xd6: {  	s30 =	simm.s32 $0x300;
	v8 =	vsel vm5, v8, v9  }
0xd7: {  	v9 =	vld.idx.msk [tilespmem:v6+s30+$0xFFFFFF90 ss:$0x1], $0xffff;
	v8 =	vshrl.u32 v8, $0x14  }
0xd8: {  	v8 =	vsub.s32 $0x3F8, v8;
	[tilespmem:v7+s1+$0x0] =	vst.idx.add.f32.msk $0xffff, v4;
	v7 =	vshll.u32 v13, $0x7  }
0xd9: {  	v13 =	vshll.u32 v13, $0xA;
	v14 =	vshll.u32 v8, $0x3;
	v16 =	vsub.f32 $1.000000000e+00, v10  }
0xda: {  	vm1 =	veq.s32 v12, v0;
	v15 =	vld.idx.msk [tilespmem:v6+s20+$0xFFFFFFE0 ss:$0x1], $0xffff;
	v13 =	vand.u32 $0xFFFFE000, v13;
	v14 =	vand.u32 $0xFFFFFC00, v14  }
0xdb: {  	v17 =	vld.idx.msk [tilespmem:v5+s20+$0x10 ss:$0x1], $0xffff;
	v7 =	vand.u32 $0x380, v7;
	v13 =	vadd.s32 v13, v14;
	v10 =	vsel vm1, v16, v10  }
0xdc: {  	v8 =	vand.u32 $0x7F, v8;
	v7 =	vor.u32 v7, v13;
	v10 =	vshrl.u32 v10, $0x14  }
0xdd: {  	v11 =	vld.idx.msk [tilespmem:v5+s30+$0xFFFFFFC0 ss:$0x1], $0xffff;
	v13 =	vsub.f32 $1.000000000e+00, v9;
	v7 =	vor.u32 v8, v7;
	v8 =	vsub.s32 $0x3F8, v10  }
0xde: {  	v10 =	vshll.u32 v12, $0xA;
	v12 =	vshll.u32 v12, $0x7;
	v16 =	vshll.u32 v8, $0x3  }
0xdf: {  	v10 =	vand.u32 $0xFFFFE000, v10;
	v14 =	vsub.f32 $1.000000000e+00, v15;
	v16 =	vand.u32 $0xFFFFFC00, v16  }
0xe0: {  	v12 =	vand.u32 $0x380, v12;
	vm7 =	veq.s32 v17, v0;
	v10 =	vadd.s32 v10, v16  }
0xe1: {  	v8 =	vand.u32 $0x7F, v8;
	v14 =	vsel vm7, v14, v15;
	v10 =	vor.u32 v12, v10  }
0xe2: {  	vm6 =	veq.s32 v11, v0;
	v14 =	vshrl.u32 v14, $0x14;
	[tilespmem:v7+s1+$0x0] =	vst.idx.add.f32.msk $0xffff, v4;
	v7 =	vor.u32 v8, v10  }
0xe3: {  	v9 =	vsel vm6, v13, v9;
	v12 =	vsub.s32 $0x3F8, v14  }
0xe4: {  	v9 =	vshrl.u32 v9, $0x14;
	v8 =	vshll.u32 v17, $0xA;
	v14 =	vld.idx.msk [tilespmem:v6+s29+$0xFFFFFFB0 ss:$0x1], $0xffff;
	v10 =	vshll.u32 v12, $0x3  }
0xe5: {  	v15 =	vshll.u32 v17, $0x7;
	v8 =	vand.u32 $0xFFFFE000, v8;
	v16 =	vld.idx.msk [tilespmem:v5+s29+$0xFFFFFFE0 ss:$0x1], $0xffff;
	v10 =	vand.u32 $0xFFFFFC00, v10  }
0xe6: {  	v9 =	vsub.s32 $0x3F8, v9;
	v13 =	vand.u32 $0x380, v15;
	v8 =	vadd.s32 v8, v10  }
0xe7: {  	v10 =	vand.u32 $0x7F, v12;
	v8 =	vor.u32 v13, v8;
	[tilespmem:v7+s1+$0x0] =	vst.idx.add.f32.msk $0xffff, v4;
	v7 =	vshll.u32 v11, $0xA  }
0xe8: {  	v8 =	vor.u32 v10, v8;
	v10 =	vshll.u32 v11, $0x7;
	v11 =	vshll.u32 v9, $0x3  }
0xe9: {  	v12 =	vsub.f32 $1.000000000e+00, v14;
	v13 =	vld.idx.msk [tilespmem:v6+s28+$0xFFFFFFD0 ss:$0x1], $0xffff;
	v7 =	vand.u32 $0xFFFFE000, v7;
	v11 =	vand.u32 $0xFFFFFC00, v11  }
0xea: {  	vm8 =	veq.s32 v16, v0;
	v15 =	vld.idx.msk [tilespmem:v5+s28+$0x0 ss:$0x1], $0xffff;
	v10 =	vand.u32 $0x380, v10;
	v7 =	vadd.s32 v7, v11  }
0xeb: {  	v9 =	vand.u32 $0x7F, v9;
	v11 =	vsel vm8, v12, v14;
	v7 =	vor.u32 v10, v7  }
0xec: {  	v10 =	vshrl.u32 v11, $0x14;
	v7 =	vor.u32 v9, v7  }
0xed: {  	v12 =	vshll.u32 v16, $0x7;
	[tilespmem:v8+s1+$0x0] =	vst.idx.add.f32.msk $0xffff, v4;
	v8 =	vsub.s32 $0x3F8, v10  }
0xee: {  	v10 =	vshll.u32 v16, $0xA;
	v16 =	vsub.f32 $1.000000000e+00, v13;
	v9 =	vld.idx.msk [tilespmem:v6+s20+$0xFFFFFFF0 ss:$0x1], $0xffff;
	v11 =	vshll.u32 v8, $0x3  }
0xef: {  	s31 =	simm.s32 $0x400;
	vm9 =	veq.s32 v15, v0;
	v14 =	vld.idx.msk [tilespmem:v5+s20+$0x20 ss:$0x1], $0xffff;
	v10 =	vand.u32 $0xFFFFE000, v10;
	v11 =	vand.u32 $0xFFFFFC00, v11  }
0xf0: {  	v8 =	vand.u32 $0x7F, v8;
	v10 =	vadd.s32 v10, v11;
	v11 =	vand.u32 $0x380, v12;
	v12 =	vld.idx.msk [tilespmem:v5+s31+$0xFFFFFFC0 ss:$0x1], $0xffff  }
0xf1: {  	v10 =	vor.u32 v11, v10;
	v11 =	vsel vm9, v16, v13;
	[tilespmem:v7+s1+$0x0] =	vst.idx.add.f32.msk $0xffff, v4;
	v7 =	vshll.u32 v15, $0xA  }
0xf2: {  	v8 =	vor.u32 v8, v10;
	v10 =	vshrl.u32 v11, $0x14;
	v11 =	vshll.u32 v15, $0x7  }
0xf3: {  	v7 =	vand.u32 $0xFFFFE000, v7;
	v10 =	vsub.s32 $0x3F8, v10;
	v13 =	vsub.f32 $1.000000000e+00, v9  }
0xf4: {  	v16 =	vld.idx.msk [tilespmem:v6+s30+$0xFFFFFFA0 ss:$0x1], $0xffff;
	vm10 =	veq.s32 v14, v0;
	v11 =	vand.u32 $0x380, v11;
	v15 =	vshll.u32 v10, $0x3  }
0xf5: {  	v10 =	vand.u32 $0x7F, v10;
	v15 =	vand.u32 $0xFFFFFC00, v15;
	v9 =	vsel vm10, v13, v9;
	v13 =	vld.idx.msk [tilespmem:v5+s30+$0xFFFFFFD0 ss:$0x1], $0xffff  }
0xf6: {  	vm12 =	veq.s32 v12, v0;
	v7 =	vadd.s32 v7, v15;
	v9 =	vshrl.u32 v9, $0x14;
	v15 =	vld.idx.msk [tilespmem:v6+s31+$0xFFFFFF90 ss:$0x1], $0xffff  }
0xf7: {  	v7 =	vor.u32 v11, v7;
	v9 =	vsub.s32 $0x3F8, v9;
	[tilespmem:v8+s1+$0x0] =	vst.idx.add.f32.msk $0xffff, v4;
	v8 =	vshll.u32 v14, $0xA  }
0xf8: {  	v14 =	vshll.u32 v14, $0x7;
	v7 =	vor.u32 v10, v7;
	v10 =	vshll.u32 v9, $0x3;
	v11 =	vld.idx.msk [tilespmem:v6+s29+$0xFFFFFFC0 ss:$0x1], $0xffff  }
0xf9: {  	v18 =	vsub.f32 $1.000000000e+00, v16;
	v8 =	vand.u32 $0xFFFFE000, v8;
	v17 =	vld.idx.msk [tilespmem:v5+s29+$0xFFFFFFF0 ss:$0x1], $0xffff;
	v10 =	vand.u32 $0xFFFFFC00, v10  }
0xfa: {  	v8 =	vadd.s32 v8, v10;
	v10 =	vand.u32 $0x380, v14;
	vm11 =	veq.s32 v13, v0  }
0xfb: {  	v9 =	vand.u32 $0x7F, v9;
	v8 =	vor.u32 v10, v8;
	v10 =	vsel vm11, v18, v16  }
0xfc: {  	v14 =	vshll.u32 v13, $0x7;
	v8 =	vor.u32 v9, v8;
	v10 =	vshrl.u32 v10, $0x14  }
0xfd: {  	v9 =	vsub.f32 $1.000000000e+00, v15;
	v10 =	vsub.s32 $0x3F8, v10;
	v16 =	vsub.f32 $1.000000000e+00, v11  }
0xfe: {  	[tilespmem:v7+s1+$0x0] =	vst.idx.add.f32.msk $0xffff, v4;
	v7 =	vshll.u32 v13, $0xA;
	vm13 =	veq.s32 v17, v0;
	v13 =	vshll.u32 v10, $0x3  }
0xff: {  	v18 =	vld.idx.msk [tilespmem:v6+s28+$0xFFFFFFE0 ss:$0x1], $0xffff;
	v7 =	vand.u32 $0xFFFFE000, v7;
	v13 =	vand.u32 $0xFFFFFC00, v13;
	v11 =	vsel vm13, v16, v11  }
0x100: {  	v16 =	vld.idx.msk [tilespmem:v5+s28+$0x10 ss:$0x1], $0xffff;
	v7 =	vadd.s32 v7, v13;
	v13 =	vand.u32 $0x380, v14;
	v11 =	vshrl.u32 v11, $0x14  }
0x101: {  	[tilespmem:v8+s1+$0x0] =	vst.idx.add.f32.msk $0xffff, v4;
	v8 =	vand.u32 $0x7F, v10;
	v7 =	vor.u32 v13, v7;
	v10 =	vsub.s32 $0x3F8, v11  }
0x102: {  	v11 =	vld.idx.msk [tilespmem:v6+s20+$0x0 ss:$0x1], $0xffff;
	v7 =	vor.u32 v8, v7;
	v8 =	vshll.u32 v17, $0xA;
	v13 =	vshll.u32 v10, $0x3  }
0x103: {  	v14 =	vld.idx.msk [tilespmem:v5+s20+$0x30 ss:$0x1], $0xffff;
	v17 =	vshll.u32 v17, $0x7;
	v8 =	vand.u32 $0xFFFFE000, v8;
	v13 =	vand.u32 $0xFFFFFC00, v13  }
0x104: {  	v8 =	vadd.s32 v8, v13;
	v13 =	vand.u32 $0x380, v17;
	v17 =	vsub.f32 $1.000000000e+00, v18  }
0x105: {  	v10 =	vand.u32 $0x7F, v10;
	vm14 =	veq.s32 v16, v0;
	v8 =	vor.u32 v13, v8  }
0x106: {  	v13 =	vsel vm12, v9, v15;
	v8 =	vor.u32 v10, v8;
	v9 =	vsel vm14, v17, v18  }
0x107: {  	v10 =	vshll.u32 v16, $0x7;
	v9 =	vshrl.u32 v9, $0x14;
	v15 =	vsub.f32 $1.000000000e+00, v11  }
0x108: {  	v16 =	vshll.u32 v16, $0xA;
	vm15 =	veq.s32 v14, v0;
	v9 =	vsub.s32 $0x3F8, v9  }
0x109: {  	v10 =	vand.u32 $0x380, v10;
	v17 =	vshll.u32 v9, $0x3;
	v11 =	vsel vm15, v15, v11  }
0x10a: {  	v15 =	vand.u32 $0xFFFFE000, v16;
	v16 =	vand.u32 $0xFFFFFC00, v17;
	v11 =	vshrl.u32 v11, $0x14  }
0x10b: {  	[tilespmem:v7+s1+$0x0] =	vst.idx.add.f32.msk $0xffff, v4;
	v7 =	vand.u32 $0x7F, v9;
	v9 =	vadd.s32 v15, v16;
	v15 =	vsub.s32 $0x3F8, v11  }
0x10c: {  	v9 =	vor.u32 v10, v9;
	v10 =	vshll.u32 v14, $0xA;
	v16 =	vshll.u32 v15, $0x3  }
0x10d: {  	v11 =	vld.idx.msk [tilespmem:v6+s30+$0xFFFFFFB0 ss:$0x1], $0xffff;
	v10 =	vand.u32 $0xFFFFE000, v10;
	v16 =	vand.u32 $0xFFFFFC00, v16  }
0x10e: {  	v14 =	vshll.u32 v14, $0x7;
	v9 =	vor.u32 v7, v9;
	v7 =	vadd.s32 v10, v16;
	v10 =	vld.idx.msk [tilespmem:v5+s30+$0xFFFFFFE0 ss:$0x1], $0xffff  }
0x10f: {  	v13 =	vshrl.u32 v13, $0x14;
	v14 =	vand.u32 $0x380, v14  }
0x110: {  	v13 =	vsub.s32 $0x3F8, v13;
	v15 =	vand.u32 $0x7F, v15;
	v7 =	vor.u32 v14, v7  }
0x111: {  	[tilespmem:v8+s1+$0x0] =	vst.idx.add.f32.msk $0xffff, v4;
	v16 =	vshll.u32 v13, $0x3;
	v7 =	vor.u32 v15, v7  }
0x112: {  	s0 =	simm.s32 $0x1400;
	v8 =	vld.idx.msk [tilespmem:v6+s29+$0xFFFFFFD0 ss:$0x1], $0xffff;
	v14 =	vshll.u32 v12, $0x7;
	v15 =	vshll.u32 v12, $0xA;
	v12 =	vsub.f32 $1.000000000e+00, v11  }
.LBB2_15:
0x113: {  	p1 =	seq.s32 s0, $0x1FC00;
	v15 =	vand.u32 $0xFFFFE000, v15;
	v16 =	vand.u32 $0xFFFFFC00, v16;
	vm0 =	veq.s32 v10, v0;
	v17 =	vld.idx.msk [tilespmem:v5+s29+$0x0 ss:$0x1], $0xffff  }
0x114: {  	v14 =	vand.u32 $0x380, v14;
	v15 =	vadd.s32 v15, v16;
	v11 =	vsel vm0, v12, v11;
	[tilespmem:v9+s1+$0x0] =	vst.idx.add.f32.msk $0xffff, v4  }
0x115: {  	v9 =	vand.u32 $0x7F, v13;
	v12 =	vor.u32 v14, v15;
	v11 =	vshrl.u32 v11, $0x14;
	v13 =	vld.idx.msk [tilespmem:v6+s28+$0xFFFFFFF0 ss:$0x1], $0xffff  }
0x116: {  	v9 =	vor.u32 v9, v12;
	v11 =	vsub.s32 $0x3F8, v11;
	[tilespmem:v7+s1+$0x0] =	vst.idx.add.f32.msk $0xffff, v4  }
0x117: {  	v7 =	vshll.u32 v10, $0xA;
	v10 =	vshll.u32 v10, $0x7;
	v12 =	vshll.u32 v11, $0x3;
	v14 =	vld.idx.msk [tilespmem:v5+s28+$0x20 ss:$0x1], $0xffff  }
0x118: {  	v7 =	vand.u32 $0xFFFFE000, v7;
	v15 =	vsub.f32 $1.000000000e+00, v8;
	v12 =	vand.u32 $0xFFFFFC00, v12  }
0x119: {  	v10 =	vand.u32 $0x380, v10;
	vm0 =	veq.s32 v17, v0;
	v7 =	vadd.s32 v7, v12  }
0x11a: {  	s2 =	sshra.s32 s0, $0x2;
	v11 =	vand.u32 $0x7F, v11;
	v7 =	vor.u32 v10, v7;
	v10 =	vsel vm0, v15, v8  }
0x11b: {  	v8 =	vld.idx.msk [tilespmem:v5+s2+$0xFFFFFFC0 ss:$0x1], $0xffff;
	v7 =	vor.u32 v11, v7;
	v10 =	vshrl.u32 v10, $0x14  }
0x11c: {  	v11 =	vsub.f32 $1.000000000e+00, v13;
	[tilespmem:v9+s1+$0x0] =	vst.idx.add.f32.msk $0xffff, v4;
	v9 =	vsub.s32 $0x3F8, v10;
	v10 =	vshll.u32 v17, $0x7  }
0x11d: {  	v15 =	vshll.u32 v17, $0xA;
	vm0 =	veq.s32 v14, v0;
	v12 =	vld.idx.msk [tilespmem:v6+s31+$0xFFFFFFA0 ss:$0x1], $0xffff;
	v16 =	vshll.u32 v9, $0x3  }
0x11e: {  	v15 =	vand.u32 $0xFFFFE000, v15;
	v11 =	vsel vm0, v11, v13;
	v17 =	vld.idx.msk [tilespmem:v5+s31+$0xFFFFFFD0 ss:$0x1], $0xffff;
	v16 =	vand.u32 $0xFFFFFC00, v16  }
0x11f: {  	v10 =	vand.u32 $0x380, v10;
	v11 =	vshrl.u32 v11, $0x14;
	v13 =	vld.idx.msk [tilespmem:v6+s2+$0xFFFFFF90 ss:$0x1], $0xffff;
	v15 =	vadd.s32 v15, v16  }
0x120: {  	[tilespmem:v7+s1+$0x0] =	vst.idx.add.f32.msk $0xffff, v4;
	v7 =	vand.u32 $0x7F, v9;
	v9 =	vor.u32 v10, v15;
	v10 =	vsub.s32 $0x3F8, v11  }
0x121: {  	v11 =	vld.idx.msk [tilespmem:v6+s30+$0xFFFFFFC0 ss:$0x1], $0xffff;
	v7 =	vor.u32 v7, v9;
	v9 =	vshll.u32 v14, $0xA;
	v15 =	vshll.u32 v10, $0x3  }
0x122: {  	v14 =	vshll.u32 v14, $0x7;
	v16 =	vld.idx.msk [tilespmem:v5+s30+$0xFFFFFFF0 ss:$0x1], $0xffff;
	v9 =	vand.u32 $0xFFFFE000, v9;
	v15 =	vand.u32 $0xFFFFFC00, v15  }
0x123: {  	v18 =	vsub.f32 $1.000000000e+00, v12;
	v14 =	vand.u32 $0x380, v14;
	v9 =	vadd.s32 v9, v15  }
0x124: {  	v10 =	vand.u32 $0x7F, v10;
	vm0 =	veq.s32 v17, v0;
	v9 =	vor.u32 v14, v9  }
0x125: {  	v12 =	vsel vm0, v18, v12;
	v9 =	vor.u32 v10, v9  }
0x126: {  	vm0 =	veq.s32 v8, v0;
	v10 =	vsub.f32 $1.000000000e+00, v13;
	v12 =	vshrl.u32 v12, $0x14  }
0x127: {  	v14 =	vshll.u32 v17, $0x7;
	v12 =	vsub.s32 $0x3F8, v12;
	v15 =	vsub.f32 $1.000000000e+00, v11;
	[tilespmem:v7+s1+$0x0] =	vst.idx.add.f32.msk $0xffff, v4  }
0x128: {  	v7 =	vshll.u32 v17, $0xA;
	v17 =	vshll.u32 v12, $0x3;
	vm1 =	veq.s32 v16, v0;
	v18 =	vld.idx.msk [tilespmem:v6+s29+$0xFFFFFFE0 ss:$0x1], $0xffff  }
0x129: {  	v7 =	vand.u32 $0xFFFFE000, v7;
	v17 =	vand.u32 $0xFFFFFC00, v17;
	v11 =	vsel vm1, v15, v11;
	v15 =	vld.idx.msk [tilespmem:v5+s29+$0x10 ss:$0x1], $0xffff  }
0x12a: {  	v14 =	vand.u32 $0x380, v14;
	v7 =	vadd.s32 v7, v17;
	v11 =	vshrl.u32 v11, $0x14;
	[tilespmem:v9+s1+$0x0] =	vst.idx.add.f32.msk $0xffff, v4  }
0x12b: {  	v9 =	vand.u32 $0x7F, v12;
	v7 =	vor.u32 v14, v7;
	v11 =	vsub.s32 $0x3F8, v11;
	v12 =	vld.idx.msk [tilespmem:v6+s28+$0x0 ss:$0x1], $0xffff  }
0x12c: {  	v7 =	vor.u32 v9, v7;
	v9 =	vshll.u32 v16, $0xA;
	v14 =	vshll.u32 v11, $0x3;
	v17 =	vld.idx.msk [tilespmem:v5+s28+$0x30 ss:$0x1], $0xffff;
	s28 =	smov.u32 s29;
	s29 =	smov.u32 s30;
	s30 =	smov.u32 s31  }
0x12d: {  	v16 =	vshll.u32 v16, $0x7;
	v9 =	vand.u32 $0xFFFFE000, v9;
	v14 =	vand.u32 $0xFFFFFC00, v14;
	s31 =	smov.u32 s2  }
0x12e: {  	v9 =	vadd.s32 v9, v14;
	v14 =	vand.u32 $0x380, v16;
	v16 =	vsub.f32 $1.000000000e+00, v18  }
0x12f: {  	v11 =	vand.u32 $0x7F, v11;
	v9 =	vor.u32 v14, v9;
	vm1 =	veq.s32 v15, v0  }
0x130: {  	v13 =	vsel vm0, v10, v13;
	v19 =	vor.u32 v11, v9;
	v9 =	vsel vm1, v16, v18  }
0x131: {  	v10 =	vshll.u32 v15, $0x7;
	v9 =	vshrl.u32 v9, $0x14;
	v11 =	vsub.f32 $1.000000000e+00, v12  }
0x132: {  	v14 =	vshll.u32 v15, $0xA;
	v9 =	vsub.s32 $0x3F8, v9;
	vm0 =	veq.s32 v17, v0  }
0x133: {  	v16 =	vand.u32 $0x380, v10;
	v15 =	vshll.u32 v9, $0x3;
	v10 =	vsel vm0, v11, v12  }
0x134: {  	v12 =	vand.u32 $0xFFFFFC00, v15;
	v10 =	vshrl.u32 v10, $0x14;
	[tilespmem:v7+s1+$0x0] =	vst.idx.add.f32.msk $0xffff, v4;
	v7 =	vand.u32 $0xFFFFE000, v14  }
0x135: {  	v9 =	vand.u32 $0x7F, v9;
	v11 =	vld.idx.msk [tilespmem:v6+s30+$0xFFFFFFB0 ss:$0x1], $0xffff;
	v7 =	vadd.s32 v7, v12;
	v12 =	vsub.s32 $0x3F8, v10  }
0x136: {  	v14 =	vshll.u32 v17, $0xA;
	v10 =	vld.idx.msk [tilespmem:v5+s30+$0xFFFFFFE0 ss:$0x1], $0xffff;
	v7 =	vor.u32 v16, v7;
	v15 =	vshll.u32 v12, $0x3  }
.Ltmp8:
0x137: {  	v14 =	vand.u32 $0xFFFFE000, v14;
	v16 =	vshll.u32 v17, $0x7;
	v15 =	vand.u32 $0xFFFFFC00, v15;
	(pc) =	sbr.rel @!p1 .LBB2_15-.Ltmp8, $4  }
0x138: {  	v9 =	vor.u32 v9, v7;
	v7 =	vadd.s32 v14, v15;
	v14 =	vand.u32 $0x380, v16  }
0x139: {  	v13 =	vshrl.u32 v13, $0x14;
	v12 =	vand.u32 $0x7F, v12;
	v7 =	vor.u32 v14, v7  }
0x13a: {  	v13 =	vsub.s32 $0x3F8, v13;
	v14 =	vshll.u32 v8, $0x7;
	[tilespmem:v19+s1+$0x0] =	vst.idx.add.f32.msk $0xffff, v4;
	v7 =	vor.u32 v12, v7  }
0x13b: {  	s0 =	sadd.s32 $0x400, s0;
	v15 =	vshll.u32 v8, $0xA;
	v16 =	vshll.u32 v13, $0x3;
	v12 =	vsub.f32 $1.000000000e+00, v11;
	v8 =	vld.idx.msk [tilespmem:v6+s29+$0xFFFFFFD0 ss:$0x1], $0xffff  }
0x13c: {  	v15 =	vand.u32 $0xFFFFE000, v15;
	v16 =	vand.u32 $0xFFFFFC00, v16  }
0x13d: {  	v14 =	vand.u32 $0x380, v14;
	v15 =	vadd.s32 v15, v16  }
0x13e: {  	v13 =	vand.u32 $0x7F, v13;
	v14 =	vor.u32 v14, v15  }
0x13f: {  	v13 =	vor.u32 v13, v14;
	_ =	sdelay $0x4  }
0x140: {  	[tilespmem:v13+s1+$0x0] =	vst.idx.add.f32.msk $0xffff, v4  }
0x141: {  	v13 =	vld.idx.msk [tilespmem:v6+s31+$0xFFFFFFA0 ss:$0x1], $0xffff  }
0x142: {  	v34 =	vld.idx.msk [tilespmem:v5+s31+$0xFFFFFFD0 ss:$0x1], $0xffff;
	_ =	sdelay $0x3  }
0x143: {  	v35 =	vsub.f32 $1.000000000e+00, v13  }
0x144: {  	vm0 =	veq.s32 v34, v0  }
0x145: {  	v13 =	vsel vm0, v35, v13  }
0x146: {  	v13 =	vshrl.u32 v13, $0x14  }
0x147: {  	v13 =	vsub.s32 $0x3F8, v13  }
0x148: {  	v36 =	vshll.u32 v34, $0xA;
	v37 =	vshll.u32 v13, $0x3  }
0x149: {  	v14 =	vshll.u32 v34, $0x7;
	v15 =	vand.u32 $0xFFFFE000, v36;
	v16 =	vand.u32 $0xFFFFFC00, v37  }
0x14a: {  	v14 =	vand.u32 $0x380, v14;
	v15 =	vadd.s32 v15, v16  }
0x14b: {  	v13 =	vand.u32 $0x7F, v13;
	v14 =	vor.u32 v14, v15  }
0x14c: {  	v13 =	vor.u32 v13, v14;
	_ =	sdelay $0x4  }
0x14d: {  	[tilespmem:v13+s1+$0x0] =	vst.idx.add.f32.msk $0xffff, v4  }
0x14e: {  	v13 =	vld.idx.msk [tilespmem:v6+s31+$0xFFFFFFB0 ss:$0x1], $0xffff  }
0x14f: {  	v38 =	vld.idx.msk [tilespmem:v5+s31+$0xFFFFFFE0 ss:$0x1], $0xffff  }
0x150: {  	vm10 =	veq.s32 v10, v0  }
0x151: {  	v11 =	vsel vm10, v12, v11  }
0x152: {  	v11 =	vshrl.u32 v11, $0x14  }
0x153: {  	v39 =	vshll.u32 v10, $0xA;
	v11 =	vsub.s32 $0x3F8, v11;
	v40 =	vsub.f32 $1.000000000e+00, v13  }
0x154: {  	v42 =	vshll.u32 v10, $0x7;
	v41 =	vshll.u32 v11, $0x3;
	vm11 =	veq.s32 v38, v0  }
0x155: {  	v12 =	vand.u32 $0xFFFFE000, v39;
	v16 =	vand.u32 $0xFFFFFC00, v41;
	v13 =	vsel vm11, v40, v13  }
0x156: {  	v10 =	vand.u32 $0x380, v42;
	v12 =	vadd.s32 v12, v16;
	v13 =	vshrl.u32 v13, $0x14  }
0x157: {  	v11 =	vand.u32 $0x7F, v11;
	v10 =	vor.u32 v10, v12;
	v43 =	vsub.s32 $0x3F8, v13  }
0x158: {  	v10 =	vor.u32 v11, v10;
	v44 =	vshll.u32 v38, $0xA;
	v13 =	vshll.u32 v43, $0x3  }
0x159: {  	v14 =	vshll.u32 v38, $0x7;
	v11 =	vand.u32 $0xFFFFE000, v44;
	v13 =	vand.u32 $0xFFFFFC00, v13  }
0x15a: {  	v45 =	vand.u32 $0x380, v14;
	v11 =	vadd.s32 v11, v13  }
0x15b: {  	v12 =	vand.u32 $0x7F, v43;
	v11 =	vor.u32 v45, v11  }
0x15c: {  	v11 =	vor.u32 v12, v11  }
0x15d: {  	[tilespmem:v10+s1+$0x0] =	vst.idx.add.f32.msk $0xffff, v4  }
0x15e: {  	v10 =	vld.idx.msk [tilespmem:v6+s30+$0xFFFFFFC0 ss:$0x1], $0xffff  }
0x15f: {  	v46 =	vld.idx.msk [tilespmem:v5+s30+$0xFFFFFFF0 ss:$0x1], $0xffff;
	_ =	sdelay $0x1  }
0x160: {  	[tilespmem:v11+s1+$0x0] =	vst.idx.add.f32.msk $0xffff, v4  }
0x161: {  	v11 =	vld.idx.msk [tilespmem:v6+s31+$0xFFFFFFC0 ss:$0x1], $0xffff  }
0x162: {  	v47 =	vsub.f32 $1.000000000e+00, v10;
	v48 =	vld.idx.msk [tilespmem:v5+s31+$0xFFFFFFF0 ss:$0x1], $0xffff  }
0x163: {  	vm12 =	veq.s32 v46, v0  }
0x164: {  	v10 =	vsel vm12, v47, v10  }
0x165: {  	v10 =	vshrl.u32 v10, $0x14  }
0x166: {  	v49 =	vshll.u32 v46, $0xA;
	v10 =	vsub.s32 $0x3F8, v10;
	v50 =	vsub.f32 $1.000000000e+00, v11  }
0x167: {  	v51 =	vshll.u32 v10, $0x3;
	v13 =	vand.u32 $0xFFFFE000, v49;
	vm13 =	veq.s32 v48, v0  }
0x168: {  	v16 =	vand.u32 $0xFFFFFC00, v51;
	v12 =	vshll.u32 v46, $0x7;
	v11 =	vsel vm13, v50, v11  }
0x169: {  	v13 =	vadd.s32 v13, v16;
	v12 =	vand.u32 $0x380, v12;
	v11 =	vshrl.u32 v11, $0x14  }
0x16a: {  	v10 =	vand.u32 $0x7F, v10;
	v12 =	vor.u32 v12, v13;
	v11 =	vsub.s32 $0x3F8, v11  }
0x16b: {  	v10 =	vor.u32 v10, v12;
	v52 =	vshll.u32 v48, $0xA;
	v53 =	vshll.u32 v11, $0x3  }
0x16c: {  	v54 =	vld.idx.msk [tilespmem:v5+s29+$0x0 ss:$0x1], $0xffff;
	v14 =	vshll.u32 v48, $0x7;
	v12 =	vand.u32 $0xFFFFE000, v52;
	v13 =	vand.u32 $0xFFFFFC00, v53  }
0x16d: {  	v55 =	vand.u32 $0x380, v14;
	v12 =	vadd.s32 v12, v13  }
0x16e: {  	v11 =	vand.u32 $0x7F, v11;
	v12 =	vor.u32 v55, v12  }
0x16f: {  	[tilespmem:v9+s1+$0x0] =	vst.idx.add.f32.msk $0xffff, v4;
	v56 =	vor.u32 v11, v12  }
0x170: {  	v58 =	vsub.f32 $1.000000000e+00, v8;
	[tilespmem:v10+s1+$0x0] =	vst.idx.add.f32.msk $0xffff, v4  }
0x171: {  	vm14 =	veq.s32 v54, v0;
	v10 =	vld.idx.msk [tilespmem:v6+s30+$0xFFFFFFD0 ss:$0x1], $0xffff  }
0x172: {  	v8 =	vsel vm14, v58, v8;
	v59 =	vld.idx.msk [tilespmem:v5+s30+$0x0 ss:$0x1], $0xffff  }
0x173: {  	v57 =	vld.idx.msk [tilespmem:v6+s28+$0xFFFFFFF0 ss:$0x1], $0xffff;
	v8 =	vshrl.u32 v8, $0x14  }
0x174: {  	v60 =	vshll.u32 v54, $0xA;
	v8 =	vsub.s32 $0x3F8, v8;
	[tilespmem:v56+s1+$0x0] =	vst.idx.add.f32.msk $0xffff, v4  }
0x175: {  	v9 =	vand.u32 $0xFFFFE000, v60;
	v61 =	vshll.u32 v8, $0x3;
	v62 =	vld.idx.msk [tilespmem:v6+s31+$0xFFFFFFD0 ss:$0x1], $0xffff  }
0x176: {  	v15 =	vshll.u32 v54, $0x7;
	v19 =	vsub.f32 $1.000000000e+00, v10;
	v13 =	vand.u32 $0xFFFFFC00, v61;
	v63 =	vld.idx.msk [tilespmem:v5+s31+$0x0 ss:$0x1], $0xffff  }
0x177: {  	v18 =	vand.u32 $0x380, v15;
	vm15 =	veq.s32 v59, v0;
	v9 =	vadd.s32 v9, v13  }
0x178: {  	v8 =	vand.u32 $0x7F, v8;
	v20 =	vsel vm15, v19, v10;
	v9 =	vor.u32 v18, v9  }
0x179: {  	v22 =	vsub.f32 $1.000000000e+00, v57;
	v8 =	vor.u32 v8, v9;
	v9 =	vshrl.u32 v20, $0x14  }
0x17a: {  	v23 =	vshll.u32 v59, $0xA;
	v9 =	vsub.s32 $0x3F8, v9;
	v21 =	vsub.f32 $1.000000000e+00, v62  }
0x17b: {  	v15 =	vand.u32 $0xFFFFE000, v23;
	v17 =	vshll.u32 v9, $0x3;
	vm4 =	veq.s32 v63, v0  }
0x17c: {  	v24 =	vld.idx.msk [tilespmem:v5+s28+$0x20 ss:$0x1], $0xffff;
	v12 =	vshll.u32 v59, $0x7;
	v17 =	vand.u32 $0xFFFFFC00, v17;
	v10 =	vsel vm4, v21, v62  }
0x17d: {  	v12 =	vand.u32 $0x380, v12;
	v25 =	vadd.s32 v15, v17;
	v10 =	vshrl.u32 v10, $0x14  }
0x17e: {  	v9 =	vand.u32 $0x7F, v9;
	[tilespmem:v8+s1+$0x0] =	vst.idx.add.f32.msk $0xffff, v4;
	v8 =	vor.u32 v12, v25;
	v10 =	vsub.s32 $0x3F8, v10  }
0x17f: {  	v8 =	vor.u32 v9, v8;
	v28 =	vshll.u32 v63, $0xA;
	v29 =	vshll.u32 v10, $0x3  }
0x180: {  	v26 =	vld.idx.msk [tilespmem:v6+s29+$0xFFFFFFE0 ss:$0x1], $0xffff;
	v16 =	vshll.u32 v63, $0x7;
	v9 =	vand.u32 $0xFFFFE000, v28;
	v17 =	vand.u32 $0xFFFFFC00, v29  }
0x181: {  	vm5 =	veq.s32 v24, v0;
	v27 =	vld.idx.msk [tilespmem:v5+s29+$0x10 ss:$0x1], $0xffff;
	v16 =	vand.u32 $0x380, v16;
	v9 =	vadd.s32 v9, v17  }
0x182: {  	v11 =	vsel vm5, v22, v57;
	v10 =	vand.u32 $0x7F, v10;
	v9 =	vor.u32 v16, v9  }
0x183: {  	v11 =	vshrl.u32 v11, $0x14;
	v9 =	vor.u32 v10, v9  }
0x184: {  	v32 =	vshll.u32 v24, $0xA;
	v14 =	vshll.u32 v24, $0x7;
	v31 =	vsub.s32 $0x3F8, v11;
	[tilespmem:v8+s1+$0x0] =	vst.idx.add.f32.msk $0xffff, v4  }
0x185: {  	v36 =	vand.u32 $0x380, v14;
	v11 =	vshll.u32 v31, $0x3;
	v30 =	vsub.f32 $1.000000000e+00, v26;
	v33 =	vld.idx.msk [tilespmem:v6+s30+$0xFFFFFFE0 ss:$0x1], $0xffff  }
0x186: {  	v11 =	vand.u32 $0xFFFFFC00, v11;
	vm6 =	veq.s32 v27, v0;
	v8 =	vand.u32 $0xFFFFE000, v32;
	v34 =	vld.idx.msk [tilespmem:v5+s30+$0x10 ss:$0x1], $0xffff  }
0x187: {  	v37 =	vshll.u32 v27, $0xA;
	v12 =	vshll.u32 v27, $0x7;
	v13 =	vsel vm6, v30, v26  }
0x188: {  	v8 =	vadd.s32 v8, v11;
	v39 =	vand.u32 $0xFFFFE000, v37;
	v13 =	vshrl.u32 v13, $0x14;
	[tilespmem:v9+s1+$0x0] =	vst.idx.add.f32.msk $0xffff, v4  }
0x189: {  	v12 =	vand.u32 $0x380, v12;
	v8 =	vor.u32 v36, v8;
	v35 =	vsub.s32 $0x3F8, v13;
	v41 =	vld.idx.msk [tilespmem:v6+s31+$0xFFFFFFE0 ss:$0x1], $0xffff  }
0x18a: {  	v38 =	vshll.u32 v35, $0x3;
	v11 =	vand.u32 $0x7F, v35;
	v42 =	vsub.f32 $1.000000000e+00, v33;
	v43 =	vld.idx.msk [tilespmem:v5+s31+$0x10 ss:$0x1], $0xffff  }
0x18b: {  	v40 =	vand.u32 $0xFFFFFC00, v38;
	vm7 =	veq.s32 v34, v0;
	v46 =	vshll.u32 v34, $0x7  }
0x18c: {  	v10 =	vand.u32 $0x7F, v31;
	v44 =	vsel vm7, v42, v33;
	v9 =	vadd.s32 v39, v40  }
0x18d: {  	v8 =	vor.u32 v10, v8;
	v45 =	vshrl.u32 v44, $0x14;
	v9 =	vor.u32 v12, v9  }
0x18e: {  	v10 =	vsub.s32 $0x3F8, v45;
	v9 =	vor.u32 v11, v9;
	v47 =	vsub.f32 $1.000000000e+00, v41  }
0x18f: {  	v48 =	vshll.u32 v34, $0xA;
	v49 =	vshll.u32 v10, $0x3;
	vm8 =	veq.s32 v43, v0  }
0x190: {  	v13 =	vand.u32 $0xFFFFE000, v48;
	v15 =	vand.u32 $0xFFFFFC00, v49;
	v12 =	vsel vm8, v47, v41  }
0x191: {  	v13 =	vadd.s32 v13, v15;
	v11 =	vand.u32 $0x380, v46;
	v12 =	vshrl.u32 v12, $0x14  }
0x192: {  	v50 =	vand.u32 $0x7F, v10;
	v51 =	vor.u32 v11, v13;
	v52 =	vsub.s32 $0x3F8, v12  }
0x193: {  	v54 =	vshll.u32 v43, $0xA;
	[tilespmem:v9+s1+$0x0] =	vst.idx.add.f32.msk $0xffff, v4;
	v9 =	vor.u32 v50, v51;
	v55 =	vshll.u32 v52, $0x3  }
0x194: {  	[tilespmem:v8+s1+$0x0] =	vst.idx.add.f32.msk $0xffff, v4;
	v57 =	vshll.u32 v43, $0x7;
	v10 =	vand.u32 $0xFFFFE000, v54;
	v13 =	vand.u32 $0xFFFFFC00, v55  }
0x195: {  	v15 =	vand.u32 $0x380, v57;
	v53 =	vld.idx.msk [tilespmem:v6+s29+$0xFFFFFFF0 ss:$0x1], $0xffff;
	v10 =	vadd.s32 v10, v13  }
0x196: {  	v56 =	vld.idx.msk [tilespmem:v5+s29+$0x20 ss:$0x1], $0xffff;
	v11 =	vand.u32 $0x7F, v52;
	v10 =	vor.u32 v15, v10  }
0x197: {  	v59 =	vld.idx.msk [tilespmem:v6+s28+$0x0 ss:$0x1], $0xffff;
	v58 =	vor.u32 v11, v10  }
0x198: {  	[tilespmem:v9+s1+$0x0] =	vst.idx.add.f32.msk $0xffff, v4  }
0x199: {  	v62 =	vld.idx.msk [tilespmem:v6+s30+$0xFFFFFFF0 ss:$0x1], $0xffff  }
0x19a: {  	v60 =	vsub.f32 $1.000000000e+00, v53;
	v63 =	vld.idx.msk [tilespmem:v5+s30+$0x20 ss:$0x1], $0xffff  }
0x19b: {  	vm9 =	veq.s32 v56, v0  }
0x19c: {  	v25 =	vsub.f32 $1.000000000e+00, v59;
	v20 =	vshll.u32 v56, $0xA;
	v61 =	vsel vm9, v60, v53;
	[tilespmem:v58+s1+$0x0] =	vst.idx.add.f32.msk $0xffff, v4  }
0x19d: {  	v14 =	vshll.u32 v56, $0x7;
	v8 =	vand.u32 $0xFFFFE000, v20;
	v9 =	vshrl.u32 v61, $0x14;
	v22 =	vld.idx.msk [tilespmem:v6+s31+$0xFFFFFFF0 ss:$0x1], $0xffff  }
0x19e: {  	v14 =	vand.u32 $0x380, v14;
	v9 =	vsub.s32 $0x3F8, v9;
	v24 =	vsub.f32 $1.000000000e+00, v62;
	v23 =	vld.idx.msk [tilespmem:v5+s31+$0x20 ss:$0x1], $0xffff  }
0x19f: {  	v21 =	vshll.u32 v9, $0x3;
	vm10 =	veq.s32 v63, v0;
	v9 =	vand.u32 $0x7F, v9  }
0x1a0: {  	v28 =	vshll.u32 v63, $0xA;
	v13 =	vand.u32 $0xFFFFFC00, v21;
	v11 =	vsel vm10, v24, v62  }
0x1a1: {  	v12 =	vshll.u32 v63, $0x7;
	v8 =	vadd.s32 v8, v13;
	v11 =	vshrl.u32 v11, $0x14  }
0x1a2: {  	v8 =	vor.u32 v14, v8;
	v27 =	vsub.s32 $0x3F8, v11;
	v26 =	vsub.f32 $1.000000000e+00, v22  }
0x1a3: {  	v8 =	vor.u32 v9, v8;
	v29 =	vshll.u32 v27, $0x3;
	vm11 =	veq.s32 v23, v0  }
0x1a4: {  	v30 =	vld.idx.msk [tilespmem:v5+s28+$0x30 ss:$0x1], $0xffff;
	v11 =	vand.u32 $0xFFFFE000, v28;
	v14 =	vand.u32 $0xFFFFFC00, v29;
	v13 =	vsel vm11, v26, v22  }
0x1a5: {  	v12 =	vand.u32 $0x380, v12;
	v11 =	vadd.s32 v11, v14;
	v13 =	vshrl.u32 v13, $0x14  }
0x1a6: {  	v9 =	vand.u32 $0x7F, v27;
	v11 =	vor.u32 v12, v11;
	v31 =	vsub.s32 $0x3F8, v13  }
0x1a7: {  	v33 =	vshll.u32 v23, $0xA;
	v36 =	vshll.u32 v23, $0x7;
	v34 =	vshll.u32 v31, $0x3  }
0x1a8: {  	[tilespmem:v8+s1+$0x0] =	vst.idx.add.f32.msk $0xffff, v4;
	v32 =	vor.u32 v9, v11;
	v9 =	vand.u32 $0xFFFFE000, v33;
	v11 =	vand.u32 $0xFFFFFC00, v34  }
0x1a9: {  	vm12 =	veq.s32 v30, v0;
	v38 =	vand.u32 $0x380, v36;
	v35 =	vld.idx.msk [tilespmem:v6+s29+$0x0 ss:$0x1], $0xffff;
	v9 =	vadd.s32 v9, v11  }
0x1aa: {  	v10 =	vsel vm12, v25, v59;
	v37 =	vld.idx.msk [tilespmem:v5+s29+$0x30 ss:$0x1], $0xffff;
	v12 =	vand.u32 $0x7F, v31;
	v9 =	vor.u32 v38, v9  }
0x1ab: {  	v10 =	vshrl.u32 v10, $0x14;
	v9 =	vor.u32 v12, v9  }
0x1ac: {  	v39 =	vshll.u32 v30, $0xA;
	v10 =	vsub.s32 $0x3F8, v10  }
0x1ad: {  	v42 =	vand.u32 $0xFFFFE000, v39;
	v40 =	vshll.u32 v10, $0x3;
	[tilespmem:v32+s1+$0x0] =	vst.idx.add.f32.msk $0xffff, v4  }
0x1ae: {  	v15 =	vshll.u32 v30, $0x7;
	v43 =	vand.u32 $0xFFFFFC00, v40;
	v41 =	vsub.f32 $1.000000000e+00, v35;
	v44 =	vld.idx.msk [tilespmem:v6+s30+$0x0 ss:$0x1], $0xffff  }
0x1af: {  	v47 =	vand.u32 $0x380, v15;
	v8 =	vadd.s32 v42, v43;
	vm13 =	veq.s32 v37, v0;
	v46 =	vld.idx.msk [tilespmem:v5+s30+$0x30 ss:$0x1], $0xffff  }
0x1b0: {  	v10 =	vand.u32 $0x7F, v10;
	v8 =	vor.u32 v47, v8;
	v45 =	vsel vm13, v41, v35;
	[tilespmem:v9+s1+$0x0] =	vst.idx.add.f32.msk $0xffff, v4  }
0x1b1: {  	v8 =	vor.u32 v10, v8;
	v51 =	vshll.u32 v37, $0x7;
	v11 =	vshrl.u32 v45, $0x14;
	v6 =	vld.idx.msk [tilespmem:v6+s31+$0x0 ss:$0x1], $0xffff  }
0x1b2: {  	v49 =	vshll.u32 v37, $0xA;
	v53 =	vand.u32 $0x380, v51;
	v48 =	vsub.s32 $0x3F8, v11;
	v5 =	vld.idx.msk [tilespmem:v5+s31+$0x30 ss:$0x1], $0xffff  }
0x1b3: {  	v11 =	vand.u32 $0xFFFFE000, v49;
	v50 =	vshll.u32 v48, $0x3;
	v52 =	vsub.f32 $1.000000000e+00, v44  }
0x1b4: {  	vm14 =	veq.s32 v46, v0;
	v57 =	vshll.u32 v46, $0xA;
	v10 =	vand.u32 $0xFFFFFC00, v50  }
0x1b5: {  	v13 =	vshll.u32 v46, $0x7;
	v12 =	vand.u32 $0xFFFFE000, v57;
	v10 =	vadd.s32 v11, v10  }
0x1b6: {  	v9 =	vand.u32 $0x7F, v48;
	v54 =	vsel vm14, v52, v44;
	v56 =	vsub.f32 $1.000000000e+00, v6  }
0x1b7: {  	v10 =	vor.u32 v53, v10;
	v55 =	vshrl.u32 v54, $0x14;
	vm15 =	veq.s32 v5, v0  }
0x1b8: {  	v9 =	vor.u32 v9, v10;
	v10 =	vsub.s32 $0x3F8, v55;
	v6 =	vsel vm15, v56, v6  }
0x1b9: {  	v60 =	vand.u32 $0x380, v13;
	v58 =	vshll.u32 v10, $0x3;
	v6 =	vshrl.u32 v6, $0x14  }
0x1ba: {  	v10 =	vand.u32 $0x7F, v10;
	v59 =	vand.u32 $0xFFFFFC00, v58;
	v6 =	vsub.s32 $0x3F8, v6  }
0x1bb: {  	v11 =	vadd.s32 v12, v59;
	v61 =	vshll.u32 v5, $0xA;
	v62 =	vshll.u32 v6, $0x3  }
0x1bc: {  	v5 =	vshll.u32 v5, $0x7;
	v13 =	vand.u32 $0xFFFFE000, v61;
	v14 =	vand.u32 $0xFFFFFC00, v62  }
0x1bd: {  	v11 =	vor.u32 v60, v11;
	v5 =	vand.u32 $0x380, v5;
	v63 =	vadd.s32 v13, v14  }
0x1be: {  	v10 =	vor.u32 v10, v11;
	v6 =	vand.u32 $0x7F, v6;
	v5 =	vor.u32 v5, v63  }
0x1bf: {  	p1 =	seq.s32 s26, $0x10;
	v5 =	vor.u32 v6, v5  }
.Ltmp9:
0x1c0: {  	[tilespmem:v7+s1+$0x0] =	vst.idx.add.f32.msk $0xffff, v4;
	(pc) =	sbr.rel @!p1 .LBB2_8-.Ltmp9, $4  }
0x1c1: {  	[tilespmem:v8+s1+$0x0] =	vst.idx.add.f32.msk $0xffff, v4  }
0x1c2: {  	[tilespmem:v9+s1+$0x0] =	vst.idx.add.f32.msk $0xffff, v4  }
0x1c3: {  	[tilespmem:v10+s1+$0x0] =	vst.idx.add.f32.msk $0xffff, v4  }
0x1c4: {  	s2 =	smov.u32 s26;
	[tilespmem:v5+s1+$0x0] =	vst.idx.add.f32.msk $0xffff, v4  }
0x1c5: {  	s0 =	simm.s32 $0x0  }
0x1c6: {  	s5 =	sand.u32 $0x70, s0;
	s0 =	sand.u32 $0x1C00, s0  }
0x1c7: {  	s0 =	sor.u32 s5, s0  }
0x1c8: {  	v5 =	vld [tilespmem:s0+$0x0];
	_ =	sdelay $0x2  }
0x1c9: {  	v6 =	vld [tilespmem:s0+$0x80]  }
0x1ca: {  	v7 =	vld [tilespmem:s0+$0x100]  }
0x1cb: {  	v8 =	vmul.f32 $0.0e+00, v5  }
0x1cc: {  	v9 =	vld [tilespmem:s0+$0x180];
	v5 =	vadd.f32 $0.0e+00, v5  }
0x1cd: {  	v8 =	vadd.f32 $0.0e+00, v8  }
0x1ce: {  	v10 =	vld [tilespmem:s0+$0x200];
	v5 =	vadd.f32 v6, v5  }
0x1cf: {  	v11 =	vadd.f32 v7, v7;
	v6 =	vadd.f32 v8, v6  }
0x1d0: {  	v5 =	vadd.f32 v7, v5;
	v7 =	vld [tilespmem:s0+$0x280]  }
0x1d1: {  	v8 =	vmul.f32 $3.000000000e+00, v9;
	v6 =	vadd.f32 v11, v6  }
0x1d2: {  	v5 =	vadd.f32 v9, v5;
	v9 =	vld [tilespmem:s0+$0x300]  }
0x1d3: {  	v11 =	vmul.f32 $4.000000000e+00, v10;
	v6 =	vadd.f32 v8, v6  }
0x1d4: {  	v5 =	vadd.f32 v10, v5;
	v8 =	vld [tilespmem:s0+$0x380]  }
0x1d5: {  	v10 =	vmul.f32 $5.000000000e+00, v7;
	v6 =	vadd.f32 v11, v6  }
0x1d6: {  	v5 =	vadd.f32 v7, v5;
	v7 =	vld [tilespmem:s0+$0x2000]  }
0x1d7: {  	v11 =	vmul.f32 $6.000000000e+00, v9;
	v6 =	vadd.f32 v10, v6  }
0x1d8: {  	v5 =	vadd.f32 v9, v5;
	v9 =	vld [tilespmem:s0+$0x2080]  }
0x1d9: {  	v10 =	vmul.f32 $7.000000000e+00, v8;
	v6 =	vadd.f32 v11, v6  }
0x1da: {  	v5 =	vadd.f32 v8, v5;
	v8 =	vld [tilespmem:s0+$0x2100]  }
0x1db: {  	v11 =	vmul.f32 $8.000000000e+00, v7;
	v6 =	vadd.f32 v10, v6  }
0x1dc: {  	v5 =	vadd.f32 v7, v5;
	v7 =	vld [tilespmem:s0+$0x2180]  }
0x1dd: {  	v10 =	vmul.f32 $9.000000000e+00, v9;
	v6 =	vadd.f32 v11, v6  }
0x1de: {  	v5 =	vadd.f32 v9, v5;
	v9 =	vld [tilespmem:s0+$0x2200]  }
0x1df: {  	v11 =	vmul.f32 $1.000000000e+01, v8;
	v6 =	vadd.f32 v10, v6  }
0x1e0: {  	v10 =	vld [tilespmem:s0+$0x2280];
	v5 =	vadd.f32 v8, v5  }
0x1e1: {  	v8 =	vmul.f32 $1.100000000e+01, v7;
	v6 =	vadd.f32 v11, v6  }
0x1e2: {  	v5 =	vadd.f32 v7, v5;
	v7 =	vld [tilespmem:s0+$0x2300]  }
0x1e3: {  	v11 =	vmul.f32 $1.200000000e+01, v9;
	v6 =	vadd.f32 v8, v6  }
0x1e4: {  	v5 =	vadd.f32 v9, v5;
	v8 =	vld [tilespmem:s0+$0x2380]  }
0x1e5: {  	v9 =	vmul.f32 $1.300000000e+01, v10;
	v6 =	vadd.f32 v11, v6  }
0x1e6: {  	v5 =	vadd.f32 v10, v5;
	v10 =	vld [tilespmem:s0+$0x4000]  }
0x1e7: {  	v11 =	vmul.f32 $1.400000000e+01, v7;
	v6 =	vadd.f32 v9, v6  }
0x1e8: {  	v5 =	vadd.f32 v7, v5;
	v7 =	vld [tilespmem:s0+$0x4080]  }
0x1e9: {  	v9 =	vmul.f32 $1.500000000e+01, v8;
	v6 =	vadd.f32 v11, v6  }
0x1ea: {  	v5 =	vadd.f32 v8, v5;
	v8 =	vld [tilespmem:s0+$0x4100]  }
0x1eb: {  	v11 =	vmul.f32 $1.600000000e+01, v10;
	v6 =	vadd.f32 v9, v6  }
0x1ec: {  	v5 =	vadd.f32 v10, v5;
	v9 =	vld [tilespmem:s0+$0x4180]  }
0x1ed: {  	v10 =	vmul.f32 $1.700000000e+01, v7;
	v6 =	vadd.f32 v11, v6  }
0x1ee: {  	v5 =	vadd.f32 v7, v5;
	v7 =	vld [tilespmem:s0+$0x4200]  }
0x1ef: {  	v11 =	vmul.f32 $1.800000000e+01, v8;
	v6 =	vadd.f32 v10, v6  }
0x1f0: {  	v5 =	vadd.f32 v8, v5  }
0x1f1: {  	v8 =	vmul.f32 $1.900000000e+01, v9;
	v6 =	vadd.f32 v11, v6  }
0x1f2: {  	v5 =	vadd.f32 v9, v5  }
0x1f3: {  	v9 =	vmul.f32 $2.000000000e+01, v7;
	v6 =	vadd.f32 v8, v6  }
0x1f4: {  	v5 =	vadd.f32 v7, v5  }
0x1f5: {  	s28 =	simm.s32 $0x6000;
	s31 =	simm.s32 $0x10;
	s0 =	simm.s32 $0x80;
	v6 =	vadd.f32 v9, v6  }
0x1f6: {  	s2 =	simm.s32 $0x6400;
	s5 =	sand.u32 $0x70, s31;
	s18 =	sand.u32 $0x1C00, s0;
	[tilespmem:s28+$0x0] =	vst v5  }
0x1f7: {  	s30 =	sor.u32 s5, s18;
	[tilespmem:s2+$0x0] =	vst v6  }
0x1f8: {  	v5 =	vld [tilespmem:s30+$0x0];
	_ =	sdelay $0x1  }
0x1f9: {  	v7 =	vld [tilespmem:s30+$0x80]  }
0x1fa: {  	v8 =	vld [tilespmem:s30+$0x100];
	_ =	sdelay $0x1  }
0x1fb: {  	v9 =	vadd.f32 $0.0e+00, v5;
	v5 =	vmul.f32 $0.0e+00, v5  }
0x1fc: {  	v10 =	vld [tilespmem:s30+$0x180]  }
0x1fd: {  	v5 =	vadd.f32 $0.0e+00, v5;
	v9 =	vadd.f32 v7, v9  }
0x1fe: {  	v11 =	vld [tilespmem:s30+$0x200];
	v12 =	vadd.f32 v8, v8  }
0x1ff: {  	v5 =	vadd.f32 v5, v7;
	v7 =	vadd.f32 v8, v9  }
0x200: {  	v8 =	vld [tilespmem:s30+$0x280]  }
0x201: {  	(xrf2) =	vadd.scan.msk.f32 $0xffff, v6;
	v6 =	vmul.f32 $3.000000000e+00, v10;
	v5 =	vadd.f32 v12, v5;
	v7 =	vadd.f32 v10, v7  }
0x202: {  	v9 =	vld [tilespmem:s30+$0x300]  }
0x203: {  	v5 =	vadd.f32 v6, v5;
	v6 =	vadd.f32 v11, v7;
	_ =	sdelay $0x1  }
0x204: {  	v10 =	vmul.f32 $4.000000000e+00, v11;
	v6 =	vadd.f32 v8, v6  }
0x205: {  	v7 =	vld [tilespmem:s30+$0x380]  }
0x206: {  	v5 =	vadd.f32 v10, v5;
	v10 =	vmul.f32 $6.000000000e+00, v9;
	v9 =	vadd.f32 v9, v6;
	_ =	sdelay $0x1  }
0x207: {  	v11 =	vmul.f32 $5.000000000e+00, v8;
	_ =	sdelay $0x1  }
0x208: {  	v5 =	vadd.f32 v11, v5;
	v11 =	vmul.f32 $7.000000000e+00, v7;
	v7 =	vadd.f32 v7, v9;
	v9, _, _ =	vpop (xrf2)  }
0x209: {  	(v2sf) =	vpush v9, $0xF;
	_ =	sdelay $0x5  }
0x20a: {  	v8 =	vld [tilespmem:s30+$0x2000]  }
0x20b: {  	v13 =	vld [tilespmem:s30+$0x2080]  }
0x20c: {  	v6 =	vld [tilespmem:s30+$0x2100]  }
0x20d: {  	v10 =	vadd.f32 v10, v5;
	_ =	sdelay $0x1  }
0x20e: {  	v12 =	vmul.f32 $8.000000000e+00, v8;
	v10 =	vadd.f32 v11, v10;
	v8 =	vadd.f32 v8, v7;
	v7 =	vld [tilespmem:s30+$0x2180]  }
0x20f: {  	v5 =	vld [tilespmem:s30+$0x2280];
	v11 =	vmul.f32 $9.000000000e+00, v13  }
0x210: {  	s26 =	simm.f32 $0.0e+00;
	s29 =	simm.s32 $0x6410;
	s5 =	simm.s32 $0x20;
	v12 =	vadd.f32 v12, v10;
	v9 =	vadd.f32 v13, v8;
	v8 =	vld [tilespmem:s30+$0x2200];
	v10 =	vmul.f32 $1.000000000e+01, v6  }
.LBB2_18:
0x211: {  	s28 =	sadd.s32 $0x10, s28  }
0x212: {  	v11 =	vadd.f32 v11, v12;
	v6 =	vadd.f32 v6, v9;
	s20 =	spop (v2sf);
	s18 =	smov.u32 s5;
	s2 =	sadd.s32 $0x10, s5  }
0x213: {  	p1 =	seq.s32 s5, $0x3F0;
	v9 =	vmul.f32 $1.100000000e+01, v7;
	s26 =	sadd.f32 s20, s26  }
0x214: {  	v10 =	vadd.f32 v10, v11;
	v6 =	vadd.f32 v7, v6;
	v7 =	vld [tilespmem:s30+$0x2300]  }
0x215: {  	v11 =	vmul.f32 $1.200000000e+01, v8  }
0x216: {  	v9 =	vadd.f32 v9, v10;
	v6 =	vadd.f32 v8, v6;
	v8 =	vld [tilespmem:s30+$0x2380]  }
0x217: {  	v10 =	vmul.f32 $1.300000000e+01, v5  }
0x218: {  	v9 =	vadd.f32 v11, v9;
	v5 =	vadd.f32 v5, v6;
	v6 =	vld [tilespmem:s30+$0x4000]  }
0x219: {  	v11 =	vmul.f32 $1.400000000e+01, v7  }
0x21a: {  	v9 =	vadd.f32 v10, v9;
	v5 =	vadd.f32 v7, v5;
	v7 =	vld [tilespmem:s30+$0x4080]  }
0x21b: {  	v10 =	vmul.f32 $1.500000000e+01, v8  }
0x21c: {  	v9 =	vadd.f32 v11, v9;
	v5 =	vadd.f32 v8, v5;
	v8 =	vld [tilespmem:s30+$0x4100]  }
0x21d: {  	v11 =	vmul.f32 $1.600000000e+01, v6  }
0x21e: {  	v9 =	vadd.f32 v10, v9;
	v5 =	vadd.f32 v6, v5;
	v6 =	vld [tilespmem:s30+$0x4180]  }
0x21f: {  	v10 =	vmul.f32 $1.700000000e+01, v7  }
0x220: {  	v9 =	vadd.f32 v11, v9;
	v5 =	vadd.f32 v7, v5;
	v7 =	vld [tilespmem:s30+$0x4200]  }
0x221: {  	v11 =	vmul.f32 $1.800000000e+01, v8  }
0x222: {  	v9 =	vadd.f32 v10, v9;
	v5 =	vadd.f32 v8, v5  }
0x223: {  	v8 =	vmul.f32 $1.900000000e+01, v6  }
0x224: {  	v9 =	vadd.f32 v11, v9;
	v5 =	vadd.f32 v6, v5  }
0x225: {  	v6 =	vmul.f32 $2.000000000e+01, v7  }
0x226: {  	v8 =	vadd.f32 v8, v9;
	v5 =	vadd.f32 v7, v5  }
0x227: {  	s0 =	sadd.s32 $0x80, s0  }
0x228: {  	s5 =	sand.u32 $0x70, s18;
	s18 =	sand.u32 $0x1C00, s0;
	v6 =	vadd.f32 v6, v8;
	[tilespmem:s28+$0x0] =	vst v5  }
0x229: {  	s30 =	sor.u32 s5, s18  }
0x22a: {  	[tilespmem:s29+$0x0] =	vst v6;
	(xrf2) =	vadd.scan.msk.f32 $0xffff, v6  }
0x22b: {  	v6 =	vld [tilespmem:s30+$0x0]  }
0x22c: {  	v7 =	vld [tilespmem:s30+$0x80]  }
0x22d: {  	v5 =	vld [tilespmem:s30+$0x2280]  }
0x22e: {  	v8 =	vld [tilespmem:s30+$0x100];
	_ =	sdelay $0x1  }
0x22f: {  	v9 =	vadd.f32 $0.0e+00, v6;
	v6 =	vmul.f32 $0.0e+00, v6;
	v10 =	vld [tilespmem:s30+$0x180];
	_ =	sdelay $0x1  }
0x230: {  	v6 =	vadd.f32 $0.0e+00, v6;
	v13 =	vadd.f32 v7, v9;
	v11 =	vld [tilespmem:s30+$0x200]  }
0x231: {  	v12 =	vadd.f32 v8, v8  }
0x232: {  	v6 =	vadd.f32 v6, v7;
	v7 =	vadd.f32 v8, v13;
	v8 =	vld [tilespmem:s30+$0x280];
	v9, _, _ =	vpop (xrf2)  }
0x233: {  	v13 =	vmul.f32 $3.000000000e+00, v10;
	(v2sf) =	vpush v9, $0xF  }
0x234: {  	v6 =	vadd.f32 v12, v6;
	v7 =	vadd.f32 v10, v7;
	v9 =	vld [tilespmem:s30+$0x300]  }
0x235: {  	v10 =	vmul.f32 $4.000000000e+00, v11  }
0x236: {  	v6 =	vadd.f32 v13, v6;
	v7 =	vadd.f32 v11, v7;
	v11 =	vld [tilespmem:s30+$0x380]  }
0x237: {  	v12 =	vmul.f32 $5.000000000e+00, v8  }
0x238: {  	v6 =	vadd.f32 v10, v6;
	v7 =	vadd.f32 v8, v7;
	v8 =	vld [tilespmem:s30+$0x2000]  }
0x239: {  	v10 =	vmul.f32 $6.000000000e+00, v9  }
0x23a: {  	v6 =	vadd.f32 v12, v6;
	v7 =	vadd.f32 v9, v7;
	v9 =	vld [tilespmem:s30+$0x2080]  }
0x23b: {  	v12 =	vmul.f32 $7.000000000e+00, v11  }
0x23c: {  	v10 =	vadd.f32 v10, v6;
	v7 =	vadd.f32 v11, v7;
	v6 =	vld [tilespmem:s30+$0x2100]  }
.Ltmp10:
0x23d: {  	v13 =	vmul.f32 $8.000000000e+00, v8;
	(pc) =	sbr.rel @!p1 .LBB2_18-.Ltmp10, $4  }
0x23e: {  	v10 =	vadd.f32 v12, v10;
	v8 =	vadd.f32 v8, v7;
	v7 =	vld [tilespmem:s30+$0x2180]  }
0x23f: {  	v11 =	vmul.f32 $9.000000000e+00, v9  }
0x240: {  	v12 =	vadd.f32 v13, v10;
	v9 =	vadd.f32 v9, v8;
	v8 =	vld [tilespmem:s30+$0x2200]  }
0x241: {  	s5 =	smov.u32 s2;
	s29 =	sadd.s32 $0x10, s29;
	v10 =	vmul.f32 $1.000000000e+01, v6  }
0x242: {  	v11 =	vadd.f32 v11, v12  }
0x243: {  	v6 =	vadd.f32 v6, v9  }
0x244: {  	v12 =	vmul.f32 $1.100000000e+01, v7;
	v10 =	vadd.f32 v10, v11  }
0x245: {  	v11 =	vld [tilespmem:s30+$0x2300];
	v6 =	vadd.f32 v7, v6  }
0x246: {  	v13 =	vmul.f32 $1.200000000e+01, v8;
	v10 =	vadd.f32 v12, v10  }
0x247: {  	v12 =	vld [tilespmem:s30+$0x2380];
	v6 =	vadd.f32 v8, v6  }
0x248: {  	v14 =	vmul.f32 $1.300000000e+01, v5;
	v10 =	vadd.f32 v13, v10  }
0x249: {  	v13 =	vld [tilespmem:s30+$0x4000];
	v5 =	vadd.f32 v5, v6  }
0x24a: {  	v15 =	vmul.f32 $1.400000000e+01, v11;
	v10 =	vadd.f32 v14, v10  }
0x24b: {  	v14 =	vld [tilespmem:s30+$0x4080];
	v5 =	vadd.f32 v11, v5  }
0x24c: {  	v16 =	vmul.f32 $1.500000000e+01, v12;
	v10 =	vadd.f32 v15, v10  }
0x24d: {  	v15 =	vld [tilespmem:s30+$0x4100];
	v5 =	vadd.f32 v12, v5  }
0x24e: {  	v17 =	vmul.f32 $1.600000000e+01, v13;
	v10 =	vadd.f32 v16, v10  }
0x24f: {  	v16 =	vld [tilespmem:s30+$0x4180];
	v5 =	vadd.f32 v13, v5  }
0x250: {  	v18 =	vmul.f32 $1.700000000e+01, v14;
	v10 =	vadd.f32 v17, v10  }
0x251: {  	v17 =	vld [tilespmem:s30+$0x4200];
	v5 =	vadd.f32 v14, v5  }
0x252: {  	v10 =	vadd.f32 v18, v10;
	v18 =	vmul.f32 $1.800000000e+01, v15  }
0x253: {  	v5 =	vadd.f32 v15, v5  }
0x254: {  	v10 =	vadd.f32 v18, v10;
	v18 =	vmul.f32 $1.900000000e+01, v16  }
0x255: {  	v5 =	vadd.f32 v16, v5  }
0x256: {  	v10 =	vadd.f32 v18, v10;
	v18 =	vmul.f32 $2.000000000e+01, v17  }
0x257: {  	v5 =	vadd.f32 v17, v5  }
0x258: {  	s2 =	sadd.s32 $0x10, s28;
	v10 =	vadd.f32 v18, v10  }
0x259: {  	[tilespmem:s2+$0x0] =	vst v5  }
0x25a: {  	s20 =	simm.s32 $0x0;
	(xrf2) =	vadd.scan.msk.f32 $0xffff, v10;
	[tilespmem:s29+$0x0] =	vst v10  }
0x25b: {  	v9 =	vld [tilespmem:s20+$0x6000];
	_ =	sdelay $0x1  }
0x25c: {  	v7 =	vld [tilespmem:s20+$0x6400];
	_ =	sdelay $0x2  }
0x25d: {  	(xrf2) =	vadd.scan.msk.f32 $0xffff, v9  }
0x25e: {  	s18 =	simm.s32 $0x10  }
0x25f: {  	v11 =	vld [tilespmem:s18+$0x6000];
	(xrf2) =	vadd.scan.msk.f32 $0xffff, v7  }
0x260: {  	v8 =	vld [tilespmem:s18+$0x6400]  }
0x261: {  	v6, _, _ =	vpop (xrf2)  }
0x262: {  	(v2sf) =	vpush v6, $0xF;
	_ =	sdelay $0x1  }
0x263: {  	(xrf2) =	vadd.scan.msk.f32 $0xffff, v11  }
0x264: {  	(xrf2) =	vadd.scan.msk.f32 $0xffff, v8;
	_ =	sdelay $0x1  }
0x265: {  	v10, _, _ =	vpop (xrf2)  }
0x266: {  	(v2sf) =	vpush v10, $0xF  }
0x267: {  	s31 =	simm.s32 $0x20;
	v12, _, _ =	vpop (xrf2)  }
0x268: {  	v13 =	vld [tilespmem:s31+$0x6000];
	(v2sf) =	vpush v12, $0xF  }
0x269: {  	v14 =	vld [tilespmem:s31+$0x6400];
	_ =	sdelay $0x2  }
0x26a: {  	v15, _, _ =	vpop (xrf2)  }
0x26b: {  	s0 =	spop (v2sf);
	(xrf2) =	vadd.scan.msk.f32 $0xffff, v13;
	(v2sf) =	vpush v15, $0xF;
	v16, _, _ =	vpop (xrf2)  }
0x26c: {  	s0 =	sadd.f32 s0, s26;
	(xrf2) =	vadd.scan.msk.f32 $0xffff, v14;
	(v2sf) =	vpush v16, $0xF  }
0x26d: {  	s2 =	simm.s32 $0x30;
	s26 =	spop (v2sf)  }
0x26e: {  	v6 =	vld [tilespmem:s2+$0x6000];
	s0 =	sadd.f32 s26, s0;
	s26 =	simm.f32 $0.0e+00  }
0x26f: {  	v10 =	vadd.f32 s26, v10  }
0x270: {  	v12 =	vadd.f32 s26, v12;
	v5 =	vmov s0  }
0x271: {  	v18 =	vsub.f32 v10, v9;
	v10 =	vadd.f32 v10, v5  }
0x272: {  	v17 =	vld [tilespmem:s2+$0x6400]  }
0x273: {  	(xrf2) =	vadd.scan.msk.f32 $0xffff, v6;
	v19 =	vsub.f32 v12, v7;
	v18 =	vadd.f32 v18, v5;
	s5 =	spop (v2sf)  }
0x274: {  	v7 =	vsub.f32 v10, v12;
	s5 =	sadd.f32 s5, s26  }
0x275: {  	s0 =	simm.s32 $0x40;
	s28 =	spop (v2sf);
	v10, _, _ =	vpop (xrf2);
	v18 =	vsub.f32 v18, v19  }
0x276: {  	(erf) = vrcp.f32 v7;
	v7 =	vld [tilespmem:s0+$0x6000];
	s29 =	sadd.f32 s28, s26;
	(v2sf) =	vpush v10, $0xF;
	v20, _, _ =	vpop (xrf2);
	v15 =	vadd.f32 s5, v15  }
0x277: {  	(xrf2) =	vadd.scan.msk.f32 $0xffff, v17;
	(erf) = vrcp.f32 v18;
	(v2sf) =	vpush v20, $0xF  }
0x278: {  	v18 =	vld [tilespmem:s0+$0x6400];
	v16 =	vadd.f32 s29, v16;
	v21 =	vsub.f32 v15, v11  }
0x279: {  	v15 =	vadd.f32 v15, v5  }
0x27a: {  	s28 =	spop (v2sf);
	v22 =	vsub.f32 v16, v8;
	v21 =	vadd.f32 v21, v5  }
0x27b: {  	s5 =	sadd.f32 s28, s5;
	s30 =	spop (v2sf);
	(xrf2) =	vadd.scan.msk.f32 $0xffff, v7;
	v8 =	vsub.f32 v15, v16  }
0x27c: {  	s30 =	sadd.f32 s30, s29;
	v21 =	vsub.f32 v21, v22  }
0x27d: {  	v12 =	vsub.f32 v5, v12;
	v10 =	vadd.f32 s5, v10;
	v15, _, _ =	vpop (xrf2);
	(xrf2) =	vadd.scan.msk.f32 $0xffff, v18;
	(erf) = vrcp.f32 v8  }
0x27e: {  	v19 =	vsub.f32 v5, v19;
	v20 =	vadd.f32 s30, v20  }
0x27f: {  	s28 =	simm.s32 $0x50;
	v25 =	vsub.f32 v10, v13;
	v10 =	vadd.f32 v10, v5;
	v23 =	vpop (erf);
	(erf) = vrcp.f32 v21  }
0x280: {  	v14 =	vsub.f32 v20, v14;
	v8 =	vld [tilespmem:s28+$0x6000];
	(v2sf) =	vpush v15, $0xF;
	v21 =	vpop (erf)  }
0x281: {  	v25 =	vadd.f32 v25, v5;
	v24, _, _ =	vpop (xrf2);
	v12 =	vmul.f32 v23, v12;
	v23 =	vld [tilespmem:s28+$0x6400];
	v19 =	vmul.f32 v21, v19  }
0x282: {  	v10 =	vsub.f32 v10, v20;
	(v2sf) =	vpush v24, $0xF;
	v21 =	vld [tilespmem:s20+$0x6800]  }
0x283: {  	v12 =	vsub.f32 $1.000000000e+00, v12;
	v19 =	vadd.f32 $-1.000000000e+00, v19  }
0x284: {  	v16 =	vsub.f32 v5, v16;
	v25 =	vsub.f32 v25, v14  }
0x285: {  	(xrf2) =	vadd.scan.msk.f32 $0xffff, v8;
	s9 =	spop (v2sf);
	v12 =	vadd.f32 v19, v12;
	v19 =	vsub.f32 v5, v20;
	v20, _, _ =	vpop (xrf2)  }
0x286: {  	(erf) = vrcp.f32 v10;
	v10 =	vpop (erf);
	s5 =	sadd.f32 s9, s5;
	s15 =	spop (v2sf)  }
0x287: {  	v22 =	vsub.f32 v5, v22;
	(xrf2) =	vadd.scan.msk.f32 $0xffff, v23;
	(erf) = vrcp.f32 v25;
	v12 =	vmul.f32 v12, v21;
	s20 =	sadd.f32 s15, s30;
	v21, _, _ =	vpop (xrf2)  }
0x288: {  	(v2sf) =	vpush v20, $0xF;
	v10 =	vmul.f32 v10, v16;
	v16 =	vpop (erf);
	v15 =	vadd.f32 s5, v15  }
0x289: {  	(v2sf) =	vpush v21, $0xF;
	v16 =	vmul.f32 v16, v22;
	v24 =	vadd.f32 s20, v24  }
0x28a: {  	vm0 =	vgt.f32 v9, $0.0e+00;
	s29 =	simm.s32 $0x60;
	v22 =	vld [tilespmem:s18+$0x6800];
	v26 =	vsub.f32 v15, v6;
	v15 =	vadd.f32 v15, v5  }
0x28b: {  	v9 =	vld [tilespmem:s29+$0x6000];
	v10 =	vsub.f32 $1.000000000e+00, v10;
	v25 =	vnsel vm0, $0x0, v12;
	v16 =	vadd.f32 $-1.000000000e+00, v16  }
0x28c: {  	v12 =	vld [tilespmem:s29+$0x6400];
	(xrf2) =	vadd.scan.msk.f32 $0xffff, v25;
	v25 =	vadd.f32 v26, v5;
	v15 =	vsub.f32 v15, v24  }
0x28d: {  	v26 =	vsub.f32 v24, v17;
	v10 =	vadd.f32 v16, v10  }
0x28e: {  	(erf) = vrcp.f32 v15  }
0x28f: {  	s9 =	spop (v2sf);
	v16 =	vsub.f32 v5, v24;
	v24, _, _ =	vpop (xrf2);
	v17 =	vsub.f32 v25, v26;
	v22 =	vmul.f32 v10, v22  }
0x290: {  	vm14 =	vgt.f32 v11, $0.0e+00;
	(xrf2) =	vadd.scan.msk.f32 $0xffff, v9;
	s5 =	sadd.f32 s9, s5;
	v15 =	vpop (erf)  }
0x291: {  	v14 =	vsub.f32 v5, v14;
	(xrf2) =	vadd.scan.msk.f32 $0xffff, v12;
	s15 =	spop (v2sf);
	v25, _, _ =	vpop (xrf2);
	(erf) = vrcp.f32 v17;
	v17 =	vnsel vm14, $0x0, v22  }
0x292: {  	s30 =	simm.s32 $0x70;
	(v2sf) =	vpush v24, $0xF;
	v20 =	vadd.f32 s5, v20;
	s18 =	sadd.f32 s15, s20;
	v11 =	vmul.f32 v15, v19;
	v15 =	vpop (erf);
	(xrf2) =	vadd.scan.msk.f32 $0xffff, v17  }
0x293: {  	v10 =	vld [tilespmem:s30+$0x6000];
	(v2sf) =	vpush v25, $0xF;
	v14 =	vmul.f32 v15, v14  }
0x294: {  	v19 =	vsub.f32 v20, v7;
	v22 =	vadd.f32 s18, v21  }
0x295: {  	v11 =	vsub.f32 $1.000000000e+00, v11;
	v14 =	vadd.f32 $-1.000000000e+00, v14  }
0x296: {  	v15 =	vadd.f32 v20, v5;
	v20 =	vld [tilespmem:s31+$0x6800];
	v19 =	vadd.f32 v19, v5  }
0x297: {  	v17 =	vsub.f32 v22, v18;
	v11 =	vadd.f32 v14, v11;
	v14 =	vld [tilespmem:s30+$0x6400];
	v18 =	vpop (erf)  }
0x298: {  	v21, _, _ =	vpop (xrf2);
	(xrf2) =	vadd.scan.msk.f32 $0xffff, v10;
	v16 =	vmul.f32 v18, v16  }
0x299: {  	v27 =	vsub.f32 v15, v22;
	(v2sf) =	vpush v21, $0xF  }
0x29a: {  	v15 =	vsub.f32 v5, v22;
	v22 =	vsub.f32 v5, v26;
	s9 =	spop (v2sf);
	v21, _, _ =	vpop (xrf2)  }
0x29b: {  	s20 =	sadd.f32 s9, s5;
	v26 =	vsub.f32 v19, v17;
	(v2sf) =	vpush v21, $0xF;
	(erf) = vrcp.f32 v27;
	v19, _, _ =	vpop (xrf2)  }
0x29c: {  	s31 =	simm.s32 $0x80;
	s15 =	spop (v2sf);
	v20 =	vmul.f32 v11, v20;
	(v2sf) =	vpush v19, $0xF;
	v29 =	vsub.f32 $1.000000000e+00, v16;
	(xrf2) =	vadd.scan.msk.f32 $0xffff, v14;
	v16, _, _ =	vpop (xrf2)  }
0x29d: {  	vm15 =	vgt.f32 v13, $0.0e+00;
	s18 =	sadd.f32 s15, s18;
	v24 =	vadd.f32 s20, v24;
	v11 =	vld [tilespmem:s31+$0x6000];
	v28 =	vpop (erf);
	(v2sf) =	vpush v16, $0xF  }
0x29e: {  	(erf) = vrcp.f32 v26;
	v22 =	vmul.f32 v28, v22;
	v13 =	vnsel vm15, $0x0, v20  }
0x29f: {  	v18 =	vadd.f32 s18, v25;
	v25 =	vsub.f32 v24, v8;
	(xrf2) =	vadd.scan.msk.f32 $0xffff, v13;
	v13 =	vld [tilespmem:s31+$0x6400]  }
0x2a0: {  	v63 =	vadd.f32 v24, v5;
	v22 =	vadd.f32 $-1.000000000e+00, v22;
	v16 =	vld [tilespmem:s2+$0x6800]  }
0x2a1: {  	v24 =	vadd.f32 v25, v5;
	v20 =	vsub.f32 v18, v23  }
0x2a2: {  	s5 =	simm.s32 $0x240;
	v25 =	vsub.f32 v63, v18;
	(xrf2) =	vadd.scan.msk.f32 $0xffff, v11;
	v23, _, _ =	vpop (xrf2);
	s2 =	spop (v2sf);
	v22 =	vadd.f32 v22, v29  }
.LBB2_20:
0x2a3: {  	v26 =	vsub.f32 v5, v18;
	s20 =	sadd.f32 s2, s20;
	v27 =	vsub.f32 v5, v17;
	vm0 =	vgt.f32 v6, $0.0e+00;
	v6 =	vmovc v7  }
0x2a4: {  	s2 =	spop (v2sf);
	v7 =	vmovc v8;
	v8 =	vmovc v9;
	v9 =	vmov v10;
	v10 =	vmov v11;
	v17 =	vmov v20;
	s9 =	smov.u32 s5;
	s15 =	sadd.s32 $0x40, s5  }
0x2a5: {  	p1 =	sne.s32 s5, $0xFC0;
	s9 =	sshra.s32 s9, $0x2;
	(xrf2) =	vadd.scan.msk.f32 $0xffff, v13;
	v18 =	vsub.f32 v24, v17;
	s18 =	sadd.f32 s2, s18;
	(erf) = vrcp.f32 v25;
	v20 =	vpop (erf);
	v16 =	vmul.f32 v22, v16  }
0x2a6: {  	v11 =	vld [tilespmem:s9+$0x6000];
	v22, _, _ =	vpop (xrf2);
	(v2sf) =	vpush v23, $0xF;
	v21 =	vadd.f32 s20, v21;
	v20 =	vmul.f32 v20, v15  }
0x2a7: {  	v28 =	vld [tilespmem:s9+$0x6400];
	(v2sf) =	vpush v22, $0xF;
	(erf) = vrcp.f32 v18;
	v15 =	vpop (erf);
	v16 =	vnsel vm0, $0x0, v16  }
.Ltmp11:
0x2a8: {  	v18 =	vadd.f32 s18, v19;
	v24 =	vsub.f32 v21, v8;
	v25 =	vmul.f32 v15, v27;
	(xrf2) =	vadd.scan.msk.f32 $0xffff, v16;
	s2 =	spop (v2sf);
	v15 =	vmovc v26;
	(pc) =	sbr.rel @p1 .LBB2_20-.Ltmp11, $4  }
0x2a9: {  	v19 =	vmov v22;
	v26 =	vadd.f32 v21, v5;
	v27 =	vsub.f32 $1.000000000e+00, v20;
	v16 =	vld [tilespmem:s0+$0x6800];
	v29, _, _ =	vpop (xrf2);
	s26 =	sadd.f32 s2, s26;
	s0 =	smov.u32 s28;
	s28 =	smov.u32 s29  }
0x2aa: {  	s29 =	smov.u32 s30;
	s30 =	smov.u32 s31;
	s31 =	smov.u32 s9;
	v24 =	vadd.f32 v24, v5;
	v22 =	vadd.f32 $-1.000000000e+00, v25;
	v21 =	vmov v23  }
0x2ab: {  	v20 =	vsub.f32 v18, v12;
	v12 =	vmovc v14;
	v14 =	vmov v13;
	(xrf2) =	vadd.scan.msk.f32 $0xffff, v11;
	(v2sf) =	vpush v29, $0xF  }
0x2ac: {  	s5 =	smov.u32 s15;
	v25 =	vsub.f32 v26, v18;
	v23, _, _ =	vpop (xrf2);
	s2 =	spop (v2sf);
	v22 =	vadd.f32 v22, v27;
	v13 =	vmov v28  }
0x2ad: {  	_ = 	snop  }
0x2ae: {  	(v2sf) =	vpush v23, $0xF  }
0x2af: {  	v26, _, _ =	vpop (xrf2)  }
0x2b0: {  	(v2sf) =	vpush v26, $0xF;
	_ =	sdelay $0x5  }
0x2b1: {  	s5 =	sadd.f32 s2, s20  }
0x2b2: {  	s9 =	spop (v2sf);
	(xrf2) =	vadd.scan.msk.f32 $0xffff, v13  }
0x2b3: {  	s9 =	sadd.f32 s9, s18;
	v21 =	vadd.f32 s5, v21  }
0x2b4: {  	v17 =	vsub.f32 v5, v17;
	s2 =	spop (v2sf)  }
0x2b5: {  	v19 =	vadd.f32 s9, v19;
	v27 =	vsub.f32 v21, v9;
	s15 =	spop (v2sf)  }
0x2b6: {  	v24 =	vsub.f32 v24, v20;
	v21 =	vadd.f32 v21, v5;
	s5 =	sadd.f32 s15, s5;
	s20 =	spop (v2sf)  }
0x2b7: {  	v12 =	vsub.f32 v19, v12;
	v27 =	vadd.f32 v27, v5;
	s9 =	sadd.f32 s20, s9;
	s18 =	spop (v2sf)  }
0x2b8: {  	v21 =	vsub.f32 v21, v19;
	v37 =	vadd.f32 s5, v23;
	s20 =	spop (v2sf)  }
0x2b9: {  	v28, _, _ =	vpop (xrf2);
	v39 =	vsub.f32 v27, v12;
	v26 =	vadd.f32 s9, v26;
	s5 =	sadd.f32 s20, s5  }
0x2ba: {  	(erf) = vrcp.f32 v25;
	v29, _, _ =	vpop (xrf2);
	v30 =	vsub.f32 v37, v10;
	v23 =	vadd.f32 v37, v5;
	s20 =	spop (v2sf)  }
0x2bb: {  	(erf) = vrcp.f32 v24;
	v14 =	vsub.f32 v26, v14;
	v38 =	vadd.f32 s5, v29;
	s5 =	sadd.f32 s20, s9  }
0x2bc: {  	v41, _, _ =	vpop (xrf2);
	v40 =	vadd.f32 v30, v5;
	v23 =	vsub.f32 v23, v26  }
0x2bd: {  	(erf) = vrcp.f32 v21;
	v31 =	vsub.f32 v38, v11;
	v43 =	vadd.f32 s5, v41  }
0x2be: {  	v42 =	vpop (erf);
	(erf) = vrcp.f32 v39;
	v27 =	vsub.f32 v40, v14;
	v25 =	vadd.f32 v38, v5  }
0x2bf: {  	(erf) = vrcp.f32 v23;
	v45 =	vadd.f32 v31, v5;
	v46 =	vsub.f32 v43, v13  }
0x2c0: {  	v18 =	vsub.f32 v5, v18;
	v44 =	vpop (erf);
	(erf) = vrcp.f32 v27;
	v47 =	vsub.f32 v25, v43  }
0x2c1: {  	vm0 =	vgt.f32 v6, $0.0e+00;
	v15 =	vmul.f32 v42, v15;
	v49 =	vsub.f32 v45, v46  }
0x2c2: {  	v6 =	vsub.f32 v5, v20;
	v17 =	vmul.f32 v44, v17;
	(erf) = vrcp.f32 v47  }
0x2c3: {  	vm11 =	vgt.f32 v7, $0.0e+00;
	vm12 =	vgt.f32 v8, $0.0e+00;
	v50 =	vpop (erf);
	(erf) = vrcp.f32 v49  }
0x2c4: {  	v48 =	vld [tilespmem:s0+$0x6800];
	v16 =	vmul.f32 v22, v16;
	v15 =	vsub.f32 $1.000000000e+00, v15;
	v17 =	vadd.f32 $-1.000000000e+00, v17;
	v51 =	vpop (erf)  }
0x2c5: {  	v52 =	vsub.f32 v5, v19;
	v18 =	vmul.f32 v50, v18;
	v6 =	vmul.f32 v51, v6  }
0x2c6: {  	v16 =	vnsel vm0, $0x0, v16;
	v15 =	vadd.f32 v17, v15;
	v12 =	vsub.f32 v5, v12;
	v53 =	vpop (erf)  }
0x2c7: {  	v55 =	vld [tilespmem:s28+$0x6800];
	v18 =	vsub.f32 $1.000000000e+00, v18;
	v6 =	vadd.f32 $-1.000000000e+00, v6;
	v17 =	vmul.f32 v53, v52;
	v54 =	vpop (erf)  }
0x2c8: {  	v7 =	vsub.f32 v5, v26;
	v14 =	vsub.f32 v5, v14;
	v12 =	vmul.f32 v54, v12;
	v56 =	vpop (erf)  }
0x2c9: {  	v15 =	vmul.f32 v15, v48;
	v6 =	vadd.f32 v6, v18;
	v17 =	vsub.f32 $1.000000000e+00, v17;
	v57 =	vpop (erf)  }
0x2ca: {  	v58 =	vld [tilespmem:s29+$0x6800];
	v12 =	vadd.f32 $-1.000000000e+00, v12;
	v7 =	vmul.f32 v56, v7;
	v14 =	vmul.f32 v57, v14  }
0x2cb: {  	v15 =	vnsel vm11, $0x0, v15;
	v59 =	vsub.f32 v5, v43;
	v5 =	vsub.f32 v5, v46;
	v60 =	vpop (erf)  }
0x2cc: {  	v61 =	vld [tilespmem:s30+$0x6800];
	(xrf2) =	vadd.scan.msk.f32 $0xffff, v16;
	v6 =	vmul.f32 v6, v55;
	v7 =	vsub.f32 $1.000000000e+00, v7;
	v14 =	vadd.f32 $-1.000000000e+00, v14;
	v62 =	vpop (erf)  }
0x2cd: {  	v12 =	vadd.f32 v12, v17;
	v8 =	vmul.f32 v60, v59;
	v5 =	vmul.f32 v62, v5  }
0x2ce: {  	v63 =	vld [tilespmem:s31+$0x6800];
	(xrf2) =	vadd.scan.msk.f32 $0xffff, v15;
	v6 =	vnsel vm12, $0x0, v6;
	v7 =	vadd.f32 v14, v7  }
0x2cf: {  	v12 =	vmul.f32 v12, v58;
	v8 =	vsub.f32 $1.000000000e+00, v8;
	v5 =	vadd.f32 $-1.000000000e+00, v5  }
0x2d0: {  	vm13 =	vgt.f32 v9, $0.0e+00;
	(xrf2) =	vadd.scan.msk.f32 $0xffff, v6  }
0x2d1: {  	v6 =	vnsel vm13, $0x0, v12;
	v7 =	vmul.f32 v7, v61;
	v5 =	vadd.f32 v5, v8  }
0x2d2: {  	vm14 =	vgt.f32 v10, $0.0e+00;
	(xrf2) =	vadd.scan.msk.f32 $0xffff, v6  }
0x2d3: {  	v6 =	vnsel vm14, $0x0, v7;
	v5 =	vmul.f32 v5, v63  }
0x2d4: {  	vm15 =	vgt.f32 v11, $0.0e+00;
	(v2sf) =	vpush v28, $0xF;
	(xrf2) =	vadd.scan.msk.f32 $0xffff, v6  }
0x2d5: {  	(v2sf) =	vpush v29, $0xF;
	v5 =	vnsel vm15, $0x0, v5  }
0x2d6: {  	(v2sf) =	vpush v41, $0xF;
	v6, _, _ =	vpop (xrf2);
	(xrf2) =	vadd.scan.msk.f32 $0xffff, v5  }
0x2d7: {  	(v2sf) =	vpush v6, $0xF  }
0x2d8: {  	v5, _, _ =	vpop (xrf2)  }
0x2d9: {  	(v2sf) =	vpush v5, $0xF  }
0x2da: {  	v5, _, _ =	vpop (xrf2)  }
0x2db: {  	(v2sf) =	vpush v5, $0xF  }
0x2dc: {  	v5, _, _ =	vpop (xrf2)  }
0x2dd: {  	(v2sf) =	vpush v5, $0xF  }
0x2de: {  	v5, _, _ =	vpop (xrf2)  }
0x2df: {  	(v2sf) =	vpush v5, $0xF  }
0x2e0: {  	v5, _, _ =	vpop (xrf2)  }
0x2e1: {  	s28 =	sadd.f32 s2, s26;
	(v2sf) =	vpush v5, $0xF;
	_ =	sdelay $0x1  }
0x2e2: {  	s0 =	sadd.f32 s18, s28;
	s29 =	spop (v2sf)  }
0x2e3: {  	s30 =	spop (v2sf)  }
0x2e4: {  	s0 =	sadd.f32 s29, s0;
	s31 =	spop (v2sf)  }
0x2e5: {  	s9 =	spop (v2sf)  }
0x2e6: {  	s0 =	sadd.f32 s9, s0  }
0x2e7: {  	s15 =	spop (v2sf)  }
0x2e8: {  	s0 =	sadd.f32 s15, s0  }
0x2e9: {  	s18 =	spop (v2sf)  }
0x2ea: {  	s0 =	sadd.f32 s18, s0  }
0x2eb: {  	s20 =	spop (v2sf)  }
0x2ec: {  	s0 =	sadd.f32 s20, s0  }
0x2ed: {  	s26 =	spop (v2sf)  }
0x2ee: {  	s0 =	sadd.f32 s26, s0  }
0x2ef: {  	s28 =	spop (v2sf)  }
0x2f0: {  	s0 =	sadd.f32 s28, s0;
	_ =	sdelay $0x1  }
0x2f1: {  	v5 =	vmov s0  }
0x2f2: {  	s2 =	simm.s32 $0x0;
	s29 =	rddreg [dreg:$0x3];
	[tilespmem:$0x16C00] =	vst v5  }
0x2f3: {  	[hbm4b:s29+s2] =	stream.linear.scatter [tilespmem:s24], [sflag:$0x3], $0x80, $0x38;
	[tilespmem:$0x16C80] =	vst v63  }
0x2f4: {  	_ =	swait.ge [sflag:s21], $0x80  }
0x2f5: {  	s5 =	sand.u32 $0x1C00, s2;
	s30 =	sand.u32 $0x70, s2;
	[sflag:s21] =	ssyncset.done $0x0  }
0x2f6: {  	s0 =	sor.u32 s30, s5;
	[sflag:s21] =	ssyncadd.s32 $0xFFFFFF80  }
0x2f7: {  	[tilespmem:s0+$0x0] =	vst v3  }
0x2f8: {  	[tilespmem:s0+$0x80] =	vst v3  }
0x2f9: {  	[tilespmem:s0+$0x100] =	vst v3  }
0x2fa: {  	[tilespmem:s0+$0x180] =	vst v3  }
0x2fb: {  	[tilespmem:s0+$0x200] =	vst v3  }
0x2fc: {  	s31 =	sor.u32 s2, s2;
	[tilespmem:s0+$0x280] =	vst v3  }
0x2fd: {  	s18 =	simm.s32 $0x10;
	s5 =	sor.u32 $0x380, s31;
	[tilespmem:s0+$0x300] =	vst v3  }
.LBB2_22:
0x2fe: {  	p1 =	sne.s32 s18, $0x3F0;
	[tilespmem:s5+$0x0] =	vst v3  }
0x2ff: {  	[tilespmem:s0+$0x4200] =	vst v3  }
0x300: {  	[tilespmem:s0+$0x2000] =	vst v3  }
0x301: {  	[tilespmem:s0+$0x2080] =	vst v3  }
0x302: {  	[tilespmem:s0+$0x2100] =	vst v3  }
0x303: {  	[tilespmem:s0+$0x2180] =	vst v3  }
0x304: {  	[tilespmem:s0+$0x2200] =	vst v3  }
0x305: {  	[tilespmem:s0+$0x2280] =	vst v3  }
0x306: {  	[tilespmem:s0+$0x2300] =	vst v3  }
0x307: {  	[tilespmem:s0+$0x2380] =	vst v3  }
0x308: {  	[tilespmem:s0+$0x4000] =	vst v3  }
0x309: {  	s2 =	sadd.s32 $0x80, s2;
	[tilespmem:s0+$0x4080] =	vst v3  }
0x30a: {  	s5 =	sand.u32 $0x70, s18;
	s9 =	sand.u32 $0x1C00, s2;
	[tilespmem:s0+$0x4100] =	vst v3  }
0x30b: {  	[tilespmem:s0+$0x4180] =	vst v3;
	s0 =	sor.u32 s5, s9  }
0x30c: {  	[tilespmem:s0+$0x0] =	vst v3  }
0x30d: {  	[tilespmem:s0+$0x80] =	vst v3  }
.Ltmp12:
0x30e: {  	[tilespmem:s0+$0x100] =	vst v3;
	(pc) =	sbr.rel @p1 .LBB2_22-.Ltmp12, $4  }
0x30f: {  	[tilespmem:s0+$0x180] =	vst v3  }
0x310: {  	[tilespmem:s0+$0x200] =	vst v3  }
0x311: {  	s5 =	sor.u32 s2, s18;
	[tilespmem:s0+$0x280] =	vst v3  }
0x312: {  	s18 =	sadd.s32 $0x10, s18;
	s5 =	sor.u32 $0x380, s5;
	[tilespmem:s0+$0x300] =	vst v3  }
0x313: {  	[tilespmem:s5+$0x0] =	vst v3  }
0x314: {  	[tilespmem:s0+$0x4200] =	vst v3  }
0x315: {  	[tilespmem:s0+$0x2000] =	vst v3  }
0x316: {  	[tilespmem:s0+$0x2080] =	vst v3  }
0x317: {  	[tilespmem:s0+$0x2100] =	vst v3  }
0x318: {  	[tilespmem:s0+$0x2180] =	vst v3  }
0x319: {  	[tilespmem:s0+$0x2200] =	vst v3  }
0x31a: {  	[tilespmem:s0+$0x2280] =	vst v3  }
0x31b: {  	[tilespmem:s0+$0x2300] =	vst v3  }
0x31c: {  	[tilespmem:s0+$0x2380] =	vst v3  }
0x31d: {  	[tilespmem:s0+$0x4000] =	vst v3  }
0x31e: {  	[tilespmem:s0+$0x4080] =	vst v3  }
0x31f: {  	s2 =	simm.s32 $0x6C00;
	[tilespmem:s0+$0x4100] =	vst v3  }
0x320: {  	s18 =	sadd.s32 $0x0, s12;
	s5 =	simm.s32 $0x6D00;
	[tilespmem:s0+$0x4180] =	vst v3;
	s0 =	simm.s32 $0x80  }
.LBB2_24:
0x321: {  	[tilespmem:s2], [sflag:$0x1] =	stream.linear.gather [hbm4b:s18+s1], $0x80, $0x38;
	[tilespmem:$0x16C80] =	vst v63  }
0x322: {  	s9 =	smov.u32 s0;
	s2 =	smov.u32 s5;
	p1 =	sne.s32 s0, $0x3F80  }
.Ltmp13:
0x323: {  	s0 =	sadd.s32 $0x80, s0;
	(pc) =	sbr.rel @p1 .LBB2_24-.Ltmp13, $2  }
0x324: {  	_ =	sdelay $0x2  }
0x325: {  	s5 =	sadd.s32 $0x100, s5;
	s18 =	sadd.s32 s9, s12  }
0x326: {  	[tilespmem:s2], [sflag:$0x1] =	stream.linear.gather [hbm4b:s18+s1], $0x80, $0x38;
	[tilespmem:$0x16C80] =	vst v63  }
0x327: {  	s2 =	simm.s32 $0x0;
	s0 =	simm.s32 $0xEC00  }
0x328: {  	s5 =	simm.s32 $0x40;
	s20 =	sadd.s32 $0x0, s13;
	s18 =	simm.s32 $0xED00  }
.LBB2_26:
0x329: {  	[tilespmem:s0], [sflag:$0x2] =	stream.linear.gather [hbm4b:s20+s2], $0x80, $0x38;
	[tilespmem:$0x16C80] =	vst v63  }
0x32a: {  	s9 =	smov.u32 s5;
	s0 =	smov.u32 s18;
	p1 =	seq.s32 s5, $0x1FC0  }
.Ltmp14:
0x32b: {  	s5 =	sadd.s32 $0x40, s5;
	(pc) =	sbr.rel @!p1 .LBB2_26-.Ltmp14, $2  }
0x32c: {  	_ =	sdelay $0x2  }
0x32d: {  	s18 =	sadd.s32 $0x100, s18;
	s20 =	sadd.s32 s9, s13  }
0x32e: {  	[tilespmem:s0], [sflag:$0x2] =	stream.linear.gather [hbm4b:s20+s2], $0x80, $0x38;
	[tilespmem:$0x16C80] =	vst v63  }
.LBB2_28:
0x32f: {  	p1 =	seq.s32 s2, $0xF  }
.Ltmp15:
0x330: {  	_ = 	snop;
	(pc) =	sbr.rel @p1 .LBB2_34-.Ltmp15, $2  }
0x331: {  	_ =	sdelay $0x2  }
0x332: {  	s26 =	sadd.s32 $0x1, s2;
	s0 =	simm.s32 $0x80  }
0x333: {  	s0 =	sshll.u32 s2, $0x7;
	s31 =	sshll.u32 s26, $0x11  }
0x334: {  	s0 =	sand.u32 $0x80, s0;
	s5 =	sadd.s32 s10, s31  }
0x335: {  	s2 =	sxor.u32 $0x80, s0;
	s9 =	sshrl.u32 s5, $0x3  }
0x336: {  	s5 =	sor.u32 $0x6C00, s2;
	s18 =	sadd.s32 s3, s9  }
0x337: {  	s20 =	simm.s32 $0x80;
	s29 =	sadd.s32 $0x0, s18;
	s28 =	sadd.s32 $0x100, s5  }
.LBB2_30:
0x338: {  	[tilespmem:s5], [sflag:$0x1] =	stream.linear.gather [hbm4b:s29+s1], $0x80, $0x38;
	[tilespmem:$0x16C80] =	vst v63  }
0x339: {  	s9 =	smov.u32 s20;
	s5 =	smov.u32 s28;
	p1 =	sne.s32 s20, $0x3F80  }
.Ltmp16:
0x33a: {  	s20 =	sadd.s32 $0x80, s20;
	(pc) =	sbr.rel @p1 .LBB2_30-.Ltmp16, $2  }
0x33b: {  	_ =	sdelay $0x2  }
0x33c: {  	s28 =	sadd.s32 $0x100, s28;
	s29 =	sadd.s32 s9, s18  }
0x33d: {  	[tilespmem:s5], [sflag:$0x1] =	stream.linear.gather [hbm4b:s29+s1], $0x80, $0x38;
	[tilespmem:$0x16C80] =	vst v63  }
0x33e: {  	s31 =	sshll.u32 s26, $0x10  }
0x33f: {  	s5 =	sor.u32 s11, s31  }
0x340: {  	s5 =	sshrl.u32 s5, $0x3  }
0x341: {  	s2 =	sor.u32 $0xEC00, s2;
	s5 =	sadd.s32 s4, s5  }
0x342: {  	s18 =	simm.s32 $0x40;
	s20 =	sadd.s32 $0x100, s2;
	s28 =	sadd.s32 $0x0, s5  }
.LBB2_32:
0x343: {  	[tilespmem:s2], [sflag:$0x2] =	stream.linear.gather [hbm4b:s28+s1], $0x80, $0x38;
	[tilespmem:$0x16C80] =	vst v63  }
0x344: {  	s9 =	smov.u32 s18;
	s2 =	smov.u32 s20;
	p1 =	sne.s32 s18, $0x1FC0  }
.Ltmp17:
0x345: {  	s18 =	sadd.s32 $0x40, s18;
	(pc) =	sbr.rel @p1 .LBB2_32-.Ltmp17, $2  }
0x346: {  	_ =	sdelay $0x2  }
0x347: {  	s20 =	sadd.s32 $0x100, s20;
	s28 =	sadd.s32 s9, s5  }
0x348: {  	[tilespmem:s2], [sflag:$0x2] =	stream.linear.gather [hbm4b:s28+s1], $0x80, $0x38;
	[tilespmem:$0x16C80] =	vst v63  }
.LBB2_34:
0x349: {  	_ =	swait.ge [sflag:s22], $0x4000;
	s2 =	sadd.s32 $0x6C70, s0  }
0x34a: {  	s18 =	sadd.s32 $0xEC40, s0;
	[sflag:s22] =	ssyncset.done $0x0;
	v6 =	vmov s2  }
0x34b: {  	v5 =	vmov s18;
	[sflag:s22] =	ssyncadd.s32 $0xFFFFC000  }
0x34c: {  	_ =	swait.ge [sflag:s23], $0x4000  }
0x34d: {  	[sflag:s23] =	ssyncset.done $0x0  }
0x34e: {  	s20 =	simm.s32 $0x0;
	[sflag:s23] =	ssyncadd.s32 $0xFFFFC000  }
0x34f: {  	v7 =	vld.idx.msk [tilespmem:v6+s20+$0xFFFFFF90 ss:$0x1], $0xffff  }
0x350: {  	v8 =	vld.idx.msk [tilespmem:v5+s20+$0xFFFFFFC0 ss:$0x1], $0xffff;
	_ =	sdelay $0x3  }
0x351: {  	v9 =	vsub.f32 $1.000000000e+00, v7  }
0x352: {  	vm0 =	veq.s32 v8, v1  }
0x353: {  	v7 =	vsel vm0, v9, v7  }
0x354: {  	v7 =	vshrl.u32 v7, $0x14  }
0x355: {  	v7 =	vsub.s32 $0x3F8, v7  }
0x356: {  	v9 =	vshll.u32 v8, $0xA;
	v10 =	vshll.u32 v7, $0x3  }
0x357: {  	v8 =	vshll.u32 v8, $0x7;
	v9 =	vand.u32 $0xFFFFE000, v9;
	v10 =	vand.u32 $0xFFFFFC00, v10  }
0x358: {  	v8 =	vand.u32 $0x380, v8;
	v9 =	vadd.s32 v9, v10  }
0x359: {  	v7 =	vand.u32 $0x7F, v7;
	v8 =	vor.u32 v8, v9  }
0x35a: {  	v7 =	vor.u32 v7, v8;
	_ =	sdelay $0x4  }
0x35b: {  	[tilespmem:v7+s1+$0x0] =	vst.idx.add.f32.msk $0xffff, v4  }
0x35c: {  	v7 =	vld.idx.msk [tilespmem:v6+s20+$0xFFFFFFA0 ss:$0x1], $0xffff  }
0x35d: {  	v8 =	vld.idx.msk [tilespmem:v5+s20+$0xFFFFFFD0 ss:$0x1], $0xffff;
	_ =	sdelay $0x3  }
0x35e: {  	v9 =	vsub.f32 $1.000000000e+00, v7  }
0x35f: {  	vm9 =	veq.s32 v8, v1  }
0x360: {  	v7 =	vsel vm9, v9, v7  }
0x361: {  	v7 =	vshrl.u32 v7, $0x14  }
0x362: {  	v7 =	vsub.s32 $0x3F8, v7  }
0x363: {  	v9 =	vshll.u32 v8, $0xA;
	v10 =	vshll.u32 v7, $0x3  }
0x364: {  	v8 =	vshll.u32 v8, $0x7;
	v9 =	vand.u32 $0xFFFFE000, v9;
	v10 =	vand.u32 $0xFFFFFC00, v10  }
0x365: {  	v8 =	vand.u32 $0x380, v8;
	v9 =	vadd.s32 v9, v10  }
0x366: {  	v7 =	vand.u32 $0x7F, v7;
	v8 =	vor.u32 v8, v9  }
0x367: {  	s28 =	simm.s32 $0x100;
	v7 =	vor.u32 v7, v8  }
0x368: {  	v8 =	vld.idx.msk [tilespmem:v6+s28+$0xFFFFFF90 ss:$0x1], $0xffff  }
0x369: {  	v9 =	vld.idx.msk [tilespmem:v5+s28+$0xFFFFFFC0 ss:$0x1], $0xffff;
	_ =	sdelay $0x2  }
0x36a: {  	[tilespmem:v7+s1+$0x0] =	vst.idx.add.f32.msk $0xffff, v4  }
0x36b: {  	v10 =	vsub.f32 $1.000000000e+00, v8;
	v7 =	vld.idx.msk [tilespmem:v6+s20+$0xFFFFFFB0 ss:$0x1], $0xffff  }
0x36c: {  	vm10 =	veq.s32 v9, v1;
	v11 =	vld.idx.msk [tilespmem:v5+s20+$0xFFFFFFE0 ss:$0x1], $0xffff  }
0x36d: {  	v8 =	vsel vm10, v10, v8  }
0x36e: {  	v8 =	vshrl.u32 v8, $0x14  }
0x36f: {  	v10 =	vshll.u32 v9, $0x7;
	v8 =	vsub.s32 $0x3F8, v8  }
0x370: {  	v9 =	vshll.u32 v9, $0xA;
	v13 =	vshll.u32 v8, $0x3;
	v12 =	vsub.f32 $1.000000000e+00, v7  }
0x371: {  	v9 =	vand.u32 $0xFFFFE000, v9;
	vm11 =	veq.s32 v11, v1;
	v13 =	vand.u32 $0xFFFFFC00, v13  }
0x372: {  	v10 =	vand.u32 $0x380, v10;
	v9 =	vadd.s32 v9, v13;
	v7 =	vsel vm11, v12, v7  }
0x373: {  	v8 =	vand.u32 $0x7F, v8;
	v9 =	vor.u32 v10, v9;
	v7 =	vshrl.u32 v7, $0x14  }
0x374: {  	v8 =	vor.u32 v8, v9;
	v7 =	vsub.s32 $0x3F8, v7  }
0x375: {  	v9 =	vshll.u32 v11, $0xA;
	v10 =	vshll.u32 v7, $0x3  }
0x376: {  	v11 =	vshll.u32 v11, $0x7;
	v9 =	vand.u32 $0xFFFFE000, v9;
	v10 =	vand.u32 $0xFFFFFC00, v10  }
0x377: {  	v9 =	vadd.s32 v9, v10;
	v10 =	vand.u32 $0x380, v11  }
0x378: {  	v7 =	vand.u32 $0x7F, v7;
	v9 =	vor.u32 v10, v9  }
0x379: {  	[tilespmem:v8+s1+$0x0] =	vst.idx.add.f32.msk $0xffff, v4;
	v7 =	vor.u32 v7, v9  }
0x37a: {  	v8 =	vld.idx.msk [tilespmem:v6+s28+$0xFFFFFFA0 ss:$0x1], $0xffff  }
0x37b: {  	v9 =	vld.idx.msk [tilespmem:v5+s28+$0xFFFFFFD0 ss:$0x1], $0xffff;
	_ =	sdelay $0x2  }
0x37c: {  	[tilespmem:v7+s1+$0x0] =	vst.idx.add.f32.msk $0xffff, v4  }
0x37d: {  	v11 =	vsub.f32 $1.000000000e+00, v8;
	v7 =	vld.idx.msk [tilespmem:v6+s20+$0xFFFFFFC0 ss:$0x1], $0xffff  }
0x37e: {  	vm12 =	veq.s32 v9, v1;
	v10 =	vld.idx.msk [tilespmem:v5+s20+$0xFFFFFFF0 ss:$0x1], $0xffff  }
0x37f: {  	v8 =	vsel vm12, v11, v8  }
0x380: {  	v8 =	vshrl.u32 v8, $0x14  }
0x381: {  	v11 =	vshll.u32 v9, $0x7;
	v8 =	vsub.s32 $0x3F8, v8  }
0x382: {  	v9 =	vshll.u32 v9, $0xA;
	v13 =	vshll.u32 v8, $0x3;
	v12 =	vsub.f32 $1.000000000e+00, v7  }
0x383: {  	v9 =	vand.u32 $0xFFFFE000, v9;
	vm13 =	veq.s32 v10, v1;
	v13 =	vand.u32 $0xFFFFFC00, v13  }
0x384: {  	v11 =	vand.u32 $0x380, v11;
	v9 =	vadd.s32 v9, v13;
	v7 =	vsel vm13, v12, v7  }
0x385: {  	v8 =	vand.u32 $0x7F, v8;
	v9 =	vor.u32 v11, v9;
	v7 =	vshrl.u32 v7, $0x14  }
0x386: {  	s29 =	simm.s32 $0x200;
	v8 =	vor.u32 v8, v9;
	v7 =	vsub.s32 $0x3F8, v7  }
0x387: {  	v11 =	vld.idx.msk [tilespmem:v6+s29+$0xFFFFFF90 ss:$0x1], $0xffff;
	v9 =	vshll.u32 v10, $0xA;
	v12 =	vshll.u32 v7, $0x3  }
0x388: {  	v13 =	vld.idx.msk [tilespmem:v5+s29+$0xFFFFFFC0 ss:$0x1], $0xffff;
	v10 =	vshll.u32 v10, $0x7;
	v9 =	vand.u32 $0xFFFFE000, v9;
	v12 =	vand.u32 $0xFFFFFC00, v12  }
0x389: {  	v10 =	vand.u32 $0x380, v10;
	v9 =	vadd.s32 v9, v12  }
0x38a: {  	v7 =	vand.u32 $0x7F, v7;
	v9 =	vor.u32 v10, v9  }
0x38b: {  	[tilespmem:v8+s1+$0x0] =	vst.idx.add.f32.msk $0xffff, v4;
	v7 =	vor.u32 v7, v9  }
0x38c: {  	v9 =	vsub.f32 $1.000000000e+00, v11;
	v8 =	vld.idx.msk [tilespmem:v6+s28+$0xFFFFFFB0 ss:$0x1], $0xffff  }
0x38d: {  	vm14 =	veq.s32 v13, v1;
	v10 =	vld.idx.msk [tilespmem:v5+s28+$0xFFFFFFE0 ss:$0x1], $0xffff  }
0x38e: {  	v9 =	vsel vm14, v9, v11  }
0x38f: {  	v9 =	vshrl.u32 v9, $0x14  }
0x390: {  	v11 =	vshll.u32 v13, $0xA;
	v9 =	vsub.s32 $0x3F8, v9;
	[tilespmem:v7+s1+$0x0] =	vst.idx.add.f32.msk $0xffff, v4  }
0x391: {  	v7 =	vshll.u32 v13, $0x7;
	v12 =	vshll.u32 v9, $0x3;
	v14 =	vsub.f32 $1.000000000e+00, v8;
	v13 =	vld.idx.msk [tilespmem:v6+s20+$0xFFFFFFD0 ss:$0x1], $0xffff  }
0x392: {  	v11 =	vand.u32 $0xFFFFE000, v11;
	vm15 =	veq.s32 v10, v1;
	v12 =	vand.u32 $0xFFFFFC00, v12;
	v15 =	vld.idx.msk [tilespmem:v5+s20+$0x0 ss:$0x1], $0xffff  }
0x393: {  	v7 =	vand.u32 $0x380, v7;
	v11 =	vadd.s32 v11, v12;
	v8 =	vsel vm15, v14, v8  }
0x394: {  	v9 =	vand.u32 $0x7F, v9;
	v7 =	vor.u32 v7, v11;
	v8 =	vshrl.u32 v8, $0x14  }
0x395: {  	v7 =	vor.u32 v9, v7;
	v8 =	vsub.s32 $0x3F8, v8;
	v9 =	vshll.u32 v10, $0xA  }
0x396: {  	v10 =	vshll.u32 v10, $0x7;
	v12 =	vshll.u32 v8, $0x3;
	v11 =	vsub.f32 $1.000000000e+00, v13  }
0x397: {  	v9 =	vand.u32 $0xFFFFE000, v9;
	vm4 =	veq.s32 v15, v1;
	v12 =	vand.u32 $0xFFFFFC00, v12  }
0x398: {  	v10 =	vand.u32 $0x380, v10;
	v9 =	vadd.s32 v9, v12;
	v11 =	vsel vm4, v11, v13  }
0x399: {  	v8 =	vand.u32 $0x7F, v8;
	v9 =	vor.u32 v10, v9;
	v11 =	vshrl.u32 v11, $0x14  }
0x39a: {  	[tilespmem:v7+s1+$0x0] =	vst.idx.add.f32.msk $0xffff, v4;
	v8 =	vor.u32 v8, v9;
	v7 =	vsub.s32 $0x3F8, v11  }
0x39b: {  	v10 =	vshll.u32 v15, $0xA;
	v9 =	vld.idx.msk [tilespmem:v6+s29+$0xFFFFFFA0 ss:$0x1], $0xffff;
	v11 =	vshll.u32 v7, $0x3  }
0x39c: {  	v12 =	vshll.u32 v15, $0x7;
	v10 =	vand.u32 $0xFFFFE000, v10;
	v13 =	vld.idx.msk [tilespmem:v5+s29+$0xFFFFFFD0 ss:$0x1], $0xffff;
	v11 =	vand.u32 $0xFFFFFC00, v11  }
0x39d: {  	v10 =	vadd.s32 v10, v11;
	v11 =	vand.u32 $0x380, v12  }
0x39e: {  	v7 =	vand.u32 $0x7F, v7;
	v10 =	vor.u32 v11, v10  }
0x39f: {  	[tilespmem:v8+s1+$0x0] =	vst.idx.add.f32.msk $0xffff, v4;
	v7 =	vor.u32 v7, v10  }
0x3a0: {  	v8 =	vsub.f32 $1.000000000e+00, v9;
	v10 =	vld.idx.msk [tilespmem:v6+s28+$0xFFFFFFC0 ss:$0x1], $0xffff  }
0x3a1: {  	vm5 =	veq.s32 v13, v1;
	v12 =	vld.idx.msk [tilespmem:v5+s28+$0xFFFFFFF0 ss:$0x1], $0xffff  }
0x3a2: {  	s30 =	simm.s32 $0x300;
	v8 =	vsel vm5, v8, v9  }
0x3a3: {  	v9 =	vld.idx.msk [tilespmem:v6+s30+$0xFFFFFF90 ss:$0x1], $0xffff;
	v8 =	vshrl.u32 v8, $0x14  }
0x3a4: {  	v8 =	vsub.s32 $0x3F8, v8;
	[tilespmem:v7+s1+$0x0] =	vst.idx.add.f32.msk $0xffff, v4;
	v7 =	vshll.u32 v13, $0x7  }
0x3a5: {  	v13 =	vshll.u32 v13, $0xA;
	v14 =	vshll.u32 v8, $0x3;
	v16 =	vsub.f32 $1.000000000e+00, v10  }
0x3a6: {  	vm1 =	veq.s32 v12, v1;
	v15 =	vld.idx.msk [tilespmem:v6+s20+$0xFFFFFFE0 ss:$0x1], $0xffff;
	v13 =	vand.u32 $0xFFFFE000, v13;
	v14 =	vand.u32 $0xFFFFFC00, v14  }
0x3a7: {  	v17 =	vld.idx.msk [tilespmem:v5+s20+$0x10 ss:$0x1], $0xffff;
	v7 =	vand.u32 $0x380, v7;
	v13 =	vadd.s32 v13, v14;
	v10 =	vsel vm1, v16, v10  }
0x3a8: {  	v8 =	vand.u32 $0x7F, v8;
	v7 =	vor.u32 v7, v13;
	v10 =	vshrl.u32 v10, $0x14  }
0x3a9: {  	v11 =	vld.idx.msk [tilespmem:v5+s30+$0xFFFFFFC0 ss:$0x1], $0xffff;
	v13 =	vsub.f32 $1.000000000e+00, v9;
	v7 =	vor.u32 v8, v7;
	v8 =	vsub.s32 $0x3F8, v10  }
0x3aa: {  	v10 =	vshll.u32 v12, $0xA;
	v12 =	vshll.u32 v12, $0x7;
	v16 =	vshll.u32 v8, $0x3  }
0x3ab: {  	v10 =	vand.u32 $0xFFFFE000, v10;
	v14 =	vsub.f32 $1.000000000e+00, v15;
	v16 =	vand.u32 $0xFFFFFC00, v16  }
0x3ac: {  	v12 =	vand.u32 $0x380, v12;
	vm7 =	veq.s32 v17, v1;
	v10 =	vadd.s32 v10, v16  }
0x3ad: {  	v8 =	vand.u32 $0x7F, v8;
	v14 =	vsel vm7, v14, v15;
	v10 =	vor.u32 v12, v10  }
0x3ae: {  	vm6 =	veq.s32 v11, v1;
	v14 =	vshrl.u32 v14, $0x14;
	[tilespmem:v7+s1+$0x0] =	vst.idx.add.f32.msk $0xffff, v4;
	v7 =	vor.u32 v8, v10  }
0x3af: {  	v9 =	vsel vm6, v13, v9;
	v12 =	vsub.s32 $0x3F8, v14  }
0x3b0: {  	v9 =	vshrl.u32 v9, $0x14;
	v8 =	vshll.u32 v17, $0xA;
	v14 =	vld.idx.msk [tilespmem:v6+s29+$0xFFFFFFB0 ss:$0x1], $0xffff;
	v10 =	vshll.u32 v12, $0x3  }
0x3b1: {  	v15 =	vshll.u32 v17, $0x7;
	v8 =	vand.u32 $0xFFFFE000, v8;
	v16 =	vld.idx.msk [tilespmem:v5+s29+$0xFFFFFFE0 ss:$0x1], $0xffff;
	v10 =	vand.u32 $0xFFFFFC00, v10  }
0x3b2: {  	v9 =	vsub.s32 $0x3F8, v9;
	v13 =	vand.u32 $0x380, v15;
	v8 =	vadd.s32 v8, v10  }
0x3b3: {  	v10 =	vand.u32 $0x7F, v12;
	v8 =	vor.u32 v13, v8;
	[tilespmem:v7+s1+$0x0] =	vst.idx.add.f32.msk $0xffff, v4;
	v7 =	vshll.u32 v11, $0xA  }
0x3b4: {  	v8 =	vor.u32 v10, v8;
	v10 =	vshll.u32 v11, $0x7;
	v11 =	vshll.u32 v9, $0x3  }
0x3b5: {  	v12 =	vsub.f32 $1.000000000e+00, v14;
	v13 =	vld.idx.msk [tilespmem:v6+s28+$0xFFFFFFD0 ss:$0x1], $0xffff;
	v7 =	vand.u32 $0xFFFFE000, v7;
	v11 =	vand.u32 $0xFFFFFC00, v11  }
0x3b6: {  	vm8 =	veq.s32 v16, v1;
	v15 =	vld.idx.msk [tilespmem:v5+s28+$0x0 ss:$0x1], $0xffff;
	v10 =	vand.u32 $0x380, v10;
	v7 =	vadd.s32 v7, v11  }
0x3b7: {  	v9 =	vand.u32 $0x7F, v9;
	v11 =	vsel vm8, v12, v14;
	v7 =	vor.u32 v10, v7  }
0x3b8: {  	v10 =	vshrl.u32 v11, $0x14;
	v7 =	vor.u32 v9, v7  }
0x3b9: {  	v12 =	vshll.u32 v16, $0x7;
	[tilespmem:v8+s1+$0x0] =	vst.idx.add.f32.msk $0xffff, v4;
	v8 =	vsub.s32 $0x3F8, v10  }
0x3ba: {  	v10 =	vshll.u32 v16, $0xA;
	v16 =	vsub.f32 $1.000000000e+00, v13;
	v9 =	vld.idx.msk [tilespmem:v6+s20+$0xFFFFFFF0 ss:$0x1], $0xffff;
	v11 =	vshll.u32 v8, $0x3  }
0x3bb: {  	s31 =	simm.s32 $0x400;
	vm9 =	veq.s32 v15, v1;
	v14 =	vld.idx.msk [tilespmem:v5+s20+$0x20 ss:$0x1], $0xffff;
	v10 =	vand.u32 $0xFFFFE000, v10;
	v11 =	vand.u32 $0xFFFFFC00, v11  }
0x3bc: {  	v8 =	vand.u32 $0x7F, v8;
	v10 =	vadd.s32 v10, v11;
	v11 =	vand.u32 $0x380, v12;
	v12 =	vld.idx.msk [tilespmem:v5+s31+$0xFFFFFFC0 ss:$0x1], $0xffff  }
0x3bd: {  	v10 =	vor.u32 v11, v10;
	v11 =	vsel vm9, v16, v13;
	[tilespmem:v7+s1+$0x0] =	vst.idx.add.f32.msk $0xffff, v4;
	v7 =	vshll.u32 v15, $0xA  }
0x3be: {  	v8 =	vor.u32 v8, v10;
	v10 =	vshrl.u32 v11, $0x14;
	v11 =	vshll.u32 v15, $0x7  }
0x3bf: {  	v7 =	vand.u32 $0xFFFFE000, v7;
	v10 =	vsub.s32 $0x3F8, v10;
	v13 =	vsub.f32 $1.000000000e+00, v9  }
0x3c0: {  	v16 =	vld.idx.msk [tilespmem:v6+s30+$0xFFFFFFA0 ss:$0x1], $0xffff;
	vm10 =	veq.s32 v14, v1;
	v11 =	vand.u32 $0x380, v11;
	v15 =	vshll.u32 v10, $0x3  }
0x3c1: {  	v10 =	vand.u32 $0x7F, v10;
	v15 =	vand.u32 $0xFFFFFC00, v15;
	v9 =	vsel vm10, v13, v9;
	v13 =	vld.idx.msk [tilespmem:v5+s30+$0xFFFFFFD0 ss:$0x1], $0xffff  }
0x3c2: {  	vm12 =	veq.s32 v12, v1;
	v7 =	vadd.s32 v7, v15;
	v9 =	vshrl.u32 v9, $0x14;
	v15 =	vld.idx.msk [tilespmem:v6+s31+$0xFFFFFF90 ss:$0x1], $0xffff  }
0x3c3: {  	v7 =	vor.u32 v11, v7;
	v9 =	vsub.s32 $0x3F8, v9;
	[tilespmem:v8+s1+$0x0] =	vst.idx.add.f32.msk $0xffff, v4;
	v8 =	vshll.u32 v14, $0xA  }
0x3c4: {  	v14 =	vshll.u32 v14, $0x7;
	v7 =	vor.u32 v10, v7;
	v10 =	vshll.u32 v9, $0x3;
	v11 =	vld.idx.msk [tilespmem:v6+s29+$0xFFFFFFC0 ss:$0x1], $0xffff  }
0x3c5: {  	v18 =	vsub.f32 $1.000000000e+00, v16;
	v8 =	vand.u32 $0xFFFFE000, v8;
	v17 =	vld.idx.msk [tilespmem:v5+s29+$0xFFFFFFF0 ss:$0x1], $0xffff;
	v10 =	vand.u32 $0xFFFFFC00, v10  }
0x3c6: {  	v8 =	vadd.s32 v8, v10;
	v10 =	vand.u32 $0x380, v14;
	vm11 =	veq.s32 v13, v1  }
0x3c7: {  	v9 =	vand.u32 $0x7F, v9;
	v8 =	vor.u32 v10, v8;
	v10 =	vsel vm11, v18, v16  }
0x3c8: {  	v14 =	vshll.u32 v13, $0x7;
	v8 =	vor.u32 v9, v8;
	v10 =	vshrl.u32 v10, $0x14  }
0x3c9: {  	v9 =	vsub.f32 $1.000000000e+00, v15;
	v10 =	vsub.s32 $0x3F8, v10;
	v16 =	vsub.f32 $1.000000000e+00, v11  }
0x3ca: {  	[tilespmem:v7+s1+$0x0] =	vst.idx.add.f32.msk $0xffff, v4;
	v7 =	vshll.u32 v13, $0xA;
	vm13 =	veq.s32 v17, v1;
	v13 =	vshll.u32 v10, $0x3  }
0x3cb: {  	v18 =	vld.idx.msk [tilespmem:v6+s28+$0xFFFFFFE0 ss:$0x1], $0xffff;
	v7 =	vand.u32 $0xFFFFE000, v7;
	v13 =	vand.u32 $0xFFFFFC00, v13;
	v11 =	vsel vm13, v16, v11  }
0x3cc: {  	v16 =	vld.idx.msk [tilespmem:v5+s28+$0x10 ss:$0x1], $0xffff;
	v7 =	vadd.s32 v7, v13;
	v13 =	vand.u32 $0x380, v14;
	v11 =	vshrl.u32 v11, $0x14  }
0x3cd: {  	[tilespmem:v8+s1+$0x0] =	vst.idx.add.f32.msk $0xffff, v4;
	v8 =	vand.u32 $0x7F, v10;
	v7 =	vor.u32 v13, v7;
	v10 =	vsub.s32 $0x3F8, v11  }
0x3ce: {  	v11 =	vld.idx.msk [tilespmem:v6+s20+$0x0 ss:$0x1], $0xffff;
	v7 =	vor.u32 v8, v7;
	v8 =	vshll.u32 v17, $0xA;
	v13 =	vshll.u32 v10, $0x3  }
0x3cf: {  	v14 =	vld.idx.msk [tilespmem:v5+s20+$0x30 ss:$0x1], $0xffff;
	v17 =	vshll.u32 v17, $0x7;
	v8 =	vand.u32 $0xFFFFE000, v8;
	v13 =	vand.u32 $0xFFFFFC00, v13  }
0x3d0: {  	v8 =	vadd.s32 v8, v13;
	v13 =	vand.u32 $0x380, v17;
	v17 =	vsub.f32 $1.000000000e+00, v18  }
0x3d1: {  	v10 =	vand.u32 $0x7F, v10;
	vm14 =	veq.s32 v16, v1;
	v8 =	vor.u32 v13, v8  }
0x3d2: {  	v13 =	vsel vm12, v9, v15;
	v8 =	vor.u32 v10, v8;
	v9 =	vsel vm14, v17, v18  }
0x3d3: {  	v10 =	vshll.u32 v16, $0x7;
	v9 =	vshrl.u32 v9, $0x14;
	v15 =	vsub.f32 $1.000000000e+00, v11  }
0x3d4: {  	v16 =	vshll.u32 v16, $0xA;
	vm15 =	veq.s32 v14, v1;
	v9 =	vsub.s32 $0x3F8, v9  }
0x3d5: {  	v10 =	vand.u32 $0x380, v10;
	v17 =	vshll.u32 v9, $0x3;
	v11 =	vsel vm15, v15, v11  }
0x3d6: {  	v15 =	vand.u32 $0xFFFFE000, v16;
	v16 =	vand.u32 $0xFFFFFC00, v17;
	v11 =	vshrl.u32 v11, $0x14  }
0x3d7: {  	[tilespmem:v7+s1+$0x0] =	vst.idx.add.f32.msk $0xffff, v4;
	v7 =	vand.u32 $0x7F, v9;
	v9 =	vadd.s32 v15, v16;
	v15 =	vsub.s32 $0x3F8, v11  }
0x3d8: {  	v9 =	vor.u32 v10, v9;
	v10 =	vshll.u32 v14, $0xA;
	v16 =	vshll.u32 v15, $0x3  }
0x3d9: {  	v11 =	vld.idx.msk [tilespmem:v6+s30+$0xFFFFFFB0 ss:$0x1], $0xffff;
	v10 =	vand.u32 $0xFFFFE000, v10;
	v16 =	vand.u32 $0xFFFFFC00, v16  }
0x3da: {  	v14 =	vshll.u32 v14, $0x7;
	v9 =	vor.u32 v7, v9;
	v7 =	vadd.s32 v10, v16;
	v10 =	vld.idx.msk [tilespmem:v5+s30+$0xFFFFFFE0 ss:$0x1], $0xffff  }
0x3db: {  	v13 =	vshrl.u32 v13, $0x14;
	v14 =	vand.u32 $0x380, v14  }
0x3dc: {  	v13 =	vsub.s32 $0x3F8, v13;
	v15 =	vand.u32 $0x7F, v15;
	v7 =	vor.u32 v14, v7  }
0x3dd: {  	[tilespmem:v8+s1+$0x0] =	vst.idx.add.f32.msk $0xffff, v4;
	v16 =	vshll.u32 v13, $0x3;
	v7 =	vor.u32 v15, v7  }
0x3de: {  	s0 =	simm.s32 $0x1400;
	v8 =	vld.idx.msk [tilespmem:v6+s29+$0xFFFFFFD0 ss:$0x1], $0xffff;
	v14 =	vshll.u32 v12, $0x7;
	v15 =	vshll.u32 v12, $0xA;
	v12 =	vsub.f32 $1.000000000e+00, v11  }
.LBB2_35:
0x3df: {  	p1 =	seq.s32 s0, $0x1FC00;
	v15 =	vand.u32 $0xFFFFE000, v15;
	v16 =	vand.u32 $0xFFFFFC00, v16;
	vm0 =	veq.s32 v10, v1;
	v17 =	vld.idx.msk [tilespmem:v5+s29+$0x0 ss:$0x1], $0xffff  }
0x3e0: {  	v14 =	vand.u32 $0x380, v14;
	v15 =	vadd.s32 v15, v16;
	v11 =	vsel vm0, v12, v11;
	[tilespmem:v9+s1+$0x0] =	vst.idx.add.f32.msk $0xffff, v4  }
0x3e1: {  	v9 =	vand.u32 $0x7F, v13;
	v12 =	vor.u32 v14, v15;
	v11 =	vshrl.u32 v11, $0x14;
	v13 =	vld.idx.msk [tilespmem:v6+s28+$0xFFFFFFF0 ss:$0x1], $0xffff  }
0x3e2: {  	v9 =	vor.u32 v9, v12;
	v11 =	vsub.s32 $0x3F8, v11;
	[tilespmem:v7+s1+$0x0] =	vst.idx.add.f32.msk $0xffff, v4  }
0x3e3: {  	v7 =	vshll.u32 v10, $0xA;
	v10 =	vshll.u32 v10, $0x7;
	v12 =	vshll.u32 v11, $0x3;
	v14 =	vld.idx.msk [tilespmem:v5+s28+$0x20 ss:$0x1], $0xffff  }
0x3e4: {  	v7 =	vand.u32 $0xFFFFE000, v7;
	v15 =	vsub.f32 $1.000000000e+00, v8;
	v12 =	vand.u32 $0xFFFFFC00, v12  }
0x3e5: {  	v10 =	vand.u32 $0x380, v10;
	vm0 =	veq.s32 v17, v1;
	v7 =	vadd.s32 v7, v12  }
0x3e6: {  	s2 =	sshra.s32 s0, $0x2;
	v11 =	vand.u32 $0x7F, v11;
	v7 =	vor.u32 v10, v7;
	v10 =	vsel vm0, v15, v8  }
0x3e7: {  	v8 =	vld.idx.msk [tilespmem:v5+s2+$0xFFFFFFC0 ss:$0x1], $0xffff;
	v7 =	vor.u32 v11, v7;
	v10 =	vshrl.u32 v10, $0x14  }
0x3e8: {  	v11 =	vsub.f32 $1.000000000e+00, v13;
	[tilespmem:v9+s1+$0x0] =	vst.idx.add.f32.msk $0xffff, v4;
	v9 =	vsub.s32 $0x3F8, v10;
	v10 =	vshll.u32 v17, $0x7  }
0x3e9: {  	v15 =	vshll.u32 v17, $0xA;
	vm0 =	veq.s32 v14, v1;
	v12 =	vld.idx.msk [tilespmem:v6+s31+$0xFFFFFFA0 ss:$0x1], $0xffff;
	v16 =	vshll.u32 v9, $0x3  }
0x3ea: {  	v15 =	vand.u32 $0xFFFFE000, v15;
	v11 =	vsel vm0, v11, v13;
	v17 =	vld.idx.msk [tilespmem:v5+s31+$0xFFFFFFD0 ss:$0x1], $0xffff;
	v16 =	vand.u32 $0xFFFFFC00, v16  }
0x3eb: {  	v10 =	vand.u32 $0x380, v10;
	v11 =	vshrl.u32 v11, $0x14;
	v13 =	vld.idx.msk [tilespmem:v6+s2+$0xFFFFFF90 ss:$0x1], $0xffff;
	v15 =	vadd.s32 v15, v16  }
0x3ec: {  	[tilespmem:v7+s1+$0x0] =	vst.idx.add.f32.msk $0xffff, v4;
	v7 =	vand.u32 $0x7F, v9;
	v9 =	vor.u32 v10, v15;
	v10 =	vsub.s32 $0x3F8, v11  }
0x3ed: {  	v11 =	vld.idx.msk [tilespmem:v6+s30+$0xFFFFFFC0 ss:$0x1], $0xffff;
	v7 =	vor.u32 v7, v9;
	v9 =	vshll.u32 v14, $0xA;
	v15 =	vshll.u32 v10, $0x3  }
0x3ee: {  	v14 =	vshll.u32 v14, $0x7;
	v16 =	vld.idx.msk [tilespmem:v5+s30+$0xFFFFFFF0 ss:$0x1], $0xffff;
	v9 =	vand.u32 $0xFFFFE000, v9;
	v15 =	vand.u32 $0xFFFFFC00, v15  }
0x3ef: {  	v18 =	vsub.f32 $1.000000000e+00, v12;
	v14 =	vand.u32 $0x380, v14;
	v9 =	vadd.s32 v9, v15  }
0x3f0: {  	v10 =	vand.u32 $0x7F, v10;
	vm0 =	veq.s32 v17, v1;
	v9 =	vor.u32 v14, v9  }
0x3f1: {  	v12 =	vsel vm0, v18, v12;
	v9 =	vor.u32 v10, v9  }
0x3f2: {  	vm0 =	veq.s32 v8, v1;
	v10 =	vsub.f32 $1.000000000e+00, v13;
	v12 =	vshrl.u32 v12, $0x14  }
0x3f3: {  	v14 =	vshll.u32 v17, $0x7;
	v12 =	vsub.s32 $0x3F8, v12;
	v15 =	vsub.f32 $1.000000000e+00, v11;
	[tilespmem:v7+s1+$0x0] =	vst.idx.add.f32.msk $0xffff, v4  }
0x3f4: {  	v7 =	vshll.u32 v17, $0xA;
	v17 =	vshll.u32 v12, $0x3;
	vm1 =	veq.s32 v16, v1;
	v18 =	vld.idx.msk [tilespmem:v6+s29+$0xFFFFFFE0 ss:$0x1], $0xffff  }
0x3f5: {  	v7 =	vand.u32 $0xFFFFE000, v7;
	v17 =	vand.u32 $0xFFFFFC00, v17;
	v11 =	vsel vm1, v15, v11;
	v15 =	vld.idx.msk [tilespmem:v5+s29+$0x10 ss:$0x1], $0xffff  }
0x3f6: {  	v14 =	vand.u32 $0x380, v14;
	v7 =	vadd.s32 v7, v17;
	v11 =	vshrl.u32 v11, $0x14;
	[tilespmem:v9+s1+$0x0] =	vst.idx.add.f32.msk $0xffff, v4  }
0x3f7: {  	v9 =	vand.u32 $0x7F, v12;
	v7 =	vor.u32 v14, v7;
	v11 =	vsub.s32 $0x3F8, v11;
	v12 =	vld.idx.msk [tilespmem:v6+s28+$0x0 ss:$0x1], $0xffff  }
0x3f8: {  	v7 =	vor.u32 v9, v7;
	v9 =	vshll.u32 v16, $0xA;
	v14 =	vshll.u32 v11, $0x3;
	v17 =	vld.idx.msk [tilespmem:v5+s28+$0x30 ss:$0x1], $0xffff;
	s28 =	smov.u32 s29;
	s29 =	smov.u32 s30;
	s30 =	smov.u32 s31  }
0x3f9: {  	v16 =	vshll.u32 v16, $0x7;
	v9 =	vand.u32 $0xFFFFE000, v9;
	v14 =	vand.u32 $0xFFFFFC00, v14;
	s31 =	smov.u32 s2  }
0x3fa: {  	v9 =	vadd.s32 v9, v14;
	v14 =	vand.u32 $0x380, v16;
	v16 =	vsub.f32 $1.000000000e+00, v18  }
0x3fb: {  	v11 =	vand.u32 $0x7F, v11;
	v9 =	vor.u32 v14, v9;
	vm1 =	veq.s32 v15, v1  }
0x3fc: {  	v13 =	vsel vm0, v10, v13;
	v19 =	vor.u32 v11, v9;
	v9 =	vsel vm1, v16, v18  }
0x3fd: {  	v10 =	vshll.u32 v15, $0x7;
	v9 =	vshrl.u32 v9, $0x14;
	v11 =	vsub.f32 $1.000000000e+00, v12  }
0x3fe: {  	v14 =	vshll.u32 v15, $0xA;
	v9 =	vsub.s32 $0x3F8, v9;
	vm0 =	veq.s32 v17, v1  }
0x3ff: {  	v16 =	vand.u32 $0x380, v10;
	v15 =	vshll.u32 v9, $0x3;
	v10 =	vsel vm0, v11, v12  }
0x400: {  	v12 =	vand.u32 $0xFFFFFC00, v15;
	v10 =	vshrl.u32 v10, $0x14;
	[tilespmem:v7+s1+$0x0] =	vst.idx.add.f32.msk $0xffff, v4;
	v7 =	vand.u32 $0xFFFFE000, v14  }
0x401: {  	v9 =	vand.u32 $0x7F, v9;
	v11 =	vld.idx.msk [tilespmem:v6+s30+$0xFFFFFFB0 ss:$0x1], $0xffff;
	v7 =	vadd.s32 v7, v12;
	v12 =	vsub.s32 $0x3F8, v10  }
0x402: {  	v14 =	vshll.u32 v17, $0xA;
	v10 =	vld.idx.msk [tilespmem:v5+s30+$0xFFFFFFE0 ss:$0x1], $0xffff;
	v7 =	vor.u32 v16, v7;
	v15 =	vshll.u32 v12, $0x3  }
.Ltmp18:
0x403: {  	v14 =	vand.u32 $0xFFFFE000, v14;
	v16 =	vshll.u32 v17, $0x7;
	v15 =	vand.u32 $0xFFFFFC00, v15;
	(pc) =	sbr.rel @!p1 .LBB2_35-.Ltmp18, $4  }
0x404: {  	v9 =	vor.u32 v9, v7;
	v7 =	vadd.s32 v14, v15;
	v14 =	vand.u32 $0x380, v16  }
0x405: {  	v13 =	vshrl.u32 v13, $0x14;
	v12 =	vand.u32 $0x7F, v12;
	v7 =	vor.u32 v14, v7  }
0x406: {  	v13 =	vsub.s32 $0x3F8, v13;
	v14 =	vshll.u32 v8, $0x7;
	[tilespmem:v19+s1+$0x0] =	vst.idx.add.f32.msk $0xffff, v4;
	v7 =	vor.u32 v12, v7  }
0x407: {  	s0 =	sadd.s32 $0x400, s0;
	v15 =	vshll.u32 v8, $0xA;
	v16 =	vshll.u32 v13, $0x3;
	v12 =	vsub.f32 $1.000000000e+00, v11;
	v8 =	vld.idx.msk [tilespmem:v6+s29+$0xFFFFFFD0 ss:$0x1], $0xffff  }
0x408: {  	v15 =	vand.u32 $0xFFFFE000, v15;
	v16 =	vand.u32 $0xFFFFFC00, v16  }
0x409: {  	v14 =	vand.u32 $0x380, v14;
	v15 =	vadd.s32 v15, v16  }
0x40a: {  	v13 =	vand.u32 $0x7F, v13;
	v14 =	vor.u32 v14, v15  }
0x40b: {  	v13 =	vor.u32 v13, v14;
	_ =	sdelay $0x4  }
0x40c: {  	[tilespmem:v13+s1+$0x0] =	vst.idx.add.f32.msk $0xffff, v4  }
0x40d: {  	v13 =	vld.idx.msk [tilespmem:v6+s31+$0xFFFFFFA0 ss:$0x1], $0xffff  }
0x40e: {  	v34 =	vld.idx.msk [tilespmem:v5+s31+$0xFFFFFFD0 ss:$0x1], $0xffff;
	_ =	sdelay $0x3  }
0x40f: {  	v35 =	vsub.f32 $1.000000000e+00, v13  }
0x410: {  	vm0 =	veq.s32 v34, v1  }
0x411: {  	v13 =	vsel vm0, v35, v13  }
0x412: {  	v13 =	vshrl.u32 v13, $0x14  }
0x413: {  	v13 =	vsub.s32 $0x3F8, v13  }
0x414: {  	v36 =	vshll.u32 v34, $0xA;
	v37 =	vshll.u32 v13, $0x3  }
0x415: {  	v14 =	vshll.u32 v34, $0x7;
	v15 =	vand.u32 $0xFFFFE000, v36;
	v16 =	vand.u32 $0xFFFFFC00, v37  }
0x416: {  	v14 =	vand.u32 $0x380, v14;
	v15 =	vadd.s32 v15, v16  }
0x417: {  	v13 =	vand.u32 $0x7F, v13;
	v14 =	vor.u32 v14, v15  }
0x418: {  	v13 =	vor.u32 v13, v14;
	_ =	sdelay $0x4  }
0x419: {  	[tilespmem:v13+s1+$0x0] =	vst.idx.add.f32.msk $0xffff, v4  }
0x41a: {  	v13 =	vld.idx.msk [tilespmem:v6+s31+$0xFFFFFFB0 ss:$0x1], $0xffff  }
0x41b: {  	v38 =	vld.idx.msk [tilespmem:v5+s31+$0xFFFFFFE0 ss:$0x1], $0xffff  }
0x41c: {  	vm10 =	veq.s32 v10, v1  }
0x41d: {  	v11 =	vsel vm10, v12, v11  }
0x41e: {  	v11 =	vshrl.u32 v11, $0x14  }
0x41f: {  	v39 =	vshll.u32 v10, $0xA;
	v11 =	vsub.s32 $0x3F8, v11;
	v40 =	vsub.f32 $1.000000000e+00, v13  }
0x420: {  	v42 =	vshll.u32 v10, $0x7;
	v41 =	vshll.u32 v11, $0x3;
	vm11 =	veq.s32 v38, v1  }
0x421: {  	v12 =	vand.u32 $0xFFFFE000, v39;
	v16 =	vand.u32 $0xFFFFFC00, v41;
	v13 =	vsel vm11, v40, v13  }
0x422: {  	v10 =	vand.u32 $0x380, v42;
	v12 =	vadd.s32 v12, v16;
	v13 =	vshrl.u32 v13, $0x14  }
0x423: {  	v11 =	vand.u32 $0x7F, v11;
	v10 =	vor.u32 v10, v12;
	v43 =	vsub.s32 $0x3F8, v13  }
0x424: {  	v10 =	vor.u32 v11, v10;
	v44 =	vshll.u32 v38, $0xA;
	v13 =	vshll.u32 v43, $0x3  }
0x425: {  	v14 =	vshll.u32 v38, $0x7;
	v11 =	vand.u32 $0xFFFFE000, v44;
	v13 =	vand.u32 $0xFFFFFC00, v13  }
0x426: {  	v45 =	vand.u32 $0x380, v14;
	v11 =	vadd.s32 v11, v13  }
0x427: {  	v12 =	vand.u32 $0x7F, v43;
	v11 =	vor.u32 v45, v11  }
0x428: {  	v11 =	vor.u32 v12, v11  }
0x429: {  	[tilespmem:v10+s1+$0x0] =	vst.idx.add.f32.msk $0xffff, v4  }
0x42a: {  	v10 =	vld.idx.msk [tilespmem:v6+s30+$0xFFFFFFC0 ss:$0x1], $0xffff  }
0x42b: {  	v46 =	vld.idx.msk [tilespmem:v5+s30+$0xFFFFFFF0 ss:$0x1], $0xffff;
	_ =	sdelay $0x1  }
0x42c: {  	[tilespmem:v11+s1+$0x0] =	vst.idx.add.f32.msk $0xffff, v4  }
0x42d: {  	v11 =	vld.idx.msk [tilespmem:v6+s31+$0xFFFFFFC0 ss:$0x1], $0xffff  }
0x42e: {  	v47 =	vsub.f32 $1.000000000e+00, v10;
	v48 =	vld.idx.msk [tilespmem:v5+s31+$0xFFFFFFF0 ss:$0x1], $0xffff  }
0x42f: {  	vm12 =	veq.s32 v46, v1  }
0x430: {  	v10 =	vsel vm12, v47, v10  }
0x431: {  	v10 =	vshrl.u32 v10, $0x14  }
0x432: {  	v49 =	vshll.u32 v46, $0xA;
	v10 =	vsub.s32 $0x3F8, v10;
	v50 =	vsub.f32 $1.000000000e+00, v11  }
0x433: {  	v51 =	vshll.u32 v10, $0x3;
	v13 =	vand.u32 $0xFFFFE000, v49;
	vm13 =	veq.s32 v48, v1  }
0x434: {  	v16 =	vand.u32 $0xFFFFFC00, v51;
	v12 =	vshll.u32 v46, $0x7;
	v11 =	vsel vm13, v50, v11  }
0x435: {  	v13 =	vadd.s32 v13, v16;
	v12 =	vand.u32 $0x380, v12;
	v11 =	vshrl.u32 v11, $0x14  }
0x436: {  	v10 =	vand.u32 $0x7F, v10;
	v12 =	vor.u32 v12, v13;
	v11 =	vsub.s32 $0x3F8, v11  }
0x437: {  	v10 =	vor.u32 v10, v12;
	v52 =	vshll.u32 v48, $0xA;
	v53 =	vshll.u32 v11, $0x3  }
0x438: {  	v54 =	vld.idx.msk [tilespmem:v5+s29+$0x0 ss:$0x1], $0xffff;
	v14 =	vshll.u32 v48, $0x7;
	v12 =	vand.u32 $0xFFFFE000, v52;
	v13 =	vand.u32 $0xFFFFFC00, v53  }
0x439: {  	v55 =	vand.u32 $0x380, v14;
	v12 =	vadd.s32 v12, v13  }
0x43a: {  	v11 =	vand.u32 $0x7F, v11;
	v12 =	vor.u32 v55, v12  }
0x43b: {  	[tilespmem:v9+s1+$0x0] =	vst.idx.add.f32.msk $0xffff, v4;
	v56 =	vor.u32 v11, v12  }
0x43c: {  	v58 =	vsub.f32 $1.000000000e+00, v8;
	[tilespmem:v10+s1+$0x0] =	vst.idx.add.f32.msk $0xffff, v4  }
0x43d: {  	vm14 =	veq.s32 v54, v1;
	v10 =	vld.idx.msk [tilespmem:v6+s30+$0xFFFFFFD0 ss:$0x1], $0xffff  }
0x43e: {  	v8 =	vsel vm14, v58, v8;
	v59 =	vld.idx.msk [tilespmem:v5+s30+$0x0 ss:$0x1], $0xffff  }
0x43f: {  	v57 =	vld.idx.msk [tilespmem:v6+s28+$0xFFFFFFF0 ss:$0x1], $0xffff;
	v8 =	vshrl.u32 v8, $0x14  }
0x440: {  	v60 =	vshll.u32 v54, $0xA;
	v8 =	vsub.s32 $0x3F8, v8;
	[tilespmem:v56+s1+$0x0] =	vst.idx.add.f32.msk $0xffff, v4  }
0x441: {  	v9 =	vand.u32 $0xFFFFE000, v60;
	v61 =	vshll.u32 v8, $0x3;
	v62 =	vld.idx.msk [tilespmem:v6+s31+$0xFFFFFFD0 ss:$0x1], $0xffff  }
0x442: {  	v15 =	vshll.u32 v54, $0x7;
	v19 =	vsub.f32 $1.000000000e+00, v10;
	v13 =	vand.u32 $0xFFFFFC00, v61;
	v63 =	vld.idx.msk [tilespmem:v5+s31+$0x0 ss:$0x1], $0xffff  }
0x443: {  	v18 =	vand.u32 $0x380, v15;
	vm15 =	veq.s32 v59, v1;
	v9 =	vadd.s32 v9, v13  }
0x444: {  	v8 =	vand.u32 $0x7F, v8;
	v20 =	vsel vm15, v19, v10;
	v9 =	vor.u32 v18, v9  }
0x445: {  	v22 =	vsub.f32 $1.000000000e+00, v57;
	v8 =	vor.u32 v8, v9;
	v9 =	vshrl.u32 v20, $0x14  }
0x446: {  	v23 =	vshll.u32 v59, $0xA;
	v9 =	vsub.s32 $0x3F8, v9;
	v21 =	vsub.f32 $1.000000000e+00, v62  }
0x447: {  	v15 =	vand.u32 $0xFFFFE000, v23;
	v17 =	vshll.u32 v9, $0x3;
	vm4 =	veq.s32 v63, v1  }
0x448: {  	v24 =	vld.idx.msk [tilespmem:v5+s28+$0x20 ss:$0x1], $0xffff;
	v12 =	vshll.u32 v59, $0x7;
	v17 =	vand.u32 $0xFFFFFC00, v17;
	v10 =	vsel vm4, v21, v62  }
0x449: {  	v12 =	vand.u32 $0x380, v12;
	v25 =	vadd.s32 v15, v17;
	v10 =	vshrl.u32 v10, $0x14  }
0x44a: {  	v9 =	vand.u32 $0x7F, v9;
	[tilespmem:v8+s1+$0x0] =	vst.idx.add.f32.msk $0xffff, v4;
	v8 =	vor.u32 v12, v25;
	v10 =	vsub.s32 $0x3F8, v10  }
0x44b: {  	v8 =	vor.u32 v9, v8;
	v28 =	vshll.u32 v63, $0xA;
	v29 =	vshll.u32 v10, $0x3  }
0x44c: {  	v26 =	vld.idx.msk [tilespmem:v6+s29+$0xFFFFFFE0 ss:$0x1], $0xffff;
	v16 =	vshll.u32 v63, $0x7;
	v9 =	vand.u32 $0xFFFFE000, v28;
	v17 =	vand.u32 $0xFFFFFC00, v29  }
0x44d: {  	vm5 =	veq.s32 v24, v1;
	v27 =	vld.idx.msk [tilespmem:v5+s29+$0x10 ss:$0x1], $0xffff;
	v16 =	vand.u32 $0x380, v16;
	v9 =	vadd.s32 v9, v17  }
0x44e: {  	v11 =	vsel vm5, v22, v57;
	v10 =	vand.u32 $0x7F, v10;
	v9 =	vor.u32 v16, v9  }
0x44f: {  	v11 =	vshrl.u32 v11, $0x14;
	v9 =	vor.u32 v10, v9  }
0x450: {  	v32 =	vshll.u32 v24, $0xA;
	v14 =	vshll.u32 v24, $0x7;
	v31 =	vsub.s32 $0x3F8, v11;
	[tilespmem:v8+s1+$0x0] =	vst.idx.add.f32.msk $0xffff, v4  }
0x451: {  	v36 =	vand.u32 $0x380, v14;
	v11 =	vshll.u32 v31, $0x3;
	v30 =	vsub.f32 $1.000000000e+00, v26;
	v33 =	vld.idx.msk [tilespmem:v6+s30+$0xFFFFFFE0 ss:$0x1], $0xffff  }
0x452: {  	v11 =	vand.u32 $0xFFFFFC00, v11;
	vm6 =	veq.s32 v27, v1;
	v8 =	vand.u32 $0xFFFFE000, v32;
	v34 =	vld.idx.msk [tilespmem:v5+s30+$0x10 ss:$0x1], $0xffff  }
0x453: {  	v37 =	vshll.u32 v27, $0xA;
	v12 =	vshll.u32 v27, $0x7;
	v13 =	vsel vm6, v30, v26  }
0x454: {  	v8 =	vadd.s32 v8, v11;
	v39 =	vand.u32 $0xFFFFE000, v37;
	v13 =	vshrl.u32 v13, $0x14;
	[tilespmem:v9+s1+$0x0] =	vst.idx.add.f32.msk $0xffff, v4  }
0x455: {  	v12 =	vand.u32 $0x380, v12;
	v8 =	vor.u32 v36, v8;
	v35 =	vsub.s32 $0x3F8, v13;
	v41 =	vld.idx.msk [tilespmem:v6+s31+$0xFFFFFFE0 ss:$0x1], $0xffff  }
0x456: {  	v38 =	vshll.u32 v35, $0x3;
	v11 =	vand.u32 $0x7F, v35;
	v42 =	vsub.f32 $1.000000000e+00, v33;
	v43 =	vld.idx.msk [tilespmem:v5+s31+$0x10 ss:$0x1], $0xffff  }
0x457: {  	v40 =	vand.u32 $0xFFFFFC00, v38;
	vm7 =	veq.s32 v34, v1;
	v46 =	vshll.u32 v34, $0x7  }
0x458: {  	v10 =	vand.u32 $0x7F, v31;
	v44 =	vsel vm7, v42, v33;
	v9 =	vadd.s32 v39, v40  }
0x459: {  	v8 =	vor.u32 v10, v8;
	v45 =	vshrl.u32 v44, $0x14;
	v9 =	vor.u32 v12, v9  }
0x45a: {  	v10 =	vsub.s32 $0x3F8, v45;
	v9 =	vor.u32 v11, v9;
	v47 =	vsub.f32 $1.000000000e+00, v41  }
0x45b: {  	v48 =	vshll.u32 v34, $0xA;
	v49 =	vshll.u32 v10, $0x3;
	vm8 =	veq.s32 v43, v1  }
0x45c: {  	v13 =	vand.u32 $0xFFFFE000, v48;
	v15 =	vand.u32 $0xFFFFFC00, v49;
	v12 =	vsel vm8, v47, v41  }
0x45d: {  	v13 =	vadd.s32 v13, v15;
	v11 =	vand.u32 $0x380, v46;
	v12 =	vshrl.u32 v12, $0x14  }
0x45e: {  	v50 =	vand.u32 $0x7F, v10;
	v51 =	vor.u32 v11, v13;
	v52 =	vsub.s32 $0x3F8, v12  }
0x45f: {  	v54 =	vshll.u32 v43, $0xA;
	[tilespmem:v9+s1+$0x0] =	vst.idx.add.f32.msk $0xffff, v4;
	v9 =	vor.u32 v50, v51;
	v55 =	vshll.u32 v52, $0x3  }
0x460: {  	[tilespmem:v8+s1+$0x0] =	vst.idx.add.f32.msk $0xffff, v4;
	v57 =	vshll.u32 v43, $0x7;
	v10 =	vand.u32 $0xFFFFE000, v54;
	v13 =	vand.u32 $0xFFFFFC00, v55  }
0x461: {  	v15 =	vand.u32 $0x380, v57;
	v53 =	vld.idx.msk [tilespmem:v6+s29+$0xFFFFFFF0 ss:$0x1], $0xffff;
	v10 =	vadd.s32 v10, v13  }
0x462: {  	v56 =	vld.idx.msk [tilespmem:v5+s29+$0x20 ss:$0x1], $0xffff;
	v11 =	vand.u32 $0x7F, v52;
	v10 =	vor.u32 v15, v10  }
0x463: {  	v59 =	vld.idx.msk [tilespmem:v6+s28+$0x0 ss:$0x1], $0xffff;
	v58 =	vor.u32 v11, v10  }
0x464: {  	[tilespmem:v9+s1+$0x0] =	vst.idx.add.f32.msk $0xffff, v4  }
0x465: {  	v62 =	vld.idx.msk [tilespmem:v6+s30+$0xFFFFFFF0 ss:$0x1], $0xffff  }
0x466: {  	v60 =	vsub.f32 $1.000000000e+00, v53;
	v63 =	vld.idx.msk [tilespmem:v5+s30+$0x20 ss:$0x1], $0xffff  }
0x467: {  	vm9 =	veq.s32 v56, v1  }
0x468: {  	v25 =	vsub.f32 $1.000000000e+00, v59;
	v20 =	vshll.u32 v56, $0xA;
	v61 =	vsel vm9, v60, v53;
	[tilespmem:v58+s1+$0x0] =	vst.idx.add.f32.msk $0xffff, v4  }
0x469: {  	v14 =	vshll.u32 v56, $0x7;
	v8 =	vand.u32 $0xFFFFE000, v20;
	v9 =	vshrl.u32 v61, $0x14;
	v22 =	vld.idx.msk [tilespmem:v6+s31+$0xFFFFFFF0 ss:$0x1], $0xffff  }
0x46a: {  	v14 =	vand.u32 $0x380, v14;
	v9 =	vsub.s32 $0x3F8, v9;
	v24 =	vsub.f32 $1.000000000e+00, v62;
	v23 =	vld.idx.msk [tilespmem:v5+s31+$0x20 ss:$0x1], $0xffff  }
0x46b: {  	v21 =	vshll.u32 v9, $0x3;
	vm10 =	veq.s32 v63, v1;
	v9 =	vand.u32 $0x7F, v9  }
0x46c: {  	v28 =	vshll.u32 v63, $0xA;
	v13 =	vand.u32 $0xFFFFFC00, v21;
	v11 =	vsel vm10, v24, v62  }
0x46d: {  	v12 =	vshll.u32 v63, $0x7;
	v8 =	vadd.s32 v8, v13;
	v11 =	vshrl.u32 v11, $0x14  }
0x46e: {  	v8 =	vor.u32 v14, v8;
	v27 =	vsub.s32 $0x3F8, v11;
	v26 =	vsub.f32 $1.000000000e+00, v22  }
0x46f: {  	v8 =	vor.u32 v9, v8;
	v29 =	vshll.u32 v27, $0x3;
	vm11 =	veq.s32 v23, v1  }
0x470: {  	v30 =	vld.idx.msk [tilespmem:v5+s28+$0x30 ss:$0x1], $0xffff;
	v11 =	vand.u32 $0xFFFFE000, v28;
	v14 =	vand.u32 $0xFFFFFC00, v29;
	v13 =	vsel vm11, v26, v22  }
0x471: {  	v12 =	vand.u32 $0x380, v12;
	v11 =	vadd.s32 v11, v14;
	v13 =	vshrl.u32 v13, $0x14  }
0x472: {  	v9 =	vand.u32 $0x7F, v27;
	v11 =	vor.u32 v12, v11;
	v31 =	vsub.s32 $0x3F8, v13  }
0x473: {  	v33 =	vshll.u32 v23, $0xA;
	v36 =	vshll.u32 v23, $0x7;
	v34 =	vshll.u32 v31, $0x3  }
0x474: {  	[tilespmem:v8+s1+$0x0] =	vst.idx.add.f32.msk $0xffff, v4;
	v32 =	vor.u32 v9, v11;
	v9 =	vand.u32 $0xFFFFE000, v33;
	v11 =	vand.u32 $0xFFFFFC00, v34  }
0x475: {  	vm12 =	veq.s32 v30, v1;
	v38 =	vand.u32 $0x380, v36;
	v35 =	vld.idx.msk [tilespmem:v6+s29+$0x0 ss:$0x1], $0xffff;
	v9 =	vadd.s32 v9, v11  }
0x476: {  	v10 =	vsel vm12, v25, v59;
	v37 =	vld.idx.msk [tilespmem:v5+s29+$0x30 ss:$0x1], $0xffff;
	v12 =	vand.u32 $0x7F, v31;
	v9 =	vor.u32 v38, v9  }
0x477: {  	v10 =	vshrl.u32 v10, $0x14;
	v9 =	vor.u32 v12, v9  }
0x478: {  	v39 =	vshll.u32 v30, $0xA;
	v10 =	vsub.s32 $0x3F8, v10  }
0x479: {  	v42 =	vand.u32 $0xFFFFE000, v39;
	v40 =	vshll.u32 v10, $0x3;
	[tilespmem:v32+s1+$0x0] =	vst.idx.add.f32.msk $0xffff, v4  }
0x47a: {  	v15 =	vshll.u32 v30, $0x7;
	v43 =	vand.u32 $0xFFFFFC00, v40;
	v41 =	vsub.f32 $1.000000000e+00, v35;
	v44 =	vld.idx.msk [tilespmem:v6+s30+$0x0 ss:$0x1], $0xffff  }
0x47b: {  	v47 =	vand.u32 $0x380, v15;
	v8 =	vadd.s32 v42, v43;
	vm13 =	veq.s32 v37, v1;
	v46 =	vld.idx.msk [tilespmem:v5+s30+$0x30 ss:$0x1], $0xffff  }
0x47c: {  	v10 =	vand.u32 $0x7F, v10;
	v8 =	vor.u32 v47, v8;
	v45 =	vsel vm13, v41, v35;
	[tilespmem:v9+s1+$0x0] =	vst.idx.add.f32.msk $0xffff, v4  }
0x47d: {  	v8 =	vor.u32 v10, v8;
	v51 =	vshll.u32 v37, $0x7;
	v11 =	vshrl.u32 v45, $0x14;
	v6 =	vld.idx.msk [tilespmem:v6+s31+$0x0 ss:$0x1], $0xffff  }
0x47e: {  	v49 =	vshll.u32 v37, $0xA;
	v53 =	vand.u32 $0x380, v51;
	v48 =	vsub.s32 $0x3F8, v11;
	v5 =	vld.idx.msk [tilespmem:v5+s31+$0x30 ss:$0x1], $0xffff  }
0x47f: {  	v11 =	vand.u32 $0xFFFFE000, v49;
	v50 =	vshll.u32 v48, $0x3;
	v52 =	vsub.f32 $1.000000000e+00, v44  }
0x480: {  	vm14 =	veq.s32 v46, v1;
	v57 =	vshll.u32 v46, $0xA;
	v10 =	vand.u32 $0xFFFFFC00, v50  }
0x481: {  	v13 =	vshll.u32 v46, $0x7;
	v12 =	vand.u32 $0xFFFFE000, v57;
	v10 =	vadd.s32 v11, v10  }
0x482: {  	v9 =	vand.u32 $0x7F, v48;
	v54 =	vsel vm14, v52, v44;
	v56 =	vsub.f32 $1.000000000e+00, v6  }
0x483: {  	v10 =	vor.u32 v53, v10;
	v55 =	vshrl.u32 v54, $0x14;
	vm15 =	veq.s32 v5, v1  }
0x484: {  	v9 =	vor.u32 v9, v10;
	v10 =	vsub.s32 $0x3F8, v55;
	v6 =	vsel vm15, v56, v6  }
0x485: {  	v60 =	vand.u32 $0x380, v13;
	v58 =	vshll.u32 v10, $0x3;
	v6 =	vshrl.u32 v6, $0x14  }
0x486: {  	v10 =	vand.u32 $0x7F, v10;
	v59 =	vand.u32 $0xFFFFFC00, v58;
	v6 =	vsub.s32 $0x3F8, v6  }
0x487: {  	v11 =	vadd.s32 v12, v59;
	v61 =	vshll.u32 v5, $0xA;
	v62 =	vshll.u32 v6, $0x3  }
0x488: {  	v5 =	vshll.u32 v5, $0x7;
	v13 =	vand.u32 $0xFFFFE000, v61;
	v14 =	vand.u32 $0xFFFFFC00, v62  }
0x489: {  	v11 =	vor.u32 v60, v11;
	v5 =	vand.u32 $0x380, v5;
	v63 =	vadd.s32 v13, v14  }
0x48a: {  	v10 =	vor.u32 v10, v11;
	v6 =	vand.u32 $0x7F, v6;
	v5 =	vor.u32 v5, v63  }
0x48b: {  	p1 =	seq.s32 s26, $0x10;
	v5 =	vor.u32 v6, v5  }
.Ltmp19:
0x48c: {  	[tilespmem:v7+s1+$0x0] =	vst.idx.add.f32.msk $0xffff, v4;
	(pc) =	sbr.rel @!p1 .LBB2_28-.Ltmp19, $4  }
0x48d: {  	[tilespmem:v8+s1+$0x0] =	vst.idx.add.f32.msk $0xffff, v4  }
0x48e: {  	[tilespmem:v9+s1+$0x0] =	vst.idx.add.f32.msk $0xffff, v4  }
0x48f: {  	[tilespmem:v10+s1+$0x0] =	vst.idx.add.f32.msk $0xffff, v4  }
0x490: {  	s2 =	smov.u32 s26;
	[tilespmem:v5+s1+$0x0] =	vst.idx.add.f32.msk $0xffff, v4  }
0x491: {  	s0 =	simm.s32 $0x0  }
0x492: {  	s5 =	sand.u32 $0x70, s0;
	s0 =	sand.u32 $0x1C00, s0  }
0x493: {  	s0 =	sor.u32 s5, s0  }
0x494: {  	v5 =	vld [tilespmem:s0+$0x0];
	_ =	sdelay $0x2  }
0x495: {  	v6 =	vld [tilespmem:s0+$0x80]  }
0x496: {  	v7 =	vld [tilespmem:s0+$0x100]  }
0x497: {  	v8 =	vmul.f32 $0.0e+00, v5  }
0x498: {  	v9 =	vld [tilespmem:s0+$0x180];
	v5 =	vadd.f32 $0.0e+00, v5  }
0x499: {  	v8 =	vadd.f32 $0.0e+00, v8  }
0x49a: {  	v10 =	vld [tilespmem:s0+$0x200];
	v5 =	vadd.f32 v6, v5  }
0x49b: {  	v11 =	vadd.f32 v7, v7;
	v6 =	vadd.f32 v8, v6  }
0x49c: {  	v5 =	vadd.f32 v7, v5;
	v7 =	vld [tilespmem:s0+$0x280]  }
0x49d: {  	v8 =	vmul.f32 $3.000000000e+00, v9;
	v6 =	vadd.f32 v11, v6  }
0x49e: {  	v5 =	vadd.f32 v9, v5;
	v9 =	vld [tilespmem:s0+$0x300]  }
0x49f: {  	v11 =	vmul.f32 $4.000000000e+00, v10;
	v6 =	vadd.f32 v8, v6  }
0x4a0: {  	v5 =	vadd.f32 v10, v5;
	v8 =	vld [tilespmem:s0+$0x380]  }
0x4a1: {  	v10 =	vmul.f32 $5.000000000e+00, v7;
	v6 =	vadd.f32 v11, v6  }
0x4a2: {  	v5 =	vadd.f32 v7, v5;
	v7 =	vld [tilespmem:s0+$0x2000]  }
0x4a3: {  	v11 =	vmul.f32 $6.000000000e+00, v9;
	v6 =	vadd.f32 v10, v6  }
0x4a4: {  	v5 =	vadd.f32 v9, v5;
	v9 =	vld [tilespmem:s0+$0x2080]  }
0x4a5: {  	v10 =	vmul.f32 $7.000000000e+00, v8;
	v6 =	vadd.f32 v11, v6  }
0x4a6: {  	v5 =	vadd.f32 v8, v5;
	v8 =	vld [tilespmem:s0+$0x2100]  }
0x4a7: {  	v11 =	vmul.f32 $8.000000000e+00, v7;
	v6 =	vadd.f32 v10, v6  }
0x4a8: {  	v5 =	vadd.f32 v7, v5;
	v7 =	vld [tilespmem:s0+$0x2180]  }
0x4a9: {  	v10 =	vmul.f32 $9.000000000e+00, v9;
	v6 =	vadd.f32 v11, v6  }
0x4aa: {  	v5 =	vadd.f32 v9, v5;
	v9 =	vld [tilespmem:s0+$0x2200]  }
0x4ab: {  	v11 =	vmul.f32 $1.000000000e+01, v8;
	v6 =	vadd.f32 v10, v6  }
0x4ac: {  	v10 =	vld [tilespmem:s0+$0x2280];
	v5 =	vadd.f32 v8, v5  }
0x4ad: {  	v8 =	vmul.f32 $1.100000000e+01, v7;
	v6 =	vadd.f32 v11, v6  }
0x4ae: {  	v5 =	vadd.f32 v7, v5;
	v7 =	vld [tilespmem:s0+$0x2300]  }
0x4af: {  	v11 =	vmul.f32 $1.200000000e+01, v9;
	v6 =	vadd.f32 v8, v6  }
0x4b0: {  	v5 =	vadd.f32 v9, v5;
	v8 =	vld [tilespmem:s0+$0x2380]  }
0x4b1: {  	v9 =	vmul.f32 $1.300000000e+01, v10;
	v6 =	vadd.f32 v11, v6  }
0x4b2: {  	v5 =	vadd.f32 v10, v5;
	v10 =	vld [tilespmem:s0+$0x4000]  }
0x4b3: {  	v11 =	vmul.f32 $1.400000000e+01, v7;
	v6 =	vadd.f32 v9, v6  }
0x4b4: {  	v5 =	vadd.f32 v7, v5;
	v7 =	vld [tilespmem:s0+$0x4080]  }
0x4b5: {  	v9 =	vmul.f32 $1.500000000e+01, v8;
	v6 =	vadd.f32 v11, v6  }
0x4b6: {  	v5 =	vadd.f32 v8, v5;
	v8 =	vld [tilespmem:s0+$0x4100]  }
0x4b7: {  	v11 =	vmul.f32 $1.600000000e+01, v10;
	v6 =	vadd.f32 v9, v6  }
0x4b8: {  	v5 =	vadd.f32 v10, v5;
	v9 =	vld [tilespmem:s0+$0x4180]  }
0x4b9: {  	v10 =	vmul.f32 $1.700000000e+01, v7;
	v6 =	vadd.f32 v11, v6  }
0x4ba: {  	v5 =	vadd.f32 v7, v5;
	v7 =	vld [tilespmem:s0+$0x4200]  }
0x4bb: {  	v11 =	vmul.f32 $1.800000000e+01, v8;
	v6 =	vadd.f32 v10, v6  }
0x4bc: {  	v5 =	vadd.f32 v8, v5  }
0x4bd: {  	v8 =	vmul.f32 $1.900000000e+01, v9;
	v6 =	vadd.f32 v11, v6  }
0x4be: {  	v5 =	vadd.f32 v9, v5  }
0x4bf: {  	v9 =	vmul.f32 $2.000000000e+01, v7;
	v6 =	vadd.f32 v8, v6  }
0x4c0: {  	v5 =	vadd.f32 v7, v5  }
0x4c1: {  	s28 =	simm.s32 $0x6000;
	s31 =	simm.s32 $0x10;
	s0 =	simm.s32 $0x80;
	v6 =	vadd.f32 v9, v6  }
0x4c2: {  	s2 =	simm.s32 $0x6400;
	s5 =	sand.u32 $0x70, s31;
	s9 =	sand.u32 $0x1C00, s0;
	[tilespmem:s28+$0x0] =	vst v5  }
0x4c3: {  	s30 =	sor.u32 s5, s9;
	[tilespmem:s2+$0x0] =	vst v6  }
0x4c4: {  	v5 =	vld [tilespmem:s30+$0x0];
	_ =	sdelay $0x1  }
0x4c5: {  	v7 =	vld [tilespmem:s30+$0x80]  }
0x4c6: {  	v8 =	vld [tilespmem:s30+$0x100];
	_ =	sdelay $0x1  }
0x4c7: {  	v9 =	vadd.f32 $0.0e+00, v5;
	v5 =	vmul.f32 $0.0e+00, v5  }
0x4c8: {  	v10 =	vld [tilespmem:s30+$0x180]  }
0x4c9: {  	v5 =	vadd.f32 $0.0e+00, v5;
	v9 =	vadd.f32 v7, v9  }
0x4ca: {  	v11 =	vld [tilespmem:s30+$0x200];
	v12 =	vadd.f32 v8, v8  }
0x4cb: {  	v5 =	vadd.f32 v5, v7;
	v7 =	vadd.f32 v8, v9  }
0x4cc: {  	v8 =	vld [tilespmem:s30+$0x280]  }
0x4cd: {  	(xrf2) =	vadd.scan.msk.f32 $0xffff, v6;
	v6 =	vmul.f32 $3.000000000e+00, v10;
	v5 =	vadd.f32 v12, v5;
	v7 =	vadd.f32 v10, v7  }
0x4ce: {  	v9 =	vld [tilespmem:s30+$0x300]  }
0x4cf: {  	v5 =	vadd.f32 v6, v5;
	v6 =	vadd.f32 v11, v7;
	_ =	sdelay $0x1  }
0x4d0: {  	v10 =	vmul.f32 $4.000000000e+00, v11;
	v6 =	vadd.f32 v8, v6  }
0x4d1: {  	v7 =	vld [tilespmem:s30+$0x380]  }
0x4d2: {  	v5 =	vadd.f32 v10, v5;
	v10 =	vmul.f32 $6.000000000e+00, v9;
	v9 =	vadd.f32 v9, v6;
	_ =	sdelay $0x1  }
0x4d3: {  	v11 =	vmul.f32 $5.000000000e+00, v8;
	_ =	sdelay $0x1  }
0x4d4: {  	v5 =	vadd.f32 v11, v5;
	v11 =	vmul.f32 $7.000000000e+00, v7;
	v7 =	vadd.f32 v7, v9;
	v9, _, _ =	vpop (xrf2)  }
0x4d5: {  	(v2sf) =	vpush v9, $0xF;
	_ =	sdelay $0x5  }
0x4d6: {  	v8 =	vld [tilespmem:s30+$0x2000]  }
0x4d7: {  	v13 =	vld [tilespmem:s30+$0x2080]  }
0x4d8: {  	v6 =	vld [tilespmem:s30+$0x2100]  }
0x4d9: {  	v10 =	vadd.f32 v10, v5;
	_ =	sdelay $0x1  }
0x4da: {  	v12 =	vmul.f32 $8.000000000e+00, v8;
	v10 =	vadd.f32 v11, v10;
	v8 =	vadd.f32 v8, v7;
	v7 =	vld [tilespmem:s30+$0x2180]  }
0x4db: {  	v5 =	vld [tilespmem:s30+$0x2280];
	v11 =	vmul.f32 $9.000000000e+00, v13  }
0x4dc: {  	s26 =	simm.f32 $0.0e+00;
	s29 =	simm.s32 $0x6410;
	s5 =	simm.s32 $0x20;
	v12 =	vadd.f32 v12, v10;
	v9 =	vadd.f32 v13, v8;
	v8 =	vld [tilespmem:s30+$0x2200];
	v10 =	vmul.f32 $1.000000000e+01, v6  }
.LBB2_38:
0x4dd: {  	s28 =	sadd.s32 $0x10, s28  }
0x4de: {  	v11 =	vadd.f32 v11, v12;
	v6 =	vadd.f32 v6, v9;
	s9 =	spop (v2sf);
	s18 =	smov.u32 s5;
	s2 =	sadd.s32 $0x10, s5  }
0x4df: {  	p1 =	seq.s32 s5, $0x3F0;
	v9 =	vmul.f32 $1.100000000e+01, v7;
	s26 =	sadd.f32 s9, s26  }
0x4e0: {  	v10 =	vadd.f32 v10, v11;
	v6 =	vadd.f32 v7, v6;
	v7 =	vld [tilespmem:s30+$0x2300]  }
0x4e1: {  	v11 =	vmul.f32 $1.200000000e+01, v8  }
0x4e2: {  	v9 =	vadd.f32 v9, v10;
	v6 =	vadd.f32 v8, v6;
	v8 =	vld [tilespmem:s30+$0x2380]  }
0x4e3: {  	v10 =	vmul.f32 $1.300000000e+01, v5  }
0x4e4: {  	v9 =	vadd.f32 v11, v9;
	v5 =	vadd.f32 v5, v6;
	v6 =	vld [tilespmem:s30+$0x4000]  }
0x4e5: {  	v11 =	vmul.f32 $1.400000000e+01, v7  }
0x4e6: {  	v9 =	vadd.f32 v10, v9;
	v5 =	vadd.f32 v7, v5;
	v7 =	vld [tilespmem:s30+$0x4080]  }
0x4e7: {  	v10 =	vmul.f32 $1.500000000e+01, v8  }
0x4e8: {  	v9 =	vadd.f32 v11, v9;
	v5 =	vadd.f32 v8, v5;
	v8 =	vld [tilespmem:s30+$0x4100]  }
0x4e9: {  	v11 =	vmul.f32 $1.600000000e+01, v6  }
0x4ea: {  	v9 =	vadd.f32 v10, v9;
	v5 =	vadd.f32 v6, v5;
	v6 =	vld [tilespmem:s30+$0x4180]  }
0x4eb: {  	v10 =	vmul.f32 $1.700000000e+01, v7  }
0x4ec: {  	v9 =	vadd.f32 v11, v9;
	v5 =	vadd.f32 v7, v5;
	v7 =	vld [tilespmem:s30+$0x4200]  }
0x4ed: {  	v11 =	vmul.f32 $1.800000000e+01, v8  }
0x4ee: {  	v9 =	vadd.f32 v10, v9;
	v5 =	vadd.f32 v8, v5  }
0x4ef: {  	v8 =	vmul.f32 $1.900000000e+01, v6  }
0x4f0: {  	v9 =	vadd.f32 v11, v9;
	v5 =	vadd.f32 v6, v5  }
0x4f1: {  	v6 =	vmul.f32 $2.000000000e+01, v7  }
0x4f2: {  	v8 =	vadd.f32 v8, v9;
	v5 =	vadd.f32 v7, v5  }
0x4f3: {  	s0 =	sadd.s32 $0x80, s0  }
0x4f4: {  	s5 =	sand.u32 $0x70, s18;
	s9 =	sand.u32 $0x1C00, s0;
	v6 =	vadd.f32 v6, v8;
	[tilespmem:s28+$0x0] =	vst v5  }
0x4f5: {  	s30 =	sor.u32 s5, s9  }
0x4f6: {  	[tilespmem:s29+$0x0] =	vst v6;
	(xrf2) =	vadd.scan.msk.f32 $0xffff, v6  }
0x4f7: {  	v6 =	vld [tilespmem:s30+$0x0]  }
0x4f8: {  	v7 =	vld [tilespmem:s30+$0x80]  }
0x4f9: {  	v5 =	vld [tilespmem:s30+$0x2280]  }
0x4fa: {  	v8 =	vld [tilespmem:s30+$0x100];
	_ =	sdelay $0x1  }
0x4fb: {  	v9 =	vadd.f32 $0.0e+00, v6;
	v6 =	vmul.f32 $0.0e+00, v6;
	v10 =	vld [tilespmem:s30+$0x180];
	_ =	sdelay $0x1  }
0x4fc: {  	v6 =	vadd.f32 $0.0e+00, v6;
	v13 =	vadd.f32 v7, v9;
	v11 =	vld [tilespmem:s30+$0x200]  }
0x4fd: {  	v12 =	vadd.f32 v8, v8  }
0x4fe: {  	v6 =	vadd.f32 v6, v7;
	v7 =	vadd.f32 v8, v13;
	v8 =	vld [tilespmem:s30+$0x280];
	v9, _, _ =	vpop (xrf2)  }
0x4ff: {  	v13 =	vmul.f32 $3.000000000e+00, v10;
	(v2sf) =	vpush v9, $0xF  }
0x500: {  	v6 =	vadd.f32 v12, v6;
	v7 =	vadd.f32 v10, v7;
	v9 =	vld [tilespmem:s30+$0x300]  }
0x501: {  	v10 =	vmul.f32 $4.000000000e+00, v11  }
0x502: {  	v6 =	vadd.f32 v13, v6;
	v7 =	vadd.f32 v11, v7;
	v11 =	vld [tilespmem:s30+$0x380]  }
0x503: {  	v12 =	vmul.f32 $5.000000000e+00, v8  }
0x504: {  	v6 =	vadd.f32 v10, v6;
	v7 =	vadd.f32 v8, v7;
	v8 =	vld [tilespmem:s30+$0x2000]  }
0x505: {  	v10 =	vmul.f32 $6.000000000e+00, v9  }
0x506: {  	v6 =	vadd.f32 v12, v6;
	v7 =	vadd.f32 v9, v7;
	v9 =	vld [tilespmem:s30+$0x2080]  }
0x507: {  	v12 =	vmul.f32 $7.000000000e+00, v11  }
0x508: {  	v10 =	vadd.f32 v10, v6;
	v7 =	vadd.f32 v11, v7;
	v6 =	vld [tilespmem:s30+$0x2100]  }
.Ltmp20:
0x509: {  	v13 =	vmul.f32 $8.000000000e+00, v8;
	(pc) =	sbr.rel @!p1 .LBB2_38-.Ltmp20, $4  }
0x50a: {  	v10 =	vadd.f32 v12, v10;
	v8 =	vadd.f32 v8, v7;
	v7 =	vld [tilespmem:s30+$0x2180]  }
0x50b: {  	v11 =	vmul.f32 $9.000000000e+00, v9  }
0x50c: {  	v12 =	vadd.f32 v13, v10;
	v9 =	vadd.f32 v9, v8;
	v8 =	vld [tilespmem:s30+$0x2200]  }
0x50d: {  	s5 =	smov.u32 s2;
	s29 =	sadd.s32 $0x10, s29;
	v10 =	vmul.f32 $1.000000000e+01, v6  }
0x50e: {  	v11 =	vadd.f32 v11, v12  }
0x50f: {  	v6 =	vadd.f32 v6, v9  }
0x510: {  	v12 =	vmul.f32 $1.100000000e+01, v7;
	v10 =	vadd.f32 v10, v11  }
0x511: {  	v11 =	vld [tilespmem:s30+$0x2300];
	v6 =	vadd.f32 v7, v6  }
0x512: {  	v13 =	vmul.f32 $1.200000000e+01, v8;
	v10 =	vadd.f32 v12, v10  }
0x513: {  	v12 =	vld [tilespmem:s30+$0x2380];
	v6 =	vadd.f32 v8, v6  }
0x514: {  	v14 =	vmul.f32 $1.300000000e+01, v5;
	v10 =	vadd.f32 v13, v10  }
0x515: {  	v13 =	vld [tilespmem:s30+$0x4000];
	v5 =	vadd.f32 v5, v6  }
0x516: {  	v15 =	vmul.f32 $1.400000000e+01, v11;
	v10 =	vadd.f32 v14, v10  }
0x517: {  	v14 =	vld [tilespmem:s30+$0x4080];
	v5 =	vadd.f32 v11, v5  }
0x518: {  	v16 =	vmul.f32 $1.500000000e+01, v12;
	v10 =	vadd.f32 v15, v10  }
0x519: {  	v15 =	vld [tilespmem:s30+$0x4100];
	v5 =	vadd.f32 v12, v5  }
0x51a: {  	v17 =	vmul.f32 $1.600000000e+01, v13;
	v10 =	vadd.f32 v16, v10  }
0x51b: {  	v16 =	vld [tilespmem:s30+$0x4180];
	v5 =	vadd.f32 v13, v5  }
0x51c: {  	v18 =	vmul.f32 $1.700000000e+01, v14;
	v10 =	vadd.f32 v17, v10  }
0x51d: {  	v17 =	vld [tilespmem:s30+$0x4200];
	v5 =	vadd.f32 v14, v5  }
0x51e: {  	v10 =	vadd.f32 v18, v10;
	v18 =	vmul.f32 $1.800000000e+01, v15  }
0x51f: {  	v5 =	vadd.f32 v15, v5  }
0x520: {  	v10 =	vadd.f32 v18, v10;
	v18 =	vmul.f32 $1.900000000e+01, v16  }
0x521: {  	v5 =	vadd.f32 v16, v5  }
0x522: {  	v10 =	vadd.f32 v18, v10;
	v18 =	vmul.f32 $2.000000000e+01, v17  }
0x523: {  	v5 =	vadd.f32 v17, v5  }
0x524: {  	s2 =	sadd.s32 $0x10, s28;
	v10 =	vadd.f32 v18, v10  }
0x525: {  	[tilespmem:s2+$0x0] =	vst v5  }
0x526: {  	s20 =	simm.s32 $0x0;
	(xrf2) =	vadd.scan.msk.f32 $0xffff, v10;
	[tilespmem:s29+$0x0] =	vst v10  }
0x527: {  	v9 =	vld [tilespmem:s20+$0x6000];
	_ =	sdelay $0x1  }
0x528: {  	v7 =	vld [tilespmem:s20+$0x6400];
	_ =	sdelay $0x2  }
0x529: {  	(xrf2) =	vadd.scan.msk.f32 $0xffff, v9  }
0x52a: {  	s18 =	simm.s32 $0x10  }
0x52b: {  	v11 =	vld [tilespmem:s18+$0x6000];
	(xrf2) =	vadd.scan.msk.f32 $0xffff, v7  }
0x52c: {  	v8 =	vld [tilespmem:s18+$0x6400]  }
0x52d: {  	v6, _, _ =	vpop (xrf2)  }
0x52e: {  	(v2sf) =	vpush v6, $0xF;
	_ =	sdelay $0x1  }
0x52f: {  	(xrf2) =	vadd.scan.msk.f32 $0xffff, v11  }
0x530: {  	(xrf2) =	vadd.scan.msk.f32 $0xffff, v8;
	_ =	sdelay $0x1  }
0x531: {  	v10, _, _ =	vpop (xrf2)  }
0x532: {  	(v2sf) =	vpush v10, $0xF  }
0x533: {  	s31 =	simm.s32 $0x20;
	v12, _, _ =	vpop (xrf2)  }
0x534: {  	v13 =	vld [tilespmem:s31+$0x6000];
	(v2sf) =	vpush v12, $0xF  }
0x535: {  	v14 =	vld [tilespmem:s31+$0x6400];
	_ =	sdelay $0x2  }
0x536: {  	v15, _, _ =	vpop (xrf2)  }
0x537: {  	s0 =	spop (v2sf);
	(xrf2) =	vadd.scan.msk.f32 $0xffff, v13;
	(v2sf) =	vpush v15, $0xF;
	v16, _, _ =	vpop (xrf2)  }
0x538: {  	s0 =	sadd.f32 s0, s26;
	(xrf2) =	vadd.scan.msk.f32 $0xffff, v14;
	(v2sf) =	vpush v16, $0xF  }
0x539: {  	s2 =	simm.s32 $0x30;
	s9 =	spop (v2sf)  }
0x53a: {  	s26 =	simm.f32 $0.0e+00;
	v6 =	vld [tilespmem:s2+$0x6000];
	s0 =	sadd.f32 s9, s0  }
0x53b: {  	v10 =	vadd.f32 s26, v10  }
0x53c: {  	v12 =	vadd.f32 s26, v12;
	v5 =	vmov s0  }
0x53d: {  	v18 =	vsub.f32 v10, v9;
	v10 =	vadd.f32 v10, v5  }
0x53e: {  	v17 =	vld [tilespmem:s2+$0x6400]  }
0x53f: {  	(xrf2) =	vadd.scan.msk.f32 $0xffff, v6;
	v19 =	vsub.f32 v12, v7;
	v18 =	vadd.f32 v18, v5;
	s15 =	spop (v2sf)  }
0x540: {  	v7 =	vsub.f32 v10, v12;
	s5 =	sadd.f32 s15, s26  }
0x541: {  	s0 =	simm.s32 $0x40;
	v18 =	vsub.f32 v18, v19;
	s9 =	spop (v2sf);
	v10, _, _ =	vpop (xrf2)  }
0x542: {  	(erf) = vrcp.f32 v7;
	v7 =	vld [tilespmem:s0+$0x6000];
	s9 =	sadd.f32 s9, s26;
	(v2sf) =	vpush v10, $0xF;
	v20, _, _ =	vpop (xrf2);
	v15 =	vadd.f32 s5, v15  }
0x543: {  	(xrf2) =	vadd.scan.msk.f32 $0xffff, v17;
	(erf) = vrcp.f32 v18;
	(v2sf) =	vpush v20, $0xF  }
0x544: {  	v18 =	vld [tilespmem:s0+$0x6400];
	v16 =	vadd.f32 s9, v16;
	v21 =	vsub.f32 v15, v11  }
0x545: {  	v15 =	vadd.f32 v15, v5  }
0x546: {  	s15 =	spop (v2sf);
	v22 =	vsub.f32 v16, v8;
	v21 =	vadd.f32 v21, v5  }
0x547: {  	s5 =	sadd.f32 s15, s5;
	s15 =	spop (v2sf);
	(xrf2) =	vadd.scan.msk.f32 $0xffff, v7;
	v8 =	vsub.f32 v15, v16  }
0x548: {  	s9 =	sadd.f32 s15, s9;
	v21 =	vsub.f32 v21, v22  }
0x549: {  	v12 =	vsub.f32 v5, v12;
	v10 =	vadd.f32 s5, v10;
	v15, _, _ =	vpop (xrf2);
	(xrf2) =	vadd.scan.msk.f32 $0xffff, v18;
	(erf) = vrcp.f32 v8  }
0x54a: {  	v19 =	vsub.f32 v5, v19;
	v20 =	vadd.f32 s9, v20  }
0x54b: {  	s28 =	simm.s32 $0x50;
	v25 =	vsub.f32 v10, v13;
	v10 =	vadd.f32 v10, v5;
	v23 =	vpop (erf);
	(erf) = vrcp.f32 v21  }
0x54c: {  	v14 =	vsub.f32 v20, v14;
	v8 =	vld [tilespmem:s28+$0x6000];
	(v2sf) =	vpush v15, $0xF;
	v21 =	vpop (erf)  }
0x54d: {  	v25 =	vadd.f32 v25, v5;
	v24, _, _ =	vpop (xrf2);
	v12 =	vmul.f32 v23, v12;
	v23 =	vld [tilespmem:s28+$0x6400];
	v19 =	vmul.f32 v21, v19  }
0x54e: {  	v10 =	vsub.f32 v10, v20;
	(v2sf) =	vpush v24, $0xF;
	v21 =	vld [tilespmem:s20+$0x6800]  }
0x54f: {  	v12 =	vsub.f32 $1.000000000e+00, v12;
	v19 =	vadd.f32 $-1.000000000e+00, v19  }
0x550: {  	v16 =	vsub.f32 v5, v16;
	v25 =	vsub.f32 v25, v14  }
0x551: {  	(xrf2) =	vadd.scan.msk.f32 $0xffff, v8;
	s20 =	spop (v2sf);
	v12 =	vadd.f32 v19, v12;
	v19 =	vsub.f32 v5, v20;
	v20, _, _ =	vpop (xrf2)  }
0x552: {  	(erf) = vrcp.f32 v10;
	v10 =	vpop (erf);
	s5 =	sadd.f32 s20, s5;
	s20 =	spop (v2sf)  }
0x553: {  	v22 =	vsub.f32 v5, v22;
	(xrf2) =	vadd.scan.msk.f32 $0xffff, v23;
	(erf) = vrcp.f32 v25;
	v12 =	vmul.f32 v12, v21;
	s9 =	sadd.f32 s20, s9;
	v21, _, _ =	vpop (xrf2)  }
0x554: {  	(v2sf) =	vpush v20, $0xF;
	v10 =	vmul.f32 v10, v16;
	v16 =	vpop (erf);
	v15 =	vadd.f32 s5, v15  }
0x555: {  	(v2sf) =	vpush v21, $0xF;
	v16 =	vmul.f32 v16, v22;
	v24 =	vadd.f32 s9, v24  }
0x556: {  	s29 =	simm.s32 $0x60;
	vm0 =	vgt.f32 v9, $0.0e+00;
	v22 =	vld [tilespmem:s18+$0x6800];
	v26 =	vsub.f32 v15, v6;
	v15 =	vadd.f32 v15, v5  }
0x557: {  	v9 =	vld [tilespmem:s29+$0x6000];
	v10 =	vsub.f32 $1.000000000e+00, v10;
	v25 =	vnsel vm0, $0x0, v12;
	v16 =	vadd.f32 $-1.000000000e+00, v16  }
0x558: {  	v12 =	vld [tilespmem:s29+$0x6400];
	(xrf2) =	vadd.scan.msk.f32 $0xffff, v25;
	v25 =	vadd.f32 v26, v5;
	v15 =	vsub.f32 v15, v24  }
0x559: {  	v26 =	vsub.f32 v24, v17;
	v10 =	vadd.f32 v16, v10  }
0x55a: {  	(erf) = vrcp.f32 v15  }
0x55b: {  	s20 =	spop (v2sf);
	v16 =	vsub.f32 v5, v24;
	v24, _, _ =	vpop (xrf2);
	v17 =	vsub.f32 v25, v26;
	v22 =	vmul.f32 v10, v22  }
0x55c: {  	vm14 =	vgt.f32 v11, $0.0e+00;
	(xrf2) =	vadd.scan.msk.f32 $0xffff, v9;
	s5 =	sadd.f32 s20, s5;
	v15 =	vpop (erf)  }
0x55d: {  	v14 =	vsub.f32 v5, v14;
	(xrf2) =	vadd.scan.msk.f32 $0xffff, v12;
	s18 =	spop (v2sf);
	v25, _, _ =	vpop (xrf2);
	(erf) = vrcp.f32 v17;
	v17 =	vnsel vm14, $0x0, v22  }
0x55e: {  	s30 =	simm.s32 $0x70;
	(v2sf) =	vpush v24, $0xF;
	v20 =	vadd.f32 s5, v20;
	s9 =	sadd.f32 s18, s9;
	v11 =	vmul.f32 v15, v19;
	v15 =	vpop (erf);
	(xrf2) =	vadd.scan.msk.f32 $0xffff, v17  }
0x55f: {  	v10 =	vld [tilespmem:s30+$0x6000];
	(v2sf) =	vpush v25, $0xF;
	v14 =	vmul.f32 v15, v14  }
0x560: {  	v19 =	vsub.f32 v20, v7;
	v22 =	vadd.f32 s9, v21  }
0x561: {  	v11 =	vsub.f32 $1.000000000e+00, v11;
	v14 =	vadd.f32 $-1.000000000e+00, v14  }
0x562: {  	v15 =	vadd.f32 v20, v5;
	v20 =	vld [tilespmem:s31+$0x6800];
	v19 =	vadd.f32 v19, v5  }
0x563: {  	v17 =	vsub.f32 v22, v18;
	v11 =	vadd.f32 v14, v11;
	v14 =	vld [tilespmem:s30+$0x6400];
	v18 =	vpop (erf)  }
0x564: {  	v21, _, _ =	vpop (xrf2);
	(xrf2) =	vadd.scan.msk.f32 $0xffff, v10;
	v16 =	vmul.f32 v18, v16  }
0x565: {  	v27 =	vsub.f32 v15, v22;
	(v2sf) =	vpush v21, $0xF  }
0x566: {  	v15 =	vsub.f32 v5, v22;
	v22 =	vsub.f32 v5, v26;
	s20 =	spop (v2sf);
	v21, _, _ =	vpop (xrf2)  }
0x567: {  	s20 =	sadd.f32 s20, s5;
	v26 =	vsub.f32 v19, v17;
	(v2sf) =	vpush v21, $0xF;
	(erf) = vrcp.f32 v27;
	v19, _, _ =	vpop (xrf2)  }
0x568: {  	s31 =	simm.s32 $0x80;
	s18 =	spop (v2sf);
	v20 =	vmul.f32 v11, v20;
	(v2sf) =	vpush v19, $0xF;
	v29 =	vsub.f32 $1.000000000e+00, v16;
	(xrf2) =	vadd.scan.msk.f32 $0xffff, v14;
	v16, _, _ =	vpop (xrf2)  }
0x569: {  	vm15 =	vgt.f32 v13, $0.0e+00;
	s18 =	sadd.f32 s18, s9;
	v24 =	vadd.f32 s20, v24;
	v11 =	vld [tilespmem:s31+$0x6000];
	v28 =	vpop (erf);
	(v2sf) =	vpush v16, $0xF  }
0x56a: {  	(erf) = vrcp.f32 v26;
	v22 =	vmul.f32 v28, v22;
	v13 =	vnsel vm15, $0x0, v20  }
0x56b: {  	v18 =	vadd.f32 s18, v25;
	v25 =	vsub.f32 v24, v8;
	(xrf2) =	vadd.scan.msk.f32 $0xffff, v13;
	v13 =	vld [tilespmem:s31+$0x6400]  }
0x56c: {  	v63 =	vadd.f32 v24, v5;
	v22 =	vadd.f32 $-1.000000000e+00, v22;
	v16 =	vld [tilespmem:s2+$0x6800]  }
0x56d: {  	v24 =	vadd.f32 v25, v5;
	v20 =	vsub.f32 v18, v23  }
0x56e: {  	s5 =	simm.s32 $0x240;
	v25 =	vsub.f32 v63, v18;
	(xrf2) =	vadd.scan.msk.f32 $0xffff, v11;
	v23, _, _ =	vpop (xrf2);
	s2 =	spop (v2sf);
	v22 =	vadd.f32 v22, v29  }
.LBB2_40:
0x56f: {  	v26 =	vsub.f32 v5, v18;
	s20 =	sadd.f32 s2, s20;
	v27 =	vsub.f32 v5, v17;
	vm0 =	vgt.f32 v6, $0.0e+00;
	v6 =	vmovc v7  }
0x570: {  	s2 =	spop (v2sf);
	v7 =	vmovc v8;
	v8 =	vmovc v9;
	v9 =	vmov v10;
	v10 =	vmov v11;
	v17 =	vmov v20;
	s9 =	smov.u32 s5;
	s15 =	sadd.s32 $0x40, s5  }
0x571: {  	p1 =	sne.s32 s5, $0xFC0;
	s9 =	sshra.s32 s9, $0x2;
	(xrf2) =	vadd.scan.msk.f32 $0xffff, v13;
	v18 =	vsub.f32 v24, v17;
	s18 =	sadd.f32 s2, s18;
	(erf) = vrcp.f32 v25;
	v20 =	vpop (erf);
	v16 =	vmul.f32 v22, v16  }
0x572: {  	v11 =	vld [tilespmem:s9+$0x6000];
	v22, _, _ =	vpop (xrf2);
	(v2sf) =	vpush v23, $0xF;
	v21 =	vadd.f32 s20, v21;
	v20 =	vmul.f32 v20, v15  }
0x573: {  	v28 =	vld [tilespmem:s9+$0x6400];
	(v2sf) =	vpush v22, $0xF;
	(erf) = vrcp.f32 v18;
	v15 =	vpop (erf);
	v16 =	vnsel vm0, $0x0, v16  }
.Ltmp21:
0x574: {  	v18 =	vadd.f32 s18, v19;
	v24 =	vsub.f32 v21, v8;
	v25 =	vmul.f32 v15, v27;
	(xrf2) =	vadd.scan.msk.f32 $0xffff, v16;
	s2 =	spop (v2sf);
	v15 =	vmovc v26;
	(pc) =	sbr.rel @p1 .LBB2_40-.Ltmp21, $4  }
0x575: {  	v19 =	vmov v22;
	v26 =	vadd.f32 v21, v5;
	v27 =	vsub.f32 $1.000000000e+00, v20;
	v16 =	vld [tilespmem:s0+$0x6800];
	v29, _, _ =	vpop (xrf2);
	s26 =	sadd.f32 s2, s26;
	s0 =	smov.u32 s28;
	s28 =	smov.u32 s29  }
0x576: {  	s29 =	smov.u32 s30;
	s30 =	smov.u32 s31;
	s31 =	smov.u32 s9;
	v24 =	vadd.f32 v24, v5;
	v22 =	vadd.f32 $-1.000000000e+00, v25;
	v21 =	vmov v23  }
0x577: {  	v20 =	vsub.f32 v18, v12;
	v12 =	vmovc v14;
	v14 =	vmov v13;
	(xrf2) =	vadd.scan.msk.f32 $0xffff, v11;
	(v2sf) =	vpush v29, $0xF  }
0x578: {  	s5 =	smov.u32 s15;
	v25 =	vsub.f32 v26, v18;
	v23, _, _ =	vpop (xrf2);
	s2 =	spop (v2sf);
	v22 =	vadd.f32 v22, v27;
	v13 =	vmov v28  }
0x579: {  	_ = 	snop  }
0x57a: {  	(v2sf) =	vpush v23, $0xF  }
0x57b: {  	v26, _, _ =	vpop (xrf2)  }
0x57c: {  	(v2sf) =	vpush v26, $0xF;
	_ =	sdelay $0x5  }
0x57d: {  	s5 =	sadd.f32 s2, s20  }
0x57e: {  	s9 =	spop (v2sf);
	(xrf2) =	vadd.scan.msk.f32 $0xffff, v13  }
0x57f: {  	s9 =	sadd.f32 s9, s18;
	v21 =	vadd.f32 s5, v21  }
0x580: {  	v17 =	vsub.f32 v5, v17;
	s2 =	spop (v2sf)  }
0x581: {  	v19 =	vadd.f32 s9, v19;
	v27 =	vsub.f32 v21, v9;
	s15 =	spop (v2sf)  }
0x582: {  	v24 =	vsub.f32 v24, v20;
	v21 =	vadd.f32 v21, v5;
	s5 =	sadd.f32 s15, s5;
	s20 =	spop (v2sf)  }
0x583: {  	v12 =	vsub.f32 v19, v12;
	v27 =	vadd.f32 v27, v5;
	s9 =	sadd.f32 s20, s9;
	s18 =	spop (v2sf)  }
0x584: {  	v21 =	vsub.f32 v21, v19;
	v37 =	vadd.f32 s5, v23;
	s20 =	spop (v2sf)  }
0x585: {  	v28, _, _ =	vpop (xrf2);
	v39 =	vsub.f32 v27, v12;
	v26 =	vadd.f32 s9, v26;
	s5 =	sadd.f32 s20, s5  }
0x586: {  	(erf) = vrcp.f32 v25;
	v29, _, _ =	vpop (xrf2);
	v30 =	vsub.f32 v37, v10;
	v23 =	vadd.f32 v37, v5;
	s20 =	spop (v2sf)  }
0x587: {  	(erf) = vrcp.f32 v24;
	v14 =	vsub.f32 v26, v14;
	v38 =	vadd.f32 s5, v29;
	s5 =	sadd.f32 s20, s9  }
0x588: {  	v41, _, _ =	vpop (xrf2);
	v40 =	vadd.f32 v30, v5;
	v23 =	vsub.f32 v23, v26  }
0x589: {  	(erf) = vrcp.f32 v21;
	v31 =	vsub.f32 v38, v11;
	v43 =	vadd.f32 s5, v41  }
0x58a: {  	v42 =	vpop (erf);
	(erf) = vrcp.f32 v39;
	v27 =	vsub.f32 v40, v14;
	v25 =	vadd.f32 v38, v5  }
0x58b: {  	(erf) = vrcp.f32 v23;
	v45 =	vadd.f32 v31, v5;
	v46 =	vsub.f32 v43, v13  }
0x58c: {  	v18 =	vsub.f32 v5, v18;
	v44 =	vpop (erf);
	(erf) = vrcp.f32 v27;
	v47 =	vsub.f32 v25, v43  }
0x58d: {  	vm0 =	vgt.f32 v6, $0.0e+00;
	v15 =	vmul.f32 v42, v15;
	v49 =	vsub.f32 v45, v46  }
0x58e: {  	v6 =	vsub.f32 v5, v20;
	v17 =	vmul.f32 v44, v17;
	(erf) = vrcp.f32 v47  }
0x58f: {  	vm11 =	vgt.f32 v7, $0.0e+00;
	vm12 =	vgt.f32 v8, $0.0e+00;
	v50 =	vpop (erf);
	(erf) = vrcp.f32 v49  }
0x590: {  	v48 =	vld [tilespmem:s0+$0x6800];
	v16 =	vmul.f32 v22, v16;
	v15 =	vsub.f32 $1.000000000e+00, v15;
	v17 =	vadd.f32 $-1.000000000e+00, v17;
	v51 =	vpop (erf)  }
0x591: {  	v52 =	vsub.f32 v5, v19;
	v18 =	vmul.f32 v50, v18;
	v6 =	vmul.f32 v51, v6  }
0x592: {  	v16 =	vnsel vm0, $0x0, v16;
	v15 =	vadd.f32 v17, v15;
	v12 =	vsub.f32 v5, v12;
	v53 =	vpop (erf)  }
0x593: {  	v55 =	vld [tilespmem:s28+$0x6800];
	v18 =	vsub.f32 $1.000000000e+00, v18;
	v6 =	vadd.f32 $-1.000000000e+00, v6;
	v17 =	vmul.f32 v53, v52;
	v54 =	vpop (erf)  }
0x594: {  	v7 =	vsub.f32 v5, v26;
	v14 =	vsub.f32 v5, v14;
	v12 =	vmul.f32 v54, v12;
	v56 =	vpop (erf)  }
0x595: {  	v15 =	vmul.f32 v15, v48;
	v6 =	vadd.f32 v6, v18;
	v17 =	vsub.f32 $1.000000000e+00, v17;
	v57 =	vpop (erf)  }
0x596: {  	v58 =	vld [tilespmem:s29+$0x6800];
	v12 =	vadd.f32 $-1.000000000e+00, v12;
	v7 =	vmul.f32 v56, v7;
	v14 =	vmul.f32 v57, v14  }
0x597: {  	v15 =	vnsel vm11, $0x0, v15;
	v59 =	vsub.f32 v5, v43;
	v5 =	vsub.f32 v5, v46;
	v60 =	vpop (erf)  }
0x598: {  	v61 =	vld [tilespmem:s30+$0x6800];
	(xrf2) =	vadd.scan.msk.f32 $0xffff, v16;
	v6 =	vmul.f32 v6, v55;
	v7 =	vsub.f32 $1.000000000e+00, v7;
	v14 =	vadd.f32 $-1.000000000e+00, v14;
	v62 =	vpop (erf)  }
0x599: {  	v12 =	vadd.f32 v12, v17;
	v8 =	vmul.f32 v60, v59;
	v5 =	vmul.f32 v62, v5  }
0x59a: {  	v63 =	vld [tilespmem:s31+$0x6800];
	(xrf2) =	vadd.scan.msk.f32 $0xffff, v15;
	v6 =	vnsel vm12, $0x0, v6;
	v7 =	vadd.f32 v14, v7  }
0x59b: {  	v12 =	vmul.f32 v12, v58;
	v8 =	vsub.f32 $1.000000000e+00, v8;
	v5 =	vadd.f32 $-1.000000000e+00, v5  }
0x59c: {  	vm13 =	vgt.f32 v9, $0.0e+00;
	(xrf2) =	vadd.scan.msk.f32 $0xffff, v6  }
0x59d: {  	v6 =	vnsel vm13, $0x0, v12;
	v7 =	vmul.f32 v7, v61;
	v5 =	vadd.f32 v5, v8  }
0x59e: {  	vm14 =	vgt.f32 v10, $0.0e+00;
	(xrf2) =	vadd.scan.msk.f32 $0xffff, v6  }
0x59f: {  	v6 =	vnsel vm14, $0x0, v7;
	v5 =	vmul.f32 v5, v63  }
0x5a0: {  	vm15 =	vgt.f32 v11, $0.0e+00;
	(v2sf) =	vpush v28, $0xF;
	(xrf2) =	vadd.scan.msk.f32 $0xffff, v6  }
0x5a1: {  	(v2sf) =	vpush v29, $0xF;
	v5 =	vnsel vm15, $0x0, v5  }
0x5a2: {  	(v2sf) =	vpush v41, $0xF;
	v6, _, _ =	vpop (xrf2);
	(xrf2) =	vadd.scan.msk.f32 $0xffff, v5  }
0x5a3: {  	(v2sf) =	vpush v6, $0xF  }
0x5a4: {  	v5, _, _ =	vpop (xrf2)  }
0x5a5: {  	(v2sf) =	vpush v5, $0xF  }
0x5a6: {  	v5, _, _ =	vpop (xrf2)  }
0x5a7: {  	(v2sf) =	vpush v5, $0xF  }
0x5a8: {  	v5, _, _ =	vpop (xrf2)  }
0x5a9: {  	(v2sf) =	vpush v5, $0xF  }
0x5aa: {  	v5, _, _ =	vpop (xrf2)  }
0x5ab: {  	(v2sf) =	vpush v5, $0xF  }
0x5ac: {  	v5, _, _ =	vpop (xrf2)  }
0x5ad: {  	s30 =	sadd.f32 s2, s26;
	(v2sf) =	vpush v5, $0xF;
	_ =	sdelay $0x1  }
0x5ae: {  	s0 =	sadd.f32 s18, s30;
	s31 =	spop (v2sf)  }
0x5af: {  	s9 =	spop (v2sf)  }
0x5b0: {  	s0 =	sadd.f32 s31, s0;
	s15 =	spop (v2sf)  }
0x5b1: {  	s18 =	spop (v2sf)  }
0x5b2: {  	s0 =	sadd.f32 s18, s0  }
0x5b3: {  	s20 =	spop (v2sf)  }
0x5b4: {  	s0 =	sadd.f32 s20, s0  }
0x5b5: {  	s26 =	spop (v2sf)  }
0x5b6: {  	s0 =	sadd.f32 s26, s0  }
0x5b7: {  	s28 =	spop (v2sf)  }
0x5b8: {  	s0 =	sadd.f32 s28, s0  }
0x5b9: {  	s29 =	spop (v2sf)  }
0x5ba: {  	s0 =	sadd.f32 s29, s0  }
0x5bb: {  	s30 =	spop (v2sf)  }
0x5bc: {  	s0 =	sadd.f32 s30, s0;
	_ =	sdelay $0x1  }
0x5bd: {  	v5 =	vmov s0  }
.Ltmp22:
0x5be: {  	s2 =	simm.s32 $0x0;
	s31 =	rddreg [dreg:$0x4];
	[tilespmem:$0x16C00] =	vst v5;
	(pc) =	sbr.rel @p0 .LBB2_63-.Ltmp22, $4  }
0x5bf: {  	[hbm4b:s31+s2] =	stream.linear.scatter [tilespmem:s24], [sflag:$0x3], $0x80, $0x38;
	[tilespmem:$0x16C80] =	vst v63  }
0x5c0: {  	_ =	swait.ge [sflag:s21], $0x80  }
0x5c1: {  	[sflag:s21] =	ssyncset.done $0x0  }
0x5c2: {  	[sflag:s21] =	ssyncadd.s32 $0xFFFFFF80  }
0x5c3: {  	s0 =	sand.u32 $0x70, s2;
	s5 =	sand.u32 $0x1C00, s2  }
0x5c4: {  	s0 =	sor.u32 s0, s5  }
0x5c5: {  	[tilespmem:s0+$0x0] =	vst v3  }
0x5c6: {  	[tilespmem:s0+$0x80] =	vst v3  }
0x5c7: {  	[tilespmem:s0+$0x100] =	vst v3  }
0x5c8: {  	[tilespmem:s0+$0x180] =	vst v3  }
0x5c9: {  	[tilespmem:s0+$0x200] =	vst v3  }
0x5ca: {  	s31 =	sor.u32 s2, s2;
	[tilespmem:s0+$0x280] =	vst v3  }
0x5cb: {  	s18 =	sadd.s32 $0x10, s2;
	s5 =	sor.u32 $0x380, s31;
	[tilespmem:s0+$0x300] =	vst v3  }
.LBB2_43:
0x5cc: {  	p1 =	sne.s32 s18, $0x3F0;
	[tilespmem:s5+$0x0] =	vst v3  }
0x5cd: {  	[tilespmem:s0+$0x4200] =	vst v3  }
0x5ce: {  	[tilespmem:s0+$0x2000] =	vst v3  }
0x5cf: {  	[tilespmem:s0+$0x2080] =	vst v3  }
0x5d0: {  	[tilespmem:s0+$0x2100] =	vst v3  }
0x5d1: {  	[tilespmem:s0+$0x2180] =	vst v3  }
0x5d2: {  	[tilespmem:s0+$0x2200] =	vst v3  }
0x5d3: {  	[tilespmem:s0+$0x2280] =	vst v3  }
0x5d4: {  	[tilespmem:s0+$0x2300] =	vst v3  }
0x5d5: {  	[tilespmem:s0+$0x2380] =	vst v3  }
0x5d6: {  	[tilespmem:s0+$0x4000] =	vst v3  }
0x5d7: {  	s2 =	sadd.s32 $0x80, s2;
	[tilespmem:s0+$0x4080] =	vst v3  }
0x5d8: {  	s5 =	sand.u32 $0x70, s18;
	s9 =	sand.u32 $0x1C00, s2;
	[tilespmem:s0+$0x4100] =	vst v3  }
0x5d9: {  	[tilespmem:s0+$0x4180] =	vst v3;
	s0 =	sor.u32 s5, s9  }
0x5da: {  	[tilespmem:s0+$0x0] =	vst v3  }
0x5db: {  	[tilespmem:s0+$0x80] =	vst v3  }
.Ltmp23:
0x5dc: {  	[tilespmem:s0+$0x100] =	vst v3;
	(pc) =	sbr.rel @p1 .LBB2_43-.Ltmp23, $4  }
0x5dd: {  	[tilespmem:s0+$0x180] =	vst v3  }
0x5de: {  	[tilespmem:s0+$0x200] =	vst v3  }
0x5df: {  	s5 =	sor.u32 s2, s18;
	[tilespmem:s0+$0x280] =	vst v3  }
0x5e0: {  	s18 =	sadd.s32 $0x10, s18;
	s5 =	sor.u32 $0x380, s5;
	[tilespmem:s0+$0x300] =	vst v3  }
0x5e1: {  	[tilespmem:s5+$0x0] =	vst v3  }
0x5e2: {  	[tilespmem:s0+$0x4200] =	vst v3  }
0x5e3: {  	[tilespmem:s0+$0x2000] =	vst v3  }
0x5e4: {  	[tilespmem:s0+$0x2080] =	vst v3  }
0x5e5: {  	[tilespmem:s0+$0x2100] =	vst v3  }
0x5e6: {  	[tilespmem:s0+$0x2180] =	vst v3  }
0x5e7: {  	[tilespmem:s0+$0x2200] =	vst v3  }
0x5e8: {  	[tilespmem:s0+$0x2280] =	vst v3  }
0x5e9: {  	[tilespmem:s0+$0x2300] =	vst v3  }
0x5ea: {  	[tilespmem:s0+$0x2380] =	vst v3  }
0x5eb: {  	[tilespmem:s0+$0x4000] =	vst v3  }
0x5ec: {  	[tilespmem:s0+$0x4080] =	vst v3  }
0x5ed: {  	s2 =	simm.s32 $0x6C00;
	[tilespmem:s0+$0x4100] =	vst v3  }
0x5ee: {  	s18 =	sadd.s32 $0x0, s16;
	s5 =	simm.s32 $0x6D00;
	[tilespmem:s0+$0x4180] =	vst v3;
	s0 =	simm.s32 $0x80  }
.LBB2_45:
0x5ef: {  	[tilespmem:s2], [sflag:$0x1] =	stream.linear.gather [hbm4b:s18+s1], $0x80, $0x38;
	[tilespmem:$0x16C80] =	vst v63  }
0x5f0: {  	s9 =	smov.u32 s0;
	s2 =	smov.u32 s5;
	p1 =	sne.s32 s0, $0x3F80  }
.Ltmp24:
0x5f1: {  	s0 =	sadd.s32 $0x80, s0;
	(pc) =	sbr.rel @p1 .LBB2_45-.Ltmp24, $2  }
0x5f2: {  	_ =	sdelay $0x2  }
0x5f3: {  	s5 =	sadd.s32 $0x100, s5;
	s18 =	sadd.s32 s9, s16  }
0x5f4: {  	[tilespmem:s2], [sflag:$0x1] =	stream.linear.gather [hbm4b:s18+s1], $0x80, $0x38;
	[tilespmem:$0x16C80] =	vst v63  }
0x5f5: {  	s2 =	simm.s32 $0x0;
	s0 =	simm.s32 $0xEC00  }
0x5f6: {  	s5 =	simm.s32 $0x40;
	s20 =	sadd.s32 $0x0, s17;
	s18 =	simm.s32 $0xED00  }
.LBB2_47:
0x5f7: {  	[tilespmem:s0], [sflag:$0x2] =	stream.linear.gather [hbm4b:s20+s2], $0x80, $0x38;
	[tilespmem:$0x16C80] =	vst v63  }
0x5f8: {  	s9 =	smov.u32 s5;
	s0 =	smov.u32 s18;
	p1 =	seq.s32 s5, $0x1FC0  }
.Ltmp25:
0x5f9: {  	s5 =	sadd.s32 $0x40, s5;
	(pc) =	sbr.rel @!p1 .LBB2_47-.Ltmp25, $2  }
0x5fa: {  	_ =	sdelay $0x2  }
0x5fb: {  	s18 =	sadd.s32 $0x100, s18;
	s20 =	sadd.s32 s9, s17  }
0x5fc: {  	[tilespmem:s0], [sflag:$0x2] =	stream.linear.gather [hbm4b:s20+s2], $0x80, $0x38;
	[tilespmem:$0x16C80] =	vst v63  }
.LBB2_49:
0x5fd: {  	p1 =	seq.s32 s2, $0xF  }
.Ltmp26:
0x5fe: {  	_ = 	snop;
	(pc) =	sbr.rel @p1 .LBB2_55-.Ltmp26, $2  }
0x5ff: {  	_ =	sdelay $0x2  }
0x600: {  	s26 =	sadd.s32 $0x1, s2;
	s0 =	simm.s32 $0x80  }
0x601: {  	s0 =	sshll.u32 s2, $0x7;
	s31 =	sshll.u32 s26, $0x11  }
0x602: {  	s0 =	sand.u32 $0x80, s0;
	s5 =	sadd.s32 s14, s31  }
0x603: {  	s2 =	sxor.u32 $0x80, s0;
	s9 =	sshrl.u32 s5, $0x3  }
0x604: {  	s5 =	sor.u32 $0x6C00, s2;
	s18 =	sadd.s32 s3, s9  }
0x605: {  	s20 =	simm.s32 $0x80;
	s29 =	sadd.s32 $0x0, s18;
	s28 =	sadd.s32 $0x100, s5  }
.LBB2_51:
0x606: {  	[tilespmem:s5], [sflag:$0x1] =	stream.linear.gather [hbm4b:s29+s1], $0x80, $0x38;
	[tilespmem:$0x16C80] =	vst v63  }
0x607: {  	s9 =	smov.u32 s20;
	s5 =	smov.u32 s28;
	p1 =	sne.s32 s20, $0x3F80  }
.Ltmp27:
0x608: {  	s20 =	sadd.s32 $0x80, s20;
	(pc) =	sbr.rel @p1 .LBB2_51-.Ltmp27, $2  }
0x609: {  	_ =	sdelay $0x2  }
0x60a: {  	s28 =	sadd.s32 $0x100, s28;
	s29 =	sadd.s32 s9, s18  }
0x60b: {  	[tilespmem:s5], [sflag:$0x1] =	stream.linear.gather [hbm4b:s29+s1], $0x80, $0x38;
	[tilespmem:$0x16C80] =	vst v63  }
0x60c: {  	s31 =	sshll.u32 s26, $0xD  }
0x60d: {  	s2 =	sor.u32 $0xEC00, s2;
	s5 =	sadd.s32 s31, s17  }
0x60e: {  	s18 =	simm.s32 $0x40;
	s20 =	sadd.s32 $0x100, s2;
	s28 =	sadd.s32 $0x0, s5  }
.LBB2_53:
0x60f: {  	[tilespmem:s2], [sflag:$0x2] =	stream.linear.gather [hbm4b:s28+s1], $0x80, $0x38;
	[tilespmem:$0x16C80] =	vst v63  }
0x610: {  	s9 =	smov.u32 s18;
	s2 =	smov.u32 s20;
	p1 =	sne.s32 s18, $0x1FC0  }
.Ltmp28:
0x611: {  	s18 =	sadd.s32 $0x40, s18;
	(pc) =	sbr.rel @p1 .LBB2_53-.Ltmp28, $2  }
0x612: {  	_ =	sdelay $0x2  }
0x613: {  	s20 =	sadd.s32 $0x100, s20;
	s28 =	sadd.s32 s9, s5  }
0x614: {  	[tilespmem:s2], [sflag:$0x2] =	stream.linear.gather [hbm4b:s28+s1], $0x80, $0x38;
	[tilespmem:$0x16C80] =	vst v63  }
.LBB2_55:
0x615: {  	_ =	swait.ge [sflag:s22], $0x4000;
	s2 =	sadd.s32 $0x6C70, s0  }
0x616: {  	s18 =	sadd.s32 $0xEC40, s0;
	[sflag:s22] =	ssyncset.done $0x0;
	v6 =	vmov s2  }
0x617: {  	v5 =	vmov s18;
	[sflag:s22] =	ssyncadd.s32 $0xFFFFC000  }
0x618: {  	_ =	swait.ge [sflag:s23], $0x4000  }
0x619: {  	[sflag:s23] =	ssyncset.done $0x0  }
0x61a: {  	s20 =	simm.s32 $0x0;
	[sflag:s23] =	ssyncadd.s32 $0xFFFFC000  }
0x61b: {  	v7 =	vld.idx.msk [tilespmem:v6+s20+$0xFFFFFF90 ss:$0x1], $0xffff  }
0x61c: {  	v8 =	vld.idx.msk [tilespmem:v5+s20+$0xFFFFFFC0 ss:$0x1], $0xffff;
	_ =	sdelay $0x3  }
0x61d: {  	v9 =	vsub.f32 $1.000000000e+00, v7  }
0x61e: {  	vm0 =	veq.s32 v8, v2  }
0x61f: {  	v7 =	vsel vm0, v9, v7  }
0x620: {  	v7 =	vshrl.u32 v7, $0x14  }
0x621: {  	v7 =	vsub.s32 $0x3F8, v7  }
0x622: {  	v9 =	vshll.u32 v8, $0xA;
	v10 =	vshll.u32 v7, $0x3  }
0x623: {  	v8 =	vshll.u32 v8, $0x7;
	v9 =	vand.u32 $0xFFFFE000, v9;
	v10 =	vand.u32 $0xFFFFFC00, v10  }
0x624: {  	v8 =	vand.u32 $0x380, v8;
	v9 =	vadd.s32 v9, v10  }
0x625: {  	v7 =	vand.u32 $0x7F, v7;
	v8 =	vor.u32 v8, v9  }
0x626: {  	v7 =	vor.u32 v7, v8;
	_ =	sdelay $0x4  }
0x627: {  	[tilespmem:v7+s1+$0x0] =	vst.idx.add.f32.msk $0xffff, v4  }
0x628: {  	v7 =	vld.idx.msk [tilespmem:v6+s20+$0xFFFFFFA0 ss:$0x1], $0xffff  }
0x629: {  	v8 =	vld.idx.msk [tilespmem:v5+s20+$0xFFFFFFD0 ss:$0x1], $0xffff;
	_ =	sdelay $0x3  }
0x62a: {  	v9 =	vsub.f32 $1.000000000e+00, v7  }
0x62b: {  	vm9 =	veq.s32 v8, v2  }
0x62c: {  	v7 =	vsel vm9, v9, v7  }
0x62d: {  	v7 =	vshrl.u32 v7, $0x14  }
0x62e: {  	v7 =	vsub.s32 $0x3F8, v7  }
0x62f: {  	v9 =	vshll.u32 v8, $0xA;
	v10 =	vshll.u32 v7, $0x3  }
0x630: {  	v8 =	vshll.u32 v8, $0x7;
	v9 =	vand.u32 $0xFFFFE000, v9;
	v10 =	vand.u32 $0xFFFFFC00, v10  }
0x631: {  	v8 =	vand.u32 $0x380, v8;
	v9 =	vadd.s32 v9, v10  }
0x632: {  	v7 =	vand.u32 $0x7F, v7;
	v8 =	vor.u32 v8, v9  }
0x633: {  	s28 =	simm.s32 $0x100;
	v7 =	vor.u32 v7, v8  }
0x634: {  	v8 =	vld.idx.msk [tilespmem:v6+s28+$0xFFFFFF90 ss:$0x1], $0xffff  }
0x635: {  	v9 =	vld.idx.msk [tilespmem:v5+s28+$0xFFFFFFC0 ss:$0x1], $0xffff;
	_ =	sdelay $0x2  }
0x636: {  	[tilespmem:v7+s1+$0x0] =	vst.idx.add.f32.msk $0xffff, v4  }
0x637: {  	v10 =	vsub.f32 $1.000000000e+00, v8;
	v7 =	vld.idx.msk [tilespmem:v6+s20+$0xFFFFFFB0 ss:$0x1], $0xffff  }
0x638: {  	vm10 =	veq.s32 v9, v2;
	v11 =	vld.idx.msk [tilespmem:v5+s20+$0xFFFFFFE0 ss:$0x1], $0xffff  }
0x639: {  	v8 =	vsel vm10, v10, v8  }
0x63a: {  	v8 =	vshrl.u32 v8, $0x14  }
0x63b: {  	v10 =	vshll.u32 v9, $0x7;
	v8 =	vsub.s32 $0x3F8, v8  }
0x63c: {  	v9 =	vshll.u32 v9, $0xA;
	v13 =	vshll.u32 v8, $0x3;
	v12 =	vsub.f32 $1.000000000e+00, v7  }
0x63d: {  	v9 =	vand.u32 $0xFFFFE000, v9;
	vm11 =	veq.s32 v11, v2;
	v13 =	vand.u32 $0xFFFFFC00, v13  }
0x63e: {  	v10 =	vand.u32 $0x380, v10;
	v9 =	vadd.s32 v9, v13;
	v7 =	vsel vm11, v12, v7  }
0x63f: {  	v8 =	vand.u32 $0x7F, v8;
	v9 =	vor.u32 v10, v9;
	v7 =	vshrl.u32 v7, $0x14  }
0x640: {  	v8 =	vor.u32 v8, v9;
	v7 =	vsub.s32 $0x3F8, v7  }
0x641: {  	v9 =	vshll.u32 v11, $0xA;
	v10 =	vshll.u32 v7, $0x3  }
0x642: {  	v11 =	vshll.u32 v11, $0x7;
	v9 =	vand.u32 $0xFFFFE000, v9;
	v10 =	vand.u32 $0xFFFFFC00, v10  }
0x643: {  	v9 =	vadd.s32 v9, v10;
	v10 =	vand.u32 $0x380, v11  }
0x644: {  	v7 =	vand.u32 $0x7F, v7;
	v9 =	vor.u32 v10, v9  }
0x645: {  	[tilespmem:v8+s1+$0x0] =	vst.idx.add.f32.msk $0xffff, v4;
	v7 =	vor.u32 v7, v9  }
0x646: {  	v8 =	vld.idx.msk [tilespmem:v6+s28+$0xFFFFFFA0 ss:$0x1], $0xffff  }
0x647: {  	v9 =	vld.idx.msk [tilespmem:v5+s28+$0xFFFFFFD0 ss:$0x1], $0xffff;
	_ =	sdelay $0x2  }
0x648: {  	[tilespmem:v7+s1+$0x0] =	vst.idx.add.f32.msk $0xffff, v4  }
0x649: {  	v11 =	vsub.f32 $1.000000000e+00, v8;
	v7 =	vld.idx.msk [tilespmem:v6+s20+$0xFFFFFFC0 ss:$0x1], $0xffff  }
0x64a: {  	vm12 =	veq.s32 v9, v2;
	v10 =	vld.idx.msk [tilespmem:v5+s20+$0xFFFFFFF0 ss:$0x1], $0xffff  }
0x64b: {  	v8 =	vsel vm12, v11, v8  }
0x64c: {  	v8 =	vshrl.u32 v8, $0x14  }
0x64d: {  	v11 =	vshll.u32 v9, $0x7;
	v8 =	vsub.s32 $0x3F8, v8  }
0x64e: {  	v9 =	vshll.u32 v9, $0xA;
	v13 =	vshll.u32 v8, $0x3;
	v12 =	vsub.f32 $1.000000000e+00, v7  }
0x64f: {  	v9 =	vand.u32 $0xFFFFE000, v9;
	vm13 =	veq.s32 v10, v2;
	v13 =	vand.u32 $0xFFFFFC00, v13  }
0x650: {  	v11 =	vand.u32 $0x380, v11;
	v9 =	vadd.s32 v9, v13;
	v7 =	vsel vm13, v12, v7  }
0x651: {  	v8 =	vand.u32 $0x7F, v8;
	v9 =	vor.u32 v11, v9;
	v7 =	vshrl.u32 v7, $0x14  }
0x652: {  	s29 =	simm.s32 $0x200;
	v8 =	vor.u32 v8, v9;
	v7 =	vsub.s32 $0x3F8, v7  }
0x653: {  	v11 =	vld.idx.msk [tilespmem:v6+s29+$0xFFFFFF90 ss:$0x1], $0xffff;
	v9 =	vshll.u32 v10, $0xA;
	v12 =	vshll.u32 v7, $0x3  }
0x654: {  	v13 =	vld.idx.msk [tilespmem:v5+s29+$0xFFFFFFC0 ss:$0x1], $0xffff;
	v10 =	vshll.u32 v10, $0x7;
	v9 =	vand.u32 $0xFFFFE000, v9;
	v12 =	vand.u32 $0xFFFFFC00, v12  }
0x655: {  	v10 =	vand.u32 $0x380, v10;
	v9 =	vadd.s32 v9, v12  }
0x656: {  	v7 =	vand.u32 $0x7F, v7;
	v9 =	vor.u32 v10, v9  }
0x657: {  	[tilespmem:v8+s1+$0x0] =	vst.idx.add.f32.msk $0xffff, v4;
	v7 =	vor.u32 v7, v9  }
0x658: {  	v9 =	vsub.f32 $1.000000000e+00, v11;
	v8 =	vld.idx.msk [tilespmem:v6+s28+$0xFFFFFFB0 ss:$0x1], $0xffff  }
0x659: {  	vm14 =	veq.s32 v13, v2;
	v10 =	vld.idx.msk [tilespmem:v5+s28+$0xFFFFFFE0 ss:$0x1], $0xffff  }
0x65a: {  	v9 =	vsel vm14, v9, v11  }
0x65b: {  	v9 =	vshrl.u32 v9, $0x14  }
0x65c: {  	v11 =	vshll.u32 v13, $0xA;
	v9 =	vsub.s32 $0x3F8, v9;
	[tilespmem:v7+s1+$0x0] =	vst.idx.add.f32.msk $0xffff, v4  }
0x65d: {  	v7 =	vshll.u32 v13, $0x7;
	v12 =	vshll.u32 v9, $0x3;
	v14 =	vsub.f32 $1.000000000e+00, v8;
	v13 =	vld.idx.msk [tilespmem:v6+s20+$0xFFFFFFD0 ss:$0x1], $0xffff  }
0x65e: {  	v11 =	vand.u32 $0xFFFFE000, v11;
	vm15 =	veq.s32 v10, v2;
	v12 =	vand.u32 $0xFFFFFC00, v12;
	v15 =	vld.idx.msk [tilespmem:v5+s20+$0x0 ss:$0x1], $0xffff  }
0x65f: {  	v7 =	vand.u32 $0x380, v7;
	v11 =	vadd.s32 v11, v12;
	v8 =	vsel vm15, v14, v8  }
0x660: {  	v9 =	vand.u32 $0x7F, v9;
	v7 =	vor.u32 v7, v11;
	v8 =	vshrl.u32 v8, $0x14  }
0x661: {  	v7 =	vor.u32 v9, v7;
	v8 =	vsub.s32 $0x3F8, v8;
	v9 =	vshll.u32 v10, $0xA  }
0x662: {  	v10 =	vshll.u32 v10, $0x7;
	v12 =	vshll.u32 v8, $0x3;
	v11 =	vsub.f32 $1.000000000e+00, v13  }
0x663: {  	v9 =	vand.u32 $0xFFFFE000, v9;
	vm4 =	veq.s32 v15, v2;
	v12 =	vand.u32 $0xFFFFFC00, v12  }
0x664: {  	v10 =	vand.u32 $0x380, v10;
	v9 =	vadd.s32 v9, v12;
	v11 =	vsel vm4, v11, v13  }
0x665: {  	v8 =	vand.u32 $0x7F, v8;
	v9 =	vor.u32 v10, v9;
	v11 =	vshrl.u32 v11, $0x14  }
0x666: {  	[tilespmem:v7+s1+$0x0] =	vst.idx.add.f32.msk $0xffff, v4;
	v8 =	vor.u32 v8, v9;
	v7 =	vsub.s32 $0x3F8, v11  }
0x667: {  	v10 =	vshll.u32 v15, $0xA;
	v9 =	vld.idx.msk [tilespmem:v6+s29+$0xFFFFFFA0 ss:$0x1], $0xffff;
	v11 =	vshll.u32 v7, $0x3  }
0x668: {  	v12 =	vshll.u32 v15, $0x7;
	v10 =	vand.u32 $0xFFFFE000, v10;
	v13 =	vld.idx.msk [tilespmem:v5+s29+$0xFFFFFFD0 ss:$0x1], $0xffff;
	v11 =	vand.u32 $0xFFFFFC00, v11  }
0x669: {  	v10 =	vadd.s32 v10, v11;
	v11 =	vand.u32 $0x380, v12  }
0x66a: {  	v7 =	vand.u32 $0x7F, v7;
	v10 =	vor.u32 v11, v10  }
0x66b: {  	[tilespmem:v8+s1+$0x0] =	vst.idx.add.f32.msk $0xffff, v4;
	v7 =	vor.u32 v7, v10  }
0x66c: {  	v8 =	vsub.f32 $1.000000000e+00, v9;
	v10 =	vld.idx.msk [tilespmem:v6+s28+$0xFFFFFFC0 ss:$0x1], $0xffff  }
0x66d: {  	vm5 =	veq.s32 v13, v2;
	v12 =	vld.idx.msk [tilespmem:v5+s28+$0xFFFFFFF0 ss:$0x1], $0xffff  }
0x66e: {  	s30 =	simm.s32 $0x300;
	v8 =	vsel vm5, v8, v9  }
0x66f: {  	v9 =	vld.idx.msk [tilespmem:v6+s30+$0xFFFFFF90 ss:$0x1], $0xffff;
	v8 =	vshrl.u32 v8, $0x14  }
0x670: {  	v8 =	vsub.s32 $0x3F8, v8;
	[tilespmem:v7+s1+$0x0] =	vst.idx.add.f32.msk $0xffff, v4;
	v7 =	vshll.u32 v13, $0x7  }
0x671: {  	v13 =	vshll.u32 v13, $0xA;
	v14 =	vshll.u32 v8, $0x3;
	v16 =	vsub.f32 $1.000000000e+00, v10  }
0x672: {  	vm1 =	veq.s32 v12, v2;
	v15 =	vld.idx.msk [tilespmem:v6+s20+$0xFFFFFFE0 ss:$0x1], $0xffff;
	v13 =	vand.u32 $0xFFFFE000, v13;
	v14 =	vand.u32 $0xFFFFFC00, v14  }
0x673: {  	v17 =	vld.idx.msk [tilespmem:v5+s20+$0x10 ss:$0x1], $0xffff;
	v7 =	vand.u32 $0x380, v7;
	v13 =	vadd.s32 v13, v14;
	v10 =	vsel vm1, v16, v10  }
0x674: {  	v8 =	vand.u32 $0x7F, v8;
	v7 =	vor.u32 v7, v13;
	v10 =	vshrl.u32 v10, $0x14  }
0x675: {  	v11 =	vld.idx.msk [tilespmem:v5+s30+$0xFFFFFFC0 ss:$0x1], $0xffff;
	v13 =	vsub.f32 $1.000000000e+00, v9;
	v7 =	vor.u32 v8, v7;
	v8 =	vsub.s32 $0x3F8, v10  }
0x676: {  	v10 =	vshll.u32 v12, $0xA;
	v12 =	vshll.u32 v12, $0x7;
	v16 =	vshll.u32 v8, $0x3  }
0x677: {  	v10 =	vand.u32 $0xFFFFE000, v10;
	v14 =	vsub.f32 $1.000000000e+00, v15;
	v16 =	vand.u32 $0xFFFFFC00, v16  }
0x678: {  	v12 =	vand.u32 $0x380, v12;
	vm7 =	veq.s32 v17, v2;
	v10 =	vadd.s32 v10, v16  }
0x679: {  	v8 =	vand.u32 $0x7F, v8;
	v14 =	vsel vm7, v14, v15;
	v10 =	vor.u32 v12, v10  }
0x67a: {  	vm6 =	veq.s32 v11, v2;
	v14 =	vshrl.u32 v14, $0x14;
	[tilespmem:v7+s1+$0x0] =	vst.idx.add.f32.msk $0xffff, v4;
	v7 =	vor.u32 v8, v10  }
0x67b: {  	v9 =	vsel vm6, v13, v9;
	v12 =	vsub.s32 $0x3F8, v14  }
0x67c: {  	v9 =	vshrl.u32 v9, $0x14;
	v8 =	vshll.u32 v17, $0xA;
	v14 =	vld.idx.msk [tilespmem:v6+s29+$0xFFFFFFB0 ss:$0x1], $0xffff;
	v10 =	vshll.u32 v12, $0x3  }
0x67d: {  	v15 =	vshll.u32 v17, $0x7;
	v8 =	vand.u32 $0xFFFFE000, v8;
	v16 =	vld.idx.msk [tilespmem:v5+s29+$0xFFFFFFE0 ss:$0x1], $0xffff;
	v10 =	vand.u32 $0xFFFFFC00, v10  }
0x67e: {  	v9 =	vsub.s32 $0x3F8, v9;
	v13 =	vand.u32 $0x380, v15;
	v8 =	vadd.s32 v8, v10  }
0x67f: {  	v10 =	vand.u32 $0x7F, v12;
	v8 =	vor.u32 v13, v8;
	[tilespmem:v7+s1+$0x0] =	vst.idx.add.f32.msk $0xffff, v4;
	v7 =	vshll.u32 v11, $0xA  }
0x680: {  	v8 =	vor.u32 v10, v8;
	v10 =	vshll.u32 v11, $0x7;
	v11 =	vshll.u32 v9, $0x3  }
0x681: {  	v12 =	vsub.f32 $1.000000000e+00, v14;
	v13 =	vld.idx.msk [tilespmem:v6+s28+$0xFFFFFFD0 ss:$0x1], $0xffff;
	v7 =	vand.u32 $0xFFFFE000, v7;
	v11 =	vand.u32 $0xFFFFFC00, v11  }
0x682: {  	vm8 =	veq.s32 v16, v2;
	v15 =	vld.idx.msk [tilespmem:v5+s28+$0x0 ss:$0x1], $0xffff;
	v10 =	vand.u32 $0x380, v10;
	v7 =	vadd.s32 v7, v11  }
0x683: {  	v9 =	vand.u32 $0x7F, v9;
	v11 =	vsel vm8, v12, v14;
	v7 =	vor.u32 v10, v7  }
0x684: {  	v10 =	vshrl.u32 v11, $0x14;
	v7 =	vor.u32 v9, v7  }
0x685: {  	v12 =	vshll.u32 v16, $0x7;
	[tilespmem:v8+s1+$0x0] =	vst.idx.add.f32.msk $0xffff, v4;
	v8 =	vsub.s32 $0x3F8, v10  }
0x686: {  	v10 =	vshll.u32 v16, $0xA;
	v16 =	vsub.f32 $1.000000000e+00, v13;
	v9 =	vld.idx.msk [tilespmem:v6+s20+$0xFFFFFFF0 ss:$0x1], $0xffff;
	v11 =	vshll.u32 v8, $0x3  }
0x687: {  	s31 =	simm.s32 $0x400;
	vm9 =	veq.s32 v15, v2;
	v14 =	vld.idx.msk [tilespmem:v5+s20+$0x20 ss:$0x1], $0xffff;
	v10 =	vand.u32 $0xFFFFE000, v10;
	v11 =	vand.u32 $0xFFFFFC00, v11  }
0x688: {  	v8 =	vand.u32 $0x7F, v8;
	v10 =	vadd.s32 v10, v11;
	v11 =	vand.u32 $0x380, v12;
	v12 =	vld.idx.msk [tilespmem:v5+s31+$0xFFFFFFC0 ss:$0x1], $0xffff  }
0x689: {  	v10 =	vor.u32 v11, v10;
	v11 =	vsel vm9, v16, v13;
	[tilespmem:v7+s1+$0x0] =	vst.idx.add.f32.msk $0xffff, v4;
	v7 =	vshll.u32 v15, $0xA  }
0x68a: {  	v8 =	vor.u32 v8, v10;
	v10 =	vshrl.u32 v11, $0x14;
	v11 =	vshll.u32 v15, $0x7  }
0x68b: {  	v7 =	vand.u32 $0xFFFFE000, v7;
	v10 =	vsub.s32 $0x3F8, v10;
	v13 =	vsub.f32 $1.000000000e+00, v9  }
0x68c: {  	v16 =	vld.idx.msk [tilespmem:v6+s30+$0xFFFFFFA0 ss:$0x1], $0xffff;
	vm10 =	veq.s32 v14, v2;
	v11 =	vand.u32 $0x380, v11;
	v15 =	vshll.u32 v10, $0x3  }
0x68d: {  	v10 =	vand.u32 $0x7F, v10;
	v15 =	vand.u32 $0xFFFFFC00, v15;
	v9 =	vsel vm10, v13, v9;
	v13 =	vld.idx.msk [tilespmem:v5+s30+$0xFFFFFFD0 ss:$0x1], $0xffff  }
0x68e: {  	vm12 =	veq.s32 v12, v2;
	v7 =	vadd.s32 v7, v15;
	v9 =	vshrl.u32 v9, $0x14;
	v15 =	vld.idx.msk [tilespmem:v6+s31+$0xFFFFFF90 ss:$0x1], $0xffff  }
0x68f: {  	v7 =	vor.u32 v11, v7;
	v9 =	vsub.s32 $0x3F8, v9;
	[tilespmem:v8+s1+$0x0] =	vst.idx.add.f32.msk $0xffff, v4;
	v8 =	vshll.u32 v14, $0xA  }
0x690: {  	v14 =	vshll.u32 v14, $0x7;
	v7 =	vor.u32 v10, v7;
	v10 =	vshll.u32 v9, $0x3;
	v11 =	vld.idx.msk [tilespmem:v6+s29+$0xFFFFFFC0 ss:$0x1], $0xffff  }
0x691: {  	v18 =	vsub.f32 $1.000000000e+00, v16;
	v8 =	vand.u32 $0xFFFFE000, v8;
	v17 =	vld.idx.msk [tilespmem:v5+s29+$0xFFFFFFF0 ss:$0x1], $0xffff;
	v10 =	vand.u32 $0xFFFFFC00, v10  }
0x692: {  	v8 =	vadd.s32 v8, v10;
	v10 =	vand.u32 $0x380, v14;
	vm11 =	veq.s32 v13, v2  }
0x693: {  	v9 =	vand.u32 $0x7F, v9;
	v8 =	vor.u32 v10, v8;
	v10 =	vsel vm11, v18, v16  }
0x694: {  	v14 =	vshll.u32 v13, $0x7;
	v8 =	vor.u32 v9, v8;
	v10 =	vshrl.u32 v10, $0x14  }
0x695: {  	v9 =	vsub.f32 $1.000000000e+00, v15;
	v10 =	vsub.s32 $0x3F8, v10;
	v16 =	vsub.f32 $1.000000000e+00, v11  }
0x696: {  	[tilespmem:v7+s1+$0x0] =	vst.idx.add.f32.msk $0xffff, v4;
	v7 =	vshll.u32 v13, $0xA;
	vm13 =	veq.s32 v17, v2;
	v13 =	vshll.u32 v10, $0x3  }
0x697: {  	v18 =	vld.idx.msk [tilespmem:v6+s28+$0xFFFFFFE0 ss:$0x1], $0xffff;
	v7 =	vand.u32 $0xFFFFE000, v7;
	v13 =	vand.u32 $0xFFFFFC00, v13;
	v11 =	vsel vm13, v16, v11  }
0x698: {  	v16 =	vld.idx.msk [tilespmem:v5+s28+$0x10 ss:$0x1], $0xffff;
	v7 =	vadd.s32 v7, v13;
	v13 =	vand.u32 $0x380, v14;
	v11 =	vshrl.u32 v11, $0x14  }
0x699: {  	[tilespmem:v8+s1+$0x0] =	vst.idx.add.f32.msk $0xffff, v4;
	v8 =	vand.u32 $0x7F, v10;
	v7 =	vor.u32 v13, v7;
	v10 =	vsub.s32 $0x3F8, v11  }
0x69a: {  	v11 =	vld.idx.msk [tilespmem:v6+s20+$0x0 ss:$0x1], $0xffff;
	v7 =	vor.u32 v8, v7;
	v8 =	vshll.u32 v17, $0xA;
	v13 =	vshll.u32 v10, $0x3  }
0x69b: {  	v14 =	vld.idx.msk [tilespmem:v5+s20+$0x30 ss:$0x1], $0xffff;
	v17 =	vshll.u32 v17, $0x7;
	v8 =	vand.u32 $0xFFFFE000, v8;
	v13 =	vand.u32 $0xFFFFFC00, v13  }
0x69c: {  	v8 =	vadd.s32 v8, v13;
	v13 =	vand.u32 $0x380, v17;
	v17 =	vsub.f32 $1.000000000e+00, v18  }
0x69d: {  	v10 =	vand.u32 $0x7F, v10;
	vm14 =	veq.s32 v16, v2;
	v8 =	vor.u32 v13, v8  }
0x69e: {  	v13 =	vsel vm12, v9, v15;
	v8 =	vor.u32 v10, v8;
	v9 =	vsel vm14, v17, v18  }
0x69f: {  	v10 =	vshll.u32 v16, $0x7;
	v9 =	vshrl.u32 v9, $0x14;
	v15 =	vsub.f32 $1.000000000e+00, v11  }
0x6a0: {  	v16 =	vshll.u32 v16, $0xA;
	vm15 =	veq.s32 v14, v2;
	v9 =	vsub.s32 $0x3F8, v9  }
0x6a1: {  	v10 =	vand.u32 $0x380, v10;
	v17 =	vshll.u32 v9, $0x3;
	v11 =	vsel vm15, v15, v11  }
0x6a2: {  	v15 =	vand.u32 $0xFFFFE000, v16;
	v16 =	vand.u32 $0xFFFFFC00, v17;
	v11 =	vshrl.u32 v11, $0x14  }
0x6a3: {  	[tilespmem:v7+s1+$0x0] =	vst.idx.add.f32.msk $0xffff, v4;
	v7 =	vand.u32 $0x7F, v9;
	v9 =	vadd.s32 v15, v16;
	v15 =	vsub.s32 $0x3F8, v11  }
0x6a4: {  	v9 =	vor.u32 v10, v9;
	v10 =	vshll.u32 v14, $0xA;
	v16 =	vshll.u32 v15, $0x3  }
0x6a5: {  	v11 =	vld.idx.msk [tilespmem:v6+s30+$0xFFFFFFB0 ss:$0x1], $0xffff;
	v10 =	vand.u32 $0xFFFFE000, v10;
	v16 =	vand.u32 $0xFFFFFC00, v16  }
0x6a6: {  	v14 =	vshll.u32 v14, $0x7;
	v9 =	vor.u32 v7, v9;
	v7 =	vadd.s32 v10, v16;
	v10 =	vld.idx.msk [tilespmem:v5+s30+$0xFFFFFFE0 ss:$0x1], $0xffff  }
0x6a7: {  	v13 =	vshrl.u32 v13, $0x14;
	v14 =	vand.u32 $0x380, v14  }
0x6a8: {  	v13 =	vsub.s32 $0x3F8, v13;
	v15 =	vand.u32 $0x7F, v15;
	v7 =	vor.u32 v14, v7  }
0x6a9: {  	[tilespmem:v8+s1+$0x0] =	vst.idx.add.f32.msk $0xffff, v4;
	v16 =	vshll.u32 v13, $0x3;
	v7 =	vor.u32 v15, v7  }
0x6aa: {  	s0 =	simm.s32 $0x1400;
	v8 =	vld.idx.msk [tilespmem:v6+s29+$0xFFFFFFD0 ss:$0x1], $0xffff;
	v14 =	vshll.u32 v12, $0x7;
	v15 =	vshll.u32 v12, $0xA;
	v12 =	vsub.f32 $1.000000000e+00, v11  }
.LBB2_56:
0x6ab: {  	p1 =	seq.s32 s0, $0x1FC00;
	v15 =	vand.u32 $0xFFFFE000, v15;
	v16 =	vand.u32 $0xFFFFFC00, v16;
	vm0 =	veq.s32 v10, v2;
	v17 =	vld.idx.msk [tilespmem:v5+s29+$0x0 ss:$0x1], $0xffff  }
0x6ac: {  	v14 =	vand.u32 $0x380, v14;
	v15 =	vadd.s32 v15, v16;
	v11 =	vsel vm0, v12, v11;
	[tilespmem:v9+s1+$0x0] =	vst.idx.add.f32.msk $0xffff, v4  }
0x6ad: {  	v9 =	vand.u32 $0x7F, v13;
	v12 =	vor.u32 v14, v15;
	v11 =	vshrl.u32 v11, $0x14;
	v13 =	vld.idx.msk [tilespmem:v6+s28+$0xFFFFFFF0 ss:$0x1], $0xffff  }
0x6ae: {  	v9 =	vor.u32 v9, v12;
	v11 =	vsub.s32 $0x3F8, v11;
	[tilespmem:v7+s1+$0x0] =	vst.idx.add.f32.msk $0xffff, v4  }
0x6af: {  	v7 =	vshll.u32 v10, $0xA;
	v10 =	vshll.u32 v10, $0x7;
	v12 =	vshll.u32 v11, $0x3;
	v14 =	vld.idx.msk [tilespmem:v5+s28+$0x20 ss:$0x1], $0xffff  }
0x6b0: {  	v7 =	vand.u32 $0xFFFFE000, v7;
	v15 =	vsub.f32 $1.000000000e+00, v8;
	v12 =	vand.u32 $0xFFFFFC00, v12  }
0x6b1: {  	v10 =	vand.u32 $0x380, v10;
	vm0 =	veq.s32 v17, v2;
	v7 =	vadd.s32 v7, v12  }
0x6b2: {  	s2 =	sshra.s32 s0, $0x2;
	v11 =	vand.u32 $0x7F, v11;
	v7 =	vor.u32 v10, v7;
	v10 =	vsel vm0, v15, v8  }
0x6b3: {  	v8 =	vld.idx.msk [tilespmem:v5+s2+$0xFFFFFFC0 ss:$0x1], $0xffff;
	v7 =	vor.u32 v11, v7;
	v10 =	vshrl.u32 v10, $0x14  }
0x6b4: {  	v11 =	vsub.f32 $1.000000000e+00, v13;
	[tilespmem:v9+s1+$0x0] =	vst.idx.add.f32.msk $0xffff, v4;
	v9 =	vsub.s32 $0x3F8, v10;
	v10 =	vshll.u32 v17, $0x7  }
0x6b5: {  	v15 =	vshll.u32 v17, $0xA;
	vm0 =	veq.s32 v14, v2;
	v12 =	vld.idx.msk [tilespmem:v6+s31+$0xFFFFFFA0 ss:$0x1], $0xffff;
	v16 =	vshll.u32 v9, $0x3  }
0x6b6: {  	v15 =	vand.u32 $0xFFFFE000, v15;
	v11 =	vsel vm0, v11, v13;
	v17 =	vld.idx.msk [tilespmem:v5+s31+$0xFFFFFFD0 ss:$0x1], $0xffff;
	v16 =	vand.u32 $0xFFFFFC00, v16  }
0x6b7: {  	v10 =	vand.u32 $0x380, v10;
	v11 =	vshrl.u32 v11, $0x14;
	v13 =	vld.idx.msk [tilespmem:v6+s2+$0xFFFFFF90 ss:$0x1], $0xffff;
	v15 =	vadd.s32 v15, v16  }
0x6b8: {  	[tilespmem:v7+s1+$0x0] =	vst.idx.add.f32.msk $0xffff, v4;
	v7 =	vand.u32 $0x7F, v9;
	v9 =	vor.u32 v10, v15;
	v10 =	vsub.s32 $0x3F8, v11  }
0x6b9: {  	v11 =	vld.idx.msk [tilespmem:v6+s30+$0xFFFFFFC0 ss:$0x1], $0xffff;
	v7 =	vor.u32 v7, v9;
	v9 =	vshll.u32 v14, $0xA;
	v15 =	vshll.u32 v10, $0x3  }
0x6ba: {  	v14 =	vshll.u32 v14, $0x7;
	v16 =	vld.idx.msk [tilespmem:v5+s30+$0xFFFFFFF0 ss:$0x1], $0xffff;
	v9 =	vand.u32 $0xFFFFE000, v9;
	v15 =	vand.u32 $0xFFFFFC00, v15  }
0x6bb: {  	v18 =	vsub.f32 $1.000000000e+00, v12;
	v14 =	vand.u32 $0x380, v14;
	v9 =	vadd.s32 v9, v15  }
0x6bc: {  	v10 =	vand.u32 $0x7F, v10;
	vm0 =	veq.s32 v17, v2;
	v9 =	vor.u32 v14, v9  }
0x6bd: {  	v12 =	vsel vm0, v18, v12;
	v9 =	vor.u32 v10, v9  }
0x6be: {  	vm0 =	veq.s32 v8, v2;
	v10 =	vsub.f32 $1.000000000e+00, v13;
	v12 =	vshrl.u32 v12, $0x14  }
0x6bf: {  	v14 =	vshll.u32 v17, $0x7;
	v12 =	vsub.s32 $0x3F8, v12;
	v15 =	vsub.f32 $1.000000000e+00, v11;
	[tilespmem:v7+s1+$0x0] =	vst.idx.add.f32.msk $0xffff, v4  }
0x6c0: {  	v7 =	vshll.u32 v17, $0xA;
	v17 =	vshll.u32 v12, $0x3;
	vm1 =	veq.s32 v16, v2;
	v18 =	vld.idx.msk [tilespmem:v6+s29+$0xFFFFFFE0 ss:$0x1], $0xffff  }
0x6c1: {  	v7 =	vand.u32 $0xFFFFE000, v7;
	v17 =	vand.u32 $0xFFFFFC00, v17;
	v11 =	vsel vm1, v15, v11;
	v15 =	vld.idx.msk [tilespmem:v5+s29+$0x10 ss:$0x1], $0xffff  }
0x6c2: {  	v14 =	vand.u32 $0x380, v14;
	v7 =	vadd.s32 v7, v17;
	v11 =	vshrl.u32 v11, $0x14;
	[tilespmem:v9+s1+$0x0] =	vst.idx.add.f32.msk $0xffff, v4  }
0x6c3: {  	v9 =	vand.u32 $0x7F, v12;
	v7 =	vor.u32 v14, v7;
	v11 =	vsub.s32 $0x3F8, v11;
	v12 =	vld.idx.msk [tilespmem:v6+s28+$0x0 ss:$0x1], $0xffff  }
0x6c4: {  	v7 =	vor.u32 v9, v7;
	v9 =	vshll.u32 v16, $0xA;
	v14 =	vshll.u32 v11, $0x3;
	v17 =	vld.idx.msk [tilespmem:v5+s28+$0x30 ss:$0x1], $0xffff;
	s28 =	smov.u32 s29;
	s29 =	smov.u32 s30;
	s30 =	smov.u32 s31  }
0x6c5: {  	v16 =	vshll.u32 v16, $0x7;
	v9 =	vand.u32 $0xFFFFE000, v9;
	v14 =	vand.u32 $0xFFFFFC00, v14;
	s31 =	smov.u32 s2  }
0x6c6: {  	v9 =	vadd.s32 v9, v14;
	v14 =	vand.u32 $0x380, v16;
	v16 =	vsub.f32 $1.000000000e+00, v18  }
0x6c7: {  	v11 =	vand.u32 $0x7F, v11;
	v9 =	vor.u32 v14, v9;
	vm1 =	veq.s32 v15, v2  }
0x6c8: {  	v13 =	vsel vm0, v10, v13;
	v19 =	vor.u32 v11, v9;
	v9 =	vsel vm1, v16, v18  }
0x6c9: {  	v10 =	vshll.u32 v15, $0x7;
	v9 =	vshrl.u32 v9, $0x14;
	v11 =	vsub.f32 $1.000000000e+00, v12  }
0x6ca: {  	v14 =	vshll.u32 v15, $0xA;
	v9 =	vsub.s32 $0x3F8, v9;
	vm0 =	veq.s32 v17, v2  }
0x6cb: {  	v16 =	vand.u32 $0x380, v10;
	v15 =	vshll.u32 v9, $0x3;
	v10 =	vsel vm0, v11, v12  }
0x6cc: {  	v12 =	vand.u32 $0xFFFFFC00, v15;
	v10 =	vshrl.u32 v10, $0x14;
	[tilespmem:v7+s1+$0x0] =	vst.idx.add.f32.msk $0xffff, v4;
	v7 =	vand.u32 $0xFFFFE000, v14  }
0x6cd: {  	v9 =	vand.u32 $0x7F, v9;
	v11 =	vld.idx.msk [tilespmem:v6+s30+$0xFFFFFFB0 ss:$0x1], $0xffff;
	v7 =	vadd.s32 v7, v12;
	v12 =	vsub.s32 $0x3F8, v10  }
0x6ce: {  	v14 =	vshll.u32 v17, $0xA;
	v10 =	vld.idx.msk [tilespmem:v5+s30+$0xFFFFFFE0 ss:$0x1], $0xffff;
	v7 =	vor.u32 v16, v7;
	v15 =	vshll.u32 v12, $0x3  }
.Ltmp29:
0x6cf: {  	v14 =	vand.u32 $0xFFFFE000, v14;
	v16 =	vshll.u32 v17, $0x7;
	v15 =	vand.u32 $0xFFFFFC00, v15;
	(pc) =	sbr.rel @!p1 .LBB2_56-.Ltmp29, $4  }
0x6d0: {  	v9 =	vor.u32 v9, v7;
	v7 =	vadd.s32 v14, v15;
	v14 =	vand.u32 $0x380, v16  }
0x6d1: {  	v13 =	vshrl.u32 v13, $0x14;
	v12 =	vand.u32 $0x7F, v12;
	v7 =	vor.u32 v14, v7  }
0x6d2: {  	v13 =	vsub.s32 $0x3F8, v13;
	v14 =	vshll.u32 v8, $0x7;
	[tilespmem:v19+s1+$0x0] =	vst.idx.add.f32.msk $0xffff, v4;
	v7 =	vor.u32 v12, v7  }
0x6d3: {  	s0 =	sadd.s32 $0x400, s0;
	v15 =	vshll.u32 v8, $0xA;
	v16 =	vshll.u32 v13, $0x3;
	v12 =	vsub.f32 $1.000000000e+00, v11;
	v8 =	vld.idx.msk [tilespmem:v6+s29+$0xFFFFFFD0 ss:$0x1], $0xffff  }
0x6d4: {  	v15 =	vand.u32 $0xFFFFE000, v15;
	v16 =	vand.u32 $0xFFFFFC00, v16  }
0x6d5: {  	v14 =	vand.u32 $0x380, v14;
	v15 =	vadd.s32 v15, v16  }
0x6d6: {  	v13 =	vand.u32 $0x7F, v13;
	v14 =	vor.u32 v14, v15  }
0x6d7: {  	v13 =	vor.u32 v13, v14;
	_ =	sdelay $0x4  }
0x6d8: {  	[tilespmem:v13+s1+$0x0] =	vst.idx.add.f32.msk $0xffff, v4  }
0x6d9: {  	v13 =	vld.idx.msk [tilespmem:v6+s31+$0xFFFFFFA0 ss:$0x1], $0xffff  }
0x6da: {  	v34 =	vld.idx.msk [tilespmem:v5+s31+$0xFFFFFFD0 ss:$0x1], $0xffff;
	_ =	sdelay $0x3  }
0x6db: {  	v35 =	vsub.f32 $1.000000000e+00, v13  }
0x6dc: {  	vm0 =	veq.s32 v34, v2  }
0x6dd: {  	v13 =	vsel vm0, v35, v13  }
0x6de: {  	v13 =	vshrl.u32 v13, $0x14  }
0x6df: {  	v13 =	vsub.s32 $0x3F8, v13  }
0x6e0: {  	v36 =	vshll.u32 v34, $0xA;
	v37 =	vshll.u32 v13, $0x3  }
0x6e1: {  	v14 =	vshll.u32 v34, $0x7;
	v15 =	vand.u32 $0xFFFFE000, v36;
	v16 =	vand.u32 $0xFFFFFC00, v37  }
0x6e2: {  	v14 =	vand.u32 $0x380, v14;
	v15 =	vadd.s32 v15, v16  }
0x6e3: {  	v13 =	vand.u32 $0x7F, v13;
	v14 =	vor.u32 v14, v15  }
0x6e4: {  	v13 =	vor.u32 v13, v14;
	_ =	sdelay $0x4  }
0x6e5: {  	[tilespmem:v13+s1+$0x0] =	vst.idx.add.f32.msk $0xffff, v4  }
0x6e6: {  	v13 =	vld.idx.msk [tilespmem:v6+s31+$0xFFFFFFB0 ss:$0x1], $0xffff  }
0x6e7: {  	v38 =	vld.idx.msk [tilespmem:v5+s31+$0xFFFFFFE0 ss:$0x1], $0xffff  }
0x6e8: {  	vm10 =	veq.s32 v10, v2  }
0x6e9: {  	v11 =	vsel vm10, v12, v11  }
0x6ea: {  	v11 =	vshrl.u32 v11, $0x14  }
0x6eb: {  	v39 =	vshll.u32 v10, $0xA;
	v11 =	vsub.s32 $0x3F8, v11;
	v40 =	vsub.f32 $1.000000000e+00, v13  }
0x6ec: {  	v42 =	vshll.u32 v10, $0x7;
	v41 =	vshll.u32 v11, $0x3;
	vm11 =	veq.s32 v38, v2  }
0x6ed: {  	v12 =	vand.u32 $0xFFFFE000, v39;
	v16 =	vand.u32 $0xFFFFFC00, v41;
	v13 =	vsel vm11, v40, v13  }
0x6ee: {  	v10 =	vand.u32 $0x380, v42;
	v12 =	vadd.s32 v12, v16;
	v13 =	vshrl.u32 v13, $0x14  }
0x6ef: {  	v11 =	vand.u32 $0x7F, v11;
	v10 =	vor.u32 v10, v12;
	v43 =	vsub.s32 $0x3F8, v13  }
0x6f0: {  	v10 =	vor.u32 v11, v10;
	v44 =	vshll.u32 v38, $0xA;
	v13 =	vshll.u32 v43, $0x3  }
0x6f1: {  	v14 =	vshll.u32 v38, $0x7;
	v11 =	vand.u32 $0xFFFFE000, v44;
	v13 =	vand.u32 $0xFFFFFC00, v13  }
0x6f2: {  	v45 =	vand.u32 $0x380, v14;
	v11 =	vadd.s32 v11, v13  }
0x6f3: {  	v12 =	vand.u32 $0x7F, v43;
	v11 =	vor.u32 v45, v11  }
0x6f4: {  	v11 =	vor.u32 v12, v11  }
0x6f5: {  	[tilespmem:v10+s1+$0x0] =	vst.idx.add.f32.msk $0xffff, v4  }
0x6f6: {  	v10 =	vld.idx.msk [tilespmem:v6+s30+$0xFFFFFFC0 ss:$0x1], $0xffff  }
0x6f7: {  	v46 =	vld.idx.msk [tilespmem:v5+s30+$0xFFFFFFF0 ss:$0x1], $0xffff;
	_ =	sdelay $0x1  }
0x6f8: {  	[tilespmem:v11+s1+$0x0] =	vst.idx.add.f32.msk $0xffff, v4  }
0x6f9: {  	v11 =	vld.idx.msk [tilespmem:v6+s31+$0xFFFFFFC0 ss:$0x1], $0xffff  }
0x6fa: {  	v47 =	vsub.f32 $1.000000000e+00, v10;
	v48 =	vld.idx.msk [tilespmem:v5+s31+$0xFFFFFFF0 ss:$0x1], $0xffff  }
0x6fb: {  	vm12 =	veq.s32 v46, v2  }
0x6fc: {  	v10 =	vsel vm12, v47, v10  }
0x6fd: {  	v10 =	vshrl.u32 v10, $0x14  }
0x6fe: {  	v49 =	vshll.u32 v46, $0xA;
	v10 =	vsub.s32 $0x3F8, v10;
	v50 =	vsub.f32 $1.000000000e+00, v11  }
0x6ff: {  	v51 =	vshll.u32 v10, $0x3;
	v13 =	vand.u32 $0xFFFFE000, v49;
	vm13 =	veq.s32 v48, v2  }
0x700: {  	v16 =	vand.u32 $0xFFFFFC00, v51;
	v12 =	vshll.u32 v46, $0x7;
	v11 =	vsel vm13, v50, v11  }
0x701: {  	v13 =	vadd.s32 v13, v16;
	v12 =	vand.u32 $0x380, v12;
	v11 =	vshrl.u32 v11, $0x14  }
0x702: {  	v10 =	vand.u32 $0x7F, v10;
	v12 =	vor.u32 v12, v13;
	v11 =	vsub.s32 $0x3F8, v11  }
0x703: {  	v10 =	vor.u32 v10, v12;
	v52 =	vshll.u32 v48, $0xA;
	v53 =	vshll.u32 v11, $0x3  }
0x704: {  	v54 =	vld.idx.msk [tilespmem:v5+s29+$0x0 ss:$0x1], $0xffff;
	v14 =	vshll.u32 v48, $0x7;
	v12 =	vand.u32 $0xFFFFE000, v52;
	v13 =	vand.u32 $0xFFFFFC00, v53  }
0x705: {  	v55 =	vand.u32 $0x380, v14;
	v12 =	vadd.s32 v12, v13  }
0x706: {  	v11 =	vand.u32 $0x7F, v11;
	v12 =	vor.u32 v55, v12  }
0x707: {  	[tilespmem:v9+s1+$0x0] =	vst.idx.add.f32.msk $0xffff, v4;
	v56 =	vor.u32 v11, v12  }
0x708: {  	v58 =	vsub.f32 $1.000000000e+00, v8;
	[tilespmem:v10+s1+$0x0] =	vst.idx.add.f32.msk $0xffff, v4  }
0x709: {  	vm14 =	veq.s32 v54, v2;
	v10 =	vld.idx.msk [tilespmem:v6+s30+$0xFFFFFFD0 ss:$0x1], $0xffff  }
0x70a: {  	v8 =	vsel vm14, v58, v8;
	v59 =	vld.idx.msk [tilespmem:v5+s30+$0x0 ss:$0x1], $0xffff  }
0x70b: {  	v57 =	vld.idx.msk [tilespmem:v6+s28+$0xFFFFFFF0 ss:$0x1], $0xffff;
	v8 =	vshrl.u32 v8, $0x14  }
0x70c: {  	v60 =	vshll.u32 v54, $0xA;
	v8 =	vsub.s32 $0x3F8, v8;
	[tilespmem:v56+s1+$0x0] =	vst.idx.add.f32.msk $0xffff, v4  }
0x70d: {  	v9 =	vand.u32 $0xFFFFE000, v60;
	v61 =	vshll.u32 v8, $0x3;
	v62 =	vld.idx.msk [tilespmem:v6+s31+$0xFFFFFFD0 ss:$0x1], $0xffff  }
0x70e: {  	v15 =	vshll.u32 v54, $0x7;
	v19 =	vsub.f32 $1.000000000e+00, v10;
	v13 =	vand.u32 $0xFFFFFC00, v61;
	v63 =	vld.idx.msk [tilespmem:v5+s31+$0x0 ss:$0x1], $0xffff  }
0x70f: {  	v18 =	vand.u32 $0x380, v15;
	vm15 =	veq.s32 v59, v2;
	v9 =	vadd.s32 v9, v13  }
0x710: {  	v8 =	vand.u32 $0x7F, v8;
	v20 =	vsel vm15, v19, v10;
	v9 =	vor.u32 v18, v9  }
0x711: {  	v22 =	vsub.f32 $1.000000000e+00, v57;
	v8 =	vor.u32 v8, v9;
	v9 =	vshrl.u32 v20, $0x14  }
0x712: {  	v23 =	vshll.u32 v59, $0xA;
	v9 =	vsub.s32 $0x3F8, v9;
	v21 =	vsub.f32 $1.000000000e+00, v62  }
0x713: {  	v15 =	vand.u32 $0xFFFFE000, v23;
	v17 =	vshll.u32 v9, $0x3;
	vm4 =	veq.s32 v63, v2  }
0x714: {  	v24 =	vld.idx.msk [tilespmem:v5+s28+$0x20 ss:$0x1], $0xffff;
	v12 =	vshll.u32 v59, $0x7;
	v17 =	vand.u32 $0xFFFFFC00, v17;
	v10 =	vsel vm4, v21, v62  }
0x715: {  	v12 =	vand.u32 $0x380, v12;
	v25 =	vadd.s32 v15, v17;
	v10 =	vshrl.u32 v10, $0x14  }
0x716: {  	v9 =	vand.u32 $0x7F, v9;
	[tilespmem:v8+s1+$0x0] =	vst.idx.add.f32.msk $0xffff, v4;
	v8 =	vor.u32 v12, v25;
	v10 =	vsub.s32 $0x3F8, v10  }
0x717: {  	v8 =	vor.u32 v9, v8;
	v28 =	vshll.u32 v63, $0xA;
	v29 =	vshll.u32 v10, $0x3  }
0x718: {  	v26 =	vld.idx.msk [tilespmem:v6+s29+$0xFFFFFFE0 ss:$0x1], $0xffff;
	v16 =	vshll.u32 v63, $0x7;
	v9 =	vand.u32 $0xFFFFE000, v28;
	v17 =	vand.u32 $0xFFFFFC00, v29  }
0x719: {  	vm5 =	veq.s32 v24, v2;
	v27 =	vld.idx.msk [tilespmem:v5+s29+$0x10 ss:$0x1], $0xffff;
	v16 =	vand.u32 $0x380, v16;
	v9 =	vadd.s32 v9, v17  }
0x71a: {  	v11 =	vsel vm5, v22, v57;
	v10 =	vand.u32 $0x7F, v10;
	v9 =	vor.u32 v16, v9  }
0x71b: {  	v11 =	vshrl.u32 v11, $0x14;
	v9 =	vor.u32 v10, v9  }
0x71c: {  	v32 =	vshll.u32 v24, $0xA;
	v14 =	vshll.u32 v24, $0x7;
	v31 =	vsub.s32 $0x3F8, v11;
	[tilespmem:v8+s1+$0x0] =	vst.idx.add.f32.msk $0xffff, v4  }
0x71d: {  	v36 =	vand.u32 $0x380, v14;
	v11 =	vshll.u32 v31, $0x3;
	v30 =	vsub.f32 $1.000000000e+00, v26;
	v33 =	vld.idx.msk [tilespmem:v6+s30+$0xFFFFFFE0 ss:$0x1], $0xffff  }
0x71e: {  	v11 =	vand.u32 $0xFFFFFC00, v11;
	vm6 =	veq.s32 v27, v2;
	v8 =	vand.u32 $0xFFFFE000, v32;
	v34 =	vld.idx.msk [tilespmem:v5+s30+$0x10 ss:$0x1], $0xffff  }
0x71f: {  	v37 =	vshll.u32 v27, $0xA;
	v12 =	vshll.u32 v27, $0x7;
	v13 =	vsel vm6, v30, v26  }
0x720: {  	v8 =	vadd.s32 v8, v11;
	v39 =	vand.u32 $0xFFFFE000, v37;
	v13 =	vshrl.u32 v13, $0x14;
	[tilespmem:v9+s1+$0x0] =	vst.idx.add.f32.msk $0xffff, v4  }
0x721: {  	v12 =	vand.u32 $0x380, v12;
	v8 =	vor.u32 v36, v8;
	v35 =	vsub.s32 $0x3F8, v13;
	v41 =	vld.idx.msk [tilespmem:v6+s31+$0xFFFFFFE0 ss:$0x1], $0xffff  }
0x722: {  	v38 =	vshll.u32 v35, $0x3;
	v11 =	vand.u32 $0x7F, v35;
	v42 =	vsub.f32 $1.000000000e+00, v33;
	v43 =	vld.idx.msk [tilespmem:v5+s31+$0x10 ss:$0x1], $0xffff  }
0x723: {  	v40 =	vand.u32 $0xFFFFFC00, v38;
	vm7 =	veq.s32 v34, v2;
	v46 =	vshll.u32 v34, $0x7  }
0x724: {  	v10 =	vand.u32 $0x7F, v31;
	v44 =	vsel vm7, v42, v33;
	v9 =	vadd.s32 v39, v40  }
0x725: {  	v8 =	vor.u32 v10, v8;
	v45 =	vshrl.u32 v44, $0x14;
	v9 =	vor.u32 v12, v9  }
0x726: {  	v10 =	vsub.s32 $0x3F8, v45;
	v9 =	vor.u32 v11, v9;
	v47 =	vsub.f32 $1.000000000e+00, v41  }
0x727: {  	v48 =	vshll.u32 v34, $0xA;
	v49 =	vshll.u32 v10, $0x3;
	vm8 =	veq.s32 v43, v2  }
0x728: {  	v13 =	vand.u32 $0xFFFFE000, v48;
	v15 =	vand.u32 $0xFFFFFC00, v49;
	v12 =	vsel vm8, v47, v41  }
0x729: {  	v13 =	vadd.s32 v13, v15;
	v11 =	vand.u32 $0x380, v46;
	v12 =	vshrl.u32 v12, $0x14  }
0x72a: {  	v50 =	vand.u32 $0x7F, v10;
	v51 =	vor.u32 v11, v13;
	v52 =	vsub.s32 $0x3F8, v12  }
0x72b: {  	v54 =	vshll.u32 v43, $0xA;
	[tilespmem:v9+s1+$0x0] =	vst.idx.add.f32.msk $0xffff, v4;
	v9 =	vor.u32 v50, v51;
	v55 =	vshll.u32 v52, $0x3  }
0x72c: {  	[tilespmem:v8+s1+$0x0] =	vst.idx.add.f32.msk $0xffff, v4;
	v57 =	vshll.u32 v43, $0x7;
	v10 =	vand.u32 $0xFFFFE000, v54;
	v13 =	vand.u32 $0xFFFFFC00, v55  }
0x72d: {  	v15 =	vand.u32 $0x380, v57;
	v53 =	vld.idx.msk [tilespmem:v6+s29+$0xFFFFFFF0 ss:$0x1], $0xffff;
	v10 =	vadd.s32 v10, v13  }
0x72e: {  	v56 =	vld.idx.msk [tilespmem:v5+s29+$0x20 ss:$0x1], $0xffff;
	v11 =	vand.u32 $0x7F, v52;
	v10 =	vor.u32 v15, v10  }
0x72f: {  	v59 =	vld.idx.msk [tilespmem:v6+s28+$0x0 ss:$0x1], $0xffff;
	v58 =	vor.u32 v11, v10  }
0x730: {  	[tilespmem:v9+s1+$0x0] =	vst.idx.add.f32.msk $0xffff, v4  }
0x731: {  	v62 =	vld.idx.msk [tilespmem:v6+s30+$0xFFFFFFF0 ss:$0x1], $0xffff  }
0x732: {  	v60 =	vsub.f32 $1.000000000e+00, v53;
	v63 =	vld.idx.msk [tilespmem:v5+s30+$0x20 ss:$0x1], $0xffff  }
0x733: {  	vm9 =	veq.s32 v56, v2  }
0x734: {  	v25 =	vsub.f32 $1.000000000e+00, v59;
	v20 =	vshll.u32 v56, $0xA;
	v61 =	vsel vm9, v60, v53;
	[tilespmem:v58+s1+$0x0] =	vst.idx.add.f32.msk $0xffff, v4  }
0x735: {  	v14 =	vshll.u32 v56, $0x7;
	v8 =	vand.u32 $0xFFFFE000, v20;
	v9 =	vshrl.u32 v61, $0x14;
	v22 =	vld.idx.msk [tilespmem:v6+s31+$0xFFFFFFF0 ss:$0x1], $0xffff  }
0x736: {  	v14 =	vand.u32 $0x380, v14;
	v9 =	vsub.s32 $0x3F8, v9;
	v24 =	vsub.f32 $1.000000000e+00, v62;
	v23 =	vld.idx.msk [tilespmem:v5+s31+$0x20 ss:$0x1], $0xffff  }
0x737: {  	v21 =	vshll.u32 v9, $0x3;
	vm10 =	veq.s32 v63, v2;
	v9 =	vand.u32 $0x7F, v9  }
0x738: {  	v28 =	vshll.u32 v63, $0xA;
	v13 =	vand.u32 $0xFFFFFC00, v21;
	v11 =	vsel vm10, v24, v62  }
0x739: {  	v12 =	vshll.u32 v63, $0x7;
	v8 =	vadd.s32 v8, v13;
	v11 =	vshrl.u32 v11, $0x14  }
0x73a: {  	v8 =	vor.u32 v14, v8;
	v27 =	vsub.s32 $0x3F8, v11;
	v26 =	vsub.f32 $1.000000000e+00, v22  }
0x73b: {  	v8 =	vor.u32 v9, v8;
	v29 =	vshll.u32 v27, $0x3;
	vm11 =	veq.s32 v23, v2  }
0x73c: {  	v30 =	vld.idx.msk [tilespmem:v5+s28+$0x30 ss:$0x1], $0xffff;
	v11 =	vand.u32 $0xFFFFE000, v28;
	v14 =	vand.u32 $0xFFFFFC00, v29;
	v13 =	vsel vm11, v26, v22  }
0x73d: {  	v12 =	vand.u32 $0x380, v12;
	v11 =	vadd.s32 v11, v14;
	v13 =	vshrl.u32 v13, $0x14  }
0x73e: {  	v9 =	vand.u32 $0x7F, v27;
	v11 =	vor.u32 v12, v11;
	v31 =	vsub.s32 $0x3F8, v13  }
0x73f: {  	v33 =	vshll.u32 v23, $0xA;
	v36 =	vshll.u32 v23, $0x7;
	v34 =	vshll.u32 v31, $0x3  }
0x740: {  	[tilespmem:v8+s1+$0x0] =	vst.idx.add.f32.msk $0xffff, v4;
	v32 =	vor.u32 v9, v11;
	v9 =	vand.u32 $0xFFFFE000, v33;
	v11 =	vand.u32 $0xFFFFFC00, v34  }
0x741: {  	vm12 =	veq.s32 v30, v2;
	v38 =	vand.u32 $0x380, v36;
	v35 =	vld.idx.msk [tilespmem:v6+s29+$0x0 ss:$0x1], $0xffff;
	v9 =	vadd.s32 v9, v11  }
0x742: {  	v10 =	vsel vm12, v25, v59;
	v37 =	vld.idx.msk [tilespmem:v5+s29+$0x30 ss:$0x1], $0xffff;
	v12 =	vand.u32 $0x7F, v31;
	v9 =	vor.u32 v38, v9  }
0x743: {  	v10 =	vshrl.u32 v10, $0x14;
	v9 =	vor.u32 v12, v9  }
0x744: {  	v39 =	vshll.u32 v30, $0xA;
	v10 =	vsub.s32 $0x3F8, v10  }
0x745: {  	v42 =	vand.u32 $0xFFFFE000, v39;
	v40 =	vshll.u32 v10, $0x3;
	[tilespmem:v32+s1+$0x0] =	vst.idx.add.f32.msk $0xffff, v4  }
0x746: {  	v15 =	vshll.u32 v30, $0x7;
	v43 =	vand.u32 $0xFFFFFC00, v40;
	v41 =	vsub.f32 $1.000000000e+00, v35;
	v44 =	vld.idx.msk [tilespmem:v6+s30+$0x0 ss:$0x1], $0xffff  }
0x747: {  	v47 =	vand.u32 $0x380, v15;
	v8 =	vadd.s32 v42, v43;
	vm13 =	veq.s32 v37, v2;
	v46 =	vld.idx.msk [tilespmem:v5+s30+$0x30 ss:$0x1], $0xffff  }
0x748: {  	v10 =	vand.u32 $0x7F, v10;
	v8 =	vor.u32 v47, v8;
	v45 =	vsel vm13, v41, v35;
	[tilespmem:v9+s1+$0x0] =	vst.idx.add.f32.msk $0xffff, v4  }
0x749: {  	v8 =	vor.u32 v10, v8;
	v51 =	vshll.u32 v37, $0x7;
	v11 =	vshrl.u32 v45, $0x14;
	v6 =	vld.idx.msk [tilespmem:v6+s31+$0x0 ss:$0x1], $0xffff  }
0x74a: {  	v49 =	vshll.u32 v37, $0xA;
	v53 =	vand.u32 $0x380, v51;
	v48 =	vsub.s32 $0x3F8, v11;
	v5 =	vld.idx.msk [tilespmem:v5+s31+$0x30 ss:$0x1], $0xffff  }
0x74b: {  	v11 =	vand.u32 $0xFFFFE000, v49;
	v50 =	vshll.u32 v48, $0x3;
	v52 =	vsub.f32 $1.000000000e+00, v44  }
0x74c: {  	vm14 =	veq.s32 v46, v2;
	v57 =	vshll.u32 v46, $0xA;
	v10 =	vand.u32 $0xFFFFFC00, v50  }
0x74d: {  	v13 =	vshll.u32 v46, $0x7;
	v12 =	vand.u32 $0xFFFFE000, v57;
	v10 =	vadd.s32 v11, v10  }
0x74e: {  	v9 =	vand.u32 $0x7F, v48;
	v54 =	vsel vm14, v52, v44;
	v56 =	vsub.f32 $1.000000000e+00, v6  }
0x74f: {  	v10 =	vor.u32 v53, v10;
	v55 =	vshrl.u32 v54, $0x14;
	vm15 =	veq.s32 v5, v2  }
0x750: {  	v9 =	vor.u32 v9, v10;
	v10 =	vsub.s32 $0x3F8, v55;
	v6 =	vsel vm15, v56, v6  }
0x751: {  	v60 =	vand.u32 $0x380, v13;
	v58 =	vshll.u32 v10, $0x3;
	v6 =	vshrl.u32 v6, $0x14  }
0x752: {  	v10 =	vand.u32 $0x7F, v10;
	v59 =	vand.u32 $0xFFFFFC00, v58;
	v6 =	vsub.s32 $0x3F8, v6  }
0x753: {  	v11 =	vadd.s32 v12, v59;
	v61 =	vshll.u32 v5, $0xA;
	v62 =	vshll.u32 v6, $0x3  }
0x754: {  	v5 =	vshll.u32 v5, $0x7;
	v13 =	vand.u32 $0xFFFFE000, v61;
	v14 =	vand.u32 $0xFFFFFC00, v62  }
0x755: {  	v11 =	vor.u32 v60, v11;
	v5 =	vand.u32 $0x380, v5;
	v63 =	vadd.s32 v13, v14  }
0x756: {  	v10 =	vor.u32 v10, v11;
	v6 =	vand.u32 $0x7F, v6;
	v5 =	vor.u32 v5, v63  }
0x757: {  	p1 =	seq.s32 s26, $0x10;
	v5 =	vor.u32 v6, v5  }
.Ltmp30:
0x758: {  	[tilespmem:v7+s1+$0x0] =	vst.idx.add.f32.msk $0xffff, v4;
	(pc) =	sbr.rel @!p1 .LBB2_49-.Ltmp30, $4  }
0x759: {  	[tilespmem:v8+s1+$0x0] =	vst.idx.add.f32.msk $0xffff, v4  }
0x75a: {  	[tilespmem:v9+s1+$0x0] =	vst.idx.add.f32.msk $0xffff, v4  }
0x75b: {  	[tilespmem:v10+s1+$0x0] =	vst.idx.add.f32.msk $0xffff, v4  }
0x75c: {  	s2 =	smov.u32 s26;
	[tilespmem:v5+s1+$0x0] =	vst.idx.add.f32.msk $0xffff, v4  }
0x75d: {  	s0 =	simm.s32 $0x0  }
0x75e: {  	s5 =	sand.u32 $0x70, s0;
	s0 =	sand.u32 $0x1C00, s0  }
0x75f: {  	s0 =	sor.u32 s5, s0  }
0x760: {  	v5 =	vld [tilespmem:s0+$0x0];
	_ =	sdelay $0x2  }
0x761: {  	v6 =	vld [tilespmem:s0+$0x80]  }
0x762: {  	v7 =	vld [tilespmem:s0+$0x100]  }
0x763: {  	v8 =	vmul.f32 $0.0e+00, v5  }
0x764: {  	v9 =	vld [tilespmem:s0+$0x180];
	v5 =	vadd.f32 $0.0e+00, v5  }
0x765: {  	v8 =	vadd.f32 $0.0e+00, v8  }
0x766: {  	v10 =	vld [tilespmem:s0+$0x200];
	v5 =	vadd.f32 v6, v5  }
0x767: {  	v11 =	vadd.f32 v7, v7;
	v6 =	vadd.f32 v8, v6  }
0x768: {  	v5 =	vadd.f32 v7, v5;
	v7 =	vld [tilespmem:s0+$0x280]  }
0x769: {  	v8 =	vmul.f32 $3.000000000e+00, v9;
	v6 =	vadd.f32 v11, v6  }
0x76a: {  	v5 =	vadd.f32 v9, v5;
	v9 =	vld [tilespmem:s0+$0x300]  }
0x76b: {  	v11 =	vmul.f32 $4.000000000e+00, v10;
	v6 =	vadd.f32 v8, v6  }
0x76c: {  	v5 =	vadd.f32 v10, v5;
	v8 =	vld [tilespmem:s0+$0x380]  }
0x76d: {  	v10 =	vmul.f32 $5.000000000e+00, v7;
	v6 =	vadd.f32 v11, v6  }
0x76e: {  	v5 =	vadd.f32 v7, v5;
	v7 =	vld [tilespmem:s0+$0x2000]  }
0x76f: {  	v11 =	vmul.f32 $6.000000000e+00, v9;
	v6 =	vadd.f32 v10, v6  }
0x770: {  	v5 =	vadd.f32 v9, v5;
	v9 =	vld [tilespmem:s0+$0x2080]  }
0x771: {  	v10 =	vmul.f32 $7.000000000e+00, v8;
	v6 =	vadd.f32 v11, v6  }
0x772: {  	v5 =	vadd.f32 v8, v5;
	v8 =	vld [tilespmem:s0+$0x2100]  }
0x773: {  	v11 =	vmul.f32 $8.000000000e+00, v7;
	v6 =	vadd.f32 v10, v6  }
0x774: {  	v5 =	vadd.f32 v7, v5;
	v7 =	vld [tilespmem:s0+$0x2180]  }
0x775: {  	v10 =	vmul.f32 $9.000000000e+00, v9;
	v6 =	vadd.f32 v11, v6  }
0x776: {  	v5 =	vadd.f32 v9, v5;
	v9 =	vld [tilespmem:s0+$0x2200]  }
0x777: {  	v11 =	vmul.f32 $1.000000000e+01, v8;
	v6 =	vadd.f32 v10, v6  }
0x778: {  	v10 =	vld [tilespmem:s0+$0x2280];
	v5 =	vadd.f32 v8, v5  }
0x779: {  	v8 =	vmul.f32 $1.100000000e+01, v7;
	v6 =	vadd.f32 v11, v6  }
0x77a: {  	v5 =	vadd.f32 v7, v5;
	v7 =	vld [tilespmem:s0+$0x2300]  }
0x77b: {  	v11 =	vmul.f32 $1.200000000e+01, v9;
	v6 =	vadd.f32 v8, v6  }
0x77c: {  	v5 =	vadd.f32 v9, v5;
	v8 =	vld [tilespmem:s0+$0x2380]  }
0x77d: {  	v9 =	vmul.f32 $1.300000000e+01, v10;
	v6 =	vadd.f32 v11, v6  }
0x77e: {  	v5 =	vadd.f32 v10, v5;
	v10 =	vld [tilespmem:s0+$0x4000]  }
0x77f: {  	v11 =	vmul.f32 $1.400000000e+01, v7;
	v6 =	vadd.f32 v9, v6  }
0x780: {  	v5 =	vadd.f32 v7, v5;
	v7 =	vld [tilespmem:s0+$0x4080]  }
0x781: {  	v9 =	vmul.f32 $1.500000000e+01, v8;
	v6 =	vadd.f32 v11, v6  }
0x782: {  	v5 =	vadd.f32 v8, v5;
	v8 =	vld [tilespmem:s0+$0x4100]  }
0x783: {  	v11 =	vmul.f32 $1.600000000e+01, v10;
	v6 =	vadd.f32 v9, v6  }
0x784: {  	v5 =	vadd.f32 v10, v5;
	v9 =	vld [tilespmem:s0+$0x4180]  }
0x785: {  	v10 =	vmul.f32 $1.700000000e+01, v7;
	v6 =	vadd.f32 v11, v6  }
0x786: {  	v5 =	vadd.f32 v7, v5;
	v7 =	vld [tilespmem:s0+$0x4200]  }
0x787: {  	v11 =	vmul.f32 $1.800000000e+01, v8;
	v6 =	vadd.f32 v10, v6  }
0x788: {  	v5 =	vadd.f32 v8, v5  }
0x789: {  	v8 =	vmul.f32 $1.900000000e+01, v9;
	v6 =	vadd.f32 v11, v6  }
0x78a: {  	v5 =	vadd.f32 v9, v5  }
0x78b: {  	v9 =	vmul.f32 $2.000000000e+01, v7;
	v6 =	vadd.f32 v8, v6  }
0x78c: {  	v5 =	vadd.f32 v7, v5  }
0x78d: {  	s28 =	simm.s32 $0x6000;
	s31 =	simm.s32 $0x10;
	s0 =	simm.s32 $0x80;
	v6 =	vadd.f32 v9, v6  }
0x78e: {  	s2 =	simm.s32 $0x6400;
	s5 =	sand.u32 $0x70, s31;
	s9 =	sand.u32 $0x1C00, s0;
	[tilespmem:s28+$0x0] =	vst v5  }
0x78f: {  	s30 =	sor.u32 s5, s9;
	[tilespmem:s2+$0x0] =	vst v6  }
0x790: {  	v5 =	vld [tilespmem:s30+$0x0];
	_ =	sdelay $0x1  }
0x791: {  	v7 =	vld [tilespmem:s30+$0x80]  }
0x792: {  	v8 =	vld [tilespmem:s30+$0x100];
	_ =	sdelay $0x1  }
0x793: {  	v9 =	vadd.f32 $0.0e+00, v5;
	v5 =	vmul.f32 $0.0e+00, v5  }
0x794: {  	v10 =	vld [tilespmem:s30+$0x180]  }
0x795: {  	v5 =	vadd.f32 $0.0e+00, v5;
	v9 =	vadd.f32 v7, v9  }
0x796: {  	v11 =	vld [tilespmem:s30+$0x200];
	v12 =	vadd.f32 v8, v8  }
0x797: {  	v5 =	vadd.f32 v5, v7;
	v7 =	vadd.f32 v8, v9  }
0x798: {  	v8 =	vld [tilespmem:s30+$0x280]  }
0x799: {  	(xrf2) =	vadd.scan.msk.f32 $0xffff, v6;
	v6 =	vmul.f32 $3.000000000e+00, v10;
	v5 =	vadd.f32 v12, v5;
	v7 =	vadd.f32 v10, v7  }
0x79a: {  	v9 =	vld [tilespmem:s30+$0x300]  }
0x79b: {  	v5 =	vadd.f32 v6, v5;
	v6 =	vadd.f32 v11, v7;
	_ =	sdelay $0x1  }
0x79c: {  	v10 =	vmul.f32 $4.000000000e+00, v11;
	v6 =	vadd.f32 v8, v6  }
0x79d: {  	v7 =	vld [tilespmem:s30+$0x380]  }
0x79e: {  	v5 =	vadd.f32 v10, v5;
	v10 =	vmul.f32 $6.000000000e+00, v9;
	v9 =	vadd.f32 v9, v6;
	_ =	sdelay $0x1  }
0x79f: {  	v11 =	vmul.f32 $5.000000000e+00, v8;
	_ =	sdelay $0x1  }
0x7a0: {  	v5 =	vadd.f32 v11, v5;
	v11 =	vmul.f32 $7.000000000e+00, v7;
	v7 =	vadd.f32 v7, v9;
	v9, _, _ =	vpop (xrf2)  }
0x7a1: {  	(v2sf) =	vpush v9, $0xF;
	_ =	sdelay $0x5  }
0x7a2: {  	v8 =	vld [tilespmem:s30+$0x2000]  }
0x7a3: {  	v13 =	vld [tilespmem:s30+$0x2080]  }
0x7a4: {  	v6 =	vld [tilespmem:s30+$0x2100]  }
0x7a5: {  	v10 =	vadd.f32 v10, v5;
	_ =	sdelay $0x1  }
0x7a6: {  	v12 =	vmul.f32 $8.000000000e+00, v8;
	v10 =	vadd.f32 v11, v10;
	v8 =	vadd.f32 v8, v7;
	v7 =	vld [tilespmem:s30+$0x2180]  }
0x7a7: {  	v5 =	vld [tilespmem:s30+$0x2280];
	v11 =	vmul.f32 $9.000000000e+00, v13  }
0x7a8: {  	s26 =	simm.f32 $0.0e+00;
	s29 =	simm.s32 $0x6410;
	s5 =	simm.s32 $0x20;
	v12 =	vadd.f32 v12, v10;
	v9 =	vadd.f32 v13, v8;
	v8 =	vld [tilespmem:s30+$0x2200];
	v10 =	vmul.f32 $1.000000000e+01, v6  }
.LBB2_59:
0x7a9: {  	s28 =	sadd.s32 $0x10, s28  }
0x7aa: {  	v11 =	vadd.f32 v11, v12;
	v6 =	vadd.f32 v6, v9;
	s9 =	spop (v2sf);
	s18 =	smov.u32 s5;
	s2 =	sadd.s32 $0x10, s5  }
0x7ab: {  	p1 =	seq.s32 s5, $0x3F0;
	v9 =	vmul.f32 $1.100000000e+01, v7;
	s26 =	sadd.f32 s9, s26  }
0x7ac: {  	v10 =	vadd.f32 v10, v11;
	v6 =	vadd.f32 v7, v6;
	v7 =	vld [tilespmem:s30+$0x2300]  }
0x7ad: {  	v11 =	vmul.f32 $1.200000000e+01, v8  }
0x7ae: {  	v9 =	vadd.f32 v9, v10;
	v6 =	vadd.f32 v8, v6;
	v8 =	vld [tilespmem:s30+$0x2380]  }
0x7af: {  	v10 =	vmul.f32 $1.300000000e+01, v5  }
0x7b0: {  	v9 =	vadd.f32 v11, v9;
	v5 =	vadd.f32 v5, v6;
	v6 =	vld [tilespmem:s30+$0x4000]  }
0x7b1: {  	v11 =	vmul.f32 $1.400000000e+01, v7  }
0x7b2: {  	v9 =	vadd.f32 v10, v9;
	v5 =	vadd.f32 v7, v5;
	v7 =	vld [tilespmem:s30+$0x4080]  }
0x7b3: {  	v10 =	vmul.f32 $1.500000000e+01, v8  }
0x7b4: {  	v9 =	vadd.f32 v11, v9;
	v5 =	vadd.f32 v8, v5;
	v8 =	vld [tilespmem:s30+$0x4100]  }
0x7b5: {  	v11 =	vmul.f32 $1.600000000e+01, v6  }
0x7b6: {  	v9 =	vadd.f32 v10, v9;
	v5 =	vadd.f32 v6, v5;
	v6 =	vld [tilespmem:s30+$0x4180]  }
0x7b7: {  	v10 =	vmul.f32 $1.700000000e+01, v7  }
0x7b8: {  	v9 =	vadd.f32 v11, v9;
	v5 =	vadd.f32 v7, v5;
	v7 =	vld [tilespmem:s30+$0x4200]  }
0x7b9: {  	v11 =	vmul.f32 $1.800000000e+01, v8  }
0x7ba: {  	v9 =	vadd.f32 v10, v9;
	v5 =	vadd.f32 v8, v5  }
0x7bb: {  	v8 =	vmul.f32 $1.900000000e+01, v6  }
0x7bc: {  	v9 =	vadd.f32 v11, v9;
	v5 =	vadd.f32 v6, v5  }
0x7bd: {  	v6 =	vmul.f32 $2.000000000e+01, v7  }
0x7be: {  	v8 =	vadd.f32 v8, v9;
	v5 =	vadd.f32 v7, v5  }
0x7bf: {  	s0 =	sadd.s32 $0x80, s0  }
0x7c0: {  	s5 =	sand.u32 $0x70, s18;
	s9 =	sand.u32 $0x1C00, s0;
	v6 =	vadd.f32 v6, v8;
	[tilespmem:s28+$0x0] =	vst v5  }
0x7c1: {  	s30 =	sor.u32 s5, s9  }
0x7c2: {  	[tilespmem:s29+$0x0] =	vst v6;
	(xrf2) =	vadd.scan.msk.f32 $0xffff, v6  }
0x7c3: {  	v6 =	vld [tilespmem:s30+$0x0]  }
0x7c4: {  	v7 =	vld [tilespmem:s30+$0x80]  }
0x7c5: {  	v5 =	vld [tilespmem:s30+$0x2280]  }
0x7c6: {  	v8 =	vld [tilespmem:s30+$0x100];
	_ =	sdelay $0x1  }
0x7c7: {  	v9 =	vadd.f32 $0.0e+00, v6;
	v6 =	vmul.f32 $0.0e+00, v6;
	v10 =	vld [tilespmem:s30+$0x180];
	_ =	sdelay $0x1  }
0x7c8: {  	v6 =	vadd.f32 $0.0e+00, v6;
	v13 =	vadd.f32 v7, v9;
	v11 =	vld [tilespmem:s30+$0x200]  }
0x7c9: {  	v12 =	vadd.f32 v8, v8  }
0x7ca: {  	v6 =	vadd.f32 v6, v7;
	v7 =	vadd.f32 v8, v13;
	v8 =	vld [tilespmem:s30+$0x280];
	v9, _, _ =	vpop (xrf2)  }
0x7cb: {  	v13 =	vmul.f32 $3.000000000e+00, v10;
	(v2sf) =	vpush v9, $0xF  }
0x7cc: {  	v6 =	vadd.f32 v12, v6;
	v7 =	vadd.f32 v10, v7;
	v9 =	vld [tilespmem:s30+$0x300]  }
0x7cd: {  	v10 =	vmul.f32 $4.000000000e+00, v11  }
0x7ce: {  	v6 =	vadd.f32 v13, v6;
	v7 =	vadd.f32 v11, v7;
	v11 =	vld [tilespmem:s30+$0x380]  }
0x7cf: {  	v12 =	vmul.f32 $5.000000000e+00, v8  }
0x7d0: {  	v6 =	vadd.f32 v10, v6;
	v7 =	vadd.f32 v8, v7;
	v8 =	vld [tilespmem:s30+$0x2000]  }
0x7d1: {  	v10 =	vmul.f32 $6.000000000e+00, v9  }
0x7d2: {  	v6 =	vadd.f32 v12, v6;
	v7 =	vadd.f32 v9, v7;
	v9 =	vld [tilespmem:s30+$0x2080]  }
0x7d3: {  	v12 =	vmul.f32 $7.000000000e+00, v11  }
0x7d4: {  	v10 =	vadd.f32 v10, v6;
	v7 =	vadd.f32 v11, v7;
	v6 =	vld [tilespmem:s30+$0x2100]  }
.Ltmp31:
0x7d5: {  	v13 =	vmul.f32 $8.000000000e+00, v8;
	(pc) =	sbr.rel @!p1 .LBB2_59-.Ltmp31, $4  }
0x7d6: {  	v10 =	vadd.f32 v12, v10;
	v8 =	vadd.f32 v8, v7;
	v7 =	vld [tilespmem:s30+$0x2180]  }
0x7d7: {  	v11 =	vmul.f32 $9.000000000e+00, v9  }
0x7d8: {  	v12 =	vadd.f32 v13, v10;
	v9 =	vadd.f32 v9, v8;
	v8 =	vld [tilespmem:s30+$0x2200]  }
0x7d9: {  	s5 =	smov.u32 s2;
	s29 =	sadd.s32 $0x10, s29;
	v10 =	vmul.f32 $1.000000000e+01, v6  }
0x7da: {  	v11 =	vadd.f32 v11, v12  }
0x7db: {  	v6 =	vadd.f32 v6, v9  }
0x7dc: {  	v12 =	vmul.f32 $1.100000000e+01, v7;
	v10 =	vadd.f32 v10, v11  }
0x7dd: {  	v11 =	vld [tilespmem:s30+$0x2300];
	v6 =	vadd.f32 v7, v6  }
0x7de: {  	v13 =	vmul.f32 $1.200000000e+01, v8;
	v10 =	vadd.f32 v12, v10  }
0x7df: {  	v12 =	vld [tilespmem:s30+$0x2380];
	v6 =	vadd.f32 v8, v6  }
0x7e0: {  	v14 =	vmul.f32 $1.300000000e+01, v5;
	v10 =	vadd.f32 v13, v10  }
0x7e1: {  	v13 =	vld [tilespmem:s30+$0x4000];
	v5 =	vadd.f32 v5, v6  }
0x7e2: {  	v15 =	vmul.f32 $1.400000000e+01, v11;
	v10 =	vadd.f32 v14, v10  }
0x7e3: {  	v14 =	vld [tilespmem:s30+$0x4080];
	v5 =	vadd.f32 v11, v5  }
0x7e4: {  	v16 =	vmul.f32 $1.500000000e+01, v12;
	v10 =	vadd.f32 v15, v10  }
0x7e5: {  	v15 =	vld [tilespmem:s30+$0x4100];
	v5 =	vadd.f32 v12, v5  }
0x7e6: {  	v17 =	vmul.f32 $1.600000000e+01, v13;
	v10 =	vadd.f32 v16, v10  }
0x7e7: {  	v16 =	vld [tilespmem:s30+$0x4180];
	v5 =	vadd.f32 v13, v5  }
0x7e8: {  	v18 =	vmul.f32 $1.700000000e+01, v14;
	v10 =	vadd.f32 v17, v10  }
0x7e9: {  	v17 =	vld [tilespmem:s30+$0x4200];
	v5 =	vadd.f32 v14, v5  }
0x7ea: {  	v10 =	vadd.f32 v18, v10;
	v18 =	vmul.f32 $1.800000000e+01, v15  }
0x7eb: {  	v5 =	vadd.f32 v15, v5  }
0x7ec: {  	v10 =	vadd.f32 v18, v10;
	v18 =	vmul.f32 $1.900000000e+01, v16  }
0x7ed: {  	v5 =	vadd.f32 v16, v5  }
0x7ee: {  	v10 =	vadd.f32 v18, v10;
	v18 =	vmul.f32 $2.000000000e+01, v17  }
0x7ef: {  	v5 =	vadd.f32 v17, v5  }
0x7f0: {  	s2 =	sadd.s32 $0x10, s28;
	v10 =	vadd.f32 v18, v10  }
0x7f1: {  	[tilespmem:s2+$0x0] =	vst v5  }
0x7f2: {  	s20 =	simm.s32 $0x0;
	(xrf2) =	vadd.scan.msk.f32 $0xffff, v10;
	[tilespmem:s29+$0x0] =	vst v10  }
0x7f3: {  	v9 =	vld [tilespmem:s20+$0x6000];
	_ =	sdelay $0x1  }
0x7f4: {  	v7 =	vld [tilespmem:s20+$0x6400];
	_ =	sdelay $0x2  }
0x7f5: {  	(xrf2) =	vadd.scan.msk.f32 $0xffff, v9  }
0x7f6: {  	s18 =	simm.s32 $0x10  }
0x7f7: {  	v11 =	vld [tilespmem:s18+$0x6000];
	(xrf2) =	vadd.scan.msk.f32 $0xffff, v7  }
0x7f8: {  	v8 =	vld [tilespmem:s18+$0x6400]  }
0x7f9: {  	v6, _, _ =	vpop (xrf2)  }
0x7fa: {  	(v2sf) =	vpush v6, $0xF;
	_ =	sdelay $0x1  }
0x7fb: {  	(xrf2) =	vadd.scan.msk.f32 $0xffff, v11  }
0x7fc: {  	(xrf2) =	vadd.scan.msk.f32 $0xffff, v8;
	_ =	sdelay $0x1  }
0x7fd: {  	v10, _, _ =	vpop (xrf2)  }
0x7fe: {  	(v2sf) =	vpush v10, $0xF  }
0x7ff: {  	s31 =	simm.s32 $0x20;
	v12, _, _ =	vpop (xrf2)  }
0x800: {  	v13 =	vld [tilespmem:s31+$0x6000];
	(v2sf) =	vpush v12, $0xF  }
0x801: {  	v14 =	vld [tilespmem:s31+$0x6400];
	_ =	sdelay $0x2  }
0x802: {  	v15, _, _ =	vpop (xrf2)  }
0x803: {  	s0 =	spop (v2sf);
	(xrf2) =	vadd.scan.msk.f32 $0xffff, v13;
	(v2sf) =	vpush v15, $0xF;
	v16, _, _ =	vpop (xrf2)  }
0x804: {  	s0 =	sadd.f32 s0, s26;
	(xrf2) =	vadd.scan.msk.f32 $0xffff, v14;
	(v2sf) =	vpush v16, $0xF  }
0x805: {  	s2 =	simm.s32 $0x30;
	s9 =	spop (v2sf)  }
0x806: {  	s26 =	simm.f32 $0.0e+00;
	v6 =	vld [tilespmem:s2+$0x6000];
	s0 =	sadd.f32 s9, s0  }
0x807: {  	v10 =	vadd.f32 s26, v10  }
0x808: {  	v12 =	vadd.f32 s26, v12;
	v5 =	vmov s0  }
0x809: {  	v18 =	vsub.f32 v10, v9;
	v10 =	vadd.f32 v10, v5  }
0x80a: {  	v17 =	vld [tilespmem:s2+$0x6400]  }
0x80b: {  	(xrf2) =	vadd.scan.msk.f32 $0xffff, v6;
	v19 =	vsub.f32 v12, v7;
	v18 =	vadd.f32 v18, v5;
	s15 =	spop (v2sf)  }
0x80c: {  	v7 =	vsub.f32 v10, v12;
	s5 =	sadd.f32 s15, s26  }
0x80d: {  	s0 =	simm.s32 $0x40;
	v18 =	vsub.f32 v18, v19;
	s9 =	spop (v2sf);
	v10, _, _ =	vpop (xrf2)  }
0x80e: {  	(erf) = vrcp.f32 v7;
	v7 =	vld [tilespmem:s0+$0x6000];
	s9 =	sadd.f32 s9, s26;
	(v2sf) =	vpush v10, $0xF;
	v20, _, _ =	vpop (xrf2);
	v15 =	vadd.f32 s5, v15  }
0x80f: {  	(xrf2) =	vadd.scan.msk.f32 $0xffff, v17;
	(erf) = vrcp.f32 v18;
	(v2sf) =	vpush v20, $0xF  }
0x810: {  	v18 =	vld [tilespmem:s0+$0x6400];
	v16 =	vadd.f32 s9, v16;
	v21 =	vsub.f32 v15, v11  }
0x811: {  	v15 =	vadd.f32 v15, v5  }
0x812: {  	s15 =	spop (v2sf);
	v22 =	vsub.f32 v16, v8;
	v21 =	vadd.f32 v21, v5  }
0x813: {  	s5 =	sadd.f32 s15, s5;
	s15 =	spop (v2sf);
	(xrf2) =	vadd.scan.msk.f32 $0xffff, v7;
	v8 =	vsub.f32 v15, v16  }
0x814: {  	s9 =	sadd.f32 s15, s9;
	v21 =	vsub.f32 v21, v22  }
0x815: {  	v12 =	vsub.f32 v5, v12;
	v10 =	vadd.f32 s5, v10;
	v15, _, _ =	vpop (xrf2);
	(xrf2) =	vadd.scan.msk.f32 $0xffff, v18;
	(erf) = vrcp.f32 v8  }
0x816: {  	v19 =	vsub.f32 v5, v19;
	v20 =	vadd.f32 s9, v20  }
0x817: {  	s28 =	simm.s32 $0x50;
	v25 =	vsub.f32 v10, v13;
	v10 =	vadd.f32 v10, v5;
	v23 =	vpop (erf);
	(erf) = vrcp.f32 v21  }
0x818: {  	v14 =	vsub.f32 v20, v14;
	v8 =	vld [tilespmem:s28+$0x6000];
	(v2sf) =	vpush v15, $0xF;
	v21 =	vpop (erf)  }
0x819: {  	v25 =	vadd.f32 v25, v5;
	v24, _, _ =	vpop (xrf2);
	v12 =	vmul.f32 v23, v12;
	v23 =	vld [tilespmem:s28+$0x6400];
	v19 =	vmul.f32 v21, v19  }
0x81a: {  	v10 =	vsub.f32 v10, v20;
	(v2sf) =	vpush v24, $0xF;
	v21 =	vld [tilespmem:s20+$0x6800]  }
0x81b: {  	v12 =	vsub.f32 $1.000000000e+00, v12;
	v19 =	vadd.f32 $-1.000000000e+00, v19  }
0x81c: {  	v16 =	vsub.f32 v5, v16;
	v25 =	vsub.f32 v25, v14  }
0x81d: {  	(xrf2) =	vadd.scan.msk.f32 $0xffff, v8;
	s20 =	spop (v2sf);
	v12 =	vadd.f32 v19, v12;
	v19 =	vsub.f32 v5, v20;
	v20, _, _ =	vpop (xrf2)  }
0x81e: {  	(erf) = vrcp.f32 v10;
	v10 =	vpop (erf);
	s5 =	sadd.f32 s20, s5;
	s20 =	spop (v2sf)  }
0x81f: {  	v22 =	vsub.f32 v5, v22;
	(xrf2) =	vadd.scan.msk.f32 $0xffff, v23;
	(erf) = vrcp.f32 v25;
	v12 =	vmul.f32 v12, v21;
	s9 =	sadd.f32 s20, s9;
	v21, _, _ =	vpop (xrf2)  }
0x820: {  	(v2sf) =	vpush v20, $0xF;
	v10 =	vmul.f32 v10, v16;
	v16 =	vpop (erf);
	v15 =	vadd.f32 s5, v15  }
0x821: {  	(v2sf) =	vpush v21, $0xF;
	v16 =	vmul.f32 v16, v22;
	v24 =	vadd.f32 s9, v24  }
0x822: {  	s29 =	simm.s32 $0x60;
	vm0 =	vgt.f32 v9, $0.0e+00;
	v22 =	vld [tilespmem:s18+$0x6800];
	v26 =	vsub.f32 v15, v6;
	v15 =	vadd.f32 v15, v5  }
0x823: {  	v9 =	vld [tilespmem:s29+$0x6000];
	v10 =	vsub.f32 $1.000000000e+00, v10;
	v25 =	vnsel vm0, $0x0, v12;
	v16 =	vadd.f32 $-1.000000000e+00, v16  }
0x824: {  	v12 =	vld [tilespmem:s29+$0x6400];
	(xrf2) =	vadd.scan.msk.f32 $0xffff, v25;
	v25 =	vadd.f32 v26, v5;
	v15 =	vsub.f32 v15, v24  }
0x825: {  	v26 =	vsub.f32 v24, v17;
	v10 =	vadd.f32 v16, v10  }
0x826: {  	(erf) = vrcp.f32 v15  }
0x827: {  	s20 =	spop (v2sf);
	v16 =	vsub.f32 v5, v24;
	v24, _, _ =	vpop (xrf2);
	v17 =	vsub.f32 v25, v26;
	v22 =	vmul.f32 v10, v22  }
0x828: {  	vm14 =	vgt.f32 v11, $0.0e+00;
	(xrf2) =	vadd.scan.msk.f32 $0xffff, v9;
	s5 =	sadd.f32 s20, s5;
	v15 =	vpop (erf)  }
0x829: {  	v14 =	vsub.f32 v5, v14;
	(xrf2) =	vadd.scan.msk.f32 $0xffff, v12;
	s18 =	spop (v2sf);
	v25, _, _ =	vpop (xrf2);
	(erf) = vrcp.f32 v17;
	v17 =	vnsel vm14, $0x0, v22  }
0x82a: {  	s30 =	simm.s32 $0x70;
	(v2sf) =	vpush v24, $0xF;
	v20 =	vadd.f32 s5, v20;
	s9 =	sadd.f32 s18, s9;
	v11 =	vmul.f32 v15, v19;
	v15 =	vpop (erf);
	(xrf2) =	vadd.scan.msk.f32 $0xffff, v17  }
0x82b: {  	v10 =	vld [tilespmem:s30+$0x6000];
	(v2sf) =	vpush v25, $0xF;
	v14 =	vmul.f32 v15, v14  }
0x82c: {  	v19 =	vsub.f32 v20, v7;
	v22 =	vadd.f32 s9, v21  }
0x82d: {  	v11 =	vsub.f32 $1.000000000e+00, v11;
	v14 =	vadd.f32 $-1.000000000e+00, v14  }
0x82e: {  	v15 =	vadd.f32 v20, v5;
	v20 =	vld [tilespmem:s31+$0x6800];
	v19 =	vadd.f32 v19, v5  }
0x82f: {  	v17 =	vsub.f32 v22, v18;
	v11 =	vadd.f32 v14, v11;
	v14 =	vld [tilespmem:s30+$0x6400];
	v18 =	vpop (erf)  }
0x830: {  	v21, _, _ =	vpop (xrf2);
	(xrf2) =	vadd.scan.msk.f32 $0xffff, v10;
	v16 =	vmul.f32 v18, v16  }
0x831: {  	v27 =	vsub.f32 v15, v22;
	(v2sf) =	vpush v21, $0xF  }
0x832: {  	v15 =	vsub.f32 v5, v22;
	v22 =	vsub.f32 v5, v26;
	s20 =	spop (v2sf);
	v21, _, _ =	vpop (xrf2)  }
0x833: {  	s20 =	sadd.f32 s20, s5;
	v26 =	vsub.f32 v19, v17;
	(v2sf) =	vpush v21, $0xF;
	(erf) = vrcp.f32 v27;
	v19, _, _ =	vpop (xrf2)  }
0x834: {  	s31 =	simm.s32 $0x80;
	s18 =	spop (v2sf);
	v20 =	vmul.f32 v11, v20;
	(v2sf) =	vpush v19, $0xF;
	v29 =	vsub.f32 $1.000000000e+00, v16;
	(xrf2) =	vadd.scan.msk.f32 $0xffff, v14;
	v16, _, _ =	vpop (xrf2)  }
0x835: {  	vm15 =	vgt.f32 v13, $0.0e+00;
	s18 =	sadd.f32 s18, s9;
	v24 =	vadd.f32 s20, v24;
	v11 =	vld [tilespmem:s31+$0x6000];
	v28 =	vpop (erf);
	(v2sf) =	vpush v16, $0xF  }
0x836: {  	(erf) = vrcp.f32 v26;
	v22 =	vmul.f32 v28, v22;
	v13 =	vnsel vm15, $0x0, v20  }
0x837: {  	v18 =	vadd.f32 s18, v25;
	v25 =	vsub.f32 v24, v8;
	(xrf2) =	vadd.scan.msk.f32 $0xffff, v13;
	v13 =	vld [tilespmem:s31+$0x6400]  }
0x838: {  	v63 =	vadd.f32 v24, v5;
	v22 =	vadd.f32 $-1.000000000e+00, v22;
	v16 =	vld [tilespmem:s2+$0x6800]  }
0x839: {  	v24 =	vadd.f32 v25, v5;
	v20 =	vsub.f32 v18, v23  }
0x83a: {  	s5 =	simm.s32 $0x240;
	v25 =	vsub.f32 v63, v18;
	(xrf2) =	vadd.scan.msk.f32 $0xffff, v11;
	v23, _, _ =	vpop (xrf2);
	s2 =	spop (v2sf);
	v22 =	vadd.f32 v22, v29  }
.LBB2_61:
0x83b: {  	v26 =	vsub.f32 v5, v18;
	s20 =	sadd.f32 s2, s20;
	v27 =	vsub.f32 v5, v17;
	vm0 =	vgt.f32 v6, $0.0e+00;
	v6 =	vmovc v7  }
0x83c: {  	s2 =	spop (v2sf);
	v7 =	vmovc v8;
	v8 =	vmovc v9;
	v9 =	vmov v10;
	v10 =	vmov v11;
	v17 =	vmov v20;
	s9 =	smov.u32 s5;
	s15 =	sadd.s32 $0x40, s5  }
0x83d: {  	p1 =	sne.s32 s5, $0xFC0;
	s9 =	sshra.s32 s9, $0x2;
	(xrf2) =	vadd.scan.msk.f32 $0xffff, v13;
	v18 =	vsub.f32 v24, v17;
	s18 =	sadd.f32 s2, s18;
	(erf) = vrcp.f32 v25;
	v20 =	vpop (erf);
	v16 =	vmul.f32 v22, v16  }
0x83e: {  	v11 =	vld [tilespmem:s9+$0x6000];
	v22, _, _ =	vpop (xrf2);
	(v2sf) =	vpush v23, $0xF;
	v21 =	vadd.f32 s20, v21;
	v20 =	vmul.f32 v20, v15  }
0x83f: {  	v28 =	vld [tilespmem:s9+$0x6400];
	(v2sf) =	vpush v22, $0xF;
	(erf) = vrcp.f32 v18;
	v15 =	vpop (erf);
	v16 =	vnsel vm0, $0x0, v16  }
.Ltmp32:
0x840: {  	v18 =	vadd.f32 s18, v19;
	v24 =	vsub.f32 v21, v8;
	v25 =	vmul.f32 v15, v27;
	(xrf2) =	vadd.scan.msk.f32 $0xffff, v16;
	s2 =	spop (v2sf);
	v15 =	vmovc v26;
	(pc) =	sbr.rel @p1 .LBB2_61-.Ltmp32, $4  }
0x841: {  	v19 =	vmov v22;
	v26 =	vadd.f32 v21, v5;
	v27 =	vsub.f32 $1.000000000e+00, v20;
	v16 =	vld [tilespmem:s0+$0x6800];
	v29, _, _ =	vpop (xrf2);
	s26 =	sadd.f32 s2, s26;
	s0 =	smov.u32 s28;
	s28 =	smov.u32 s29  }
0x842: {  	s29 =	smov.u32 s30;
	s30 =	smov.u32 s31;
	s31 =	smov.u32 s9;
	v24 =	vadd.f32 v24, v5;
	v22 =	vadd.f32 $-1.000000000e+00, v25;
	v21 =	vmov v23  }
0x843: {  	v20 =	vsub.f32 v18, v12;
	v12 =	vmovc v14;
	v14 =	vmov v13;
	(xrf2) =	vadd.scan.msk.f32 $0xffff, v11;
	(v2sf) =	vpush v29, $0xF  }
0x844: {  	s5 =	smov.u32 s15;
	v25 =	vsub.f32 v26, v18;
	v23, _, _ =	vpop (xrf2);
	s2 =	spop (v2sf);
	v22 =	vadd.f32 v22, v27;
	v13 =	vmov v28  }
0x845: {  	_ = 	snop  }
0x846: {  	(v2sf) =	vpush v23, $0xF  }
0x847: {  	v26, _, _ =	vpop (xrf2)  }
0x848: {  	(v2sf) =	vpush v26, $0xF;
	_ =	sdelay $0x5  }
0x849: {  	s5 =	sadd.f32 s2, s20  }
0x84a: {  	s9 =	spop (v2sf);
	(xrf2) =	vadd.scan.msk.f32 $0xffff, v13  }
0x84b: {  	s9 =	sadd.f32 s9, s18;
	v21 =	vadd.f32 s5, v21  }
0x84c: {  	v17 =	vsub.f32 v5, v17;
	s2 =	spop (v2sf)  }
0x84d: {  	v19 =	vadd.f32 s9, v19;
	v27 =	vsub.f32 v21, v9;
	s15 =	spop (v2sf)  }
0x84e: {  	v24 =	vsub.f32 v24, v20;
	v21 =	vadd.f32 v21, v5;
	s5 =	sadd.f32 s15, s5;
	s20 =	spop (v2sf)  }
0x84f: {  	v12 =	vsub.f32 v19, v12;
	v27 =	vadd.f32 v27, v5;
	s9 =	sadd.f32 s20, s9;
	s18 =	spop (v2sf)  }
0x850: {  	v21 =	vsub.f32 v21, v19;
	v37 =	vadd.f32 s5, v23;
	s20 =	spop (v2sf)  }
0x851: {  	v28, _, _ =	vpop (xrf2);
	v39 =	vsub.f32 v27, v12;
	v26 =	vadd.f32 s9, v26;
	s5 =	sadd.f32 s20, s5  }
0x852: {  	(erf) = vrcp.f32 v25;
	v29, _, _ =	vpop (xrf2);
	v30 =	vsub.f32 v37, v10;
	v23 =	vadd.f32 v37, v5;
	s20 =	spop (v2sf)  }
0x853: {  	(erf) = vrcp.f32 v24;
	v14 =	vsub.f32 v26, v14;
	v38 =	vadd.f32 s5, v29;
	s5 =	sadd.f32 s20, s9  }
0x854: {  	v41, _, _ =	vpop (xrf2);
	v40 =	vadd.f32 v30, v5;
	v23 =	vsub.f32 v23, v26  }
0x855: {  	(erf) = vrcp.f32 v21;
	v31 =	vsub.f32 v38, v11;
	v43 =	vadd.f32 s5, v41  }
0x856: {  	v42 =	vpop (erf);
	(erf) = vrcp.f32 v39;
	v27 =	vsub.f32 v40, v14;
	v25 =	vadd.f32 v38, v5  }
0x857: {  	(erf) = vrcp.f32 v23;
	v45 =	vadd.f32 v31, v5;
	v46 =	vsub.f32 v43, v13  }
0x858: {  	v18 =	vsub.f32 v5, v18;
	v44 =	vpop (erf);
	(erf) = vrcp.f32 v27;
	v47 =	vsub.f32 v25, v43  }
0x859: {  	vm0 =	vgt.f32 v6, $0.0e+00;
	v15 =	vmul.f32 v42, v15;
	v49 =	vsub.f32 v45, v46  }
0x85a: {  	v6 =	vsub.f32 v5, v20;
	v17 =	vmul.f32 v44, v17;
	(erf) = vrcp.f32 v47  }
0x85b: {  	vm11 =	vgt.f32 v7, $0.0e+00;
	vm12 =	vgt.f32 v8, $0.0e+00;
	v50 =	vpop (erf);
	(erf) = vrcp.f32 v49  }
0x85c: {  	v48 =	vld [tilespmem:s0+$0x6800];
	v16 =	vmul.f32 v22, v16;
	v15 =	vsub.f32 $1.000000000e+00, v15;
	v17 =	vadd.f32 $-1.000000000e+00, v17;
	v51 =	vpop (erf)  }
0x85d: {  	v52 =	vsub.f32 v5, v19;
	v18 =	vmul.f32 v50, v18;
	v6 =	vmul.f32 v51, v6  }
0x85e: {  	v16 =	vnsel vm0, $0x0, v16;
	v15 =	vadd.f32 v17, v15;
	v12 =	vsub.f32 v5, v12;
	v53 =	vpop (erf)  }
0x85f: {  	v55 =	vld [tilespmem:s28+$0x6800];
	v18 =	vsub.f32 $1.000000000e+00, v18;
	v6 =	vadd.f32 $-1.000000000e+00, v6;
	v17 =	vmul.f32 v53, v52;
	v54 =	vpop (erf)  }
0x860: {  	v7 =	vsub.f32 v5, v26;
	v14 =	vsub.f32 v5, v14;
	v12 =	vmul.f32 v54, v12;
	v56 =	vpop (erf)  }
0x861: {  	v15 =	vmul.f32 v15, v48;
	v6 =	vadd.f32 v6, v18;
	v17 =	vsub.f32 $1.000000000e+00, v17;
	v57 =	vpop (erf)  }
0x862: {  	v58 =	vld [tilespmem:s29+$0x6800];
	v12 =	vadd.f32 $-1.000000000e+00, v12;
	v7 =	vmul.f32 v56, v7;
	v14 =	vmul.f32 v57, v14  }
0x863: {  	v15 =	vnsel vm11, $0x0, v15;
	v59 =	vsub.f32 v5, v43;
	v5 =	vsub.f32 v5, v46;
	v60 =	vpop (erf)  }
0x864: {  	v61 =	vld [tilespmem:s30+$0x6800];
	(xrf2) =	vadd.scan.msk.f32 $0xffff, v16;
	v6 =	vmul.f32 v6, v55;
	v7 =	vsub.f32 $1.000000000e+00, v7;
	v14 =	vadd.f32 $-1.000000000e+00, v14;
	v62 =	vpop (erf)  }
0x865: {  	v12 =	vadd.f32 v12, v17;
	v8 =	vmul.f32 v60, v59;
	v5 =	vmul.f32 v62, v5  }
0x866: {  	v63 =	vld [tilespmem:s31+$0x6800];
	(xrf2) =	vadd.scan.msk.f32 $0xffff, v15;
	v6 =	vnsel vm12, $0x0, v6;
	v7 =	vadd.f32 v14, v7  }
0x867: {  	v12 =	vmul.f32 v12, v58;
	v8 =	vsub.f32 $1.000000000e+00, v8;
	v5 =	vadd.f32 $-1.000000000e+00, v5  }
0x868: {  	vm13 =	vgt.f32 v9, $0.0e+00;
	(xrf2) =	vadd.scan.msk.f32 $0xffff, v6  }
0x869: {  	v6 =	vnsel vm13, $0x0, v12;
	v7 =	vmul.f32 v7, v61;
	v5 =	vadd.f32 v5, v8  }
0x86a: {  	vm14 =	vgt.f32 v10, $0.0e+00;
	(xrf2) =	vadd.scan.msk.f32 $0xffff, v6  }
0x86b: {  	v6 =	vnsel vm14, $0x0, v7;
	v5 =	vmul.f32 v5, v63  }
0x86c: {  	vm15 =	vgt.f32 v11, $0.0e+00;
	(v2sf) =	vpush v28, $0xF;
	(xrf2) =	vadd.scan.msk.f32 $0xffff, v6  }
0x86d: {  	(v2sf) =	vpush v29, $0xF;
	v5 =	vnsel vm15, $0x0, v5  }
0x86e: {  	(v2sf) =	vpush v41, $0xF;
	v6, _, _ =	vpop (xrf2);
	(xrf2) =	vadd.scan.msk.f32 $0xffff, v5  }
0x86f: {  	(v2sf) =	vpush v6, $0xF  }
0x870: {  	v5, _, _ =	vpop (xrf2)  }
0x871: {  	(v2sf) =	vpush v5, $0xF  }
0x872: {  	v5, _, _ =	vpop (xrf2)  }
0x873: {  	(v2sf) =	vpush v5, $0xF  }
0x874: {  	v5, _, _ =	vpop (xrf2)  }
0x875: {  	(v2sf) =	vpush v5, $0xF  }
0x876: {  	v5, _, _ =	vpop (xrf2)  }
0x877: {  	(v2sf) =	vpush v5, $0xF  }
0x878: {  	v5, _, _ =	vpop (xrf2)  }
0x879: {  	s30 =	sadd.f32 s2, s26;
	(v2sf) =	vpush v5, $0xF;
	_ =	sdelay $0x1  }
0x87a: {  	s0 =	sadd.f32 s18, s30;
	s31 =	spop (v2sf)  }
0x87b: {  	s9 =	spop (v2sf)  }
0x87c: {  	s0 =	sadd.f32 s31, s0;
	s15 =	spop (v2sf)  }
0x87d: {  	s18 =	spop (v2sf)  }
0x87e: {  	s0 =	sadd.f32 s18, s0  }
0x87f: {  	s20 =	spop (v2sf)  }
0x880: {  	s0 =	sadd.f32 s20, s0  }
0x881: {  	s26 =	spop (v2sf)  }
0x882: {  	s0 =	sadd.f32 s26, s0  }
0x883: {  	s28 =	spop (v2sf)  }
0x884: {  	s0 =	sadd.f32 s28, s0  }
0x885: {  	s29 =	spop (v2sf)  }
0x886: {  	s0 =	sadd.f32 s29, s0  }
0x887: {  	s30 =	spop (v2sf)  }
0x888: {  	s0 =	sadd.f32 s30, s0;
	_ =	sdelay $0x1  }
0x889: {  	v5 =	vmov s0  }
.Ltmp33:
0x88a: {  	s31 =	rddreg [dreg:$0x5];
	[tilespmem:$0x16C00] =	vst v5;
	(pc) =	sbr.rel .LBB2_63-.Ltmp33, $4  }
0x88b: {  	[hbm4b:s31+s1] =	stream.linear.scatter [tilespmem:s24], [sflag:$0x3], $0x80, $0x38;
	[tilespmem:$0x16C80] =	vst v63  }
0x88c: {  	_ =	swait.ge [sflag:s21], $0x80  }
0x88d: {  	[sflag:s21] =	ssyncset.done $0x0  }
0x88e: {  	[sflag:s21] =	ssyncadd.s32 $0xFFFFFF80  }
.LBB2_64:
0x88f: {  	_ =	sfence.sel $0x180000  }
0x890: {  	[bflag:$0x0] =	sbarrier.arrive $0xFFFF  }
0x891: {  	_ =	strace $0x90000047  }
0x892: {  	s0 =	stileid.u32;
	[bflag:$0x2] =	sbarrier.arrive $0xFFFF  }
0x893: {  	p0 =	sne.s32 s0, $0x0;
	s0 =	rddreg [dreg:$0x1]  }
0x894: {  	s0 =	sadd.s32 @!p0 $0x100000, s0  }
0x895: {  	[sflag:s0] =	ssyncadd.tile.s32 @!p0 $0x1;
	_ =	shalt  }
.Lfunc_end2:
_tile_overlayer_lowered:
.L_overlay_start_2:
0x896: {  	(tag) =	ssettag $0x2  }
0x897: {  	s0 =	rddreg [dreg:$0x0];
	s2 =	stileid.u32  }
0x898: {  	s1 =	rddreg [dreg:$0x1];
	p0 =	sne.s32 s2, $0x0  }
0x899: {  	s3 =	rddreg [dreg:$0x2];
	[bflag:$0x3] =	sbarrier.arrive $0xFFFF;
	s2 =	simm.s32 @!p0 $0x1C03  }
0x89a: {  	[timem:s3], [sflag:s2] =	dma.local @!p0 [hbm:s0], s1  }
0x89b: {  	s0 =	simm.s32 @!p0 $0x3  }
0x89c: {  	_ =	swait.ge @!p0 [sflag:s0], s1  }
0x89d: {  	s1 =	ssub.s32 @!p0 $0x0, s1;
	[sflag:s0] =	ssyncset.done @!p0 $0x0  }
0x89e: {  	[sflag:s0] =	ssyncadd.s32 @!p0 s1  }
0x89f: {  	[bflag:$0x3] =	sbarrier.arrive $0xFFFF  }
0x8a0: {  	_ =	shalt  }

</sc_bundles>
